<compile_context>
chip_gen: v7x
topology: tpu7x:2x2x1
jax: 0.10.2.dev20260603
libtpu: 0.0.44.dev20260713+nightly
codegen_flags: <defaults>
</compile_context>

<pallas_src>
import functools

import jax
import jax.numpy as jnp
import numpy as np
from jax import lax
from jax.experimental import pallas as pl
from jax.experimental.pallas import tpu as pltpu
from jax.experimental.pallas import tpu_sc as plsc

B = 16384
HIST = 50
D = 200
DP = 256
HID = 256

NC = 2
NS = 16
NW = NC * NS
SAMPLES_PER_TILE = B // NW
GROUP = 2
GPAD = GROUP * HIST + 4
NGROUPS = SAMPLES_PER_TILE // GROUP
IDX_PER_TILE = NGROUPS * GPAD
OUT_CHUNK = 8
GROUPS_PER_OUT = OUT_CHUNK // GROUP
NODE_CHUNK = 128
NODE_CHUNKS = SAMPLES_PER_TILE // NODE_CHUNK


def _sc_gather_sum(embp, src_pad, node):
    mesh = plsc.VectorSubcoreMesh(core_axis_name="c", subcore_axis_name="s")

    @functools.partial(
        pl.kernel,
        out_type=[
            jax.ShapeDtypeStruct((B, DP), jnp.float32),
            jax.ShapeDtypeStruct((B, DP), jnp.float32),
        ],
        mesh=mesh,
        scratch_types=[
            pltpu.VMEM((IDX_PER_TILE,), jnp.int32),
            [pltpu.VMEM((GPAD, DP), jnp.float32)
             for _ in range(2)],
            pltpu.VMEM((OUT_CHUNK, DP), jnp.float32),
            pltpu.VMEM((NODE_CHUNK,), jnp.int32),
            pltpu.VMEM((NODE_CHUNK, DP), jnp.float32),
            pltpu.SemaphoreType.DMA,
        ],
    )
    def sc_fn(emb_h, src_h, node_h, sums_h, nodes_h,
              idx_all, rows, st, nidx_v, nrows_v, sem):
        c = lax.axis_index("c")
        s = lax.axis_index("s")
        wid = c * NS + s
        row_base = wid * SAMPLES_PER_TILE
        pltpu.sync_copy(src_h.at[pl.ds(wid * IDX_PER_TILE, IDX_PER_TILE)],
                        idx_all)

        HG = 48

        def gather(g, buf):
            pltpu.async_copy(
                emb_h.at[idx_all.at[pl.ds(g * GPAD, HG)]],
                rows[buf].at[pl.ds(0, HG), :], sem)
            pltpu.async_copy(
                emb_h.at[idx_all.at[pl.ds(g * GPAD + HG, GPAD - HG)]],
                rows[buf].at[pl.ds(HG, GPAD - HG), :], sem)

        gather(0, 0)

        def sum_rows(buf, j0, cs):
            p = [rows[buf][j0 + m, cs] for m in range(4)]
            for j in range(4, HIST):
                p[j % 4] = p[j % 4] + rows[buf][j0 + j, cs]
            return (p[0] + p[1]) + (p[2] + p[3])

        def supergroup(t, carry):
            for k in range(GROUPS_PER_OUT):
                g = t * GROUPS_PER_OUT + k
                buf = k % 2
                pltpu.make_async_copy(
                    emb_h.at[idx_all.at[pl.ds(g * GPAD, HG)]],
                    rows[buf].at[pl.ds(0, HG), :], sem).wait()
                pltpu.make_async_copy(
                    emb_h.at[idx_all.at[pl.ds(g * GPAD + HG, GPAD - HG)]],
                    rows[buf].at[pl.ds(HG, GPAD - HG), :], sem).wait()

                @pl.when(g + 1 < NGROUPS)
                def _():
                    gather(g + 1, 1 - buf)

                def cchunk(ci, cc):
                    cs = pl.ds(ci * 16, 16)
                    st[k * GROUP, cs] = sum_rows(buf, 0, cs)
                    st[k * GROUP + 1, cs] = sum_rows(buf, HIST, cs)
                    return cc

                lax.fori_loop(0, DP // 16, cchunk, 0)
            out_off = pl.multiple_of(row_base + t * OUT_CHUNK, OUT_CHUNK)
            pltpu.sync_copy(st, sums_h.at[pl.ds(out_off, OUT_CHUNK), :])
            return carry

        lax.fori_loop(0, NGROUPS // GROUPS_PER_OUT, supergroup, 0)

        def nodes_phase(k, carry):
            off = row_base + k * NODE_CHUNK
            pltpu.sync_copy(node_h.at[pl.ds(off, NODE_CHUNK)], nidx_v)
            pltpu.async_copy(emb_h.at[nidx_v], nrows_v, sem).wait()
            pltpu.sync_copy(nrows_v, nodes_h.at[pl.ds(off, NODE_CHUNK), :])
            return carry

        lax.fori_loop(0, NODE_CHUNKS, nodes_phase, 0)

    return sc_fn(embp, src_pad, node)


TC_BLK = 2048
TC_GRID = B // TC_BLK

PAD_BLK = 4096


def _padT_body(embT_ref, p_ref, out_ref):
    out_ref[...] = lax.dot_general(
        embT_ref[...], p_ref[...], (((0,), (0,)), ((), ())),
        preferred_element_type=jnp.float32)


def _pad_table(embT, pmat):
    n = embT.shape[1]
    return pl.pallas_call(
        _padT_body,
        grid=((n + PAD_BLK - 1) // PAD_BLK,),
        in_specs=[
            pl.BlockSpec((D, PAD_BLK), lambda i: (0, i)),
            pl.BlockSpec((D, DP), lambda i: (0, 0)),
        ],
        out_specs=pl.BlockSpec((PAD_BLK, DP), lambda i: (i, 0)),
        out_shape=jax.ShapeDtypeStruct((n, DP), jnp.float32),
        compiler_params=pltpu.CompilerParams(
            dimension_semantics=("arbitrary",)),
    )(embT, pmat)


def _k1_body(sums_ref, nodes_ref, w1a_ref, w1b_ref, b1_ref, z_ref, st_ref):
    i = pl.program_id(0)
    a = sums_ref[...] * (1.0 / HIST)
    z = (jnp.dot(a, w1a_ref[...], preferred_element_type=jnp.float32)
         + jnp.dot(nodes_ref[...], w1b_ref[...],
                   preferred_element_type=jnp.float32)
         + b1_ref[...])
    z = jnp.maximum(z, 0.0)
    z_ref[...] = z

    @pl.when(i == 0)
    def _():
        st_ref[...] = jnp.zeros_like(st_ref)

    st = jnp.concatenate([jnp.sum(z, axis=0, keepdims=True),
                          jnp.sum(z * z, axis=0, keepdims=True)], axis=0)
    st_ref[...] = st_ref[...] + st


def _bn_from_stats(x, st, g, be):
    m = st[0:1, :] * (1.0 / B)
    v = st[1:2, :] * (1.0 / B) - m * m
    return (x - m) * lax.rsqrt(v + 1e-5) * g + be


def _k2_body(z1_ref, st1_ref, g1_ref, be1_ref, w2_ref, b2_ref, z_ref, st_ref):
    i = pl.program_id(0)
    xn = _bn_from_stats(z1_ref[...], st1_ref[...], g1_ref[...], be1_ref[...])
    z = jnp.dot(xn, w2_ref[...], preferred_element_type=jnp.float32) + b2_ref[...]
    z = jnp.maximum(z, 0.0)
    z_ref[...] = z

    @pl.when(i == 0)
    def _():
        st_ref[...] = jnp.zeros_like(st_ref)

    st = jnp.concatenate([jnp.sum(z, axis=0, keepdims=True),
                          jnp.sum(z * z, axis=0, keepdims=True)], axis=0)
    st_ref[...] = st_ref[...] + st


def _k3_body(z2_ref, st2_ref, g2_ref, be2_ref, w3_ref, b3_ref, w4_ref, b4_ref,
             y_ref):
    xn = _bn_from_stats(z2_ref[...], st2_ref[...], g2_ref[...], be2_ref[...])
    z = jnp.dot(xn, w3_ref[...], preferred_element_type=jnp.float32) + b3_ref[...]
    z = jnp.maximum(z, 0.0)
    t = jnp.dot(z, w4_ref[...], preferred_element_type=jnp.float32) + b4_ref[...]
    y_ref[...] = jax.nn.sigmoid(t[:, 0])


def kernel(source, node, emb, W1, b1, g1, be1, W2, b2, g2, be2, W3, b3, W4, b4):
    pmat = jnp.pad(jnp.eye(D, dtype=jnp.float32), ((0, 0), (0, DP - D)))
    embp = _pad_table(emb.T, pmat)
    src_pad = jnp.pad(source.reshape(B // GROUP, GROUP * HIST),
                      ((0, 0), (0, GPAD - GROUP * HIST))).reshape(-1)
    sums, nodes = _sc_gather_sum(embp, src_pad, node)

    W1a = jnp.concatenate([W1[:D], jnp.zeros((DP - D, HID), W1.dtype)], axis=0)
    W1b = jnp.concatenate([W1[D:], jnp.zeros((DP - D, HID), W1.dtype)], axis=0)

    full2 = lambda shape: pl.BlockSpec(shape, lambda i: tuple(0 for _ in shape))

    z1, st1 = pl.pallas_call(
        _k1_body,
        grid=(TC_GRID,),
        in_specs=[
            pl.BlockSpec((TC_BLK, DP), lambda i: (i, 0)),
            pl.BlockSpec((TC_BLK, DP), lambda i: (i, 0)),
            full2((DP, HID)),
            full2((DP, HID)),
            full2((HID,)),
        ],
        out_specs=[
            pl.BlockSpec((TC_BLK, HID), lambda i: (i, 0)),
            full2((2, HID)),
        ],
        out_shape=[
            jax.ShapeDtypeStruct((B, HID), jnp.float32),
            jax.ShapeDtypeStruct((2, HID), jnp.float32),
        ],
    )(sums, nodes, W1a, W1b, b1)

    z2, st2 = pl.pallas_call(
        _k2_body,
        grid=(TC_GRID,),
        in_specs=[
            pl.BlockSpec((TC_BLK, HID), lambda i: (i, 0)),
            full2((2, HID)),
            full2((HID,)),
            full2((HID,)),
            full2((HID, HID)),
            full2((HID,)),
        ],
        out_specs=[
            pl.BlockSpec((TC_BLK, HID), lambda i: (i, 0)),
            full2((2, HID)),
        ],
        out_shape=[
            jax.ShapeDtypeStruct((B, HID), jnp.float32),
            jax.ShapeDtypeStruct((2, HID), jnp.float32),
        ],
    )(z1, st1, g1, be1, W2, b2)

    y = pl.pallas_call(
        _k3_body,
        grid=(TC_GRID,),
        in_specs=[
            pl.BlockSpec((TC_BLK, HID), lambda i: (i, 0)),
            full2((2, HID)),
            full2((HID,)),
            full2((HID,)),
            full2((HID, HID)),
            full2((HID,)),
            full2((HID, 1)),
            full2((1,)),
        ],
        out_specs=pl.BlockSpec((TC_BLK,), lambda i: (i,)),
        out_shape=jax.ShapeDtypeStruct((B,), jnp.float32),
    )(z2, st2, g2, be2, W3, b3, W4, b4)

    return y

# --- scband reference (transcript-rebuilt; emitter-appended) ---
"""Pipeline reference for scband-reaction-embedding-model-37658273252031 (READ-ONLY COPY).

The authoritative reference and input builder live on the scoring server;
editing this copy changes nothing except your own understanding.
"""

import jax, jax.numpy as jnp
import numpy as np

NUM_NODES = 1000000
EMB_DIM = 200
HIDDEN = 256
BATCH = 16384
HIST = 50


def _bn(x, gamma, beta, eps=1e-5):
    m = x.mean(axis=0)
    v = ((x - m) ** 2).mean(axis=0)
    return (x - m) / jnp.sqrt(v + eps) * gamma + beta


def setup_inputs(seed: int = 0) -> dict:
    key = jax.random.key(seed)
    ks = jax.random.split(key, 16)
    source = jax.random.randint(ks[0], (BATCH, HIST), 0, NUM_NODES, dtype=jnp.int64 if jax.config.jax_enable_x64 else jnp.int32).astype(jnp.int32)
    node = jax.random.randint(ks[1], (BATCH,), 0, NUM_NODES).astype(jnp.int32)
    emb = jax.random.normal(ks[2], (NUM_NODES, EMB_DIM), dtype=jnp.float32) * 0.02
    W1 = jax.random.normal(ks[3], (2 * EMB_DIM, HIDDEN), dtype=jnp.float32) * (1.0 / np.sqrt(2 * EMB_DIM))
    b1 = jnp.zeros((HIDDEN,), dtype=jnp.float32)
    g1 = jnp.ones((HIDDEN,), dtype=jnp.float32)
    be1 = jnp.zeros((HIDDEN,), dtype=jnp.float32)
    W2 = jax.random.normal(ks[4], (HIDDEN, HIDDEN), dtype=jnp.float32) * (1.0 / np.sqrt(HIDDEN))
    b2 = jnp.zeros((HIDDEN,), dtype=jnp.float32)
    g2 = jnp.ones((HIDDEN,), dtype=jnp.float32)
    be2 = jnp.zeros((HIDDEN,), dtype=jnp.float32)
    W3 = jax.random.normal(ks[5], (HIDDEN, HIDDEN), dtype=jnp.float32) * (1.0 / np.sqrt(HIDDEN))
    b3 = jnp.zeros((HIDDEN,), dtype=jnp.float32)
    W4 = jax.random.normal(ks[6], (HIDDEN, 1), dtype=jnp.float32) * (1.0 / np.sqrt(HIDDEN))
    b4 = jnp.zeros((1,), dtype=jnp.float32)
    return {"source": source, "node": node, "emb": emb, "W1": W1, "b1": b1, "g1": g1, "be1": be1, "W2": W2, "b2": b2, "g2": g2, "be2": be2, "W3": W3, "b3": b3, "W4": W4, "b4": b4}


def reference(source, node, emb, W1, b1, g1, be1, W2, b2, g2, be2, W3, b3, W4, b4):
    source_emb = jnp.take(emb, source, axis=0)  # [B, L, D]
    node_emb = jnp.take(emb, node, axis=0)      # [B, D]
    source_emb = source_emb.mean(axis=1)
    combined = jnp.concatenate([source_emb, node_emb], axis=1)
    x = jax.nn.relu(combined @ W1 + b1)
    x = _bn(x, g1, be1)
    x = jax.nn.relu(x @ W2 + b2)
    x = _bn(x, g2, be2)
    x = jax.nn.relu(x @ W3 + b3)
    # dropout is identity in eval
    x = (x @ W4 + b4).squeeze(-1)
    return jax.nn.sigmoid(x)

if __name__ == "__main__":
    import jax
    _d = setup_inputs()
    print(jax.jit(kernel)(*tuple(_d.values())))

</pallas_src>

<mosaic_0001>
#map = affine_map<(d0, d1) -> (0, 0)>
#map1 = affine_map<(d0, d1) -> (0)>
module attributes {stable_mosaic.version = 14 : i64} {
  func.func @sc_fn(%arg0: i32, %arg1: i32, %arg2: memref<1000000x256xf32, #tpu.memory_space<hbm>>, %arg3: memref<851968xi32, #tpu.memory_space<hbm>>, %arg4: memref<16384xi32, #tpu.memory_space<hbm>>, %arg5: memref<16384x256xf32, #tpu.memory_space<hbm>>, %arg6: memref<16384x256xf32, #tpu.memory_space<hbm>>, %arg7: memref<26624xi32, #tpu.memory_space<vmem>>, %arg8: memref<104x256xf32, #tpu.memory_space<vmem>>, %arg9: memref<104x256xf32, #tpu.memory_space<vmem>>, %arg10: memref<8x256xf32, #tpu.memory_space<vmem>>, %arg11: memref<128xi32, #tpu.memory_space<vmem>>, %arg12: memref<128x256xf32, #tpu.memory_space<vmem>>, %arg13: memref<!tpu.dma_semaphore, #tpu.memory_space<semaphore_mem>>) attributes {dimension_semantics = [#tpu.dimension_semantics<core_parallel>, #tpu.dimension_semantics<subcore_parallel>], iteration_bounds = array<i64: 2, 16>, scalar_prefetch = 0 : i64, scratch_operands = 7 : i64, tpu.core_type = #tpu.core_type<sc_vector_subcore>, window_params = [{transform_indices = #map}, {transform_indices = #map1}, {transform_indices = #map1}, {transform_indices = #map}, {transform_indices = #map}]} {
    %mul3A = arith.constant 16 : i32
    %mul3A_0 = arith.muli %arg0, %mul3A : i32
    %add3A = arith.addi %mul3A_0, %arg1 : i32
    %mul3A_1 = arith.constant 512 : i32
    %mul3A_2 = arith.muli %add3A, %mul3A_1 : i32
    %mul3A_3 = arith.constant 26624 : i32
    %mul3A_4 = arith.muli %add3A, %mul3A_3 : i32
    "tpu.region"() ({
      %run_scoped3A = tpu.sem_alloc : memref<!tpu.dma_semaphore, #tpu.memory_space<semaphore_mem>>
      %dma_start3A_31 = tpu.memref_slice %arg3[%mul3A_4] : memref<851968xi32, #tpu.memory_space<hbm>> -> memref<26624xi32, #tpu.memory_space<hbm>>
      %dma_start3A_32 = tpu.memref_slice %arg3[%mul3A_4] : memref<851968xi32, #tpu.memory_space<hbm>> -> memref<26624xi32, #tpu.memory_space<hbm>>
      tpu.enqueue_dma source(%dma_start3A_32 : memref<26624xi32, #tpu.memory_space<hbm>>) target(%arg7 : memref<26624xi32, #tpu.memory_space<vmem>>) target_semaphore(%run_scoped3A : memref<!tpu.dma_semaphore, #tpu.memory_space<semaphore_mem>>)
      %dma_wait3A = tpu.memref_slice %arg3[%mul3A_4] : memref<851968xi32, #tpu.memory_space<hbm>> -> memref<26624xi32, #tpu.memory_space<hbm>>
      %dma_wait3A_33 = tpu.memref_slice %arg3[%mul3A_4] : memref<851968xi32, #tpu.memory_space<hbm>> -> memref<26624xi32, #tpu.memory_space<hbm>>
      tpu.wait_dma2 semaphore(%run_scoped3A : memref<!tpu.dma_semaphore, #tpu.memory_space<semaphore_mem>>) src(%dma_wait3A_33 : memref<26624xi32, #tpu.memory_space<hbm>>) dst(%arg7 : memref<26624xi32, #tpu.memory_space<vmem>>)
      tpu.yield
    }) : () -> ()
    %dma_start3A = arith.constant 0 : i32
    %dma_start3A_5 = arith.constant 0 : i32
    %dma_start3A_6 = tpu.memref_slice %arg8[%dma_start3A, %dma_start3A_5] : memref<104x256xf32, #tpu.memory_space<vmem>> -> memref<48x256xf32, #tpu.memory_space<vmem>>
    %dma_start3A_7 = arith.constant 0 : i32
    %dma_start3A_8 = tpu.memref_slice %arg7[%dma_start3A_7] : memref<26624xi32, #tpu.memory_space<vmem>> -> memref<48xi32, #tpu.memory_space<vmem>>
    %dma_start3A_9 = arith.constant 0 : i32
    %dma_start3A_10 = arith.constant 0 : i32
    %dma_start3A_11 = tpu.memref_slice %arg2[%dma_start3A_9, %dma_start3A_10] : memref<1000000x256xf32, #tpu.memory_space<hbm>> -> memref<1000000x256xf32, #tpu.memory_space<hbm>>
    tpu.enqueue_indirect_dma source(%dma_start3A_11 : memref<1000000x256xf32, #tpu.memory_space<hbm>>) target(%dma_start3A_6 : memref<48x256xf32, #tpu.memory_space<vmem>>) offsets(%dma_start3A_8 : memref<48xi32, #tpu.memory_space<vmem>>) semaphore(%arg13 : memref<!tpu.dma_semaphore, #tpu.memory_space<semaphore_mem>>)
    %dma_start3A_12 = arith.constant 48 : i32
    %dma_start3A_13 = arith.constant 0 : i32
    %dma_start3A_14 = tpu.memref_slice %arg8[%dma_start3A_12, %dma_start3A_13] : memref<104x256xf32, #tpu.memory_space<vmem>> -> memref<56x256xf32, #tpu.memory_space<vmem>>
    %dma_start3A_15 = arith.constant 48 : i32
    %dma_start3A_16 = tpu.memref_slice %arg7[%dma_start3A_15] : memref<26624xi32, #tpu.memory_space<vmem>> -> memref<56xi32, #tpu.memory_space<vmem>>
    %dma_start3A_17 = arith.constant 0 : i32
    %dma_start3A_18 = arith.constant 0 : i32
    %dma_start3A_19 = tpu.memref_slice %arg2[%dma_start3A_17, %dma_start3A_18] : memref<1000000x256xf32, #tpu.memory_space<hbm>> -> memref<1000000x256xf32, #tpu.memory_space<hbm>>
    tpu.enqueue_indirect_dma source(%dma_start3A_19 : memref<1000000x256xf32, #tpu.memory_space<hbm>>) target(%dma_start3A_14 : memref<56x256xf32, #tpu.memory_space<vmem>>) offsets(%dma_start3A_16 : memref<56xi32, #tpu.memory_space<vmem>>) semaphore(%arg13 : memref<!tpu.dma_semaphore, #tpu.memory_space<semaphore_mem>>)
    %scan3A = arith.constant 0 : i32
    %scan3A_20 = arith.constant 0 : i32
    %scan3A_21 = arith.constant 64 : i32
    %scan3A_22 = arith.addi %scan3A_20, %scan3A_21 : i32
    %scan3A_23 = arith.constant 1 : i32
    scf.for %scan3A_31 = %scan3A_20 to %scan3A_22 step %scan3A_23  : i32 {
      %mul3A_32 = arith.constant 4 : i32
      %mul3A_33 = arith.muli %scan3A_31, %mul3A_32 : i32
      %add3A_34 = arith.constant 0 : i32
      %add3A_35 = arith.addi %mul3A_33, %add3A_34 : i32
      %mul3A_36 = arith.constant 104 : i32
      %mul3A_37 = arith.muli %add3A_35, %mul3A_36 : i32
      %dma_wait3A = arith.constant 0 : i32
      %dma_wait3A_38 = arith.constant 0 : i32
      %dma_wait3A_39 = tpu.memref_slice %arg8[%dma_wait3A, %dma_wait3A_38] : memref<104x256xf32, #tpu.memory_space<vmem>> -> memref<48x256xf32, #tpu.memory_space<vmem>>
      %dma_wait3A_40 = tpu.memref_slice %arg7[%mul3A_37] : memref<26624xi32, #tpu.memory_space<vmem>> -> memref<48xi32, #tpu.memory_space<vmem>>
      %dma_wait3A_41 = arith.constant 0 : i32
      %dma_wait3A_42 = arith.constant 0 : i32
      %dma_wait3A_43 = tpu.memref_slice %arg2[%dma_wait3A_41, %dma_wait3A_42] : memref<1000000x256xf32, #tpu.memory_space<hbm>> -> memref<1000000x256xf32, #tpu.memory_space<hbm>>
      tpu.wait_indirect_dma semaphore(%arg13 : memref<!tpu.dma_semaphore, #tpu.memory_space<semaphore_mem>>) src(%dma_wait3A_43 : memref<1000000x256xf32, #tpu.memory_space<hbm>>) dst(%dma_wait3A_39 : memref<48x256xf32, #tpu.memory_space<vmem>>)
      %mul3A_44 = arith.constant 104 : i32
      %mul3A_45 = arith.muli %add3A_35, %mul3A_44 : i32
      %add3A_46 = arith.constant 48 : i32
      %add3A_47 = arith.addi %mul3A_45, %add3A_46 : i32
      %dma_wait3A_48 = arith.constant 48 : i32
      %dma_wait3A_49 = arith.constant 0 : i32
      %dma_wait3A_50 = tpu.memref_slice %arg8[%dma_wait3A_48, %dma_wait3A_49] : memref<104x256xf32, #tpu.memory_space<vmem>> -> memref<56x256xf32, #tpu.memory_space<vmem>>
      %dma_wait3A_51 = tpu.memref_slice %arg7[%add3A_47] : memref<26624xi32, #tpu.memory_space<vmem>> -> memref<56xi32, #tpu.memory_space<vmem>>
      %dma_wait3A_52 = arith.constant 0 : i32
      %dma_wait3A_53 = arith.constant 0 : i32
      %dma_wait3A_54 = tpu.memref_slice %arg2[%dma_wait3A_52, %dma_wait3A_53] : memref<1000000x256xf32, #tpu.memory_space<hbm>> -> memref<1000000x256xf32, #tpu.memory_space<hbm>>
      tpu.wait_indirect_dma semaphore(%arg13 : memref<!tpu.dma_semaphore, #tpu.memory_space<semaphore_mem>>) src(%dma_wait3A_54 : memref<1000000x256xf32, #tpu.memory_space<hbm>>) dst(%dma_wait3A_50 : memref<56x256xf32, #tpu.memory_space<vmem>>)
      %add3A_55 = arith.constant 1 : i32
      %add3A_56 = arith.addi %add3A_35, %add3A_55 : i32
      %lt3A = arith.constant 256 : i32
      %lt3A_57 = arith.cmpi slt, %add3A_56, %lt3A : i32
      %convert_element_type3A = arith.extui %lt3A_57 : i1 to i32
      %cond3A = arith.constant 0 : i32
      %cond3A_58 = arith.cmpi ne, %convert_element_type3A, %cond3A : i32
      scf.if %cond3A_58 {
        %add3A_179 = arith.constant 1 : i32
        %add3A_180 = arith.addi %add3A_35, %add3A_179 : i32
        %mul3A_181 = arith.constant 104 : i32
        %mul3A_182 = arith.muli %add3A_180, %mul3A_181 : i32
        %dma_start3A_183 = arith.constant 0 : i32
        %dma_start3A_184 = arith.constant 0 : i32
        %dma_start3A_185 = tpu.memref_slice %arg9[%dma_start3A_183, %dma_start3A_184] : memref<104x256xf32, #tpu.memory_space<vmem>> -> memref<48x256xf32, #tpu.memory_space<vmem>>
        %dma_start3A_186 = tpu.memref_slice %arg7[%mul3A_182] : memref<26624xi32, #tpu.memory_space<vmem>> -> memref<48xi32, #tpu.memory_space<vmem>>
        %dma_start3A_187 = arith.constant 0 : i32
        %dma_start3A_188 = arith.constant 0 : i32
        %dma_start3A_189 = tpu.memref_slice %arg2[%dma_start3A_187, %dma_start3A_188] : memref<1000000x256xf32, #tpu.memory_space<hbm>> -> memref<1000000x256xf32, #tpu.memory_space<hbm>>
        tpu.enqueue_indirect_dma source(%dma_start3A_189 : memref<1000000x256xf32, #tpu.memory_space<hbm>>) target(%dma_start3A_185 : memref<48x256xf32, #tpu.memory_space<vmem>>) offsets(%dma_start3A_186 : memref<48xi32, #tpu.memory_space<vmem>>) semaphore(%arg13 : memref<!tpu.dma_semaphore, #tpu.memory_space<semaphore_mem>>)
        %mul3A_190 = arith.constant 104 : i32
        %mul3A_191 = arith.muli %add3A_180, %mul3A_190 : i32
        %add3A_192 = arith.constant 48 : i32
        %add3A_193 = arith.addi %mul3A_191, %add3A_192 : i32
        %dma_start3A_194 = arith.constant 48 : i32
        %dma_start3A_195 = arith.constant 0 : i32
        %dma_start3A_196 = tpu.memref_slice %arg9[%dma_start3A_194, %dma_start3A_195] : memref<104x256xf32, #tpu.memory_space<vmem>> -> memref<56x256xf32, #tpu.memory_space<vmem>>
        %dma_start3A_197 = tpu.memref_slice %arg7[%add3A_193] : memref<26624xi32, #tpu.memory_space<vmem>> -> memref<56xi32, #tpu.memory_space<vmem>>
        %dma_start3A_198 = arith.constant 0 : i32
        %dma_start3A_199 = arith.constant 0 : i32
        %dma_start3A_200 = tpu.memref_slice %arg2[%dma_start3A_198, %dma_start3A_199] : memref<1000000x256xf32, #tpu.memory_space<hbm>> -> memref<1000000x256xf32, #tpu.memory_space<hbm>>
        tpu.enqueue_indirect_dma source(%dma_start3A_200 : memref<1000000x256xf32, #tpu.memory_space<hbm>>) target(%dma_start3A_196 : memref<56x256xf32, #tpu.memory_space<vmem>>) offsets(%dma_start3A_197 : memref<56xi32, #tpu.memory_space<vmem>>) semaphore(%arg13 : memref<!tpu.dma_semaphore, #tpu.memory_space<semaphore_mem>>)
      } else {
      }
      %scan3A_59 = arith.constant 0 : i32
      %scan3A_60 = arith.constant 0 : i32
      %scan3A_61 = arith.constant 16 : i32
      %scan3A_62 = arith.addi %scan3A_60, %scan3A_61 : i32
      %scan3A_63 = arith.constant 1 : i32
      scf.for %scan3A_179 = %scan3A_60 to %scan3A_62 step %scan3A_63  : i32 {
        %mul3A_180 = arith.constant 16 : i32
        %mul3A_181 = arith.muli %scan3A_179, %mul3A_180 : i32
        %get3A = arith.constant 0 : i32
        %get3A_182 = arith.index_cast %get3A : i32 to index
        %get3A_183 = arith.index_cast %mul3A_181 : i32 to index
        %get3A_184 = tpu.vector_load %arg8[%get3A_182, %get3A_183] {strides = array<i32>} : memref<104x256xf32, #tpu.memory_space<vmem>>, vector<1x16xf32>,
        %get3A_185 = vector.shape_cast %get3A_184 : vector<1x16xf32> to vector<16xf32>
        %get3A_186 = arith.constant 1 : i32
        %get3A_187 = arith.index_cast %get3A_186 : i32 to index
        %get3A_188 = arith.index_cast %mul3A_181 : i32 to index
        %get3A_189 = tpu.vector_load %arg8[%get3A_187, %get3A_188] {strides = array<i32>} : memref<104x256xf32, #tpu.memory_space<vmem>>, vector<1x16xf32>,
        %get3A_190 = vector.shape_cast %get3A_189 : vector<1x16xf32> to vector<16xf32>
        %get3A_191 = arith.constant 2 : i32
        %get3A_192 = arith.index_cast %get3A_191 : i32 to index
        %get3A_193 = arith.index_cast %mul3A_181 : i32 to index
        %get3A_194 = tpu.vector_load %arg8[%get3A_192, %get3A_193] {strides = array<i32>} : memref<104x256xf32, #tpu.memory_space<vmem>>, vector<1x16xf32>,
        %get3A_195 = vector.shape_cast %get3A_194 : vector<1x16xf32> to vector<16xf32>
        %get3A_196 = arith.constant 3 : i32
        %get3A_197 = arith.index_cast %get3A_196 : i32 to index
        %get3A_198 = arith.index_cast %mul3A_181 : i32 to index
        %get3A_199 = tpu.vector_load %arg8[%get3A_197, %get3A_198] {strides = array<i32>} : memref<104x256xf32, #tpu.memory_space<vmem>>, vector<1x16xf32>,
        %get3A_200 = vector.shape_cast %get3A_199 : vector<1x16xf32> to vector<16xf32>
        %get3A_201 = arith.constant 4 : i32
        %get3A_202 = arith.index_cast %get3A_201 : i32 to index
        %get3A_203 = arith.index_cast %mul3A_181 : i32 to index
        %get3A_204 = tpu.vector_load %arg8[%get3A_202, %get3A_203] {strides = array<i32>} : memref<104x256xf32, #tpu.memory_space<vmem>>, vector<1x16xf32>,
        %get3A_205 = vector.shape_cast %get3A_204 : vector<1x16xf32> to vector<16xf32>
        %add3A_206 = arith.addf %get3A_185, %get3A_205 : vector<16xf32>
        %get3A_207 = arith.constant 5 : i32
        %get3A_208 = arith.index_cast %get3A_207 : i32 to index
        %get3A_209 = arith.index_cast %mul3A_181 : i32 to index
        %get3A_210 = tpu.vector_load %arg8[%get3A_208, %get3A_209] {strides = array<i32>} : memref<104x256xf32, #tpu.memory_space<vmem>>, vector<1x16xf32>,
        %get3A_211 = vector.shape_cast %get3A_210 : vector<1x16xf32> to vector<16xf32>
        %add3A_212 = arith.addf %get3A_190, %get3A_211 : vector<16xf32>
        %get3A_213 = arith.constant 6 : i32
        %get3A_214 = arith.index_cast %get3A_213 : i32 to index
        %get3A_215 = arith.index_cast %mul3A_181 : i32 to index
        %get3A_216 = tpu.vector_load %arg8[%get3A_214, %get3A_215] {strides = array<i32>} : memref<104x256xf32, #tpu.memory_space<vmem>>, vector<1x16xf32>,
        %get3A_217 = vector.shape_cast %get3A_216 : vector<1x16xf32> to vector<16xf32>
        %add3A_218 = arith.addf %get3A_195, %get3A_217 : vector<16xf32>
        %get3A_219 = arith.constant 7 : i32
        %get3A_220 = arith.index_cast %get3A_219 : i32 to index
        %get3A_221 = arith.index_cast %mul3A_181 : i32 to index
        %get3A_222 = tpu.vector_load %arg8[%get3A_220, %get3A_221] {strides = array<i32>} : memref<104x256xf32, #tpu.memory_space<vmem>>, vector<1x16xf32>,
        %get3A_223 = vector.shape_cast %get3A_222 : vector<1x16xf32> to vector<16xf32>
        %add3A_224 = arith.addf %get3A_200, %get3A_223 : vector<16xf32>
        %get3A_225 = arith.constant 8 : i32
        %get3A_226 = arith.index_cast %get3A_225 : i32 to index
        %get3A_227 = arith.index_cast %mul3A_181 : i32 to index
        %get3A_228 = tpu.vector_load %arg8[%get3A_226, %get3A_227] {strides = array<i32>} : memref<104x256xf32, #tpu.memory_space<vmem>>, vector<1x16xf32>,
        %get3A_229 = vector.shape_cast %get3A_228 : vector<1x16xf32> to vector<16xf32>
        %add3A_230 = arith.addf %add3A_206, %get3A_229 : vector<16xf32>
        %get3A_231 = arith.constant 9 : i32
        %get3A_232 = arith.index_cast %get3A_231 : i32 to index
        %get3A_233 = arith.index_cast %mul3A_181 : i32 to index
        %get3A_234 = tpu.vector_load %arg8[%get3A_232, %get3A_233] {strides = array<i32>} : memref<104x256xf32, #tpu.memory_space<vmem>>, vector<1x16xf32>,
        %get3A_235 = vector.shape_cast %get3A_234 : vector<1x16xf32> to vector<16xf32>
        %add3A_236 = arith.addf %add3A_212, %get3A_235 : vector<16xf32>
        %get3A_237 = arith.constant 10 : i32
        %get3A_238 = arith.index_cast %get3A_237 : i32 to index
        %get3A_239 = arith.index_cast %mul3A_181 : i32 to index
        %get3A_240 = tpu.vector_load %arg8[%get3A_238, %get3A_239] {strides = array<i32>} : memref<104x256xf32, #tpu.memory_space<vmem>>, vector<1x16xf32>,
        %get3A_241 = vector.shape_cast %get3A_240 : vector<1x16xf32> to vector<16xf32>
        %add3A_242 = arith.addf %add3A_218, %get3A_241 : vector<16xf32>
        %get3A_243 = arith.constant 11 : i32
        %get3A_244 = arith.index_cast %get3A_243 : i32 to index
        %get3A_245 = arith.index_cast %mul3A_181 : i32 to index
        %get3A_246 = tpu.vector_load %arg8[%get3A_244, %get3A_245] {strides = array<i32>} : memref<104x256xf32, #tpu.memory_space<vmem>>, vector<1x16xf32>,
        %get3A_247 = vector.shape_cast %get3A_246 : vector<1x16xf32> to vector<16xf32>
        %add3A_248 = arith.addf %add3A_224, %get3A_247 : vector<16xf32>
        %get3A_249 = arith.constant 12 : i32
        %get3A_250 = arith.index_cast %get3A_249 : i32 to index
        %get3A_251 = arith.index_cast %mul3A_181 : i32 to index
        %get3A_252 = tpu.vector_load %arg8[%get3A_250, %get3A_251] {strides = array<i32>} : memref<104x256xf32, #tpu.memory_space<vmem>>, vector<1x16xf32>,
        %get3A_253 = vector.shape_cast %get3A_252 : vector<1x16xf32> to vector<16xf32>
        %add3A_254 = arith.addf %add3A_230, %get3A_253 : vector<16xf32>
        %get3A_255 = arith.constant 13 : i32
        %get3A_256 = arith.index_cast %get3A_255 : i32 to index
        %get3A_257 = arith.index_cast %mul3A_181 : i32 to index
        %get3A_258 = tpu.vector_load %arg8[%get3A_256, %get3A_257] {strides = array<i32>} : memref<104x256xf32, #tpu.memory_space<vmem>>, vector<1x16xf32>,
        %get3A_259 = vector.shape_cast %get3A_258 : vector<1x16xf32> to vector<16xf32>
        %add3A_260 = arith.addf %add3A_236, %get3A_259 : vector<16xf32>
        %get3A_261 = arith.constant 14 : i32
        %get3A_262 = arith.index_cast %get3A_261 : i32 to index
        %get3A_263 = arith.index_cast %mul3A_181 : i32 to index
        %get3A_264 = tpu.vector_load %arg8[%get3A_262, %get3A_263] {strides = array<i32>} : memref<104x256xf32, #tpu.memory_space<vmem>>, vector<1x16xf32>,
        %get3A_265 = vector.shape_cast %get3A_264 : vector<1x16xf32> to vector<16xf32>
        %add3A_266 = arith.addf %add3A_242, %get3A_265 : vector<16xf32>
        %get3A_267 = arith.constant 15 : i32
        %get3A_268 = arith.index_cast %get3A_267 : i32 to index
        %get3A_269 = arith.index_cast %mul3A_181 : i32 to index
        %get3A_270 = tpu.vector_load %arg8[%get3A_268, %get3A_269] {strides = array<i32>} : memref<104x256xf32, #tpu.memory_space<vmem>>, vector<1x16xf32>,
        %get3A_271 = vector.shape_cast %get3A_270 : vector<1x16xf32> to vector<16xf32>
        %add3A_272 = arith.addf %add3A_248, %get3A_271 : vector<16xf32>
        %get3A_273 = arith.constant 16 : i32
        %get3A_274 = arith.index_cast %get3A_273 : i32 to index
        %get3A_275 = arith.index_cast %mul3A_181 : i32 to index
        %get3A_276 = tpu.vector_load %arg8[%get3A_274, %get3A_275] {strides = array<i32>} : memref<104x256xf32, #tpu.memory_space<vmem>>, vector<1x16xf32>,
        %get3A_277 = vector.shape_cast %get3A_276 : vector<1x16xf32> to vector<16xf32>
        %add3A_278 = arith.addf %add3A_254, %get3A_277 : vector<16xf32>
        %get3A_279 = arith.constant 17 : i32
        %get3A_280 = arith.index_cast %get3A_279 : i32 to index
        %get3A_281 = arith.index_cast %mul3A_181 : i32 to index
        %get3A_282 = tpu.vector_load %arg8[%get3A_280, %get3A_281] {strides = array<i32>} : memref<104x256xf32, #tpu.memory_space<vmem>>, vector<1x16xf32>,
        %get3A_283 = vector.shape_cast %get3A_282 : vector<1x16xf32> to vector<16xf32>
        %add3A_284 = arith.addf %add3A_260, %get3A_283 : vector<16xf32>
        %get3A_285 = arith.constant 18 : i32
        %get3A_286 = arith.index_cast %get3A_285 : i32 to index
        %get3A_287 = arith.index_cast %mul3A_181 : i32 to index
        %get3A_288 = tpu.vector_load %arg8[%get3A_286, %get3A_287] {strides = array<i32>} : memref<104x256xf32, #tpu.memory_space<vmem>>, vector<1x16xf32>,
        %get3A_289 = vector.shape_cast %get3A_288 : vector<1x16xf32> to vector<16xf32>
        %add3A_290 = arith.addf %add3A_266, %get3A_289 : vector<16xf32>
        %get3A_291 = arith.constant 19 : i32
        %get3A_292 = arith.index_cast %get3A_291 : i32 to index
        %get3A_293 = arith.index_cast %mul3A_181 : i32 to index
        %get3A_294 = tpu.vector_load %arg8[%get3A_292, %get3A_293] {strides = array<i32>} : memref<104x256xf32, #tpu.memory_space<vmem>>, vector<1x16xf32>,
        %get3A_295 = vector.shape_cast %get3A_294 : vector<1x16xf32> to vector<16xf32>
        %add3A_296 = arith.addf %add3A_272, %get3A_295 : vector<16xf32>
        %get3A_297 = arith.constant 20 : i32
        %get3A_298 = arith.index_cast %get3A_297 : i32 to index
        %get3A_299 = arith.index_cast %mul3A_181 : i32 to index
        %get3A_300 = tpu.vector_load %arg8[%get3A_298, %get3A_299] {strides = array<i32>} : memref<104x256xf32, #tpu.memory_space<vmem>>, vector<1x16xf32>,
        %get3A_301 = vector.shape_cast %get3A_300 : vector<1x16xf32> to vector<16xf32>
        %add3A_302 = arith.addf %add3A_278, %get3A_301 : vector<16xf32>
        %get3A_303 = arith.constant 21 : i32
        %get3A_304 = arith.index_cast %get3A_303 : i32 to index
        %get3A_305 = arith.index_cast %mul3A_181 : i32 to index
        %get3A_306 = tpu.vector_load %arg8[%get3A_304, %get3A_305] {strides = array<i32>} : memref<104x256xf32, #tpu.memory_space<vmem>>, vector<1x16xf32>,
        %get3A_307 = vector.shape_cast %get3A_306 : vector<1x16xf32> to vector<16xf32>
        %add3A_308 = arith.addf %add3A_284, %get3A_307 : vector<16xf32>
        %get3A_309 = arith.constant 22 : i32
        %get3A_310 = arith.index_cast %get3A_309 : i32 to index
        %get3A_311 = arith.index_cast %mul3A_181 : i32 to index
        %get3A_312 = tpu.vector_load %arg8[%get3A_310, %get3A_311] {strides = array<i32>} : memref<104x256xf32, #tpu.memory_space<vmem>>, vector<1x16xf32>,
        %get3A_313 = vector.shape_cast %get3A_312 : vector<1x16xf32> to vector<16xf32>
        %add3A_314 = arith.addf %add3A_290, %get3A_313 : vector<16xf32>
        %get3A_315 = arith.constant 23 : i32
        %get3A_316 = arith.index_cast %get3A_315 : i32 to index
        %get3A_317 = arith.index_cast %mul3A_181 : i32 to index
        %get3A_318 = tpu.vector_load %arg8[%get3A_316, %get3A_317] {strides = array<i32>} : memref<104x256xf32, #tpu.memory_space<vmem>>, vector<1x16xf32>,
        %get3A_319 = vector.shape_cast %get3A_318 : vector<1x16xf32> to vector<16xf32>
        %add3A_320 = arith.addf %add3A_296, %get3A_319 : vector<16xf32>
        %get3A_321 = arith.constant 24 : i32
        %get3A_322 = arith.index_cast %get3A_321 : i32 to index
        %get3A_323 = arith.index_cast %mul3A_181 : i32 to index
        %get3A_324 = tpu.vector_load %arg8[%get3A_322, %get3A_323] {strides = array<i32>} : memref<104x256xf32, #tpu.memory_space<vmem>>, vector<1x16xf32>,
        %get3A_325 = vector.shape_cast %get3A_324 : vector<1x16xf32> to vector<16xf32>
        %add3A_326 = arith.addf %add3A_302, %get3A_325 : vector<16xf32>
        %get3A_327 = arith.constant 25 : i32
        %get3A_328 = arith.index_cast %get3A_327 : i32 to index
        %get3A_329 = arith.index_cast %mul3A_181 : i32 to index
        %get3A_330 = tpu.vector_load %arg8[%get3A_328, %get3A_329] {strides = array<i32>} : memref<104x256xf32, #tpu.memory_space<vmem>>, vector<1x16xf32>,
        %get3A_331 = vector.shape_cast %get3A_330 : vector<1x16xf32> to vector<16xf32>
        %add3A_332 = arith.addf %add3A_308, %get3A_331 : vector<16xf32>
        %get3A_333 = arith.constant 26 : i32
        %get3A_334 = arith.index_cast %get3A_333 : i32 to index
        %get3A_335 = arith.index_cast %mul3A_181 : i32 to index
        %get3A_336 = tpu.vector_load %arg8[%get3A_334, %get3A_335] {strides = array<i32>} : memref<104x256xf32, #tpu.memory_space<vmem>>, vector<1x16xf32>,
        %get3A_337 = vector.shape_cast %get3A_336 : vector<1x16xf32> to vector<16xf32>
        %add3A_338 = arith.addf %add3A_314, %get3A_337 : vector<16xf32>
        %get3A_339 = arith.constant 27 : i32
        %get3A_340 = arith.index_cast %get3A_339 : i32 to index
        %get3A_341 = arith.index_cast %mul3A_181 : i32 to index
        %get3A_342 = tpu.vector_load %arg8[%get3A_340, %get3A_341] {strides = array<i32>} : memref<104x256xf32, #tpu.memory_space<vmem>>, vector<1x16xf32>,
        %get3A_343 = vector.shape_cast %get3A_342 : vector<1x16xf32> to vector<16xf32>
        %add3A_344 = arith.addf %add3A_320, %get3A_343 : vector<16xf32>
        %get3A_345 = arith.constant 28 : i32
        %get3A_346 = arith.index_cast %get3A_345 : i32 to index
        %get3A_347 = arith.index_cast %mul3A_181 : i32 to index
        %get3A_348 = tpu.vector_load %arg8[%get3A_346, %get3A_347] {strides = array<i32>} : memref<104x256xf32, #tpu.memory_space<vmem>>, vector<1x16xf32>,
        %get3A_349 = vector.shape_cast %get3A_348 : vector<1x16xf32> to vector<16xf32>
        %add3A_350 = arith.addf %add3A_326, %get3A_349 : vector<16xf32>
        %get3A_351 = arith.constant 29 : i32
        %get3A_352 = arith.index_cast %get3A_351 : i32 to index
        %get3A_353 = arith.index_cast %mul3A_181 : i32 to index
        %get3A_354 = tpu.vector_load %arg8[%get3A_352, %get3A_353] {strides = array<i32>} : memref<104x256xf32, #tpu.memory_space<vmem>>, vector<1x16xf32>,
        %get3A_355 = vector.shape_cast %get3A_354 : vector<1x16xf32> to vector<16xf32>
        %add3A_356 = arith.addf %add3A_332, %get3A_355 : vector<16xf32>
        %get3A_357 = arith.constant 30 : i32
        %get3A_358 = arith.index_cast %get3A_357 : i32 to index
        %get3A_359 = arith.index_cast %mul3A_181 : i32 to index
        %get3A_360 = tpu.vector_load %arg8[%get3A_358, %get3A_359] {strides = array<i32>} : memref<104x256xf32, #tpu.memory_space<vmem>>, vector<1x16xf32>,
        %get3A_361 = vector.shape_cast %get3A_360 : vector<1x16xf32> to vector<16xf32>
        %add3A_362 = arith.addf %add3A_338, %get3A_361 : vector<16xf32>
        %get3A_363 = arith.constant 31 : i32
        %get3A_364 = arith.index_cast %get3A_363 : i32 to index
        %get3A_365 = arith.index_cast %mul3A_181 : i32 to index
        %get3A_366 = tpu.vector_load %arg8[%get3A_364, %get3A_365] {strides = array<i32>} : memref<104x256xf32, #tpu.memory_space<vmem>>, vector<1x16xf32>,
        %get3A_367 = vector.shape_cast %get3A_366 : vector<1x16xf32> to vector<16xf32>
        %add3A_368 = arith.addf %add3A_344, %get3A_367 : vector<16xf32>
        %get3A_369 = arith.constant 32 : i32
        %get3A_370 = arith.index_cast %get3A_369 : i32 to index
        %get3A_371 = arith.index_cast %mul3A_181 : i32 to index
        %get3A_372 = tpu.vector_load %arg8[%get3A_370, %get3A_371] {strides = array<i32>} : memref<104x256xf32, #tpu.memory_space<vmem>>, vector<1x16xf32>,
        %get3A_373 = vector.shape_cast %get3A_372 : vector<1x16xf32> to vector<16xf32>
        %add3A_374 = arith.addf %add3A_350, %get3A_373 : vector<16xf32>
        %get3A_375 = arith.constant 33 : i32
        %get3A_376 = arith.index_cast %get3A_375 : i32 to index
        %get3A_377 = arith.index_cast %mul3A_181 : i32 to index
        %get3A_378 = tpu.vector_load %arg8[%get3A_376, %get3A_377] {strides = array<i32>} : memref<104x256xf32, #tpu.memory_space<vmem>>, vector<1x16xf32>,
        %get3A_379 = vector.shape_cast %get3A_378 : vector<1x16xf32> to vector<16xf32>
        %add3A_380 = arith.addf %add3A_356, %get3A_379 : vector<16xf32>
        %get3A_381 = arith.constant 34 : i32
        %get3A_382 = arith.index_cast %get3A_381 : i32 to index
        %get3A_383 = arith.index_cast %mul3A_181 : i32 to index
        %get3A_384 = tpu.vector_load %arg8[%get3A_382, %get3A_383] {strides = array<i32>} : memref<104x256xf32, #tpu.memory_space<vmem>>, vector<1x16xf32>,
        %get3A_385 = vector.shape_cast %get3A_384 : vector<1x16xf32> to vector<16xf32>
        %add3A_386 = arith.addf %add3A_362, %get3A_385 : vector<16xf32>
        %get3A_387 = arith.constant 35 : i32
        %get3A_388 = arith.index_cast %get3A_387 : i32 to index
        %get3A_389 = arith.index_cast %mul3A_181 : i32 to index
        %get3A_390 = tpu.vector_load %arg8[%get3A_388, %get3A_389] {strides = array<i32>} : memref<104x256xf32, #tpu.memory_space<vmem>>, vector<1x16xf32>,
        %get3A_391 = vector.shape_cast %get3A_390 : vector<1x16xf32> to vector<16xf32>
        %add3A_392 = arith.addf %add3A_368, %get3A_391 : vector<16xf32>
        %get3A_393 = arith.constant 36 : i32
        %get3A_394 = arith.index_cast %get3A_393 : i32 to index
        %get3A_395 = arith.index_cast %mul3A_181 : i32 to index
        %get3A_396 = tpu.vector_load %arg8[%get3A_394, %get3A_395] {strides = array<i32>} : memref<104x256xf32, #tpu.memory_space<vmem>>, vector<1x16xf32>,
        %get3A_397 = vector.shape_cast %get3A_396 : vector<1x16xf32> to vector<16xf32>
        %add3A_398 = arith.addf %add3A_374, %get3A_397 : vector<16xf32>
        %get3A_399 = arith.constant 37 : i32
        %get3A_400 = arith.index_cast %get3A_399 : i32 to index
        %get3A_401 = arith.index_cast %mul3A_181 : i32 to index
        %get3A_402 = tpu.vector_load %arg8[%get3A_400, %get3A_401] {strides = array<i32>} : memref<104x256xf32, #tpu.memory_space<vmem>>, vector<1x16xf32>,
        %get3A_403 = vector.shape_cast %get3A_402 : vector<1x16xf32> to vector<16xf32>
        %add3A_404 = arith.addf %add3A_380, %get3A_403 : vector<16xf32>
        %get3A_405 = arith.constant 38 : i32
        %get3A_406 = arith.index_cast %get3A_405 : i32 to index
        %get3A_407 = arith.index_cast %mul3A_181 : i32 to index
        %get3A_408 = tpu.vector_load %arg8[%get3A_406, %get3A_407] {strides = array<i32>} : memref<104x256xf32, #tpu.memory_space<vmem>>, vector<1x16xf32>,
        %get3A_409 = vector.shape_cast %get3A_408 : vector<1x16xf32> to vector<16xf32>
        %add3A_410 = arith.addf %add3A_386, %get3A_409 : vector<16xf32>
        %get3A_411 = arith.constant 39 : i32
        %get3A_412 = arith.index_cast %get3A_411 : i32 to index
        %get3A_413 = arith.index_cast %mul3A_181 : i32 to index
        %get3A_414 = tpu.vector_load %arg8[%get3A_412, %get3A_413] {strides = array<i32>} : memref<104x256xf32, #tpu.memory_space<vmem>>, vector<1x16xf32>,
        %get3A_415 = vector.shape_cast %get3A_414 : vector<1x16xf32> to vector<16xf32>
        %add3A_416 = arith.addf %add3A_392, %get3A_415 : vector<16xf32>
        %get3A_417 = arith.constant 40 : i32
        %get3A_418 = arith.index_cast %get3A_417 : i32 to index
        %get3A_419 = arith.index_cast %mul3A_181 : i32 to index
        %get3A_420 = tpu.vector_load %arg8[%get3A_418, %get3A_419] {strides = array<i32>} : memref<104x256xf32, #tpu.memory_space<vmem>>, vector<1x16xf32>,
        %get3A_421 = vector.shape_cast %get3A_420 : vector<1x16xf32> to vector<16xf32>
        %add3A_422 = arith.addf %add3A_398, %get3A_421 : vector<16xf32>
        %get3A_423 = arith.constant 41 : i32
        %get3A_424 = arith.index_cast %get3A_423 : i32 to index
        %get3A_425 = arith.index_cast %mul3A_181 : i32 to index
        %get3A_426 = tpu.vector_load %arg8[%get3A_424, %get3A_425] {strides = array<i32>} : memref<104x256xf32, #tpu.memory_space<vmem>>, vector<1x16xf32>,
        %get3A_427 = vector.shape_cast %get3A_426 : vector<1x16xf32> to vector<16xf32>
        %add3A_428 = arith.addf %add3A_404, %get3A_427 : vector<16xf32>
        %get3A_429 = arith.constant 42 : i32
        %get3A_430 = arith.index_cast %get3A_429 : i32 to index
        %get3A_431 = arith.index_cast %mul3A_181 : i32 to index
        %get3A_432 = tpu.vector_load %arg8[%get3A_430, %get3A_431] {strides = array<i32>} : memref<104x256xf32, #tpu.memory_space<vmem>>, vector<1x16xf32>,
        %get3A_433 = vector.shape_cast %get3A_432 : vector<1x16xf32> to vector<16xf32>
        %add3A_434 = arith.addf %add3A_410, %get3A_433 : vector<16xf32>
        %get3A_435 = arith.constant 43 : i32
        %get3A_436 = arith.index_cast %get3A_435 : i32 to index
        %get3A_437 = arith.index_cast %mul3A_181 : i32 to index
        %get3A_438 = tpu.vector_load %arg8[%get3A_436, %get3A_437] {strides = array<i32>} : memref<104x256xf32, #tpu.memory_space<vmem>>, vector<1x16xf32>,
        %get3A_439 = vector.shape_cast %get3A_438 : vector<1x16xf32> to vector<16xf32>
        %add3A_440 = arith.addf %add3A_416, %get3A_439 : vector<16xf32>
        %get3A_441 = arith.constant 44 : i32
        %get3A_442 = arith.index_cast %get3A_441 : i32 to index
        %get3A_443 = arith.index_cast %mul3A_181 : i32 to index
        %get3A_444 = tpu.vector_load %arg8[%get3A_442, %get3A_443] {strides = array<i32>} : memref<104x256xf32, #tpu.memory_space<vmem>>, vector<1x16xf32>,
        %get3A_445 = vector.shape_cast %get3A_444 : vector<1x16xf32> to vector<16xf32>
        %add3A_446 = arith.addf %add3A_422, %get3A_445 : vector<16xf32>
        %get3A_447 = arith.constant 45 : i32
        %get3A_448 = arith.index_cast %get3A_447 : i32 to index
        %get3A_449 = arith.index_cast %mul3A_181 : i32 to index
        %get3A_450 = tpu.vector_load %arg8[%get3A_448, %get3A_449] {strides = array<i32>} : memref<104x256xf32, #tpu.memory_space<vmem>>, vector<1x16xf32>,
        %get3A_451 = vector.shape_cast %get3A_450 : vector<1x16xf32> to vector<16xf32>
        %add3A_452 = arith.addf %add3A_428, %get3A_451 : vector<16xf32>
        %get3A_453 = arith.constant 46 : i32
        %get3A_454 = arith.index_cast %get3A_453 : i32 to index
        %get3A_455 = arith.index_cast %mul3A_181 : i32 to index
        %get3A_456 = tpu.vector_load %arg8[%get3A_454, %get3A_455] {strides = array<i32>} : memref<104x256xf32, #tpu.memory_space<vmem>>, vector<1x16xf32>,
        %get3A_457 = vector.shape_cast %get3A_456 : vector<1x16xf32> to vector<16xf32>
        %add3A_458 = arith.addf %add3A_434, %get3A_457 : vector<16xf32>
        %get3A_459 = arith.constant 47 : i32
        %get3A_460 = arith.index_cast %get3A_459 : i32 to index
        %get3A_461 = arith.index_cast %mul3A_181 : i32 to index
        %get3A_462 = tpu.vector_load %arg8[%get3A_460, %get3A_461] {strides = array<i32>} : memref<104x256xf32, #tpu.memory_space<vmem>>, vector<1x16xf32>,
        %get3A_463 = vector.shape_cast %get3A_462 : vector<1x16xf32> to vector<16xf32>
        %add3A_464 = arith.addf %add3A_440, %get3A_463 : vector<16xf32>
        %get3A_465 = arith.constant 48 : i32
        %get3A_466 = arith.index_cast %get3A_465 : i32 to index
        %get3A_467 = arith.index_cast %mul3A_181 : i32 to index
        %get3A_468 = tpu.vector_load %arg8[%get3A_466, %get3A_467] {strides = array<i32>} : memref<104x256xf32, #tpu.memory_space<vmem>>, vector<1x16xf32>,
        %get3A_469 = vector.shape_cast %get3A_468 : vector<1x16xf32> to vector<16xf32>
        %add3A_470 = arith.addf %add3A_446, %get3A_469 : vector<16xf32>
        %get3A_471 = arith.constant 49 : i32
        %get3A_472 = arith.index_cast %get3A_471 : i32 to index
        %get3A_473 = arith.index_cast %mul3A_181 : i32 to index
        %get3A_474 = tpu.vector_load %arg8[%get3A_472, %get3A_473] {strides = array<i32>} : memref<104x256xf32, #tpu.memory_space<vmem>>, vector<1x16xf32>,
        %get3A_475 = vector.shape_cast %get3A_474 : vector<1x16xf32> to vector<16xf32>
        %add3A_476 = arith.addf %add3A_452, %get3A_475 : vector<16xf32>
        %add3A_477 = arith.addf %add3A_470, %add3A_476 : vector<16xf32>
        %add3A_478 = arith.addf %add3A_458, %add3A_464 : vector<16xf32>
        %add3A_479 = arith.addf %add3A_477, %add3A_478 : vector<16xf32>
        %swap3A = arith.constant 0 : i32
        %swap3A_480 = arith.index_cast %swap3A : i32 to index
        %swap3A_481 = arith.index_cast %mul3A_181 : i32 to index
        %swap3A_482 = tpu.vector_load %arg10[%swap3A_480, %swap3A_481] {strides = array<i32>} : memref<8x256xf32, #tpu.memory_space<vmem>>, vector<1x16xf32>,
        %swap3A_483 = vector.shape_cast %swap3A_482 : vector<1x16xf32> to vector<16xf32>
        %swap3A_484 = vector.shape_cast %add3A_479 : vector<16xf32> to vector<1x16xf32>
        tpu.vector_store %arg10[%swap3A_480, %swap3A_481], %swap3A_484 {strides = array<i32>} : memref<8x256xf32, #tpu.memory_space<vmem>>, vector<1x16xf32>,
        %get3A_485 = arith.constant 50 : i32
        %get3A_486 = arith.index_cast %get3A_485 : i32 to index
        %get3A_487 = arith.index_cast %mul3A_181 : i32 to index
        %get3A_488 = tpu.vector_load %arg8[%get3A_486, %get3A_487] {strides = array<i32>} : memref<104x256xf32, #tpu.memory_space<vmem>>, vector<1x16xf32>,
        %get3A_489 = vector.shape_cast %get3A_488 : vector<1x16xf32> to vector<16xf32>
        %get3A_490 = arith.constant 51 : i32
        %get3A_491 = arith.index_cast %get3A_490 : i32 to index
        %get3A_492 = arith.index_cast %mul3A_181 : i32 to index
        %get3A_493 = tpu.vector_load %arg8[%get3A_491, %get3A_492] {strides = array<i32>} : memref<104x256xf32, #tpu.memory_space<vmem>>, vector<1x16xf32>,
        %get3A_494 = vector.shape_cast %get3A_493 : vector<1x16xf32> to vector<16xf32>
        %get3A_495 = arith.constant 52 : i32
        %get3A_496 = arith.index_cast %get3A_495 : i32 to index
        %get3A_497 = arith.index_cast %mul3A_181 : i32 to index
        %get3A_498 = tpu.vector_load %arg8[%get3A_496, %get3A_497] {strides = array<i32>} : memref<104x256xf32, #tpu.memory_space<vmem>>, vector<1x16xf32>,
        %get3A_499 = vector.shape_cast %get3A_498 : vector<1x16xf32> to vector<16xf32>
        %get3A_500 = arith.constant 53 : i32
        %get3A_501 = arith.index_cast %get3A_500 : i32 to index
        %get3A_502 = arith.index_cast %mul3A_181 : i32 to index
        %get3A_503 = tpu.vector_load %arg8[%get3A_501, %get3A_502] {strides = array<i32>} : memref<104x256xf32, #tpu.memory_space<vmem>>, vector<1x16xf32>,
        %get3A_504 = vector.shape_cast %get3A_503 : vector<1x16xf32> to vector<16xf32>
        %get3A_505 = arith.constant 54 : i32
        %get3A_506 = arith.index_cast %get3A_505 : i32 to index
        %get3A_507 = arith.index_cast %mul3A_181 : i32 to index
        %get3A_508 = tpu.vector_load %arg8[%get3A_506, %get3A_507] {strides = array<i32>} : memref<104x256xf32, #tpu.memory_space<vmem>>, vector<1x16xf32>,
        %get3A_509 = vector.shape_cast %get3A_508 : vector<1x16xf32> to vector<16xf32>
        %add3A_510 = arith.addf %get3A_489, %get3A_509 : vector<16xf32>
        %get3A_511 = arith.constant 55 : i32
        %get3A_512 = arith.index_cast %get3A_511 : i32 to index
        %get3A_513 = arith.index_cast %mul3A_181 : i32 to index
        %get3A_514 = tpu.vector_load %arg8[%get3A_512, %get3A_513] {strides = array<i32>} : memref<104x256xf32, #tpu.memory_space<vmem>>, vector<1x16xf32>,
        %get3A_515 = vector.shape_cast %get3A_514 : vector<1x16xf32> to vector<16xf32>
        %add3A_516 = arith.addf %get3A_494, %get3A_515 : vector<16xf32>
        %get3A_517 = arith.constant 56 : i32
        %get3A_518 = arith.index_cast %get3A_517 : i32 to index
        %get3A_519 = arith.index_cast %mul3A_181 : i32 to index
        %get3A_520 = tpu.vector_load %arg8[%get3A_518, %get3A_519] {strides = array<i32>} : memref<104x256xf32, #tpu.memory_space<vmem>>, vector<1x16xf32>,
        %get3A_521 = vector.shape_cast %get3A_520 : vector<1x16xf32> to vector<16xf32>
        %add3A_522 = arith.addf %get3A_499, %get3A_521 : vector<16xf32>
        %get3A_523 = arith.constant 57 : i32
        %get3A_524 = arith.index_cast %get3A_523 : i32 to index
        %get3A_525 = arith.index_cast %mul3A_181 : i32 to index
        %get3A_526 = tpu.vector_load %arg8[%get3A_524, %get3A_525] {strides = array<i32>} : memref<104x256xf32, #tpu.memory_space<vmem>>, vector<1x16xf32>,
        %get3A_527 = vector.shape_cast %get3A_526 : vector<1x16xf32> to vector<16xf32>
        %add3A_528 = arith.addf %get3A_504, %get3A_527 : vector<16xf32>
        %get3A_529 = arith.constant 58 : i32
        %get3A_530 = arith.index_cast %get3A_529 : i32 to index
        %get3A_531 = arith.index_cast %mul3A_181 : i32 to index
        %get3A_532 = tpu.vector_load %arg8[%get3A_530, %get3A_531] {strides = array<i32>} : memref<104x256xf32, #tpu.memory_space<vmem>>, vector<1x16xf32>,
        %get3A_533 = vector.shape_cast %get3A_532 : vector<1x16xf32> to vector<16xf32>
        %add3A_534 = arith.addf %add3A_510, %get3A_533 : vector<16xf32>
        %get3A_535 = arith.constant 59 : i32
        %get3A_536 = arith.index_cast %get3A_535 : i32 to index
        %get3A_537 = arith.index_cast %mul3A_181 : i32 to index
        %get3A_538 = tpu.vector_load %arg8[%get3A_536, %get3A_537] {strides = array<i32>} : memref<104x256xf32, #tpu.memory_space<vmem>>, vector<1x16xf32>,
        %get3A_539 = vector.shape_cast %get3A_538 : vector<1x16xf32> to vector<16xf32>
        %add3A_540 = arith.addf %add3A_516, %get3A_539 : vector<16xf32>
        %get3A_541 = arith.constant 60 : i32
        %get3A_542 = arith.index_cast %get3A_541 : i32 to index
        %get3A_543 = arith.index_cast %mul3A_181 : i32 to index
        %get3A_544 = tpu.vector_load %arg8[%get3A_542, %get3A_543] {strides = array<i32>} : memref<104x256xf32, #tpu.memory_space<vmem>>, vector<1x16xf32>,
        %get3A_545 = vector.shape_cast %get3A_544 : vector<1x16xf32> to vector<16xf32>
        %add3A_546 = arith.addf %add3A_522, %get3A_545 : vector<16xf32>
        %get3A_547 = arith.constant 61 : i32
        %get3A_548 = arith.index_cast %get3A_547 : i32 to index
        %get3A_549 = arith.index_cast %mul3A_181 : i32 to index
        %get3A_550 = tpu.vector_load %arg8[%get3A_548, %get3A_549] {strides = array<i32>} : memref<104x256xf32, #tpu.memory_space<vmem>>, vector<1x16xf32>,
        %get3A_551 = vector.shape_cast %get3A_550 : vector<1x16xf32> to vector<16xf32>
        %add3A_552 = arith.addf %add3A_528, %get3A_551 : vector<16xf32>
        %get3A_553 = arith.constant 62 : i32
        %get3A_554 = arith.index_cast %get3A_553 : i32 to index
        %get3A_555 = arith.index_cast %mul3A_181 : i32 to index
        %get3A_556 = tpu.vector_load %arg8[%get3A_554, %get3A_555] {strides = array<i32>} : memref<104x256xf32, #tpu.memory_space<vmem>>, vector<1x16xf32>,
        %get3A_557 = vector.shape_cast %get3A_556 : vector<1x16xf32> to vector<16xf32>
        %add3A_558 = arith.addf %add3A_534, %get3A_557 : vector<16xf32>
        %get3A_559 = arith.constant 63 : i32
        %get3A_560 = arith.index_cast %get3A_559 : i32 to index
        %get3A_561 = arith.index_cast %mul3A_181 : i32 to index
        %get3A_562 = tpu.vector_load %arg8[%get3A_560, %get3A_561] {strides = array<i32>} : memref<104x256xf32, #tpu.memory_space<vmem>>, vector<1x16xf32>,
        %get3A_563 = vector.shape_cast %get3A_562 : vector<1x16xf32> to vector<16xf32>
        %add3A_564 = arith.addf %add3A_540, %get3A_563 : vector<16xf32>
        %get3A_565 = arith.constant 64 : i32
        %get3A_566 = arith.index_cast %get3A_565 : i32 to index
        %get3A_567 = arith.index_cast %mul3A_181 : i32 to index
        %get3A_568 = tpu.vector_load %arg8[%get3A_566, %get3A_567] {strides = array<i32>} : memref<104x256xf32, #tpu.memory_space<vmem>>, vector<1x16xf32>,
        %get3A_569 = vector.shape_cast %get3A_568 : vector<1x16xf32> to vector<16xf32>
        %add3A_570 = arith.addf %add3A_546, %get3A_569 : vector<16xf32>
        %get3A_571 = arith.constant 65 : i32
        %get3A_572 = arith.index_cast %get3A_571 : i32 to index
        %get3A_573 = arith.index_cast %mul3A_181 : i32 to index
        %get3A_574 = tpu.vector_load %arg8[%get3A_572, %get3A_573] {strides = array<i32>} : memref<104x256xf32, #tpu.memory_space<vmem>>, vector<1x16xf32>,
        %get3A_575 = vector.shape_cast %get3A_574 : vector<1x16xf32> to vector<16xf32>
        %add3A_576 = arith.addf %add3A_552, %get3A_575 : vector<16xf32>
        %get3A_577 = arith.constant 66 : i32
        %get3A_578 = arith.index_cast %get3A_577 : i32 to index
        %get3A_579 = arith.index_cast %mul3A_181 : i32 to index
        %get3A_580 = tpu.vector_load %arg8[%get3A_578, %get3A_579] {strides = array<i32>} : memref<104x256xf32, #tpu.memory_space<vmem>>, vector<1x16xf32>,
        %get3A_581 = vector.shape_cast %get3A_580 : vector<1x16xf32> to vector<16xf32>
        %add3A_582 = arith.addf %add3A_558, %get3A_581 : vector<16xf32>
        %get3A_583 = arith.constant 67 : i32
        %get3A_584 = arith.index_cast %get3A_583 : i32 to index
        %get3A_585 = arith.index_cast %mul3A_181 : i32 to index
        %get3A_586 = tpu.vector_load %arg8[%get3A_584, %get3A_585] {strides = array<i32>} : memref<104x256xf32, #tpu.memory_space<vmem>>, vector<1x16xf32>,
        %get3A_587 = vector.shape_cast %get3A_586 : vector<1x16xf32> to vector<16xf32>
        %add3A_588 = arith.addf %add3A_564, %get3A_587 : vector<16xf32>
        %get3A_589 = arith.constant 68 : i32
        %get3A_590 = arith.index_cast %get3A_589 : i32 to index
        %get3A_591 = arith.index_cast %mul3A_181 : i32 to index
        %get3A_592 = tpu.vector_load %arg8[%get3A_590, %get3A_591] {strides = array<i32>} : memref<104x256xf32, #tpu.memory_space<vmem>>, vector<1x16xf32>,
        %get3A_593 = vector.shape_cast %get3A_592 : vector<1x16xf32> to vector<16xf32>
        %add3A_594 = arith.addf %add3A_570, %get3A_593 : vector<16xf32>
        %get3A_595 = arith.constant 69 : i32
        %get3A_596 = arith.index_cast %get3A_595 : i32 to index
        %get3A_597 = arith.index_cast %mul3A_181 : i32 to index
        %get3A_598 = tpu.vector_load %arg8[%get3A_596, %get3A_597] {strides = array<i32>} : memref<104x256xf32, #tpu.memory_space<vmem>>, vector<1x16xf32>,
        %get3A_599 = vector.shape_cast %get3A_598 : vector<1x16xf32> to vector<16xf32>
        %add3A_600 = arith.addf %add3A_576, %get3A_599 : vector<16xf32>
        %get3A_601 = arith.constant 70 : i32
        %get3A_602 = arith.index_cast %get3A_601 : i32 to index
        %get3A_603 = arith.index_cast %mul3A_181 : i32 to index
        %get3A_604 = tpu.vector_load %arg8[%get3A_602, %get3A_603] {strides = array<i32>} : memref<104x256xf32, #tpu.memory_space<vmem>>, vector<1x16xf32>,
        %get3A_605 = vector.shape_cast %get3A_604 : vector<1x16xf32> to vector<16xf32>
        %add3A_606 = arith.addf %add3A_582, %get3A_605 : vector<16xf32>
        %get3A_607 = arith.constant 71 : i32
        %get3A_608 = arith.index_cast %get3A_607 : i32 to index
        %get3A_609 = arith.index_cast %mul3A_181 : i32 to index
        %get3A_610 = tpu.vector_load %arg8[%get3A_608, %get3A_609] {strides = array<i32>} : memref<104x256xf32, #tpu.memory_space<vmem>>, vector<1x16xf32>,
        %get3A_611 = vector.shape_cast %get3A_610 : vector<1x16xf32> to vector<16xf32>
        %add3A_612 = arith.addf %add3A_588, %get3A_611 : vector<16xf32>
        %get3A_613 = arith.constant 72 : i32
        %get3A_614 = arith.index_cast %get3A_613 : i32 to index
        %get3A_615 = arith.index_cast %mul3A_181 : i32 to index
        %get3A_616 = tpu.vector_load %arg8[%get3A_614, %get3A_615] {strides = array<i32>} : memref<104x256xf32, #tpu.memory_space<vmem>>, vector<1x16xf32>,
        %get3A_617 = vector.shape_cast %get3A_616 : vector<1x16xf32> to vector<16xf32>
        %add3A_618 = arith.addf %add3A_594, %get3A_617 : vector<16xf32>
        %get3A_619 = arith.constant 73 : i32
        %get3A_620 = arith.index_cast %get3A_619 : i32 to index
        %get3A_621 = arith.index_cast %mul3A_181 : i32 to index
        %get3A_622 = tpu.vector_load %arg8[%get3A_620, %get3A_621] {strides = array<i32>} : memref<104x256xf32, #tpu.memory_space<vmem>>, vector<1x16xf32>,
        %get3A_623 = vector.shape_cast %get3A_622 : vector<1x16xf32> to vector<16xf32>
        %add3A_624 = arith.addf %add3A_600, %get3A_623 : vector<16xf32>
        %get3A_625 = arith.constant 74 : i32
        %get3A_626 = arith.index_cast %get3A_625 : i32 to index
        %get3A_627 = arith.index_cast %mul3A_181 : i32 to index
        %get3A_628 = tpu.vector_load %arg8[%get3A_626, %get3A_627] {strides = array<i32>} : memref<104x256xf32, #tpu.memory_space<vmem>>, vector<1x16xf32>,
        %get3A_629 = vector.shape_cast %get3A_628 : vector<1x16xf32> to vector<16xf32>
        %add3A_630 = arith.addf %add3A_606, %get3A_629 : vector<16xf32>
        %get3A_631 = arith.constant 75 : i32
        %get3A_632 = arith.index_cast %get3A_631 : i32 to index
        %get3A_633 = arith.index_cast %mul3A_181 : i32 to index
        %get3A_634 = tpu.vector_load %arg8[%get3A_632, %get3A_633] {strides = array<i32>} : memref<104x256xf32, #tpu.memory_space<vmem>>, vector<1x16xf32>,
        %get3A_635 = vector.shape_cast %get3A_634 : vector<1x16xf32> to vector<16xf32>
        %add3A_636 = arith.addf %add3A_612, %get3A_635 : vector<16xf32>
        %get3A_637 = arith.constant 76 : i32
        %get3A_638 = arith.index_cast %get3A_637 : i32 to index
        %get3A_639 = arith.index_cast %mul3A_181 : i32 to index
        %get3A_640 = tpu.vector_load %arg8[%get3A_638, %get3A_639] {strides = array<i32>} : memref<104x256xf32, #tpu.memory_space<vmem>>, vector<1x16xf32>,
        %get3A_641 = vector.shape_cast %get3A_640 : vector<1x16xf32> to vector<16xf32>
        %add3A_642 = arith.addf %add3A_618, %get3A_641 : vector<16xf32>
        %get3A_643 = arith.constant 77 : i32
        %get3A_644 = arith.index_cast %get3A_643 : i32 to index
        %get3A_645 = arith.index_cast %mul3A_181 : i32 to index
        %get3A_646 = tpu.vector_load %arg8[%get3A_644, %get3A_645] {strides = array<i32>} : memref<104x256xf32, #tpu.memory_space<vmem>>, vector<1x16xf32>,
        %get3A_647 = vector.shape_cast %get3A_646 : vector<1x16xf32> to vector<16xf32>
        %add3A_648 = arith.addf %add3A_624, %get3A_647 : vector<16xf32>
        %get3A_649 = arith.constant 78 : i32
        %get3A_650 = arith.index_cast %get3A_649 : i32 to index
        %get3A_651 = arith.index_cast %mul3A_181 : i32 to index
        %get3A_652 = tpu.vector_load %arg8[%get3A_650, %get3A_651] {strides = array<i32>} : memref<104x256xf32, #tpu.memory_space<vmem>>, vector<1x16xf32>,
        %get3A_653 = vector.shape_cast %get3A_652 : vector<1x16xf32> to vector<16xf32>
        %add3A_654 = arith.addf %add3A_630, %get3A_653 : vector<16xf32>
        %get3A_655 = arith.constant 79 : i32
        %get3A_656 = arith.index_cast %get3A_655 : i32 to index
        %get3A_657 = arith.index_cast %mul3A_181 : i32 to index
        %get3A_658 = tpu.vector_load %arg8[%get3A_656, %get3A_657] {strides = array<i32>} : memref<104x256xf32, #tpu.memory_space<vmem>>, vector<1x16xf32>,
        %get3A_659 = vector.shape_cast %get3A_658 : vector<1x16xf32> to vector<16xf32>
        %add3A_660 = arith.addf %add3A_636, %get3A_659 : vector<16xf32>
        %get3A_661 = arith.constant 80 : i32
        %get3A_662 = arith.index_cast %get3A_661 : i32 to index
        %get3A_663 = arith.index_cast %mul3A_181 : i32 to index
        %get3A_664 = tpu.vector_load %arg8[%get3A_662, %get3A_663] {strides = array<i32>} : memref<104x256xf32, #tpu.memory_space<vmem>>, vector<1x16xf32>,
        %get3A_665 = vector.shape_cast %get3A_664 : vector<1x16xf32> to vector<16xf32>
        %add3A_666 = arith.addf %add3A_642, %get3A_665 : vector<16xf32>
        %get3A_667 = arith.constant 81 : i32
        %get3A_668 = arith.index_cast %get3A_667 : i32 to index
        %get3A_669 = arith.index_cast %mul3A_181 : i32 to index
        %get3A_670 = tpu.vector_load %arg8[%get3A_668, %get3A_669] {strides = array<i32>} : memref<104x256xf32, #tpu.memory_space<vmem>>, vector<1x16xf32>,
        %get3A_671 = vector.shape_cast %get3A_670 : vector<1x16xf32> to vector<16xf32>
        %add3A_672 = arith.addf %add3A_648, %get3A_671 : vector<16xf32>
        %get3A_673 = arith.constant 82 : i32
        %get3A_674 = arith.index_cast %get3A_673 : i32 to index
        %get3A_675 = arith.index_cast %mul3A_181 : i32 to index
        %get3A_676 = tpu.vector_load %arg8[%get3A_674, %get3A_675] {strides = array<i32>} : memref<104x256xf32, #tpu.memory_space<vmem>>, vector<1x16xf32>,
        %get3A_677 = vector.shape_cast %get3A_676 : vector<1x16xf32> to vector<16xf32>
        %add3A_678 = arith.addf %add3A_654, %get3A_677 : vector<16xf32>
        %get3A_679 = arith.constant 83 : i32
        %get3A_680 = arith.index_cast %get3A_679 : i32 to index
        %get3A_681 = arith.index_cast %mul3A_181 : i32 to index
        %get3A_682 = tpu.vector_load %arg8[%get3A_680, %get3A_681] {strides = array<i32>} : memref<104x256xf32, #tpu.memory_space<vmem>>, vector<1x16xf32>,
        %get3A_683 = vector.shape_cast %get3A_682 : vector<1x16xf32> to vector<16xf32>
        %add3A_684 = arith.addf %add3A_660, %get3A_683 : vector<16xf32>
        %get3A_685 = arith.constant 84 : i32
        %get3A_686 = arith.index_cast %get3A_685 : i32 to index
        %get3A_687 = arith.index_cast %mul3A_181 : i32 to index
        %get3A_688 = tpu.vector_load %arg8[%get3A_686, %get3A_687] {strides = array<i32>} : memref<104x256xf32, #tpu.memory_space<vmem>>, vector<1x16xf32>,
        %get3A_689 = vector.shape_cast %get3A_688 : vector<1x16xf32> to vector<16xf32>
        %add3A_690 = arith.addf %add3A_666, %get3A_689 : vector<16xf32>
        %get3A_691 = arith.constant 85 : i32
        %get3A_692 = arith.index_cast %get3A_691 : i32 to index
        %get3A_693 = arith.index_cast %mul3A_181 : i32 to index
        %get3A_694 = tpu.vector_load %arg8[%get3A_692, %get3A_693] {strides = array<i32>} : memref<104x256xf32, #tpu.memory_space<vmem>>, vector<1x16xf32>,
        %get3A_695 = vector.shape_cast %get3A_694 : vector<1x16xf32> to vector<16xf32>
        %add3A_696 = arith.addf %add3A_672, %get3A_695 : vector<16xf32>
        %get3A_697 = arith.constant 86 : i32
        %get3A_698 = arith.index_cast %get3A_697 : i32 to index
        %get3A_699 = arith.index_cast %mul3A_181 : i32 to index
        %get3A_700 = tpu.vector_load %arg8[%get3A_698, %get3A_699] {strides = array<i32>} : memref<104x256xf32, #tpu.memory_space<vmem>>, vector<1x16xf32>,
        %get3A_701 = vector.shape_cast %get3A_700 : vector<1x16xf32> to vector<16xf32>
        %add3A_702 = arith.addf %add3A_678, %get3A_701 : vector<16xf32>
        %get3A_703 = arith.constant 87 : i32
        %get3A_704 = arith.index_cast %get3A_703 : i32 to index
        %get3A_705 = arith.index_cast %mul3A_181 : i32 to index
        %get3A_706 = tpu.vector_load %arg8[%get3A_704, %get3A_705] {strides = array<i32>} : memref<104x256xf32, #tpu.memory_space<vmem>>, vector<1x16xf32>,
        %get3A_707 = vector.shape_cast %get3A_706 : vector<1x16xf32> to vector<16xf32>
        %add3A_708 = arith.addf %add3A_684, %get3A_707 : vector<16xf32>
        %get3A_709 = arith.constant 88 : i32
        %get3A_710 = arith.index_cast %get3A_709 : i32 to index
        %get3A_711 = arith.index_cast %mul3A_181 : i32 to index
        %get3A_712 = tpu.vector_load %arg8[%get3A_710, %get3A_711] {strides = array<i32>} : memref<104x256xf32, #tpu.memory_space<vmem>>, vector<1x16xf32>,
        %get3A_713 = vector.shape_cast %get3A_712 : vector<1x16xf32> to vector<16xf32>
        %add3A_714 = arith.addf %add3A_690, %get3A_713 : vector<16xf32>
        %get3A_715 = arith.constant 89 : i32
        %get3A_716 = arith.index_cast %get3A_715 : i32 to index
        %get3A_717 = arith.index_cast %mul3A_181 : i32 to index
        %get3A_718 = tpu.vector_load %arg8[%get3A_716, %get3A_717] {strides = array<i32>} : memref<104x256xf32, #tpu.memory_space<vmem>>, vector<1x16xf32>,
        %get3A_719 = vector.shape_cast %get3A_718 : vector<1x16xf32> to vector<16xf32>
        %add3A_720 = arith.addf %add3A_696, %get3A_719 : vector<16xf32>
        %get3A_721 = arith.constant 90 : i32
        %get3A_722 = arith.index_cast %get3A_721 : i32 to index
        %get3A_723 = arith.index_cast %mul3A_181 : i32 to index
        %get3A_724 = tpu.vector_load %arg8[%get3A_722, %get3A_723] {strides = array<i32>} : memref<104x256xf32, #tpu.memory_space<vmem>>, vector<1x16xf32>,
        %get3A_725 = vector.shape_cast %get3A_724 : vector<1x16xf32> to vector<16xf32>
        %add3A_726 = arith.addf %add3A_702, %get3A_725 : vector<16xf32>
        %get3A_727 = arith.constant 91 : i32
        %get3A_728 = arith.index_cast %get3A_727 : i32 to index
        %get3A_729 = arith.index_cast %mul3A_181 : i32 to index
        %get3A_730 = tpu.vector_load %arg8[%get3A_728, %get3A_729] {strides = array<i32>} : memref<104x256xf32, #tpu.memory_space<vmem>>, vector<1x16xf32>,
        %get3A_731 = vector.shape_cast %get3A_730 : vector<1x16xf32> to vector<16xf32>
        %add3A_732 = arith.addf %add3A_708, %get3A_731 : vector<16xf32>
        %get3A_733 = arith.constant 92 : i32
        %get3A_734 = arith.index_cast %get3A_733 : i32 to index
        %get3A_735 = arith.index_cast %mul3A_181 : i32 to index
        %get3A_736 = tpu.vector_load %arg8[%get3A_734, %get3A_735] {strides = array<i32>} : memref<104x256xf32, #tpu.memory_space<vmem>>, vector<1x16xf32>,
        %get3A_737 = vector.shape_cast %get3A_736 : vector<1x16xf32> to vector<16xf32>
        %add3A_738 = arith.addf %add3A_714, %get3A_737 : vector<16xf32>
        %get3A_739 = arith.constant 93 : i32
        %get3A_740 = arith.index_cast %get3A_739 : i32 to index
        %get3A_741 = arith.index_cast %mul3A_181 : i32 to index
        %get3A_742 = tpu.vector_load %arg8[%get3A_740, %get3A_741] {strides = array<i32>} : memref<104x256xf32, #tpu.memory_space<vmem>>, vector<1x16xf32>,
        %get3A_743 = vector.shape_cast %get3A_742 : vector<1x16xf32> to vector<16xf32>
        %add3A_744 = arith.addf %add3A_720, %get3A_743 : vector<16xf32>
        %get3A_745 = arith.constant 94 : i32
        %get3A_746 = arith.index_cast %get3A_745 : i32 to index
        %get3A_747 = arith.index_cast %mul3A_181 : i32 to index
        %get3A_748 = tpu.vector_load %arg8[%get3A_746, %get3A_747] {strides = array<i32>} : memref<104x256xf32, #tpu.memory_space<vmem>>, vector<1x16xf32>,
        %get3A_749 = vector.shape_cast %get3A_748 : vector<1x16xf32> to vector<16xf32>
        %add3A_750 = arith.addf %add3A_726, %get3A_749 : vector<16xf32>
        %get3A_751 = arith.constant 95 : i32
        %get3A_752 = arith.index_cast %get3A_751 : i32 to index
        %get3A_753 = arith.index_cast %mul3A_181 : i32 to index
        %get3A_754 = tpu.vector_load %arg8[%get3A_752, %get3A_753] {strides = array<i32>} : memref<104x256xf32, #tpu.memory_space<vmem>>, vector<1x16xf32>,
        %get3A_755 = vector.shape_cast %get3A_754 : vector<1x16xf32> to vector<16xf32>
        %add3A_756 = arith.addf %add3A_732, %get3A_755 : vector<16xf32>
        %get3A_757 = arith.constant 96 : i32
        %get3A_758 = arith.index_cast %get3A_757 : i32 to index
        %get3A_759 = arith.index_cast %mul3A_181 : i32 to index
        %get3A_760 = tpu.vector_load %arg8[%get3A_758, %get3A_759] {strides = array<i32>} : memref<104x256xf32, #tpu.memory_space<vmem>>, vector<1x16xf32>,
        %get3A_761 = vector.shape_cast %get3A_760 : vector<1x16xf32> to vector<16xf32>
        %add3A_762 = arith.addf %add3A_738, %get3A_761 : vector<16xf32>
        %get3A_763 = arith.constant 97 : i32
        %get3A_764 = arith.index_cast %get3A_763 : i32 to index
        %get3A_765 = arith.index_cast %mul3A_181 : i32 to index
        %get3A_766 = tpu.vector_load %arg8[%get3A_764, %get3A_765] {strides = array<i32>} : memref<104x256xf32, #tpu.memory_space<vmem>>, vector<1x16xf32>,
        %get3A_767 = vector.shape_cast %get3A_766 : vector<1x16xf32> to vector<16xf32>
        %add3A_768 = arith.addf %add3A_744, %get3A_767 : vector<16xf32>
        %get3A_769 = arith.constant 98 : i32
        %get3A_770 = arith.index_cast %get3A_769 : i32 to index
        %get3A_771 = arith.index_cast %mul3A_181 : i32 to index
        %get3A_772 = tpu.vector_load %arg8[%get3A_770, %get3A_771] {strides = array<i32>} : memref<104x256xf32, #tpu.memory_space<vmem>>, vector<1x16xf32>,
        %get3A_773 = vector.shape_cast %get3A_772 : vector<1x16xf32> to vector<16xf32>
        %add3A_774 = arith.addf %add3A_750, %get3A_773 : vector<16xf32>
        %get3A_775 = arith.constant 99 : i32
        %get3A_776 = arith.index_cast %get3A_775 : i32 to index
        %get3A_777 = arith.index_cast %mul3A_181 : i32 to index
        %get3A_778 = tpu.vector_load %arg8[%get3A_776, %get3A_777] {strides = array<i32>} : memref<104x256xf32, #tpu.memory_space<vmem>>, vector<1x16xf32>,
        %get3A_779 = vector.shape_cast %get3A_778 : vector<1x16xf32> to vector<16xf32>
        %add3A_780 = arith.addf %add3A_756, %get3A_779 : vector<16xf32>
        %add3A_781 = arith.addf %add3A_774, %add3A_780 : vector<16xf32>
        %add3A_782 = arith.addf %add3A_762, %add3A_768 : vector<16xf32>
        %add3A_783 = arith.addf %add3A_781, %add3A_782 : vector<16xf32>
        %swap3A_784 = arith.constant 1 : i32
        %swap3A_785 = arith.index_cast %swap3A_784 : i32 to index
        %swap3A_786 = arith.index_cast %mul3A_181 : i32 to index
        %swap3A_787 = tpu.vector_load %arg10[%swap3A_785, %swap3A_786] {strides = array<i32>} : memref<8x256xf32, #tpu.memory_space<vmem>>, vector<1x16xf32>,
        %swap3A_788 = vector.shape_cast %swap3A_787 : vector<1x16xf32> to vector<16xf32>
        %swap3A_789 = vector.shape_cast %add3A_783 : vector<16xf32> to vector<1x16xf32>
        tpu.vector_store %arg10[%swap3A_785, %swap3A_786], %swap3A_789 {strides = array<i32>} : memref<8x256xf32, #tpu.memory_space<vmem>>, vector<1x16xf32>,
      }
      %scan3A_64 = arith.constant 16 : i32
      %mul3A_65 = arith.constant 4 : i32
      %mul3A_66 = arith.muli %scan3A_31, %mul3A_65 : i32
      %add3A_67 = arith.constant 1 : i32
      %add3A_68 = arith.addi %mul3A_66, %add3A_67 : i32
      %mul3A_69 = arith.constant 104 : i32
      %mul3A_70 = arith.muli %add3A_68, %mul3A_69 : i32
      %dma_wait3A_71 = arith.constant 0 : i32
      %dma_wait3A_72 = arith.constant 0 : i32
      %dma_wait3A_73 = tpu.memref_slice %arg9[%dma_wait3A_71, %dma_wait3A_72] : memref<104x256xf32, #tpu.memory_space<vmem>> -> memref<48x256xf32, #tpu.memory_space<vmem>>
      %dma_wait3A_74 = tpu.memref_slice %arg7[%mul3A_70] : memref<26624xi32, #tpu.memory_space<vmem>> -> memref<48xi32, #tpu.memory_space<vmem>>
      %dma_wait3A_75 = arith.constant 0 : i32
      %dma_wait3A_76 = arith.constant 0 : i32
      %dma_wait3A_77 = tpu.memref_slice %arg2[%dma_wait3A_75, %dma_wait3A_76] : memref<1000000x256xf32, #tpu.memory_space<hbm>> -> memref<1000000x256xf32, #tpu.memory_space<hbm>>
      tpu.wait_indirect_dma semaphore(%arg13 : memref<!tpu.dma_semaphore, #tpu.memory_space<semaphore_mem>>) src(%dma_wait3A_77 : memref<1000000x256xf32, #tpu.memory_space<hbm>>) dst(%dma_wait3A_73 : memref<48x256xf32, #tpu.memory_space<vmem>>)
      %mul3A_78 = arith.constant 104 : i32
      %mul3A_79 = arith.muli %add3A_68, %mul3A_78 : i32
      %add3A_80 = arith.constant 48 : i32
      %add3A_81 = arith.addi %mul3A_79, %add3A_80 : i32
      %dma_wait3A_82 = arith.constant 48 : i32
      %dma_wait3A_83 = arith.constant 0 : i32
      %dma_wait3A_84 = tpu.memref_slice %arg9[%dma_wait3A_82, %dma_wait3A_83] : memref<104x256xf32, #tpu.memory_space<vmem>> -> memref<56x256xf32, #tpu.memory_space<vmem>>
      %dma_wait3A_85 = tpu.memref_slice %arg7[%add3A_81] : memref<26624xi32, #tpu.memory_space<vmem>> -> memref<56xi32, #tpu.memory_space<vmem>>
      %dma_wait3A_86 = arith.constant 0 : i32
      %dma_wait3A_87 = arith.constant 0 : i32
      %dma_wait3A_88 = tpu.memref_slice %arg2[%dma_wait3A_86, %dma_wait3A_87] : memref<1000000x256xf32, #tpu.memory_space<hbm>> -> memref<1000000x256xf32, #tpu.memory_space<hbm>>
      tpu.wait_indirect_dma semaphore(%arg13 : memref<!tpu.dma_semaphore, #tpu.memory_space<semaphore_mem>>) src(%dma_wait3A_88 : memref<1000000x256xf32, #tpu.memory_space<hbm>>) dst(%dma_wait3A_84 : memref<56x256xf32, #tpu.memory_space<vmem>>)
      %add3A_89 = arith.constant 1 : i32
      %add3A_90 = arith.addi %add3A_68, %add3A_89 : i32
      %lt3A_91 = arith.constant 256 : i32
      %lt3A_92 = arith.cmpi slt, %add3A_90, %lt3A_91 : i32
      %convert_element_type3A_93 = arith.extui %lt3A_92 : i1 to i32
      %cond3A_94 = arith.constant 0 : i32
      %cond3A_95 = arith.cmpi ne, %convert_element_type3A_93, %cond3A_94 : i32
      scf.if %cond3A_95 {
        %add3A_179 = arith.constant 1 : i32
        %add3A_180 = arith.addi %add3A_68, %add3A_179 : i32
        %mul3A_181 = arith.constant 104 : i32
        %mul3A_182 = arith.muli %add3A_180, %mul3A_181 : i32
        %dma_start3A_183 = arith.constant 0 : i32
        %dma_start3A_184 = arith.constant 0 : i32
        %dma_start3A_185 = tpu.memref_slice %arg8[%dma_start3A_183, %dma_start3A_184] : memref<104x256xf32, #tpu.memory_space<vmem>> -> memref<48x256xf32, #tpu.memory_space<vmem>>
        %dma_start3A_186 = tpu.memref_slice %arg7[%mul3A_182] : memref<26624xi32, #tpu.memory_space<vmem>> -> memref<48xi32, #tpu.memory_space<vmem>>
        %dma_start3A_187 = arith.constant 0 : i32
        %dma_start3A_188 = arith.constant 0 : i32
        %dma_start3A_189 = tpu.memref_slice %arg2[%dma_start3A_187, %dma_start3A_188] : memref<1000000x256xf32, #tpu.memory_space<hbm>> -> memref<1000000x256xf32, #tpu.memory_space<hbm>>
        tpu.enqueue_indirect_dma source(%dma_start3A_189 : memref<1000000x256xf32, #tpu.memory_space<hbm>>) target(%dma_start3A_185 : memref<48x256xf32, #tpu.memory_space<vmem>>) offsets(%dma_start3A_186 : memref<48xi32, #tpu.memory_space<vmem>>) semaphore(%arg13 : memref<!tpu.dma_semaphore, #tpu.memory_space<semaphore_mem>>)
        %mul3A_190 = arith.constant 104 : i32
        %mul3A_191 = arith.muli %add3A_180, %mul3A_190 : i32
        %add3A_192 = arith.constant 48 : i32
        %add3A_193 = arith.addi %mul3A_191, %add3A_192 : i32
        %dma_start3A_194 = arith.constant 48 : i32
        %dma_start3A_195 = arith.constant 0 : i32
        %dma_start3A_196 = tpu.memref_slice %arg8[%dma_start3A_194, %dma_start3A_195] : memref<104x256xf32, #tpu.memory_space<vmem>> -> memref<56x256xf32, #tpu.memory_space<vmem>>
        %dma_start3A_197 = tpu.memref_slice %arg7[%add3A_193] : memref<26624xi32, #tpu.memory_space<vmem>> -> memref<56xi32, #tpu.memory_space<vmem>>
        %dma_start3A_198 = arith.constant 0 : i32
        %dma_start3A_199 = arith.constant 0 : i32
        %dma_start3A_200 = tpu.memref_slice %arg2[%dma_start3A_198, %dma_start3A_199] : memref<1000000x256xf32, #tpu.memory_space<hbm>> -> memref<1000000x256xf32, #tpu.memory_space<hbm>>
        tpu.enqueue_indirect_dma source(%dma_start3A_200 : memref<1000000x256xf32, #tpu.memory_space<hbm>>) target(%dma_start3A_196 : memref<56x256xf32, #tpu.memory_space<vmem>>) offsets(%dma_start3A_197 : memref<56xi32, #tpu.memory_space<vmem>>) semaphore(%arg13 : memref<!tpu.dma_semaphore, #tpu.memory_space<semaphore_mem>>)
      } else {
      }
      %scan3A_96 = arith.constant 0 : i32
      %scan3A_97 = arith.constant 0 : i32
      %scan3A_98 = arith.constant 16 : i32
      %scan3A_99 = arith.addi %scan3A_97, %scan3A_98 : i32
      %scan3A_100 = arith.constant 1 : i32
      scf.for %scan3A_179 = %scan3A_97 to %scan3A_99 step %scan3A_100  : i32 {
        %mul3A_180 = arith.constant 16 : i32
        %mul3A_181 = arith.muli %scan3A_179, %mul3A_180 : i32
        %get3A = arith.constant 0 : i32
        %get3A_182 = arith.index_cast %get3A : i32 to index
        %get3A_183 = arith.index_cast %mul3A_181 : i32 to index
        %get3A_184 = tpu.vector_load %arg9[%get3A_182, %get3A_183] {strides = array<i32>} : memref<104x256xf32, #tpu.memory_space<vmem>>, vector<1x16xf32>,
        %get3A_185 = vector.shape_cast %get3A_184 : vector<1x16xf32> to vector<16xf32>
        %get3A_186 = arith.constant 1 : i32
        %get3A_187 = arith.index_cast %get3A_186 : i32 to index
        %get3A_188 = arith.index_cast %mul3A_181 : i32 to index
        %get3A_189 = tpu.vector_load %arg9[%get3A_187, %get3A_188] {strides = array<i32>} : memref<104x256xf32, #tpu.memory_space<vmem>>, vector<1x16xf32>,
        %get3A_190 = vector.shape_cast %get3A_189 : vector<1x16xf32> to vector<16xf32>
        %get3A_191 = arith.constant 2 : i32
        %get3A_192 = arith.index_cast %get3A_191 : i32 to index
        %get3A_193 = arith.index_cast %mul3A_181 : i32 to index
        %get3A_194 = tpu.vector_load %arg9[%get3A_192, %get3A_193] {strides = array<i32>} : memref<104x256xf32, #tpu.memory_space<vmem>>, vector<1x16xf32>,
        %get3A_195 = vector.shape_cast %get3A_194 : vector<1x16xf32> to vector<16xf32>
        %get3A_196 = arith.constant 3 : i32
        %get3A_197 = arith.index_cast %get3A_196 : i32 to index
        %get3A_198 = arith.index_cast %mul3A_181 : i32 to index
        %get3A_199 = tpu.vector_load %arg9[%get3A_197, %get3A_198] {strides = array<i32>} : memref<104x256xf32, #tpu.memory_space<vmem>>, vector<1x16xf32>,
        %get3A_200 = vector.shape_cast %get3A_199 : vector<1x16xf32> to vector<16xf32>
        %get3A_201 = arith.constant 4 : i32
        %get3A_202 = arith.index_cast %get3A_201 : i32 to index
        %get3A_203 = arith.index_cast %mul3A_181 : i32 to index
        %get3A_204 = tpu.vector_load %arg9[%get3A_202, %get3A_203] {strides = array<i32>} : memref<104x256xf32, #tpu.memory_space<vmem>>, vector<1x16xf32>,
        %get3A_205 = vector.shape_cast %get3A_204 : vector<1x16xf32> to vector<16xf32>
        %add3A_206 = arith.addf %get3A_185, %get3A_205 : vector<16xf32>
        %get3A_207 = arith.constant 5 : i32
        %get3A_208 = arith.index_cast %get3A_207 : i32 to index
        %get3A_209 = arith.index_cast %mul3A_181 : i32 to index
        %get3A_210 = tpu.vector_load %arg9[%get3A_208, %get3A_209] {strides = array<i32>} : memref<104x256xf32, #tpu.memory_space<vmem>>, vector<1x16xf32>,
        %get3A_211 = vector.shape_cast %get3A_210 : vector<1x16xf32> to vector<16xf32>
        %add3A_212 = arith.addf %get3A_190, %get3A_211 : vector<16xf32>
        %get3A_213 = arith.constant 6 : i32
        %get3A_214 = arith.index_cast %get3A_213 : i32 to index
        %get3A_215 = arith.index_cast %mul3A_181 : i32 to index
        %get3A_216 = tpu.vector_load %arg9[%get3A_214, %get3A_215] {strides = array<i32>} : memref<104x256xf32, #tpu.memory_space<vmem>>, vector<1x16xf32>,
        %get3A_217 = vector.shape_cast %get3A_216 : vector<1x16xf32> to vector<16xf32>
        %add3A_218 = arith.addf %get3A_195, %get3A_217 : vector<16xf32>
        %get3A_219 = arith.constant 7 : i32
        %get3A_220 = arith.index_cast %get3A_219 : i32 to index
        %get3A_221 = arith.index_cast %mul3A_181 : i32 to index
        %get3A_222 = tpu.vector_load %arg9[%get3A_220, %get3A_221] {strides = array<i32>} : memref<104x256xf32, #tpu.memory_space<vmem>>, vector<1x16xf32>,
        %get3A_223 = vector.shape_cast %get3A_222 : vector<1x16xf32> to vector<16xf32>
        %add3A_224 = arith.addf %get3A_200, %get3A_223 : vector<16xf32>
        %get3A_225 = arith.constant 8 : i32
        %get3A_226 = arith.index_cast %get3A_225 : i32 to index
        %get3A_227 = arith.index_cast %mul3A_181 : i32 to index
        %get3A_228 = tpu.vector_load %arg9[%get3A_226, %get3A_227] {strides = array<i32>} : memref<104x256xf32, #tpu.memory_space<vmem>>, vector<1x16xf32>,
        %get3A_229 = vector.shape_cast %get3A_228 : vector<1x16xf32> to vector<16xf32>
        %add3A_230 = arith.addf %add3A_206, %get3A_229 : vector<16xf32>
        %get3A_231 = arith.constant 9 : i32
        %get3A_232 = arith.index_cast %get3A_231 : i32 to index
        %get3A_233 = arith.index_cast %mul3A_181 : i32 to index
        %get3A_234 = tpu.vector_load %arg9[%get3A_232, %get3A_233] {strides = array<i32>} : memref<104x256xf32, #tpu.memory_space<vmem>>, vector<1x16xf32>,
        %get3A_235 = vector.shape_cast %get3A_234 : vector<1x16xf32> to vector<16xf32>
        %add3A_236 = arith.addf %add3A_212, %get3A_235 : vector<16xf32>
        %get3A_237 = arith.constant 10 : i32
        %get3A_238 = arith.index_cast %get3A_237 : i32 to index
        %get3A_239 = arith.index_cast %mul3A_181 : i32 to index
        %get3A_240 = tpu.vector_load %arg9[%get3A_238, %get3A_239] {strides = array<i32>} : memref<104x256xf32, #tpu.memory_space<vmem>>, vector<1x16xf32>,
        %get3A_241 = vector.shape_cast %get3A_240 : vector<1x16xf32> to vector<16xf32>
        %add3A_242 = arith.addf %add3A_218, %get3A_241 : vector<16xf32>
        %get3A_243 = arith.constant 11 : i32
        %get3A_244 = arith.index_cast %get3A_243 : i32 to index
        %get3A_245 = arith.index_cast %mul3A_181 : i32 to index
        %get3A_246 = tpu.vector_load %arg9[%get3A_244, %get3A_245] {strides = array<i32>} : memref<104x256xf32, #tpu.memory_space<vmem>>, vector<1x16xf32>,
        %get3A_247 = vector.shape_cast %get3A_246 : vector<1x16xf32> to vector<16xf32>
        %add3A_248 = arith.addf %add3A_224, %get3A_247 : vector<16xf32>
        %get3A_249 = arith.constant 12 : i32
        %get3A_250 = arith.index_cast %get3A_249 : i32 to index
        %get3A_251 = arith.index_cast %mul3A_181 : i32 to index
        %get3A_252 = tpu.vector_load %arg9[%get3A_250, %get3A_251] {strides = array<i32>} : memref<104x256xf32, #tpu.memory_space<vmem>>, vector<1x16xf32>,
        %get3A_253 = vector.shape_cast %get3A_252 : vector<1x16xf32> to vector<16xf32>
        %add3A_254 = arith.addf %add3A_230, %get3A_253 : vector<16xf32>
        %get3A_255 = arith.constant 13 : i32
        %get3A_256 = arith.index_cast %get3A_255 : i32 to index
        %get3A_257 = arith.index_cast %mul3A_181 : i32 to index
        %get3A_258 = tpu.vector_load %arg9[%get3A_256, %get3A_257] {strides = array<i32>} : memref<104x256xf32, #tpu.memory_space<vmem>>, vector<1x16xf32>,
        %get3A_259 = vector.shape_cast %get3A_258 : vector<1x16xf32> to vector<16xf32>
        %add3A_260 = arith.addf %add3A_236, %get3A_259 : vector<16xf32>
        %get3A_261 = arith.constant 14 : i32
        %get3A_262 = arith.index_cast %get3A_261 : i32 to index
        %get3A_263 = arith.index_cast %mul3A_181 : i32 to index
        %get3A_264 = tpu.vector_load %arg9[%get3A_262, %get3A_263] {strides = array<i32>} : memref<104x256xf32, #tpu.memory_space<vmem>>, vector<1x16xf32>,
        %get3A_265 = vector.shape_cast %get3A_264 : vector<1x16xf32> to vector<16xf32>
        %add3A_266 = arith.addf %add3A_242, %get3A_265 : vector<16xf32>
        %get3A_267 = arith.constant 15 : i32
        %get3A_268 = arith.index_cast %get3A_267 : i32 to index
        %get3A_269 = arith.index_cast %mul3A_181 : i32 to index
        %get3A_270 = tpu.vector_load %arg9[%get3A_268, %get3A_269] {strides = array<i32>} : memref<104x256xf32, #tpu.memory_space<vmem>>, vector<1x16xf32>,
        %get3A_271 = vector.shape_cast %get3A_270 : vector<1x16xf32> to vector<16xf32>
        %add3A_272 = arith.addf %add3A_248, %get3A_271 : vector<16xf32>
        %get3A_273 = arith.constant 16 : i32
        %get3A_274 = arith.index_cast %get3A_273 : i32 to index
        %get3A_275 = arith.index_cast %mul3A_181 : i32 to index
        %get3A_276 = tpu.vector_load %arg9[%get3A_274, %get3A_275] {strides = array<i32>} : memref<104x256xf32, #tpu.memory_space<vmem>>, vector<1x16xf32>,
        %get3A_277 = vector.shape_cast %get3A_276 : vector<1x16xf32> to vector<16xf32>
        %add3A_278 = arith.addf %add3A_254, %get3A_277 : vector<16xf32>
        %get3A_279 = arith.constant 17 : i32
        %get3A_280 = arith.index_cast %get3A_279 : i32 to index
        %get3A_281 = arith.index_cast %mul3A_181 : i32 to index
        %get3A_282 = tpu.vector_load %arg9[%get3A_280, %get3A_281] {strides = array<i32>} : memref<104x256xf32, #tpu.memory_space<vmem>>, vector<1x16xf32>,
        %get3A_283 = vector.shape_cast %get3A_282 : vector<1x16xf32> to vector<16xf32>
        %add3A_284 = arith.addf %add3A_260, %get3A_283 : vector<16xf32>
        %get3A_285 = arith.constant 18 : i32
        %get3A_286 = arith.index_cast %get3A_285 : i32 to index
        %get3A_287 = arith.index_cast %mul3A_181 : i32 to index
        %get3A_288 = tpu.vector_load %arg9[%get3A_286, %get3A_287] {strides = array<i32>} : memref<104x256xf32, #tpu.memory_space<vmem>>, vector<1x16xf32>,
        %get3A_289 = vector.shape_cast %get3A_288 : vector<1x16xf32> to vector<16xf32>
        %add3A_290 = arith.addf %add3A_266, %get3A_289 : vector<16xf32>
        %get3A_291 = arith.constant 19 : i32
        %get3A_292 = arith.index_cast %get3A_291 : i32 to index
        %get3A_293 = arith.index_cast %mul3A_181 : i32 to index
        %get3A_294 = tpu.vector_load %arg9[%get3A_292, %get3A_293] {strides = array<i32>} : memref<104x256xf32, #tpu.memory_space<vmem>>, vector<1x16xf32>,
        %get3A_295 = vector.shape_cast %get3A_294 : vector<1x16xf32> to vector<16xf32>
        %add3A_296 = arith.addf %add3A_272, %get3A_295 : vector<16xf32>
        %get3A_297 = arith.constant 20 : i32
        %get3A_298 = arith.index_cast %get3A_297 : i32 to index
        %get3A_299 = arith.index_cast %mul3A_181 : i32 to index
        %get3A_300 = tpu.vector_load %arg9[%get3A_298, %get3A_299] {strides = array<i32>} : memref<104x256xf32, #tpu.memory_space<vmem>>, vector<1x16xf32>,
        %get3A_301 = vector.shape_cast %get3A_300 : vector<1x16xf32> to vector<16xf32>
        %add3A_302 = arith.addf %add3A_278, %get3A_301 : vector<16xf32>
        %get3A_303 = arith.constant 21 : i32
        %get3A_304 = arith.index_cast %get3A_303 : i32 to index
        %get3A_305 = arith.index_cast %mul3A_181 : i32 to index
        %get3A_306 = tpu.vector_load %arg9[%get3A_304, %get3A_305] {strides = array<i32>} : memref<104x256xf32, #tpu.memory_space<vmem>>, vector<1x16xf32>,
        %get3A_307 = vector.shape_cast %get3A_306 : vector<1x16xf32> to vector<16xf32>
        %add3A_308 = arith.addf %add3A_284, %get3A_307 : vector<16xf32>
        %get3A_309 = arith.constant 22 : i32
        %get3A_310 = arith.index_cast %get3A_309 : i32 to index
        %get3A_311 = arith.index_cast %mul3A_181 : i32 to index
        %get3A_312 = tpu.vector_load %arg9[%get3A_310, %get3A_311] {strides = array<i32>} : memref<104x256xf32, #tpu.memory_space<vmem>>, vector<1x16xf32>,
        %get3A_313 = vector.shape_cast %get3A_312 : vector<1x16xf32> to vector<16xf32>
        %add3A_314 = arith.addf %add3A_290, %get3A_313 : vector<16xf32>
        %get3A_315 = arith.constant 23 : i32
        %get3A_316 = arith.index_cast %get3A_315 : i32 to index
        %get3A_317 = arith.index_cast %mul3A_181 : i32 to index
        %get3A_318 = tpu.vector_load %arg9[%get3A_316, %get3A_317] {strides = array<i32>} : memref<104x256xf32, #tpu.memory_space<vmem>>, vector<1x16xf32>,
        %get3A_319 = vector.shape_cast %get3A_318 : vector<1x16xf32> to vector<16xf32>
        %add3A_320 = arith.addf %add3A_296, %get3A_319 : vector<16xf32>
        %get3A_321 = arith.constant 24 : i32
        %get3A_322 = arith.index_cast %get3A_321 : i32 to index
        %get3A_323 = arith.index_cast %mul3A_181 : i32 to index
        %get3A_324 = tpu.vector_load %arg9[%get3A_322, %get3A_323] {strides = array<i32>} : memref<104x256xf32, #tpu.memory_space<vmem>>, vector<1x16xf32>,
        %get3A_325 = vector.shape_cast %get3A_324 : vector<1x16xf32> to vector<16xf32>
        %add3A_326 = arith.addf %add3A_302, %get3A_325 : vector<16xf32>
        %get3A_327 = arith.constant 25 : i32
        %get3A_328 = arith.index_cast %get3A_327 : i32 to index
        %get3A_329 = arith.index_cast %mul3A_181 : i32 to index
        %get3A_330 = tpu.vector_load %arg9[%get3A_328, %get3A_329] {strides = array<i32>} : memref<104x256xf32, #tpu.memory_space<vmem>>, vector<1x16xf32>,
        %get3A_331 = vector.shape_cast %get3A_330 : vector<1x16xf32> to vector<16xf32>
        %add3A_332 = arith.addf %add3A_308, %get3A_331 : vector<16xf32>
        %get3A_333 = arith.constant 26 : i32
        %get3A_334 = arith.index_cast %get3A_333 : i32 to index
        %get3A_335 = arith.index_cast %mul3A_181 : i32 to index
        %get3A_336 = tpu.vector_load %arg9[%get3A_334, %get3A_335] {strides = array<i32>} : memref<104x256xf32, #tpu.memory_space<vmem>>, vector<1x16xf32>,
        %get3A_337 = vector.shape_cast %get3A_336 : vector<1x16xf32> to vector<16xf32>
        %add3A_338 = arith.addf %add3A_314, %get3A_337 : vector<16xf32>
        %get3A_339 = arith.constant 27 : i32
        %get3A_340 = arith.index_cast %get3A_339 : i32 to index
        %get3A_341 = arith.index_cast %mul3A_181 : i32 to index
        %get3A_342 = tpu.vector_load %arg9[%get3A_340, %get3A_341] {strides = array<i32>} : memref<104x256xf32, #tpu.memory_space<vmem>>, vector<1x16xf32>,
        %get3A_343 = vector.shape_cast %get3A_342 : vector<1x16xf32> to vector<16xf32>
        %add3A_344 = arith.addf %add3A_320, %get3A_343 : vector<16xf32>
        %get3A_345 = arith.constant 28 : i32
        %get3A_346 = arith.index_cast %get3A_345 : i32 to index
        %get3A_347 = arith.index_cast %mul3A_181 : i32 to index
        %get3A_348 = tpu.vector_load %arg9[%get3A_346, %get3A_347] {strides = array<i32>} : memref<104x256xf32, #tpu.memory_space<vmem>>, vector<1x16xf32>,
        %get3A_349 = vector.shape_cast %get3A_348 : vector<1x16xf32> to vector<16xf32>
        %add3A_350 = arith.addf %add3A_326, %get3A_349 : vector<16xf32>
        %get3A_351 = arith.constant 29 : i32
        %get3A_352 = arith.index_cast %get3A_351 : i32 to index
        %get3A_353 = arith.index_cast %mul3A_181 : i32 to index
        %get3A_354 = tpu.vector_load %arg9[%get3A_352, %get3A_353] {strides = array<i32>} : memref<104x256xf32, #tpu.memory_space<vmem>>, vector<1x16xf32>,
        %get3A_355 = vector.shape_cast %get3A_354 : vector<1x16xf32> to vector<16xf32>
        %add3A_356 = arith.addf %add3A_332, %get3A_355 : vector<16xf32>
        %get3A_357 = arith.constant 30 : i32
        %get3A_358 = arith.index_cast %get3A_357 : i32 to index
        %get3A_359 = arith.index_cast %mul3A_181 : i32 to index
        %get3A_360 = tpu.vector_load %arg9[%get3A_358, %get3A_359] {strides = array<i32>} : memref<104x256xf32, #tpu.memory_space<vmem>>, vector<1x16xf32>,
        %get3A_361 = vector.shape_cast %get3A_360 : vector<1x16xf32> to vector<16xf32>
        %add3A_362 = arith.addf %add3A_338, %get3A_361 : vector<16xf32>
        %get3A_363 = arith.constant 31 : i32
        %get3A_364 = arith.index_cast %get3A_363 : i32 to index
        %get3A_365 = arith.index_cast %mul3A_181 : i32 to index
        %get3A_366 = tpu.vector_load %arg9[%get3A_364, %get3A_365] {strides = array<i32>} : memref<104x256xf32, #tpu.memory_space<vmem>>, vector<1x16xf32>,
        %get3A_367 = vector.shape_cast %get3A_366 : vector<1x16xf32> to vector<16xf32>
        %add3A_368 = arith.addf %add3A_344, %get3A_367 : vector<16xf32>
        %get3A_369 = arith.constant 32 : i32
        %get3A_370 = arith.index_cast %get3A_369 : i32 to index
        %get3A_371 = arith.index_cast %mul3A_181 : i32 to index
        %get3A_372 = tpu.vector_load %arg9[%get3A_370, %get3A_371] {strides = array<i32>} : memref<104x256xf32, #tpu.memory_space<vmem>>, vector<1x16xf32>,
        %get3A_373 = vector.shape_cast %get3A_372 : vector<1x16xf32> to vector<16xf32>
        %add3A_374 = arith.addf %add3A_350, %get3A_373 : vector<16xf32>
        %get3A_375 = arith.constant 33 : i32
        %get3A_376 = arith.index_cast %get3A_375 : i32 to index
        %get3A_377 = arith.index_cast %mul3A_181 : i32 to index
        %get3A_378 = tpu.vector_load %arg9[%get3A_376, %get3A_377] {strides = array<i32>} : memref<104x256xf32, #tpu.memory_space<vmem>>, vector<1x16xf32>,
        %get3A_379 = vector.shape_cast %get3A_378 : vector<1x16xf32> to vector<16xf32>
        %add3A_380 = arith.addf %add3A_356, %get3A_379 : vector<16xf32>
        %get3A_381 = arith.constant 34 : i32
        %get3A_382 = arith.index_cast %get3A_381 : i32 to index
        %get3A_383 = arith.index_cast %mul3A_181 : i32 to index
        %get3A_384 = tpu.vector_load %arg9[%get3A_382, %get3A_383] {strides = array<i32>} : memref<104x256xf32, #tpu.memory_space<vmem>>, vector<1x16xf32>,
        %get3A_385 = vector.shape_cast %get3A_384 : vector<1x16xf32> to vector<16xf32>
        %add3A_386 = arith.addf %add3A_362, %get3A_385 : vector<16xf32>
        %get3A_387 = arith.constant 35 : i32
        %get3A_388 = arith.index_cast %get3A_387 : i32 to index
        %get3A_389 = arith.index_cast %mul3A_181 : i32 to index
        %get3A_390 = tpu.vector_load %arg9[%get3A_388, %get3A_389] {strides = array<i32>} : memref<104x256xf32, #tpu.memory_space<vmem>>, vector<1x16xf32>,
        %get3A_391 = vector.shape_cast %get3A_390 : vector<1x16xf32> to vector<16xf32>
        %add3A_392 = arith.addf %add3A_368, %get3A_391 : vector<16xf32>
        %get3A_393 = arith.constant 36 : i32
        %get3A_394 = arith.index_cast %get3A_393 : i32 to index
        %get3A_395 = arith.index_cast %mul3A_181 : i32 to index
        %get3A_396 = tpu.vector_load %arg9[%get3A_394, %get3A_395] {strides = array<i32>} : memref<104x256xf32, #tpu.memory_space<vmem>>, vector<1x16xf32>,
        %get3A_397 = vector.shape_cast %get3A_396 : vector<1x16xf32> to vector<16xf32>
        %add3A_398 = arith.addf %add3A_374, %get3A_397 : vector<16xf32>
        %get3A_399 = arith.constant 37 : i32
        %get3A_400 = arith.index_cast %get3A_399 : i32 to index
        %get3A_401 = arith.index_cast %mul3A_181 : i32 to index
        %get3A_402 = tpu.vector_load %arg9[%get3A_400, %get3A_401] {strides = array<i32>} : memref<104x256xf32, #tpu.memory_space<vmem>>, vector<1x16xf32>,
        %get3A_403 = vector.shape_cast %get3A_402 : vector<1x16xf32> to vector<16xf32>
        %add3A_404 = arith.addf %add3A_380, %get3A_403 : vector<16xf32>
        %get3A_405 = arith.constant 38 : i32
        %get3A_406 = arith.index_cast %get3A_405 : i32 to index
        %get3A_407 = arith.index_cast %mul3A_181 : i32 to index
        %get3A_408 = tpu.vector_load %arg9[%get3A_406, %get3A_407] {strides = array<i32>} : memref<104x256xf32, #tpu.memory_space<vmem>>, vector<1x16xf32>,
        %get3A_409 = vector.shape_cast %get3A_408 : vector<1x16xf32> to vector<16xf32>
        %add3A_410 = arith.addf %add3A_386, %get3A_409 : vector<16xf32>
        %get3A_411 = arith.constant 39 : i32
        %get3A_412 = arith.index_cast %get3A_411 : i32 to index
        %get3A_413 = arith.index_cast %mul3A_181 : i32 to index
        %get3A_414 = tpu.vector_load %arg9[%get3A_412, %get3A_413] {strides = array<i32>} : memref<104x256xf32, #tpu.memory_space<vmem>>, vector<1x16xf32>,
        %get3A_415 = vector.shape_cast %get3A_414 : vector<1x16xf32> to vector<16xf32>
        %add3A_416 = arith.addf %add3A_392, %get3A_415 : vector<16xf32>
        %get3A_417 = arith.constant 40 : i32
        %get3A_418 = arith.index_cast %get3A_417 : i32 to index
        %get3A_419 = arith.index_cast %mul3A_181 : i32 to index
        %get3A_420 = tpu.vector_load %arg9[%get3A_418, %get3A_419] {strides = array<i32>} : memref<104x256xf32, #tpu.memory_space<vmem>>, vector<1x16xf32>,
        %get3A_421 = vector.shape_cast %get3A_420 : vector<1x16xf32> to vector<16xf32>
        %add3A_422 = arith.addf %add3A_398, %get3A_421 : vector<16xf32>
        %get3A_423 = arith.constant 41 : i32
        %get3A_424 = arith.index_cast %get3A_423 : i32 to index
        %get3A_425 = arith.index_cast %mul3A_181 : i32 to index
        %get3A_426 = tpu.vector_load %arg9[%get3A_424, %get3A_425] {strides = array<i32>} : memref<104x256xf32, #tpu.memory_space<vmem>>, vector<1x16xf32>,
        %get3A_427 = vector.shape_cast %get3A_426 : vector<1x16xf32> to vector<16xf32>
        %add3A_428 = arith.addf %add3A_404, %get3A_427 : vector<16xf32>
        %get3A_429 = arith.constant 42 : i32
        %get3A_430 = arith.index_cast %get3A_429 : i32 to index
        %get3A_431 = arith.index_cast %mul3A_181 : i32 to index
        %get3A_432 = tpu.vector_load %arg9[%get3A_430, %get3A_431] {strides = array<i32>} : memref<104x256xf32, #tpu.memory_space<vmem>>, vector<1x16xf32>,
        %get3A_433 = vector.shape_cast %get3A_432 : vector<1x16xf32> to vector<16xf32>
        %add3A_434 = arith.addf %add3A_410, %get3A_433 : vector<16xf32>
        %get3A_435 = arith.constant 43 : i32
        %get3A_436 = arith.index_cast %get3A_435 : i32 to index
        %get3A_437 = arith.index_cast %mul3A_181 : i32 to index
        %get3A_438 = tpu.vector_load %arg9[%get3A_436, %get3A_437] {strides = array<i32>} : memref<104x256xf32, #tpu.memory_space<vmem>>, vector<1x16xf32>,
        %get3A_439 = vector.shape_cast %get3A_438 : vector<1x16xf32> to vector<16xf32>
        %add3A_440 = arith.addf %add3A_416, %get3A_439 : vector<16xf32>
        %get3A_441 = arith.constant 44 : i32
        %get3A_442 = arith.index_cast %get3A_441 : i32 to index
        %get3A_443 = arith.index_cast %mul3A_181 : i32 to index
        %get3A_444 = tpu.vector_load %arg9[%get3A_442, %get3A_443] {strides = array<i32>} : memref<104x256xf32, #tpu.memory_space<vmem>>, vector<1x16xf32>,
        %get3A_445 = vector.shape_cast %get3A_444 : vector<1x16xf32> to vector<16xf32>
        %add3A_446 = arith.addf %add3A_422, %get3A_445 : vector<16xf32>
        %get3A_447 = arith.constant 45 : i32
        %get3A_448 = arith.index_cast %get3A_447 : i32 to index
        %get3A_449 = arith.index_cast %mul3A_181 : i32 to index
        %get3A_450 = tpu.vector_load %arg9[%get3A_448, %get3A_449] {strides = array<i32>} : memref<104x256xf32, #tpu.memory_space<vmem>>, vector<1x16xf32>,
        %get3A_451 = vector.shape_cast %get3A_450 : vector<1x16xf32> to vector<16xf32>
        %add3A_452 = arith.addf %add3A_428, %get3A_451 : vector<16xf32>
        %get3A_453 = arith.constant 46 : i32
        %get3A_454 = arith.index_cast %get3A_453 : i32 to index
        %get3A_455 = arith.index_cast %mul3A_181 : i32 to index
        %get3A_456 = tpu.vector_load %arg9[%get3A_454, %get3A_455] {strides = array<i32>} : memref<104x256xf32, #tpu.memory_space<vmem>>, vector<1x16xf32>,
        %get3A_457 = vector.shape_cast %get3A_456 : vector<1x16xf32> to vector<16xf32>
        %add3A_458 = arith.addf %add3A_434, %get3A_457 : vector<16xf32>
        %get3A_459 = arith.constant 47 : i32
        %get3A_460 = arith.index_cast %get3A_459 : i32 to index
        %get3A_461 = arith.index_cast %mul3A_181 : i32 to index
        %get3A_462 = tpu.vector_load %arg9[%get3A_460, %get3A_461] {strides = array<i32>} : memref<104x256xf32, #tpu.memory_space<vmem>>, vector<1x16xf32>,
        %get3A_463 = vector.shape_cast %get3A_462 : vector<1x16xf32> to vector<16xf32>
        %add3A_464 = arith.addf %add3A_440, %get3A_463 : vector<16xf32>
        %get3A_465 = arith.constant 48 : i32
        %get3A_466 = arith.index_cast %get3A_465 : i32 to index
        %get3A_467 = arith.index_cast %mul3A_181 : i32 to index
        %get3A_468 = tpu.vector_load %arg9[%get3A_466, %get3A_467] {strides = array<i32>} : memref<104x256xf32, #tpu.memory_space<vmem>>, vector<1x16xf32>,
        %get3A_469 = vector.shape_cast %get3A_468 : vector<1x16xf32> to vector<16xf32>
        %add3A_470 = arith.addf %add3A_446, %get3A_469 : vector<16xf32>
        %get3A_471 = arith.constant 49 : i32
        %get3A_472 = arith.index_cast %get3A_471 : i32 to index
        %get3A_473 = arith.index_cast %mul3A_181 : i32 to index
        %get3A_474 = tpu.vector_load %arg9[%get3A_472, %get3A_473] {strides = array<i32>} : memref<104x256xf32, #tpu.memory_space<vmem>>, vector<1x16xf32>,
        %get3A_475 = vector.shape_cast %get3A_474 : vector<1x16xf32> to vector<16xf32>
        %add3A_476 = arith.addf %add3A_452, %get3A_475 : vector<16xf32>
        %add3A_477 = arith.addf %add3A_470, %add3A_476 : vector<16xf32>
        %add3A_478 = arith.addf %add3A_458, %add3A_464 : vector<16xf32>
        %add3A_479 = arith.addf %add3A_477, %add3A_478 : vector<16xf32>
        %swap3A = arith.constant 2 : i32
        %swap3A_480 = arith.index_cast %swap3A : i32 to index
        %swap3A_481 = arith.index_cast %mul3A_181 : i32 to index
        %swap3A_482 = tpu.vector_load %arg10[%swap3A_480, %swap3A_481] {strides = array<i32>} : memref<8x256xf32, #tpu.memory_space<vmem>>, vector<1x16xf32>,
        %swap3A_483 = vector.shape_cast %swap3A_482 : vector<1x16xf32> to vector<16xf32>
        %swap3A_484 = vector.shape_cast %add3A_479 : vector<16xf32> to vector<1x16xf32>
        tpu.vector_store %arg10[%swap3A_480, %swap3A_481], %swap3A_484 {strides = array<i32>} : memref<8x256xf32, #tpu.memory_space<vmem>>, vector<1x16xf32>,
        %get3A_485 = arith.constant 50 : i32
        %get3A_486 = arith.index_cast %get3A_485 : i32 to index
        %get3A_487 = arith.index_cast %mul3A_181 : i32 to index
        %get3A_488 = tpu.vector_load %arg9[%get3A_486, %get3A_487] {strides = array<i32>} : memref<104x256xf32, #tpu.memory_space<vmem>>, vector<1x16xf32>,
        %get3A_489 = vector.shape_cast %get3A_488 : vector<1x16xf32> to vector<16xf32>
        %get3A_490 = arith.constant 51 : i32
        %get3A_491 = arith.index_cast %get3A_490 : i32 to index
        %get3A_492 = arith.index_cast %mul3A_181 : i32 to index
        %get3A_493 = tpu.vector_load %arg9[%get3A_491, %get3A_492] {strides = array<i32>} : memref<104x256xf32, #tpu.memory_space<vmem>>, vector<1x16xf32>,
        %get3A_494 = vector.shape_cast %get3A_493 : vector<1x16xf32> to vector<16xf32>
        %get3A_495 = arith.constant 52 : i32
        %get3A_496 = arith.index_cast %get3A_495 : i32 to index
        %get3A_497 = arith.index_cast %mul3A_181 : i32 to index
        %get3A_498 = tpu.vector_load %arg9[%get3A_496, %get3A_497] {strides = array<i32>} : memref<104x256xf32, #tpu.memory_space<vmem>>, vector<1x16xf32>,
        %get3A_499 = vector.shape_cast %get3A_498 : vector<1x16xf32> to vector<16xf32>
        %get3A_500 = arith.constant 53 : i32
        %get3A_501 = arith.index_cast %get3A_500 : i32 to index
        %get3A_502 = arith.index_cast %mul3A_181 : i32 to index
        %get3A_503 = tpu.vector_load %arg9[%get3A_501, %get3A_502] {strides = array<i32>} : memref<104x256xf32, #tpu.memory_space<vmem>>, vector<1x16xf32>,
        %get3A_504 = vector.shape_cast %get3A_503 : vector<1x16xf32> to vector<16xf32>
        %get3A_505 = arith.constant 54 : i32
        %get3A_506 = arith.index_cast %get3A_505 : i32 to index
        %get3A_507 = arith.index_cast %mul3A_181 : i32 to index
        %get3A_508 = tpu.vector_load %arg9[%get3A_506, %get3A_507] {strides = array<i32>} : memref<104x256xf32, #tpu.memory_space<vmem>>, vector<1x16xf32>,
        %get3A_509 = vector.shape_cast %get3A_508 : vector<1x16xf32> to vector<16xf32>
        %add3A_510 = arith.addf %get3A_489, %get3A_509 : vector<16xf32>
        %get3A_511 = arith.constant 55 : i32
        %get3A_512 = arith.index_cast %get3A_511 : i32 to index
        %get3A_513 = arith.index_cast %mul3A_181 : i32 to index
        %get3A_514 = tpu.vector_load %arg9[%get3A_512, %get3A_513] {strides = array<i32>} : memref<104x256xf32, #tpu.memory_space<vmem>>, vector<1x16xf32>,
        %get3A_515 = vector.shape_cast %get3A_514 : vector<1x16xf32> to vector<16xf32>
        %add3A_516 = arith.addf %get3A_494, %get3A_515 : vector<16xf32>
        %get3A_517 = arith.constant 56 : i32
        %get3A_518 = arith.index_cast %get3A_517 : i32 to index
        %get3A_519 = arith.index_cast %mul3A_181 : i32 to index
        %get3A_520 = tpu.vector_load %arg9[%get3A_518, %get3A_519] {strides = array<i32>} : memref<104x256xf32, #tpu.memory_space<vmem>>, vector<1x16xf32>,
        %get3A_521 = vector.shape_cast %get3A_520 : vector<1x16xf32> to vector<16xf32>
        %add3A_522 = arith.addf %get3A_499, %get3A_521 : vector<16xf32>
        %get3A_523 = arith.constant 57 : i32
        %get3A_524 = arith.index_cast %get3A_523 : i32 to index
        %get3A_525 = arith.index_cast %mul3A_181 : i32 to index
        %get3A_526 = tpu.vector_load %arg9[%get3A_524, %get3A_525] {strides = array<i32>} : memref<104x256xf32, #tpu.memory_space<vmem>>, vector<1x16xf32>,
        %get3A_527 = vector.shape_cast %get3A_526 : vector<1x16xf32> to vector<16xf32>
        %add3A_528 = arith.addf %get3A_504, %get3A_527 : vector<16xf32>
        %get3A_529 = arith.constant 58 : i32
        %get3A_530 = arith.index_cast %get3A_529 : i32 to index
        %get3A_531 = arith.index_cast %mul3A_181 : i32 to index
        %get3A_532 = tpu.vector_load %arg9[%get3A_530, %get3A_531] {strides = array<i32>} : memref<104x256xf32, #tpu.memory_space<vmem>>, vector<1x16xf32>,
        %get3A_533 = vector.shape_cast %get3A_532 : vector<1x16xf32> to vector<16xf32>
        %add3A_534 = arith.addf %add3A_510, %get3A_533 : vector<16xf32>
        %get3A_535 = arith.constant 59 : i32
        %get3A_536 = arith.index_cast %get3A_535 : i32 to index
        %get3A_537 = arith.index_cast %mul3A_181 : i32 to index
        %get3A_538 = tpu.vector_load %arg9[%get3A_536, %get3A_537] {strides = array<i32>} : memref<104x256xf32, #tpu.memory_space<vmem>>, vector<1x16xf32>,
        %get3A_539 = vector.shape_cast %get3A_538 : vector<1x16xf32> to vector<16xf32>
        %add3A_540 = arith.addf %add3A_516, %get3A_539 : vector<16xf32>
        %get3A_541 = arith.constant 60 : i32
        %get3A_542 = arith.index_cast %get3A_541 : i32 to index
        %get3A_543 = arith.index_cast %mul3A_181 : i32 to index
        %get3A_544 = tpu.vector_load %arg9[%get3A_542, %get3A_543] {strides = array<i32>} : memref<104x256xf32, #tpu.memory_space<vmem>>, vector<1x16xf32>,
        %get3A_545 = vector.shape_cast %get3A_544 : vector<1x16xf32> to vector<16xf32>
        %add3A_546 = arith.addf %add3A_522, %get3A_545 : vector<16xf32>
        %get3A_547 = arith.constant 61 : i32
        %get3A_548 = arith.index_cast %get3A_547 : i32 to index
        %get3A_549 = arith.index_cast %mul3A_181 : i32 to index
        %get3A_550 = tpu.vector_load %arg9[%get3A_548, %get3A_549] {strides = array<i32>} : memref<104x256xf32, #tpu.memory_space<vmem>>, vector<1x16xf32>,
        %get3A_551 = vector.shape_cast %get3A_550 : vector<1x16xf32> to vector<16xf32>
        %add3A_552 = arith.addf %add3A_528, %get3A_551 : vector<16xf32>
        %get3A_553 = arith.constant 62 : i32
        %get3A_554 = arith.index_cast %get3A_553 : i32 to index
        %get3A_555 = arith.index_cast %mul3A_181 : i32 to index
        %get3A_556 = tpu.vector_load %arg9[%get3A_554, %get3A_555] {strides = array<i32>} : memref<104x256xf32, #tpu.memory_space<vmem>>, vector<1x16xf32>,
        %get3A_557 = vector.shape_cast %get3A_556 : vector<1x16xf32> to vector<16xf32>
        %add3A_558 = arith.addf %add3A_534, %get3A_557 : vector<16xf32>
        %get3A_559 = arith.constant 63 : i32
        %get3A_560 = arith.index_cast %get3A_559 : i32 to index
        %get3A_561 = arith.index_cast %mul3A_181 : i32 to index
        %get3A_562 = tpu.vector_load %arg9[%get3A_560, %get3A_561] {strides = array<i32>} : memref<104x256xf32, #tpu.memory_space<vmem>>, vector<1x16xf32>,
        %get3A_563 = vector.shape_cast %get3A_562 : vector<1x16xf32> to vector<16xf32>
        %add3A_564 = arith.addf %add3A_540, %get3A_563 : vector<16xf32>
        %get3A_565 = arith.constant 64 : i32
        %get3A_566 = arith.index_cast %get3A_565 : i32 to index
        %get3A_567 = arith.index_cast %mul3A_181 : i32 to index
        %get3A_568 = tpu.vector_load %arg9[%get3A_566, %get3A_567] {strides = array<i32>} : memref<104x256xf32, #tpu.memory_space<vmem>>, vector<1x16xf32>,
        %get3A_569 = vector.shape_cast %get3A_568 : vector<1x16xf32> to vector<16xf32>
        %add3A_570 = arith.addf %add3A_546, %get3A_569 : vector<16xf32>
        %get3A_571 = arith.constant 65 : i32
        %get3A_572 = arith.index_cast %get3A_571 : i32 to index
        %get3A_573 = arith.index_cast %mul3A_181 : i32 to index
        %get3A_574 = tpu.vector_load %arg9[%get3A_572, %get3A_573] {strides = array<i32>} : memref<104x256xf32, #tpu.memory_space<vmem>>, vector<1x16xf32>,
        %get3A_575 = vector.shape_cast %get3A_574 : vector<1x16xf32> to vector<16xf32>
        %add3A_576 = arith.addf %add3A_552, %get3A_575 : vector<16xf32>
        %get3A_577 = arith.constant 66 : i32
        %get3A_578 = arith.index_cast %get3A_577 : i32 to index
        %get3A_579 = arith.index_cast %mul3A_181 : i32 to index
        %get3A_580 = tpu.vector_load %arg9[%get3A_578, %get3A_579] {strides = array<i32>} : memref<104x256xf32, #tpu.memory_space<vmem>>, vector<1x16xf32>,
        %get3A_581 = vector.shape_cast %get3A_580 : vector<1x16xf32> to vector<16xf32>
        %add3A_582 = arith.addf %add3A_558, %get3A_581 : vector<16xf32>
        %get3A_583 = arith.constant 67 : i32
        %get3A_584 = arith.index_cast %get3A_583 : i32 to index
        %get3A_585 = arith.index_cast %mul3A_181 : i32 to index
        %get3A_586 = tpu.vector_load %arg9[%get3A_584, %get3A_585] {strides = array<i32>} : memref<104x256xf32, #tpu.memory_space<vmem>>, vector<1x16xf32>,
        %get3A_587 = vector.shape_cast %get3A_586 : vector<1x16xf32> to vector<16xf32>
        %add3A_588 = arith.addf %add3A_564, %get3A_587 : vector<16xf32>
        %get3A_589 = arith.constant 68 : i32
        %get3A_590 = arith.index_cast %get3A_589 : i32 to index
        %get3A_591 = arith.index_cast %mul3A_181 : i32 to index
        %get3A_592 = tpu.vector_load %arg9[%get3A_590, %get3A_591] {strides = array<i32>} : memref<104x256xf32, #tpu.memory_space<vmem>>, vector<1x16xf32>,
        %get3A_593 = vector.shape_cast %get3A_592 : vector<1x16xf32> to vector<16xf32>
        %add3A_594 = arith.addf %add3A_570, %get3A_593 : vector<16xf32>
        %get3A_595 = arith.constant 69 : i32
        %get3A_596 = arith.index_cast %get3A_595 : i32 to index
        %get3A_597 = arith.index_cast %mul3A_181 : i32 to index
        %get3A_598 = tpu.vector_load %arg9[%get3A_596, %get3A_597] {strides = array<i32>} : memref<104x256xf32, #tpu.memory_space<vmem>>, vector<1x16xf32>,
        %get3A_599 = vector.shape_cast %get3A_598 : vector<1x16xf32> to vector<16xf32>
        %add3A_600 = arith.addf %add3A_576, %get3A_599 : vector<16xf32>
        %get3A_601 = arith.constant 70 : i32
        %get3A_602 = arith.index_cast %get3A_601 : i32 to index
        %get3A_603 = arith.index_cast %mul3A_181 : i32 to index
        %get3A_604 = tpu.vector_load %arg9[%get3A_602, %get3A_603] {strides = array<i32>} : memref<104x256xf32, #tpu.memory_space<vmem>>, vector<1x16xf32>,
        %get3A_605 = vector.shape_cast %get3A_604 : vector<1x16xf32> to vector<16xf32>
        %add3A_606 = arith.addf %add3A_582, %get3A_605 : vector<16xf32>
        %get3A_607 = arith.constant 71 : i32
        %get3A_608 = arith.index_cast %get3A_607 : i32 to index
        %get3A_609 = arith.index_cast %mul3A_181 : i32 to index
        %get3A_610 = tpu.vector_load %arg9[%get3A_608, %get3A_609] {strides = array<i32>} : memref<104x256xf32, #tpu.memory_space<vmem>>, vector<1x16xf32>,
        %get3A_611 = vector.shape_cast %get3A_610 : vector<1x16xf32> to vector<16xf32>
        %add3A_612 = arith.addf %add3A_588, %get3A_611 : vector<16xf32>
        %get3A_613 = arith.constant 72 : i32
        %get3A_614 = arith.index_cast %get3A_613 : i32 to index
        %get3A_615 = arith.index_cast %mul3A_181 : i32 to index
        %get3A_616 = tpu.vector_load %arg9[%get3A_614, %get3A_615] {strides = array<i32>} : memref<104x256xf32, #tpu.memory_space<vmem>>, vector<1x16xf32>,
        %get3A_617 = vector.shape_cast %get3A_616 : vector<1x16xf32> to vector<16xf32>
        %add3A_618 = arith.addf %add3A_594, %get3A_617 : vector<16xf32>
        %get3A_619 = arith.constant 73 : i32
        %get3A_620 = arith.index_cast %get3A_619 : i32 to index
        %get3A_621 = arith.index_cast %mul3A_181 : i32 to index
        %get3A_622 = tpu.vector_load %arg9[%get3A_620, %get3A_621] {strides = array<i32>} : memref<104x256xf32, #tpu.memory_space<vmem>>, vector<1x16xf32>,
        %get3A_623 = vector.shape_cast %get3A_622 : vector<1x16xf32> to vector<16xf32>
        %add3A_624 = arith.addf %add3A_600, %get3A_623 : vector<16xf32>
        %get3A_625 = arith.constant 74 : i32
        %get3A_626 = arith.index_cast %get3A_625 : i32 to index
        %get3A_627 = arith.index_cast %mul3A_181 : i32 to index
        %get3A_628 = tpu.vector_load %arg9[%get3A_626, %get3A_627] {strides = array<i32>} : memref<104x256xf32, #tpu.memory_space<vmem>>, vector<1x16xf32>,
        %get3A_629 = vector.shape_cast %get3A_628 : vector<1x16xf32> to vector<16xf32>
        %add3A_630 = arith.addf %add3A_606, %get3A_629 : vector<16xf32>
        %get3A_631 = arith.constant 75 : i32
        %get3A_632 = arith.index_cast %get3A_631 : i32 to index
        %get3A_633 = arith.index_cast %mul3A_181 : i32 to index
        %get3A_634 = tpu.vector_load %arg9[%get3A_632, %get3A_633] {strides = array<i32>} : memref<104x256xf32, #tpu.memory_space<vmem>>, vector<1x16xf32>,
        %get3A_635 = vector.shape_cast %get3A_634 : vector<1x16xf32> to vector<16xf32>
        %add3A_636 = arith.addf %add3A_612, %get3A_635 : vector<16xf32>
        %get3A_637 = arith.constant 76 : i32
        %get3A_638 = arith.index_cast %get3A_637 : i32 to index
        %get3A_639 = arith.index_cast %mul3A_181 : i32 to index
        %get3A_640 = tpu.vector_load %arg9[%get3A_638, %get3A_639] {strides = array<i32>} : memref<104x256xf32, #tpu.memory_space<vmem>>, vector<1x16xf32>,
        %get3A_641 = vector.shape_cast %get3A_640 : vector<1x16xf32> to vector<16xf32>
        %add3A_642 = arith.addf %add3A_618, %get3A_641 : vector<16xf32>
        %get3A_643 = arith.constant 77 : i32
        %get3A_644 = arith.index_cast %get3A_643 : i32 to index
        %get3A_645 = arith.index_cast %mul3A_181 : i32 to index
        %get3A_646 = tpu.vector_load %arg9[%get3A_644, %get3A_645] {strides = array<i32>} : memref<104x256xf32, #tpu.memory_space<vmem>>, vector<1x16xf32>,
        %get3A_647 = vector.shape_cast %get3A_646 : vector<1x16xf32> to vector<16xf32>
        %add3A_648 = arith.addf %add3A_624, %get3A_647 : vector<16xf32>
        %get3A_649 = arith.constant 78 : i32
        %get3A_650 = arith.index_cast %get3A_649 : i32 to index
        %get3A_651 = arith.index_cast %mul3A_181 : i32 to index
        %get3A_652 = tpu.vector_load %arg9[%get3A_650, %get3A_651] {strides = array<i32>} : memref<104x256xf32, #tpu.memory_space<vmem>>, vector<1x16xf32>,
        %get3A_653 = vector.shape_cast %get3A_652 : vector<1x16xf32> to vector<16xf32>
        %add3A_654 = arith.addf %add3A_630, %get3A_653 : vector<16xf32>
        %get3A_655 = arith.constant 79 : i32
        %get3A_656 = arith.index_cast %get3A_655 : i32 to index
        %get3A_657 = arith.index_cast %mul3A_181 : i32 to index
        %get3A_658 = tpu.vector_load %arg9[%get3A_656, %get3A_657] {strides = array<i32>} : memref<104x256xf32, #tpu.memory_space<vmem>>, vector<1x16xf32>,
        %get3A_659 = vector.shape_cast %get3A_658 : vector<1x16xf32> to vector<16xf32>
        %add3A_660 = arith.addf %add3A_636, %get3A_659 : vector<16xf32>
        %get3A_661 = arith.constant 80 : i32
        %get3A_662 = arith.index_cast %get3A_661 : i32 to index
        %get3A_663 = arith.index_cast %mul3A_181 : i32 to index
        %get3A_664 = tpu.vector_load %arg9[%get3A_662, %get3A_663] {strides = array<i32>} : memref<104x256xf32, #tpu.memory_space<vmem>>, vector<1x16xf32>,
        %get3A_665 = vector.shape_cast %get3A_664 : vector<1x16xf32> to vector<16xf32>
        %add3A_666 = arith.addf %add3A_642, %get3A_665 : vector<16xf32>
        %get3A_667 = arith.constant 81 : i32
        %get3A_668 = arith.index_cast %get3A_667 : i32 to index
        %get3A_669 = arith.index_cast %mul3A_181 : i32 to index
        %get3A_670 = tpu.vector_load %arg9[%get3A_668, %get3A_669] {strides = array<i32>} : memref<104x256xf32, #tpu.memory_space<vmem>>, vector<1x16xf32>,
        %get3A_671 = vector.shape_cast %get3A_670 : vector<1x16xf32> to vector<16xf32>
        %add3A_672 = arith.addf %add3A_648, %get3A_671 : vector<16xf32>
        %get3A_673 = arith.constant 82 : i32
        %get3A_674 = arith.index_cast %get3A_673 : i32 to index
        %get3A_675 = arith.index_cast %mul3A_181 : i32 to index
        %get3A_676 = tpu.vector_load %arg9[%get3A_674, %get3A_675] {strides = array<i32>} : memref<104x256xf32, #tpu.memory_space<vmem>>, vector<1x16xf32>,
        %get3A_677 = vector.shape_cast %get3A_676 : vector<1x16xf32> to vector<16xf32>
        %add3A_678 = arith.addf %add3A_654, %get3A_677 : vector<16xf32>
        %get3A_679 = arith.constant 83 : i32
        %get3A_680 = arith.index_cast %get3A_679 : i32 to index
        %get3A_681 = arith.index_cast %mul3A_181 : i32 to index
        %get3A_682 = tpu.vector_load %arg9[%get3A_680, %get3A_681] {strides = array<i32>} : memref<104x256xf32, #tpu.memory_space<vmem>>, vector<1x16xf32>,
        %get3A_683 = vector.shape_cast %get3A_682 : vector<1x16xf32> to vector<16xf32>
        %add3A_684 = arith.addf %add3A_660, %get3A_683 : vector<16xf32>
        %get3A_685 = arith.constant 84 : i32
        %get3A_686 = arith.index_cast %get3A_685 : i32 to index
        %get3A_687 = arith.index_cast %mul3A_181 : i32 to index
        %get3A_688 = tpu.vector_load %arg9[%get3A_686, %get3A_687] {strides = array<i32>} : memref<104x256xf32, #tpu.memory_space<vmem>>, vector<1x16xf32>,
        %get3A_689 = vector.shape_cast %get3A_688 : vector<1x16xf32> to vector<16xf32>
        %add3A_690 = arith.addf %add3A_666, %get3A_689 : vector<16xf32>
        %get3A_691 = arith.constant 85 : i32
        %get3A_692 = arith.index_cast %get3A_691 : i32 to index
        %get3A_693 = arith.index_cast %mul3A_181 : i32 to index
        %get3A_694 = tpu.vector_load %arg9[%get3A_692, %get3A_693] {strides = array<i32>} : memref<104x256xf32, #tpu.memory_space<vmem>>, vector<1x16xf32>,
        %get3A_695 = vector.shape_cast %get3A_694 : vector<1x16xf32> to vector<16xf32>
        %add3A_696 = arith.addf %add3A_672, %get3A_695 : vector<16xf32>
        %get3A_697 = arith.constant 86 : i32
        %get3A_698 = arith.index_cast %get3A_697 : i32 to index
        %get3A_699 = arith.index_cast %mul3A_181 : i32 to index
        %get3A_700 = tpu.vector_load %arg9[%get3A_698, %get3A_699] {strides = array<i32>} : memref<104x256xf32, #tpu.memory_space<vmem>>, vector<1x16xf32>,
        %get3A_701 = vector.shape_cast %get3A_700 : vector<1x16xf32> to vector<16xf32>
        %add3A_702 = arith.addf %add3A_678, %get3A_701 : vector<16xf32>
        %get3A_703 = arith.constant 87 : i32
        %get3A_704 = arith.index_cast %get3A_703 : i32 to index
        %get3A_705 = arith.index_cast %mul3A_181 : i32 to index
        %get3A_706 = tpu.vector_load %arg9[%get3A_704, %get3A_705] {strides = array<i32>} : memref<104x256xf32, #tpu.memory_space<vmem>>, vector<1x16xf32>,
        %get3A_707 = vector.shape_cast %get3A_706 : vector<1x16xf32> to vector<16xf32>
        %add3A_708 = arith.addf %add3A_684, %get3A_707 : vector<16xf32>
        %get3A_709 = arith.constant 88 : i32
        %get3A_710 = arith.index_cast %get3A_709 : i32 to index
        %get3A_711 = arith.index_cast %mul3A_181 : i32 to index
        %get3A_712 = tpu.vector_load %arg9[%get3A_710, %get3A_711] {strides = array<i32>} : memref<104x256xf32, #tpu.memory_space<vmem>>, vector<1x16xf32>,
        %get3A_713 = vector.shape_cast %get3A_712 : vector<1x16xf32> to vector<16xf32>
        %add3A_714 = arith.addf %add3A_690, %get3A_713 : vector<16xf32>
        %get3A_715 = arith.constant 89 : i32
        %get3A_716 = arith.index_cast %get3A_715 : i32 to index
        %get3A_717 = arith.index_cast %mul3A_181 : i32 to index
        %get3A_718 = tpu.vector_load %arg9[%get3A_716, %get3A_717] {strides = array<i32>} : memref<104x256xf32, #tpu.memory_space<vmem>>, vector<1x16xf32>,
        %get3A_719 = vector.shape_cast %get3A_718 : vector<1x16xf32> to vector<16xf32>
        %add3A_720 = arith.addf %add3A_696, %get3A_719 : vector<16xf32>
        %get3A_721 = arith.constant 90 : i32
        %get3A_722 = arith.index_cast %get3A_721 : i32 to index
        %get3A_723 = arith.index_cast %mul3A_181 : i32 to index
        %get3A_724 = tpu.vector_load %arg9[%get3A_722, %get3A_723] {strides = array<i32>} : memref<104x256xf32, #tpu.memory_space<vmem>>, vector<1x16xf32>,
        %get3A_725 = vector.shape_cast %get3A_724 : vector<1x16xf32> to vector<16xf32>
        %add3A_726 = arith.addf %add3A_702, %get3A_725 : vector<16xf32>
        %get3A_727 = arith.constant 91 : i32
        %get3A_728 = arith.index_cast %get3A_727 : i32 to index
        %get3A_729 = arith.index_cast %mul3A_181 : i32 to index
        %get3A_730 = tpu.vector_load %arg9[%get3A_728, %get3A_729] {strides = array<i32>} : memref<104x256xf32, #tpu.memory_space<vmem>>, vector<1x16xf32>,
        %get3A_731 = vector.shape_cast %get3A_730 : vector<1x16xf32> to vector<16xf32>
        %add3A_732 = arith.addf %add3A_708, %get3A_731 : vector<16xf32>
        %get3A_733 = arith.constant 92 : i32
        %get3A_734 = arith.index_cast %get3A_733 : i32 to index
        %get3A_735 = arith.index_cast %mul3A_181 : i32 to index
        %get3A_736 = tpu.vector_load %arg9[%get3A_734, %get3A_735] {strides = array<i32>} : memref<104x256xf32, #tpu.memory_space<vmem>>, vector<1x16xf32>,
        %get3A_737 = vector.shape_cast %get3A_736 : vector<1x16xf32> to vector<16xf32>
        %add3A_738 = arith.addf %add3A_714, %get3A_737 : vector<16xf32>
        %get3A_739 = arith.constant 93 : i32
        %get3A_740 = arith.index_cast %get3A_739 : i32 to index
        %get3A_741 = arith.index_cast %mul3A_181 : i32 to index
        %get3A_742 = tpu.vector_load %arg9[%get3A_740, %get3A_741] {strides = array<i32>} : memref<104x256xf32, #tpu.memory_space<vmem>>, vector<1x16xf32>,
        %get3A_743 = vector.shape_cast %get3A_742 : vector<1x16xf32> to vector<16xf32>
        %add3A_744 = arith.addf %add3A_720, %get3A_743 : vector<16xf32>
        %get3A_745 = arith.constant 94 : i32
        %get3A_746 = arith.index_cast %get3A_745 : i32 to index
        %get3A_747 = arith.index_cast %mul3A_181 : i32 to index
        %get3A_748 = tpu.vector_load %arg9[%get3A_746, %get3A_747] {strides = array<i32>} : memref<104x256xf32, #tpu.memory_space<vmem>>, vector<1x16xf32>,
        %get3A_749 = vector.shape_cast %get3A_748 : vector<1x16xf32> to vector<16xf32>
        %add3A_750 = arith.addf %add3A_726, %get3A_749 : vector<16xf32>
        %get3A_751 = arith.constant 95 : i32
        %get3A_752 = arith.index_cast %get3A_751 : i32 to index
        %get3A_753 = arith.index_cast %mul3A_181 : i32 to index
        %get3A_754 = tpu.vector_load %arg9[%get3A_752, %get3A_753] {strides = array<i32>} : memref<104x256xf32, #tpu.memory_space<vmem>>, vector<1x16xf32>,
        %get3A_755 = vector.shape_cast %get3A_754 : vector<1x16xf32> to vector<16xf32>
        %add3A_756 = arith.addf %add3A_732, %get3A_755 : vector<16xf32>
        %get3A_757 = arith.constant 96 : i32
        %get3A_758 = arith.index_cast %get3A_757 : i32 to index
        %get3A_759 = arith.index_cast %mul3A_181 : i32 to index
        %get3A_760 = tpu.vector_load %arg9[%get3A_758, %get3A_759] {strides = array<i32>} : memref<104x256xf32, #tpu.memory_space<vmem>>, vector<1x16xf32>,
        %get3A_761 = vector.shape_cast %get3A_760 : vector<1x16xf32> to vector<16xf32>
        %add3A_762 = arith.addf %add3A_738, %get3A_761 : vector<16xf32>
        %get3A_763 = arith.constant 97 : i32
        %get3A_764 = arith.index_cast %get3A_763 : i32 to index
        %get3A_765 = arith.index_cast %mul3A_181 : i32 to index
        %get3A_766 = tpu.vector_load %arg9[%get3A_764, %get3A_765] {strides = array<i32>} : memref<104x256xf32, #tpu.memory_space<vmem>>, vector<1x16xf32>,
        %get3A_767 = vector.shape_cast %get3A_766 : vector<1x16xf32> to vector<16xf32>
        %add3A_768 = arith.addf %add3A_744, %get3A_767 : vector<16xf32>
        %get3A_769 = arith.constant 98 : i32
        %get3A_770 = arith.index_cast %get3A_769 : i32 to index
        %get3A_771 = arith.index_cast %mul3A_181 : i32 to index
        %get3A_772 = tpu.vector_load %arg9[%get3A_770, %get3A_771] {strides = array<i32>} : memref<104x256xf32, #tpu.memory_space<vmem>>, vector<1x16xf32>,
        %get3A_773 = vector.shape_cast %get3A_772 : vector<1x16xf32> to vector<16xf32>
        %add3A_774 = arith.addf %add3A_750, %get3A_773 : vector<16xf32>
        %get3A_775 = arith.constant 99 : i32
        %get3A_776 = arith.index_cast %get3A_775 : i32 to index
        %get3A_777 = arith.index_cast %mul3A_181 : i32 to index
        %get3A_778 = tpu.vector_load %arg9[%get3A_776, %get3A_777] {strides = array<i32>} : memref<104x256xf32, #tpu.memory_space<vmem>>, vector<1x16xf32>,
        %get3A_779 = vector.shape_cast %get3A_778 : vector<1x16xf32> to vector<16xf32>
        %add3A_780 = arith.addf %add3A_756, %get3A_779 : vector<16xf32>
        %add3A_781 = arith.addf %add3A_774, %add3A_780 : vector<16xf32>
        %add3A_782 = arith.addf %add3A_762, %add3A_768 : vector<16xf32>
        %add3A_783 = arith.addf %add3A_781, %add3A_782 : vector<16xf32>
        %swap3A_784 = arith.constant 3 : i32
        %swap3A_785 = arith.index_cast %swap3A_784 : i32 to index
        %swap3A_786 = arith.index_cast %mul3A_181 : i32 to index
        %swap3A_787 = tpu.vector_load %arg10[%swap3A_785, %swap3A_786] {strides = array<i32>} : memref<8x256xf32, #tpu.memory_space<vmem>>, vector<1x16xf32>,
        %swap3A_788 = vector.shape_cast %swap3A_787 : vector<1x16xf32> to vector<16xf32>
        %swap3A_789 = vector.shape_cast %add3A_783 : vector<16xf32> to vector<1x16xf32>
        tpu.vector_store %arg10[%swap3A_785, %swap3A_786], %swap3A_789 {strides = array<i32>} : memref<8x256xf32, #tpu.memory_space<vmem>>, vector<1x16xf32>,
      }
      %scan3A_101 = arith.constant 16 : i32
      %mul3A_102 = arith.constant 4 : i32
      %mul3A_103 = arith.muli %scan3A_31, %mul3A_102 : i32
      %add3A_104 = arith.constant 2 : i32
      %add3A_105 = arith.addi %mul3A_103, %add3A_104 : i32
      %mul3A_106 = arith.constant 104 : i32
      %mul3A_107 = arith.muli %add3A_105, %mul3A_106 : i32
      %dma_wait3A_108 = arith.constant 0 : i32
      %dma_wait3A_109 = arith.constant 0 : i32
      %dma_wait3A_110 = tpu.memref_slice %arg8[%dma_wait3A_108, %dma_wait3A_109] : memref<104x256xf32, #tpu.memory_space<vmem>> -> memref<48x256xf32, #tpu.memory_space<vmem>>
      %dma_wait3A_111 = tpu.memref_slice %arg7[%mul3A_107] : memref<26624xi32, #tpu.memory_space<vmem>> -> memref<48xi32, #tpu.memory_space<vmem>>
      %dma_wait3A_112 = arith.constant 0 : i32
      %dma_wait3A_113 = arith.constant 0 : i32
      %dma_wait3A_114 = tpu.memref_slice %arg2[%dma_wait3A_112, %dma_wait3A_113] : memref<1000000x256xf32, #tpu.memory_space<hbm>> -> memref<1000000x256xf32, #tpu.memory_space<hbm>>
      tpu.wait_indirect_dma semaphore(%arg13 : memref<!tpu.dma_semaphore, #tpu.memory_space<semaphore_mem>>) src(%dma_wait3A_114 : memref<1000000x256xf32, #tpu.memory_space<hbm>>) dst(%dma_wait3A_110 : memref<48x256xf32, #tpu.memory_space<vmem>>)
      %mul3A_115 = arith.constant 104 : i32
      %mul3A_116 = arith.muli %add3A_105, %mul3A_115 : i32
      %add3A_117 = arith.constant 48 : i32
      %add3A_118 = arith.addi %mul3A_116, %add3A_117 : i32
      %dma_wait3A_119 = arith.constant 48 : i32
      %dma_wait3A_120 = arith.constant 0 : i32
      %dma_wait3A_121 = tpu.memref_slice %arg8[%dma_wait3A_119, %dma_wait3A_120] : memref<104x256xf32, #tpu.memory_space<vmem>> -> memref<56x256xf32, #tpu.memory_space<vmem>>
      %dma_wait3A_122 = tpu.memref_slice %arg7[%add3A_118] : memref<26624xi32, #tpu.memory_space<vmem>> -> memref<56xi32, #tpu.memory_space<vmem>>
      %dma_wait3A_123 = arith.constant 0 : i32
      %dma_wait3A_124 = arith.constant 0 : i32
      %dma_wait3A_125 = tpu.memref_slice %arg2[%dma_wait3A_123, %dma_wait3A_124] : memref<1000000x256xf32, #tpu.memory_space<hbm>> -> memref<1000000x256xf32, #tpu.memory_space<hbm>>
      tpu.wait_indirect_dma semaphore(%arg13 : memref<!tpu.dma_semaphore, #tpu.memory_space<semaphore_mem>>) src(%dma_wait3A_125 : memref<1000000x256xf32, #tpu.memory_space<hbm>>) dst(%dma_wait3A_121 : memref<56x256xf32, #tpu.memory_space<vmem>>)
      %add3A_126 = arith.constant 1 : i32
      %add3A_127 = arith.addi %add3A_105, %add3A_126 : i32
      %lt3A_128 = arith.constant 256 : i32
      %lt3A_129 = arith.cmpi slt, %add3A_127, %lt3A_128 : i32
      %convert_element_type3A_130 = arith.extui %lt3A_129 : i1 to i32
      %cond3A_131 = arith.constant 0 : i32
      %cond3A_132 = arith.cmpi ne, %convert_element_type3A_130, %cond3A_131 : i32
      scf.if %cond3A_132 {
        %add3A_179 = arith.constant 1 : i32
        %add3A_180 = arith.addi %add3A_105, %add3A_179 : i32
        %mul3A_181 = arith.constant 104 : i32
        %mul3A_182 = arith.muli %add3A_180, %mul3A_181 : i32
        %dma_start3A_183 = arith.constant 0 : i32
        %dma_start3A_184 = arith.constant 0 : i32
        %dma_start3A_185 = tpu.memref_slice %arg9[%dma_start3A_183, %dma_start3A_184] : memref<104x256xf32, #tpu.memory_space<vmem>> -> memref<48x256xf32, #tpu.memory_space<vmem>>
        %dma_start3A_186 = tpu.memref_slice %arg7[%mul3A_182] : memref<26624xi32, #tpu.memory_space<vmem>> -> memref<48xi32, #tpu.memory_space<vmem>>
        %dma_start3A_187 = arith.constant 0 : i32
        %dma_start3A_188 = arith.constant 0 : i32
        %dma_start3A_189 = tpu.memref_slice %arg2[%dma_start3A_187, %dma_start3A_188] : memref<1000000x256xf32, #tpu.memory_space<hbm>> -> memref<1000000x256xf32, #tpu.memory_space<hbm>>
        tpu.enqueue_indirect_dma source(%dma_start3A_189 : memref<1000000x256xf32, #tpu.memory_space<hbm>>) target(%dma_start3A_185 : memref<48x256xf32, #tpu.memory_space<vmem>>) offsets(%dma_start3A_186 : memref<48xi32, #tpu.memory_space<vmem>>) semaphore(%arg13 : memref<!tpu.dma_semaphore, #tpu.memory_space<semaphore_mem>>)
        %mul3A_190 = arith.constant 104 : i32
        %mul3A_191 = arith.muli %add3A_180, %mul3A_190 : i32
        %add3A_192 = arith.constant 48 : i32
        %add3A_193 = arith.addi %mul3A_191, %add3A_192 : i32
        %dma_start3A_194 = arith.constant 48 : i32
        %dma_start3A_195 = arith.constant 0 : i32
        %dma_start3A_196 = tpu.memref_slice %arg9[%dma_start3A_194, %dma_start3A_195] : memref<104x256xf32, #tpu.memory_space<vmem>> -> memref<56x256xf32, #tpu.memory_space<vmem>>
        %dma_start3A_197 = tpu.memref_slice %arg7[%add3A_193] : memref<26624xi32, #tpu.memory_space<vmem>> -> memref<56xi32, #tpu.memory_space<vmem>>
        %dma_start3A_198 = arith.constant 0 : i32
        %dma_start3A_199 = arith.constant 0 : i32
        %dma_start3A_200 = tpu.memref_slice %arg2[%dma_start3A_198, %dma_start3A_199] : memref<1000000x256xf32, #tpu.memory_space<hbm>> -> memref<1000000x256xf32, #tpu.memory_space<hbm>>
        tpu.enqueue_indirect_dma source(%dma_start3A_200 : memref<1000000x256xf32, #tpu.memory_space<hbm>>) target(%dma_start3A_196 : memref<56x256xf32, #tpu.memory_space<vmem>>) offsets(%dma_start3A_197 : memref<56xi32, #tpu.memory_space<vmem>>) semaphore(%arg13 : memref<!tpu.dma_semaphore, #tpu.memory_space<semaphore_mem>>)
      } else {
      }
      %scan3A_133 = arith.constant 0 : i32
      %scan3A_134 = arith.constant 0 : i32
      %scan3A_135 = arith.constant 16 : i32
      %scan3A_136 = arith.addi %scan3A_134, %scan3A_135 : i32
      %scan3A_137 = arith.constant 1 : i32
      scf.for %scan3A_179 = %scan3A_134 to %scan3A_136 step %scan3A_137  : i32 {
        %mul3A_180 = arith.constant 16 : i32
        %mul3A_181 = arith.muli %scan3A_179, %mul3A_180 : i32
        %get3A = arith.constant 0 : i32
        %get3A_182 = arith.index_cast %get3A : i32 to index
        %get3A_183 = arith.index_cast %mul3A_181 : i32 to index
        %get3A_184 = tpu.vector_load %arg8[%get3A_182, %get3A_183] {strides = array<i32>} : memref<104x256xf32, #tpu.memory_space<vmem>>, vector<1x16xf32>,
        %get3A_185 = vector.shape_cast %get3A_184 : vector<1x16xf32> to vector<16xf32>
        %get3A_186 = arith.constant 1 : i32
        %get3A_187 = arith.index_cast %get3A_186 : i32 to index
        %get3A_188 = arith.index_cast %mul3A_181 : i32 to index
        %get3A_189 = tpu.vector_load %arg8[%get3A_187, %get3A_188] {strides = array<i32>} : memref<104x256xf32, #tpu.memory_space<vmem>>, vector<1x16xf32>,
        %get3A_190 = vector.shape_cast %get3A_189 : vector<1x16xf32> to vector<16xf32>
        %get3A_191 = arith.constant 2 : i32
        %get3A_192 = arith.index_cast %get3A_191 : i32 to index
        %get3A_193 = arith.index_cast %mul3A_181 : i32 to index
        %get3A_194 = tpu.vector_load %arg8[%get3A_192, %get3A_193] {strides = array<i32>} : memref<104x256xf32, #tpu.memory_space<vmem>>, vector<1x16xf32>,
        %get3A_195 = vector.shape_cast %get3A_194 : vector<1x16xf32> to vector<16xf32>
        %get3A_196 = arith.constant 3 : i32
        %get3A_197 = arith.index_cast %get3A_196 : i32 to index
        %get3A_198 = arith.index_cast %mul3A_181 : i32 to index
        %get3A_199 = tpu.vector_load %arg8[%get3A_197, %get3A_198] {strides = array<i32>} : memref<104x256xf32, #tpu.memory_space<vmem>>, vector<1x16xf32>,
        %get3A_200 = vector.shape_cast %get3A_199 : vector<1x16xf32> to vector<16xf32>
        %get3A_201 = arith.constant 4 : i32
        %get3A_202 = arith.index_cast %get3A_201 : i32 to index
        %get3A_203 = arith.index_cast %mul3A_181 : i32 to index
        %get3A_204 = tpu.vector_load %arg8[%get3A_202, %get3A_203] {strides = array<i32>} : memref<104x256xf32, #tpu.memory_space<vmem>>, vector<1x16xf32>,
        %get3A_205 = vector.shape_cast %get3A_204 : vector<1x16xf32> to vector<16xf32>
        %add3A_206 = arith.addf %get3A_185, %get3A_205 : vector<16xf32>
        %get3A_207 = arith.constant 5 : i32
        %get3A_208 = arith.index_cast %get3A_207 : i32 to index
        %get3A_209 = arith.index_cast %mul3A_181 : i32 to index
        %get3A_210 = tpu.vector_load %arg8[%get3A_208, %get3A_209] {strides = array<i32>} : memref<104x256xf32, #tpu.memory_space<vmem>>, vector<1x16xf32>,
        %get3A_211 = vector.shape_cast %get3A_210 : vector<1x16xf32> to vector<16xf32>
        %add3A_212 = arith.addf %get3A_190, %get3A_211 : vector<16xf32>
        %get3A_213 = arith.constant 6 : i32
        %get3A_214 = arith.index_cast %get3A_213 : i32 to index
        %get3A_215 = arith.index_cast %mul3A_181 : i32 to index
        %get3A_216 = tpu.vector_load %arg8[%get3A_214, %get3A_215] {strides = array<i32>} : memref<104x256xf32, #tpu.memory_space<vmem>>, vector<1x16xf32>,
        %get3A_217 = vector.shape_cast %get3A_216 : vector<1x16xf32> to vector<16xf32>
        %add3A_218 = arith.addf %get3A_195, %get3A_217 : vector<16xf32>
        %get3A_219 = arith.constant 7 : i32
        %get3A_220 = arith.index_cast %get3A_219 : i32 to index
        %get3A_221 = arith.index_cast %mul3A_181 : i32 to index
        %get3A_222 = tpu.vector_load %arg8[%get3A_220, %get3A_221] {strides = array<i32>} : memref<104x256xf32, #tpu.memory_space<vmem>>, vector<1x16xf32>,
        %get3A_223 = vector.shape_cast %get3A_222 : vector<1x16xf32> to vector<16xf32>
        %add3A_224 = arith.addf %get3A_200, %get3A_223 : vector<16xf32>
        %get3A_225 = arith.constant 8 : i32
        %get3A_226 = arith.index_cast %get3A_225 : i32 to index
        %get3A_227 = arith.index_cast %mul3A_181 : i32 to index
        %get3A_228 = tpu.vector_load %arg8[%get3A_226, %get3A_227] {strides = array<i32>} : memref<104x256xf32, #tpu.memory_space<vmem>>, vector<1x16xf32>,
        %get3A_229 = vector.shape_cast %get3A_228 : vector<1x16xf32> to vector<16xf32>
        %add3A_230 = arith.addf %add3A_206, %get3A_229 : vector<16xf32>
        %get3A_231 = arith.constant 9 : i32
        %get3A_232 = arith.index_cast %get3A_231 : i32 to index
        %get3A_233 = arith.index_cast %mul3A_181 : i32 to index
        %get3A_234 = tpu.vector_load %arg8[%get3A_232, %get3A_233] {strides = array<i32>} : memref<104x256xf32, #tpu.memory_space<vmem>>, vector<1x16xf32>,
        %get3A_235 = vector.shape_cast %get3A_234 : vector<1x16xf32> to vector<16xf32>
        %add3A_236 = arith.addf %add3A_212, %get3A_235 : vector<16xf32>
        %get3A_237 = arith.constant 10 : i32
        %get3A_238 = arith.index_cast %get3A_237 : i32 to index
        %get3A_239 = arith.index_cast %mul3A_181 : i32 to index
        %get3A_240 = tpu.vector_load %arg8[%get3A_238, %get3A_239] {strides = array<i32>} : memref<104x256xf32, #tpu.memory_space<vmem>>, vector<1x16xf32>,
        %get3A_241 = vector.shape_cast %get3A_240 : vector<1x16xf32> to vector<16xf32>
        %add3A_242 = arith.addf %add3A_218, %get3A_241 : vector<16xf32>
        %get3A_243 = arith.constant 11 : i32
        %get3A_244 = arith.index_cast %get3A_243 : i32 to index
        %get3A_245 = arith.index_cast %mul3A_181 : i32 to index
        %get3A_246 = tpu.vector_load %arg8[%get3A_244, %get3A_245] {strides = array<i32>} : memref<104x256xf32, #tpu.memory_space<vmem>>, vector<1x16xf32>,
        %get3A_247 = vector.shape_cast %get3A_246 : vector<1x16xf32> to vector<16xf32>
        %add3A_248 = arith.addf %add3A_224, %get3A_247 : vector<16xf32>
        %get3A_249 = arith.constant 12 : i32
        %get3A_250 = arith.index_cast %get3A_249 : i32 to index
        %get3A_251 = arith.index_cast %mul3A_181 : i32 to index
        %get3A_252 = tpu.vector_load %arg8[%get3A_250, %get3A_251] {strides = array<i32>} : memref<104x256xf32, #tpu.memory_space<vmem>>, vector<1x16xf32>,
        %get3A_253 = vector.shape_cast %get3A_252 : vector<1x16xf32> to vector<16xf32>
        %add3A_254 = arith.addf %add3A_230, %get3A_253 : vector<16xf32>
        %get3A_255 = arith.constant 13 : i32
        %get3A_256 = arith.index_cast %get3A_255 : i32 to index
        %get3A_257 = arith.index_cast %mul3A_181 : i32 to index
        %get3A_258 = tpu.vector_load %arg8[%get3A_256, %get3A_257] {strides = array<i32>} : memref<104x256xf32, #tpu.memory_space<vmem>>, vector<1x16xf32>,
        %get3A_259 = vector.shape_cast %get3A_258 : vector<1x16xf32> to vector<16xf32>
        %add3A_260 = arith.addf %add3A_236, %get3A_259 : vector<16xf32>
        %get3A_261 = arith.constant 14 : i32
        %get3A_262 = arith.index_cast %get3A_261 : i32 to index
        %get3A_263 = arith.index_cast %mul3A_181 : i32 to index
        %get3A_264 = tpu.vector_load %arg8[%get3A_262, %get3A_263] {strides = array<i32>} : memref<104x256xf32, #tpu.memory_space<vmem>>, vector<1x16xf32>,
        %get3A_265 = vector.shape_cast %get3A_264 : vector<1x16xf32> to vector<16xf32>
        %add3A_266 = arith.addf %add3A_242, %get3A_265 : vector<16xf32>
        %get3A_267 = arith.constant 15 : i32
        %get3A_268 = arith.index_cast %get3A_267 : i32 to index
        %get3A_269 = arith.index_cast %mul3A_181 : i32 to index
        %get3A_270 = tpu.vector_load %arg8[%get3A_268, %get3A_269] {strides = array<i32>} : memref<104x256xf32, #tpu.memory_space<vmem>>, vector<1x16xf32>,
        %get3A_271 = vector.shape_cast %get3A_270 : vector<1x16xf32> to vector<16xf32>
        %add3A_272 = arith.addf %add3A_248, %get3A_271 : vector<16xf32>
        %get3A_273 = arith.constant 16 : i32
        %get3A_274 = arith.index_cast %get3A_273 : i32 to index
        %get3A_275 = arith.index_cast %mul3A_181 : i32 to index
        %get3A_276 = tpu.vector_load %arg8[%get3A_274, %get3A_275] {strides = array<i32>} : memref<104x256xf32, #tpu.memory_space<vmem>>, vector<1x16xf32>,
        %get3A_277 = vector.shape_cast %get3A_276 : vector<1x16xf32> to vector<16xf32>
        %add3A_278 = arith.addf %add3A_254, %get3A_277 : vector<16xf32>
        %get3A_279 = arith.constant 17 : i32
        %get3A_280 = arith.index_cast %get3A_279 : i32 to index
        %get3A_281 = arith.index_cast %mul3A_181 : i32 to index
        %get3A_282 = tpu.vector_load %arg8[%get3A_280, %get3A_281] {strides = array<i32>} : memref<104x256xf32, #tpu.memory_space<vmem>>, vector<1x16xf32>,
        %get3A_283 = vector.shape_cast %get3A_282 : vector<1x16xf32> to vector<16xf32>
        %add3A_284 = arith.addf %add3A_260, %get3A_283 : vector<16xf32>
        %get3A_285 = arith.constant 18 : i32
        %get3A_286 = arith.index_cast %get3A_285 : i32 to index
        %get3A_287 = arith.index_cast %mul3A_181 : i32 to index
        %get3A_288 = tpu.vector_load %arg8[%get3A_286, %get3A_287] {strides = array<i32>} : memref<104x256xf32, #tpu.memory_space<vmem>>, vector<1x16xf32>,
        %get3A_289 = vector.shape_cast %get3A_288 : vector<1x16xf32> to vector<16xf32>
        %add3A_290 = arith.addf %add3A_266, %get3A_289 : vector<16xf32>
        %get3A_291 = arith.constant 19 : i32
        %get3A_292 = arith.index_cast %get3A_291 : i32 to index
        %get3A_293 = arith.index_cast %mul3A_181 : i32 to index
        %get3A_294 = tpu.vector_load %arg8[%get3A_292, %get3A_293] {strides = array<i32>} : memref<104x256xf32, #tpu.memory_space<vmem>>, vector<1x16xf32>,
        %get3A_295 = vector.shape_cast %get3A_294 : vector<1x16xf32> to vector<16xf32>
        %add3A_296 = arith.addf %add3A_272, %get3A_295 : vector<16xf32>
        %get3A_297 = arith.constant 20 : i32
        %get3A_298 = arith.index_cast %get3A_297 : i32 to index
        %get3A_299 = arith.index_cast %mul3A_181 : i32 to index
        %get3A_300 = tpu.vector_load %arg8[%get3A_298, %get3A_299] {strides = array<i32>} : memref<104x256xf32, #tpu.memory_space<vmem>>, vector<1x16xf32>,
        %get3A_301 = vector.shape_cast %get3A_300 : vector<1x16xf32> to vector<16xf32>
        %add3A_302 = arith.addf %add3A_278, %get3A_301 : vector<16xf32>
        %get3A_303 = arith.constant 21 : i32
        %get3A_304 = arith.index_cast %get3A_303 : i32 to index
        %get3A_305 = arith.index_cast %mul3A_181 : i32 to index
        %get3A_306 = tpu.vector_load %arg8[%get3A_304, %get3A_305] {strides = array<i32>} : memref<104x256xf32, #tpu.memory_space<vmem>>, vector<1x16xf32>,
        %get3A_307 = vector.shape_cast %get3A_306 : vector<1x16xf32> to vector<16xf32>
        %add3A_308 = arith.addf %add3A_284, %get3A_307 : vector<16xf32>
        %get3A_309 = arith.constant 22 : i32
        %get3A_310 = arith.index_cast %get3A_309 : i32 to index
        %get3A_311 = arith.index_cast %mul3A_181 : i32 to index
        %get3A_312 = tpu.vector_load %arg8[%get3A_310, %get3A_311] {strides = array<i32>} : memref<104x256xf32, #tpu.memory_space<vmem>>, vector<1x16xf32>,
        %get3A_313 = vector.shape_cast %get3A_312 : vector<1x16xf32> to vector<16xf32>
        %add3A_314 = arith.addf %add3A_290, %get3A_313 : vector<16xf32>
        %get3A_315 = arith.constant 23 : i32
        %get3A_316 = arith.index_cast %get3A_315 : i32 to index
        %get3A_317 = arith.index_cast %mul3A_181 : i32 to index
        %get3A_318 = tpu.vector_load %arg8[%get3A_316, %get3A_317] {strides = array<i32>} : memref<104x256xf32, #tpu.memory_space<vmem>>, vector<1x16xf32>,
        %get3A_319 = vector.shape_cast %get3A_318 : vector<1x16xf32> to vector<16xf32>
        %add3A_320 = arith.addf %add3A_296, %get3A_319 : vector<16xf32>
        %get3A_321 = arith.constant 24 : i32
        %get3A_322 = arith.index_cast %get3A_321 : i32 to index
        %get3A_323 = arith.index_cast %mul3A_181 : i32 to index
        %get3A_324 = tpu.vector_load %arg8[%get3A_322, %get3A_323] {strides = array<i32>} : memref<104x256xf32, #tpu.memory_space<vmem>>, vector<1x16xf32>,
        %get3A_325 = vector.shape_cast %get3A_324 : vector<1x16xf32> to vector<16xf32>
        %add3A_326 = arith.addf %add3A_302, %get3A_325 : vector<16xf32>
        %get3A_327 = arith.constant 25 : i32
        %get3A_328 = arith.index_cast %get3A_327 : i32 to index
        %get3A_329 = arith.index_cast %mul3A_181 : i32 to index
        %get3A_330 = tpu.vector_load %arg8[%get3A_328, %get3A_329] {strides = array<i32>} : memref<104x256xf32, #tpu.memory_space<vmem>>, vector<1x16xf32>,
        %get3A_331 = vector.shape_cast %get3A_330 : vector<1x16xf32> to vector<16xf32>
        %add3A_332 = arith.addf %add3A_308, %get3A_331 : vector<16xf32>
        %get3A_333 = arith.constant 26 : i32
        %get3A_334 = arith.index_cast %get3A_333 : i32 to index
        %get3A_335 = arith.index_cast %mul3A_181 : i32 to index
        %get3A_336 = tpu.vector_load %arg8[%get3A_334, %get3A_335] {strides = array<i32>} : memref<104x256xf32, #tpu.memory_space<vmem>>, vector<1x16xf32>,
        %get3A_337 = vector.shape_cast %get3A_336 : vector<1x16xf32> to vector<16xf32>
        %add3A_338 = arith.addf %add3A_314, %get3A_337 : vector<16xf32>
        %get3A_339 = arith.constant 27 : i32
        %get3A_340 = arith.index_cast %get3A_339 : i32 to index
        %get3A_341 = arith.index_cast %mul3A_181 : i32 to index
        %get3A_342 = tpu.vector_load %arg8[%get3A_340, %get3A_341] {strides = array<i32>} : memref<104x256xf32, #tpu.memory_space<vmem>>, vector<1x16xf32>,
        %get3A_343 = vector.shape_cast %get3A_342 : vector<1x16xf32> to vector<16xf32>
        %add3A_344 = arith.addf %add3A_320, %get3A_343 : vector<16xf32>
        %get3A_345 = arith.constant 28 : i32
        %get3A_346 = arith.index_cast %get3A_345 : i32 to index
        %get3A_347 = arith.index_cast %mul3A_181 : i32 to index
        %get3A_348 = tpu.vector_load %arg8[%get3A_346, %get3A_347] {strides = array<i32>} : memref<104x256xf32, #tpu.memory_space<vmem>>, vector<1x16xf32>,
        %get3A_349 = vector.shape_cast %get3A_348 : vector<1x16xf32> to vector<16xf32>
        %add3A_350 = arith.addf %add3A_326, %get3A_349 : vector<16xf32>
        %get3A_351 = arith.constant 29 : i32
        %get3A_352 = arith.index_cast %get3A_351 : i32 to index
        %get3A_353 = arith.index_cast %mul3A_181 : i32 to index
        %get3A_354 = tpu.vector_load %arg8[%get3A_352, %get3A_353] {strides = array<i32>} : memref<104x256xf32, #tpu.memory_space<vmem>>, vector<1x16xf32>,
        %get3A_355 = vector.shape_cast %get3A_354 : vector<1x16xf32> to vector<16xf32>
        %add3A_356 = arith.addf %add3A_332, %get3A_355 : vector<16xf32>
        %get3A_357 = arith.constant 30 : i32
        %get3A_358 = arith.index_cast %get3A_357 : i32 to index
        %get3A_359 = arith.index_cast %mul3A_181 : i32 to index
        %get3A_360 = tpu.vector_load %arg8[%get3A_358, %get3A_359] {strides = array<i32>} : memref<104x256xf32, #tpu.memory_space<vmem>>, vector<1x16xf32>,
        %get3A_361 = vector.shape_cast %get3A_360 : vector<1x16xf32> to vector<16xf32>
        %add3A_362 = arith.addf %add3A_338, %get3A_361 : vector<16xf32>
        %get3A_363 = arith.constant 31 : i32
        %get3A_364 = arith.index_cast %get3A_363 : i32 to index
        %get3A_365 = arith.index_cast %mul3A_181 : i32 to index
        %get3A_366 = tpu.vector_load %arg8[%get3A_364, %get3A_365] {strides = array<i32>} : memref<104x256xf32, #tpu.memory_space<vmem>>, vector<1x16xf32>,
        %get3A_367 = vector.shape_cast %get3A_366 : vector<1x16xf32> to vector<16xf32>
        %add3A_368 = arith.addf %add3A_344, %get3A_367 : vector<16xf32>
        %get3A_369 = arith.constant 32 : i32
        %get3A_370 = arith.index_cast %get3A_369 : i32 to index
        %get3A_371 = arith.index_cast %mul3A_181 : i32 to index
        %get3A_372 = tpu.vector_load %arg8[%get3A_370, %get3A_371] {strides = array<i32>} : memref<104x256xf32, #tpu.memory_space<vmem>>, vector<1x16xf32>,
        %get3A_373 = vector.shape_cast %get3A_372 : vector<1x16xf32> to vector<16xf32>
        %add3A_374 = arith.addf %add3A_350, %get3A_373 : vector<16xf32>
        %get3A_375 = arith.constant 33 : i32
        %get3A_376 = arith.index_cast %get3A_375 : i32 to index
        %get3A_377 = arith.index_cast %mul3A_181 : i32 to index
        %get3A_378 = tpu.vector_load %arg8[%get3A_376, %get3A_377] {strides = array<i32>} : memref<104x256xf32, #tpu.memory_space<vmem>>, vector<1x16xf32>,
        %get3A_379 = vector.shape_cast %get3A_378 : vector<1x16xf32> to vector<16xf32>
        %add3A_380 = arith.addf %add3A_356, %get3A_379 : vector<16xf32>
        %get3A_381 = arith.constant 34 : i32
        %get3A_382 = arith.index_cast %get3A_381 : i32 to index
        %get3A_383 = arith.index_cast %mul3A_181 : i32 to index
        %get3A_384 = tpu.vector_load %arg8[%get3A_382, %get3A_383] {strides = array<i32>} : memref<104x256xf32, #tpu.memory_space<vmem>>, vector<1x16xf32>,
        %get3A_385 = vector.shape_cast %get3A_384 : vector<1x16xf32> to vector<16xf32>
        %add3A_386 = arith.addf %add3A_362, %get3A_385 : vector<16xf32>
        %get3A_387 = arith.constant 35 : i32
        %get3A_388 = arith.index_cast %get3A_387 : i32 to index
        %get3A_389 = arith.index_cast %mul3A_181 : i32 to index
        %get3A_390 = tpu.vector_load %arg8[%get3A_388, %get3A_389] {strides = array<i32>} : memref<104x256xf32, #tpu.memory_space<vmem>>, vector<1x16xf32>,
        %get3A_391 = vector.shape_cast %get3A_390 : vector<1x16xf32> to vector<16xf32>
        %add3A_392 = arith.addf %add3A_368, %get3A_391 : vector<16xf32>
        %get3A_393 = arith.constant 36 : i32
        %get3A_394 = arith.index_cast %get3A_393 : i32 to index
        %get3A_395 = arith.index_cast %mul3A_181 : i32 to index
        %get3A_396 = tpu.vector_load %arg8[%get3A_394, %get3A_395] {strides = array<i32>} : memref<104x256xf32, #tpu.memory_space<vmem>>, vector<1x16xf32>,
        %get3A_397 = vector.shape_cast %get3A_396 : vector<1x16xf32> to vector<16xf32>
        %add3A_398 = arith.addf %add3A_374, %get3A_397 : vector<16xf32>
        %get3A_399 = arith.constant 37 : i32
        %get3A_400 = arith.index_cast %get3A_399 : i32 to index
        %get3A_401 = arith.index_cast %mul3A_181 : i32 to index
        %get3A_402 = tpu.vector_load %arg8[%get3A_400, %get3A_401] {strides = array<i32>} : memref<104x256xf32, #tpu.memory_space<vmem>>, vector<1x16xf32>,
        %get3A_403 = vector.shape_cast %get3A_402 : vector<1x16xf32> to vector<16xf32>
        %add3A_404 = arith.addf %add3A_380, %get3A_403 : vector<16xf32>
        %get3A_405 = arith.constant 38 : i32
        %get3A_406 = arith.index_cast %get3A_405 : i32 to index
        %get3A_407 = arith.index_cast %mul3A_181 : i32 to index
        %get3A_408 = tpu.vector_load %arg8[%get3A_406, %get3A_407] {strides = array<i32>} : memref<104x256xf32, #tpu.memory_space<vmem>>, vector<1x16xf32>,
        %get3A_409 = vector.shape_cast %get3A_408 : vector<1x16xf32> to vector<16xf32>
        %add3A_410 = arith.addf %add3A_386, %get3A_409 : vector<16xf32>
        %get3A_411 = arith.constant 39 : i32
        %get3A_412 = arith.index_cast %get3A_411 : i32 to index
        %get3A_413 = arith.index_cast %mul3A_181 : i32 to index
        %get3A_414 = tpu.vector_load %arg8[%get3A_412, %get3A_413] {strides = array<i32>} : memref<104x256xf32, #tpu.memory_space<vmem>>, vector<1x16xf32>,
        %get3A_415 = vector.shape_cast %get3A_414 : vector<1x16xf32> to vector<16xf32>
        %add3A_416 = arith.addf %add3A_392, %get3A_415 : vector<16xf32>
        %get3A_417 = arith.constant 40 : i32
        %get3A_418 = arith.index_cast %get3A_417 : i32 to index
        %get3A_419 = arith.index_cast %mul3A_181 : i32 to index
        %get3A_420 = tpu.vector_load %arg8[%get3A_418, %get3A_419] {strides = array<i32>} : memref<104x256xf32, #tpu.memory_space<vmem>>, vector<1x16xf32>,
        %get3A_421 = vector.shape_cast %get3A_420 : vector<1x16xf32> to vector<16xf32>
        %add3A_422 = arith.addf %add3A_398, %get3A_421 : vector<16xf32>
        %get3A_423 = arith.constant 41 : i32
        %get3A_424 = arith.index_cast %get3A_423 : i32 to index
        %get3A_425 = arith.index_cast %mul3A_181 : i32 to index
        %get3A_426 = tpu.vector_load %arg8[%get3A_424, %get3A_425] {strides = array<i32>} : memref<104x256xf32, #tpu.memory_space<vmem>>, vector<1x16xf32>,
        %get3A_427 = vector.shape_cast %get3A_426 : vector<1x16xf32> to vector<16xf32>
        %add3A_428 = arith.addf %add3A_404, %get3A_427 : vector<16xf32>
        %get3A_429 = arith.constant 42 : i32
        %get3A_430 = arith.index_cast %get3A_429 : i32 to index
        %get3A_431 = arith.index_cast %mul3A_181 : i32 to index
        %get3A_432 = tpu.vector_load %arg8[%get3A_430, %get3A_431] {strides = array<i32>} : memref<104x256xf32, #tpu.memory_space<vmem>>, vector<1x16xf32>,
        %get3A_433 = vector.shape_cast %get3A_432 : vector<1x16xf32> to vector<16xf32>
        %add3A_434 = arith.addf %add3A_410, %get3A_433 : vector<16xf32>
        %get3A_435 = arith.constant 43 : i32
        %get3A_436 = arith.index_cast %get3A_435 : i32 to index
        %get3A_437 = arith.index_cast %mul3A_181 : i32 to index
        %get3A_438 = tpu.vector_load %arg8[%get3A_436, %get3A_437] {strides = array<i32>} : memref<104x256xf32, #tpu.memory_space<vmem>>, vector<1x16xf32>,
        %get3A_439 = vector.shape_cast %get3A_438 : vector<1x16xf32> to vector<16xf32>
        %add3A_440 = arith.addf %add3A_416, %get3A_439 : vector<16xf32>
        %get3A_441 = arith.constant 44 : i32
        %get3A_442 = arith.index_cast %get3A_441 : i32 to index
        %get3A_443 = arith.index_cast %mul3A_181 : i32 to index
        %get3A_444 = tpu.vector_load %arg8[%get3A_442, %get3A_443] {strides = array<i32>} : memref<104x256xf32, #tpu.memory_space<vmem>>, vector<1x16xf32>,
        %get3A_445 = vector.shape_cast %get3A_444 : vector<1x16xf32> to vector<16xf32>
        %add3A_446 = arith.addf %add3A_422, %get3A_445 : vector<16xf32>
        %get3A_447 = arith.constant 45 : i32
        %get3A_448 = arith.index_cast %get3A_447 : i32 to index
        %get3A_449 = arith.index_cast %mul3A_181 : i32 to index
        %get3A_450 = tpu.vector_load %arg8[%get3A_448, %get3A_449] {strides = array<i32>} : memref<104x256xf32, #tpu.memory_space<vmem>>, vector<1x16xf32>,
        %get3A_451 = vector.shape_cast %get3A_450 : vector<1x16xf32> to vector<16xf32>
        %add3A_452 = arith.addf %add3A_428, %get3A_451 : vector<16xf32>
        %get3A_453 = arith.constant 46 : i32
        %get3A_454 = arith.index_cast %get3A_453 : i32 to index
        %get3A_455 = arith.index_cast %mul3A_181 : i32 to index
        %get3A_456 = tpu.vector_load %arg8[%get3A_454, %get3A_455] {strides = array<i32>} : memref<104x256xf32, #tpu.memory_space<vmem>>, vector<1x16xf32>,
        %get3A_457 = vector.shape_cast %get3A_456 : vector<1x16xf32> to vector<16xf32>
        %add3A_458 = arith.addf %add3A_434, %get3A_457 : vector<16xf32>
        %get3A_459 = arith.constant 47 : i32
        %get3A_460 = arith.index_cast %get3A_459 : i32 to index
        %get3A_461 = arith.index_cast %mul3A_181 : i32 to index
        %get3A_462 = tpu.vector_load %arg8[%get3A_460, %get3A_461] {strides = array<i32>} : memref<104x256xf32, #tpu.memory_space<vmem>>, vector<1x16xf32>,
        %get3A_463 = vector.shape_cast %get3A_462 : vector<1x16xf32> to vector<16xf32>
        %add3A_464 = arith.addf %add3A_440, %get3A_463 : vector<16xf32>
        %get3A_465 = arith.constant 48 : i32
        %get3A_466 = arith.index_cast %get3A_465 : i32 to index
        %get3A_467 = arith.index_cast %mul3A_181 : i32 to index
        %get3A_468 = tpu.vector_load %arg8[%get3A_466, %get3A_467] {strides = array<i32>} : memref<104x256xf32, #tpu.memory_space<vmem>>, vector<1x16xf32>,
        %get3A_469 = vector.shape_cast %get3A_468 : vector<1x16xf32> to vector<16xf32>
        %add3A_470 = arith.addf %add3A_446, %get3A_469 : vector<16xf32>
        %get3A_471 = arith.constant 49 : i32
        %get3A_472 = arith.index_cast %get3A_471 : i32 to index
        %get3A_473 = arith.index_cast %mul3A_181 : i32 to index
        %get3A_474 = tpu.vector_load %arg8[%get3A_472, %get3A_473] {strides = array<i32>} : memref<104x256xf32, #tpu.memory_space<vmem>>, vector<1x16xf32>,
        %get3A_475 = vector.shape_cast %get3A_474 : vector<1x16xf32> to vector<16xf32>
        %add3A_476 = arith.addf %add3A_452, %get3A_475 : vector<16xf32>
        %add3A_477 = arith.addf %add3A_470, %add3A_476 : vector<16xf32>
        %add3A_478 = arith.addf %add3A_458, %add3A_464 : vector<16xf32>
        %add3A_479 = arith.addf %add3A_477, %add3A_478 : vector<16xf32>
        %swap3A = arith.constant 4 : i32
        %swap3A_480 = arith.index_cast %swap3A : i32 to index
        %swap3A_481 = arith.index_cast %mul3A_181 : i32 to index
        %swap3A_482 = tpu.vector_load %arg10[%swap3A_480, %swap3A_481] {strides = array<i32>} : memref<8x256xf32, #tpu.memory_space<vmem>>, vector<1x16xf32>,
        %swap3A_483 = vector.shape_cast %swap3A_482 : vector<1x16xf32> to vector<16xf32>
        %swap3A_484 = vector.shape_cast %add3A_479 : vector<16xf32> to vector<1x16xf32>
        tpu.vector_store %arg10[%swap3A_480, %swap3A_481], %swap3A_484 {strides = array<i32>} : memref<8x256xf32, #tpu.memory_space<vmem>>, vector<1x16xf32>,
        %get3A_485 = arith.constant 50 : i32
        %get3A_486 = arith.index_cast %get3A_485 : i32 to index
        %get3A_487 = arith.index_cast %mul3A_181 : i32 to index
        %get3A_488 = tpu.vector_load %arg8[%get3A_486, %get3A_487] {strides = array<i32>} : memref<104x256xf32, #tpu.memory_space<vmem>>, vector<1x16xf32>,
        %get3A_489 = vector.shape_cast %get3A_488 : vector<1x16xf32> to vector<16xf32>
        %get3A_490 = arith.constant 51 : i32
        %get3A_491 = arith.index_cast %get3A_490 : i32 to index
        %get3A_492 = arith.index_cast %mul3A_181 : i32 to index
        %get3A_493 = tpu.vector_load %arg8[%get3A_491, %get3A_492] {strides = array<i32>} : memref<104x256xf32, #tpu.memory_space<vmem>>, vector<1x16xf32>,
        %get3A_494 = vector.shape_cast %get3A_493 : vector<1x16xf32> to vector<16xf32>
        %get3A_495 = arith.constant 52 : i32
        %get3A_496 = arith.index_cast %get3A_495 : i32 to index
        %get3A_497 = arith.index_cast %mul3A_181 : i32 to index
        %get3A_498 = tpu.vector_load %arg8[%get3A_496, %get3A_497] {strides = array<i32>} : memref<104x256xf32, #tpu.memory_space<vmem>>, vector<1x16xf32>,
        %get3A_499 = vector.shape_cast %get3A_498 : vector<1x16xf32> to vector<16xf32>
        %get3A_500 = arith.constant 53 : i32
        %get3A_501 = arith.index_cast %get3A_500 : i32 to index
        %get3A_502 = arith.index_cast %mul3A_181 : i32 to index
        %get3A_503 = tpu.vector_load %arg8[%get3A_501, %get3A_502] {strides = array<i32>} : memref<104x256xf32, #tpu.memory_space<vmem>>, vector<1x16xf32>,
        %get3A_504 = vector.shape_cast %get3A_503 : vector<1x16xf32> to vector<16xf32>
        %get3A_505 = arith.constant 54 : i32
        %get3A_506 = arith.index_cast %get3A_505 : i32 to index
        %get3A_507 = arith.index_cast %mul3A_181 : i32 to index
        %get3A_508 = tpu.vector_load %arg8[%get3A_506, %get3A_507] {strides = array<i32>} : memref<104x256xf32, #tpu.memory_space<vmem>>, vector<1x16xf32>,
        %get3A_509 = vector.shape_cast %get3A_508 : vector<1x16xf32> to vector<16xf32>
        %add3A_510 = arith.addf %get3A_489, %get3A_509 : vector<16xf32>
        %get3A_511 = arith.constant 55 : i32
        %get3A_512 = arith.index_cast %get3A_511 : i32 to index
        %get3A_513 = arith.index_cast %mul3A_181 : i32 to index
        %get3A_514 = tpu.vector_load %arg8[%get3A_512, %get3A_513] {strides = array<i32>} : memref<104x256xf32, #tpu.memory_space<vmem>>, vector<1x16xf32>,
        %get3A_515 = vector.shape_cast %get3A_514 : vector<1x16xf32> to vector<16xf32>
        %add3A_516 = arith.addf %get3A_494, %get3A_515 : vector<16xf32>
        %get3A_517 = arith.constant 56 : i32
        %get3A_518 = arith.index_cast %get3A_517 : i32 to index
        %get3A_519 = arith.index_cast %mul3A_181 : i32 to index
        %get3A_520 = tpu.vector_load %arg8[%get3A_518, %get3A_519] {strides = array<i32>} : memref<104x256xf32, #tpu.memory_space<vmem>>, vector<1x16xf32>,
        %get3A_521 = vector.shape_cast %get3A_520 : vector<1x16xf32> to vector<16xf32>
        %add3A_522 = arith.addf %get3A_499, %get3A_521 : vector<16xf32>
        %get3A_523 = arith.constant 57 : i32
        %get3A_524 = arith.index_cast %get3A_523 : i32 to index
        %get3A_525 = arith.index_cast %mul3A_181 : i32 to index
        %get3A_526 = tpu.vector_load %arg8[%get3A_524, %get3A_525] {strides = array<i32>} : memref<104x256xf32, #tpu.memory_space<vmem>>, vector<1x16xf32>,
        %get3A_527 = vector.shape_cast %get3A_526 : vector<1x16xf32> to vector<16xf32>
        %add3A_528 = arith.addf %get3A_504, %get3A_527 : vector<16xf32>
        %get3A_529 = arith.constant 58 : i32
        %get3A_530 = arith.index_cast %get3A_529 : i32 to index
        %get3A_531 = arith.index_cast %mul3A_181 : i32 to index
        %get3A_532 = tpu.vector_load %arg8[%get3A_530, %get3A_531] {strides = array<i32>} : memref<104x256xf32, #tpu.memory_space<vmem>>, vector<1x16xf32>,
        %get3A_533 = vector.shape_cast %get3A_532 : vector<1x16xf32> to vector<16xf32>
        %add3A_534 = arith.addf %add3A_510, %get3A_533 : vector<16xf32>
        %get3A_535 = arith.constant 59 : i32
        %get3A_536 = arith.index_cast %get3A_535 : i32 to index
        %get3A_537 = arith.index_cast %mul3A_181 : i32 to index
        %get3A_538 = tpu.vector_load %arg8[%get3A_536, %get3A_537] {strides = array<i32>} : memref<104x256xf32, #tpu.memory_space<vmem>>, vector<1x16xf32>,
        %get3A_539 = vector.shape_cast %get3A_538 : vector<1x16xf32> to vector<16xf32>
        %add3A_540 = arith.addf %add3A_516, %get3A_539 : vector<16xf32>
        %get3A_541 = arith.constant 60 : i32
        %get3A_542 = arith.index_cast %get3A_541 : i32 to index
        %get3A_543 = arith.index_cast %mul3A_181 : i32 to index
        %get3A_544 = tpu.vector_load %arg8[%get3A_542, %get3A_543] {strides = array<i32>} : memref<104x256xf32, #tpu.memory_space<vmem>>, vector<1x16xf32>,
        %get3A_545 = vector.shape_cast %get3A_544 : vector<1x16xf32> to vector<16xf32>
        %add3A_546 = arith.addf %add3A_522, %get3A_545 : vector<16xf32>
        %get3A_547 = arith.constant 61 : i32
        %get3A_548 = arith.index_cast %get3A_547 : i32 to index
        %get3A_549 = arith.index_cast %mul3A_181 : i32 to index
        %get3A_550 = tpu.vector_load %arg8[%get3A_548, %get3A_549] {strides = array<i32>} : memref<104x256xf32, #tpu.memory_space<vmem>>, vector<1x16xf32>,
        %get3A_551 = vector.shape_cast %get3A_550 : vector<1x16xf32> to vector<16xf32>
        %add3A_552 = arith.addf %add3A_528, %get3A_551 : vector<16xf32>
        %get3A_553 = arith.constant 62 : i32
        %get3A_554 = arith.index_cast %get3A_553 : i32 to index
        %get3A_555 = arith.index_cast %mul3A_181 : i32 to index
        %get3A_556 = tpu.vector_load %arg8[%get3A_554, %get3A_555] {strides = array<i32>} : memref<104x256xf32, #tpu.memory_space<vmem>>, vector<1x16xf32>,
        %get3A_557 = vector.shape_cast %get3A_556 : vector<1x16xf32> to vector<16xf32>
        %add3A_558 = arith.addf %add3A_534, %get3A_557 : vector<16xf32>
        %get3A_559 = arith.constant 63 : i32
        %get3A_560 = arith.index_cast %get3A_559 : i32 to index
        %get3A_561 = arith.index_cast %mul3A_181 : i32 to index
        %get3A_562 = tpu.vector_load %arg8[%get3A_560, %get3A_561] {strides = array<i32>} : memref<104x256xf32, #tpu.memory_space<vmem>>, vector<1x16xf32>,
        %get3A_563 = vector.shape_cast %get3A_562 : vector<1x16xf32> to vector<16xf32>
        %add3A_564 = arith.addf %add3A_540, %get3A_563 : vector<16xf32>
        %get3A_565 = arith.constant 64 : i32
        %get3A_566 = arith.index_cast %get3A_565 : i32 to index
        %get3A_567 = arith.index_cast %mul3A_181 : i32 to index
        %get3A_568 = tpu.vector_load %arg8[%get3A_566, %get3A_567] {strides = array<i32>} : memref<104x256xf32, #tpu.memory_space<vmem>>, vector<1x16xf32>,
        %get3A_569 = vector.shape_cast %get3A_568 : vector<1x16xf32> to vector<16xf32>
        %add3A_570 = arith.addf %add3A_546, %get3A_569 : vector<16xf32>
        %get3A_571 = arith.constant 65 : i32
        %get3A_572 = arith.index_cast %get3A_571 : i32 to index
        %get3A_573 = arith.index_cast %mul3A_181 : i32 to index
        %get3A_574 = tpu.vector_load %arg8[%get3A_572, %get3A_573] {strides = array<i32>} : memref<104x256xf32, #tpu.memory_space<vmem>>, vector<1x16xf32>,
        %get3A_575 = vector.shape_cast %get3A_574 : vector<1x16xf32> to vector<16xf32>
        %add3A_576 = arith.addf %add3A_552, %get3A_575 : vector<16xf32>
        %get3A_577 = arith.constant 66 : i32
        %get3A_578 = arith.index_cast %get3A_577 : i32 to index
        %get3A_579 = arith.index_cast %mul3A_181 : i32 to index
        %get3A_580 = tpu.vector_load %arg8[%get3A_578, %get3A_579] {strides = array<i32>} : memref<104x256xf32, #tpu.memory_space<vmem>>, vector<1x16xf32>,
        %get3A_581 = vector.shape_cast %get3A_580 : vector<1x16xf32> to vector<16xf32>
        %add3A_582 = arith.addf %add3A_558, %get3A_581 : vector<16xf32>
        %get3A_583 = arith.constant 67 : i32
        %get3A_584 = arith.index_cast %get3A_583 : i32 to index
        %get3A_585 = arith.index_cast %mul3A_181 : i32 to index
        %get3A_586 = tpu.vector_load %arg8[%get3A_584, %get3A_585] {strides = array<i32>} : memref<104x256xf32, #tpu.memory_space<vmem>>, vector<1x16xf32>,
        %get3A_587 = vector.shape_cast %get3A_586 : vector<1x16xf32> to vector<16xf32>
        %add3A_588 = arith.addf %add3A_564, %get3A_587 : vector<16xf32>
        %get3A_589 = arith.constant 68 : i32
        %get3A_590 = arith.index_cast %get3A_589 : i32 to index
        %get3A_591 = arith.index_cast %mul3A_181 : i32 to index
        %get3A_592 = tpu.vector_load %arg8[%get3A_590, %get3A_591] {strides = array<i32>} : memref<104x256xf32, #tpu.memory_space<vmem>>, vector<1x16xf32>,
        %get3A_593 = vector.shape_cast %get3A_592 : vector<1x16xf32> to vector<16xf32>
        %add3A_594 = arith.addf %add3A_570, %get3A_593 : vector<16xf32>
        %get3A_595 = arith.constant 69 : i32
        %get3A_596 = arith.index_cast %get3A_595 : i32 to index
        %get3A_597 = arith.index_cast %mul3A_181 : i32 to index
        %get3A_598 = tpu.vector_load %arg8[%get3A_596, %get3A_597] {strides = array<i32>} : memref<104x256xf32, #tpu.memory_space<vmem>>, vector<1x16xf32>,
        %get3A_599 = vector.shape_cast %get3A_598 : vector<1x16xf32> to vector<16xf32>
        %add3A_600 = arith.addf %add3A_576, %get3A_599 : vector<16xf32>
        %get3A_601 = arith.constant 70 : i32
        %get3A_602 = arith.index_cast %get3A_601 : i32 to index
        %get3A_603 = arith.index_cast %mul3A_181 : i32 to index
        %get3A_604 = tpu.vector_load %arg8[%get3A_602, %get3A_603] {strides = array<i32>} : memref<104x256xf32, #tpu.memory_space<vmem>>, vector<1x16xf32>,
        %get3A_605 = vector.shape_cast %get3A_604 : vector<1x16xf32> to vector<16xf32>
        %add3A_606 = arith.addf %add3A_582, %get3A_605 : vector<16xf32>
        %get3A_607 = arith.constant 71 : i32
        %get3A_608 = arith.index_cast %get3A_607 : i32 to index
        %get3A_609 = arith.index_cast %mul3A_181 : i32 to index
        %get3A_610 = tpu.vector_load %arg8[%get3A_608, %get3A_609] {strides = array<i32>} : memref<104x256xf32, #tpu.memory_space<vmem>>, vector<1x16xf32>,
        %get3A_611 = vector.shape_cast %get3A_610 : vector<1x16xf32> to vector<16xf32>
        %add3A_612 = arith.addf %add3A_588, %get3A_611 : vector<16xf32>
        %get3A_613 = arith.constant 72 : i32
        %get3A_614 = arith.index_cast %get3A_613 : i32 to index
        %get3A_615 = arith.index_cast %mul3A_181 : i32 to index
        %get3A_616 = tpu.vector_load %arg8[%get3A_614, %get3A_615] {strides = array<i32>} : memref<104x256xf32, #tpu.memory_space<vmem>>, vector<1x16xf32>,
        %get3A_617 = vector.shape_cast %get3A_616 : vector<1x16xf32> to vector<16xf32>
        %add3A_618 = arith.addf %add3A_594, %get3A_617 : vector<16xf32>
        %get3A_619 = arith.constant 73 : i32
        %get3A_620 = arith.index_cast %get3A_619 : i32 to index
        %get3A_621 = arith.index_cast %mul3A_181 : i32 to index
        %get3A_622 = tpu.vector_load %arg8[%get3A_620, %get3A_621] {strides = array<i32>} : memref<104x256xf32, #tpu.memory_space<vmem>>, vector<1x16xf32>,
        %get3A_623 = vector.shape_cast %get3A_622 : vector<1x16xf32> to vector<16xf32>
        %add3A_624 = arith.addf %add3A_600, %get3A_623 : vector<16xf32>
        %get3A_625 = arith.constant 74 : i32
        %get3A_626 = arith.index_cast %get3A_625 : i32 to index
        %get3A_627 = arith.index_cast %mul3A_181 : i32 to index
        %get3A_628 = tpu.vector_load %arg8[%get3A_626, %get3A_627] {strides = array<i32>} : memref<104x256xf32, #tpu.memory_space<vmem>>, vector<1x16xf32>,
        %get3A_629 = vector.shape_cast %get3A_628 : vector<1x16xf32> to vector<16xf32>
        %add3A_630 = arith.addf %add3A_606, %get3A_629 : vector<16xf32>
        %get3A_631 = arith.constant 75 : i32
        %get3A_632 = arith.index_cast %get3A_631 : i32 to index
        %get3A_633 = arith.index_cast %mul3A_181 : i32 to index
        %get3A_634 = tpu.vector_load %arg8[%get3A_632, %get3A_633] {strides = array<i32>} : memref<104x256xf32, #tpu.memory_space<vmem>>, vector<1x16xf32>,
        %get3A_635 = vector.shape_cast %get3A_634 : vector<1x16xf32> to vector<16xf32>
        %add3A_636 = arith.addf %add3A_612, %get3A_635 : vector<16xf32>
        %get3A_637 = arith.constant 76 : i32
        %get3A_638 = arith.index_cast %get3A_637 : i32 to index
        %get3A_639 = arith.index_cast %mul3A_181 : i32 to index
        %get3A_640 = tpu.vector_load %arg8[%get3A_638, %get3A_639] {strides = array<i32>} : memref<104x256xf32, #tpu.memory_space<vmem>>, vector<1x16xf32>,
        %get3A_641 = vector.shape_cast %get3A_640 : vector<1x16xf32> to vector<16xf32>
        %add3A_642 = arith.addf %add3A_618, %get3A_641 : vector<16xf32>
        %get3A_643 = arith.constant 77 : i32
        %get3A_644 = arith.index_cast %get3A_643 : i32 to index
        %get3A_645 = arith.index_cast %mul3A_181 : i32 to index
        %get3A_646 = tpu.vector_load %arg8[%get3A_644, %get3A_645] {strides = array<i32>} : memref<104x256xf32, #tpu.memory_space<vmem>>, vector<1x16xf32>,
        %get3A_647 = vector.shape_cast %get3A_646 : vector<1x16xf32> to vector<16xf32>
        %add3A_648 = arith.addf %add3A_624, %get3A_647 : vector<16xf32>
        %get3A_649 = arith.constant 78 : i32
        %get3A_650 = arith.index_cast %get3A_649 : i32 to index
        %get3A_651 = arith.index_cast %mul3A_181 : i32 to index
        %get3A_652 = tpu.vector_load %arg8[%get3A_650, %get3A_651] {strides = array<i32>} : memref<104x256xf32, #tpu.memory_space<vmem>>, vector<1x16xf32>,
        %get3A_653 = vector.shape_cast %get3A_652 : vector<1x16xf32> to vector<16xf32>
        %add3A_654 = arith.addf %add3A_630, %get3A_653 : vector<16xf32>
        %get3A_655 = arith.constant 79 : i32
        %get3A_656 = arith.index_cast %get3A_655 : i32 to index
        %get3A_657 = arith.index_cast %mul3A_181 : i32 to index
        %get3A_658 = tpu.vector_load %arg8[%get3A_656, %get3A_657] {strides = array<i32>} : memref<104x256xf32, #tpu.memory_space<vmem>>, vector<1x16xf32>,
        %get3A_659 = vector.shape_cast %get3A_658 : vector<1x16xf32> to vector<16xf32>
        %add3A_660 = arith.addf %add3A_636, %get3A_659 : vector<16xf32>
        %get3A_661 = arith.constant 80 : i32
        %get3A_662 = arith.index_cast %get3A_661 : i32 to index
        %get3A_663 = arith.index_cast %mul3A_181 : i32 to index
        %get3A_664 = tpu.vector_load %arg8[%get3A_662, %get3A_663] {strides = array<i32>} : memref<104x256xf32, #tpu.memory_space<vmem>>, vector<1x16xf32>,
        %get3A_665 = vector.shape_cast %get3A_664 : vector<1x16xf32> to vector<16xf32>
        %add3A_666 = arith.addf %add3A_642, %get3A_665 : vector<16xf32>
        %get3A_667 = arith.constant 81 : i32
        %get3A_668 = arith.index_cast %get3A_667 : i32 to index
        %get3A_669 = arith.index_cast %mul3A_181 : i32 to index
        %get3A_670 = tpu.vector_load %arg8[%get3A_668, %get3A_669] {strides = array<i32>} : memref<104x256xf32, #tpu.memory_space<vmem>>, vector<1x16xf32>,
        %get3A_671 = vector.shape_cast %get3A_670 : vector<1x16xf32> to vector<16xf32>
        %add3A_672 = arith.addf %add3A_648, %get3A_671 : vector<16xf32>
        %get3A_673 = arith.constant 82 : i32
        %get3A_674 = arith.index_cast %get3A_673 : i32 to index
        %get3A_675 = arith.index_cast %mul3A_181 : i32 to index
        %get3A_676 = tpu.vector_load %arg8[%get3A_674, %get3A_675] {strides = array<i32>} : memref<104x256xf32, #tpu.memory_space<vmem>>, vector<1x16xf32>,
        %get3A_677 = vector.shape_cast %get3A_676 : vector<1x16xf32> to vector<16xf32>
        %add3A_678 = arith.addf %add3A_654, %get3A_677 : vector<16xf32>
        %get3A_679 = arith.constant 83 : i32
        %get3A_680 = arith.index_cast %get3A_679 : i32 to index
        %get3A_681 = arith.index_cast %mul3A_181 : i32 to index
        %get3A_682 = tpu.vector_load %arg8[%get3A_680, %get3A_681] {strides = array<i32>} : memref<104x256xf32, #tpu.memory_space<vmem>>, vector<1x16xf32>,
        %get3A_683 = vector.shape_cast %get3A_682 : vector<1x16xf32> to vector<16xf32>
        %add3A_684 = arith.addf %add3A_660, %get3A_683 : vector<16xf32>
        %get3A_685 = arith.constant 84 : i32
        %get3A_686 = arith.index_cast %get3A_685 : i32 to index
        %get3A_687 = arith.index_cast %mul3A_181 : i32 to index
        %get3A_688 = tpu.vector_load %arg8[%get3A_686, %get3A_687] {strides = array<i32>} : memref<104x256xf32, #tpu.memory_space<vmem>>, vector<1x16xf32>,
        %get3A_689 = vector.shape_cast %get3A_688 : vector<1x16xf32> to vector<16xf32>
        %add3A_690 = arith.addf %add3A_666, %get3A_689 : vector<16xf32>
        %get3A_691 = arith.constant 85 : i32
        %get3A_692 = arith.index_cast %get3A_691 : i32 to index
        %get3A_693 = arith.index_cast %mul3A_181 : i32 to index
        %get3A_694 = tpu.vector_load %arg8[%get3A_692, %get3A_693] {strides = array<i32>} : memref<104x256xf32, #tpu.memory_space<vmem>>, vector<1x16xf32>,
        %get3A_695 = vector.shape_cast %get3A_694 : vector<1x16xf32> to vector<16xf32>
        %add3A_696 = arith.addf %add3A_672, %get3A_695 : vector<16xf32>
        %get3A_697 = arith.constant 86 : i32
        %get3A_698 = arith.index_cast %get3A_697 : i32 to index
        %get3A_699 = arith.index_cast %mul3A_181 : i32 to index
        %get3A_700 = tpu.vector_load %arg8[%get3A_698, %get3A_699] {strides = array<i32>} : memref<104x256xf32, #tpu.memory_space<vmem>>, vector<1x16xf32>,
        %get3A_701 = vector.shape_cast %get3A_700 : vector<1x16xf32> to vector<16xf32>
        %add3A_702 = arith.addf %add3A_678, %get3A_701 : vector<16xf32>
        %get3A_703 = arith.constant 87 : i32
        %get3A_704 = arith.index_cast %get3A_703 : i32 to index
        %get3A_705 = arith.index_cast %mul3A_181 : i32 to index
        %get3A_706 = tpu.vector_load %arg8[%get3A_704, %get3A_705] {strides = array<i32>} : memref<104x256xf32, #tpu.memory_space<vmem>>, vector<1x16xf32>,
        %get3A_707 = vector.shape_cast %get3A_706 : vector<1x16xf32> to vector<16xf32>
        %add3A_708 = arith.addf %add3A_684, %get3A_707 : vector<16xf32>
        %get3A_709 = arith.constant 88 : i32
        %get3A_710 = arith.index_cast %get3A_709 : i32 to index
        %get3A_711 = arith.index_cast %mul3A_181 : i32 to index
        %get3A_712 = tpu.vector_load %arg8[%get3A_710, %get3A_711] {strides = array<i32>} : memref<104x256xf32, #tpu.memory_space<vmem>>, vector<1x16xf32>,
        %get3A_713 = vector.shape_cast %get3A_712 : vector<1x16xf32> to vector<16xf32>
        %add3A_714 = arith.addf %add3A_690, %get3A_713 : vector<16xf32>
        %get3A_715 = arith.constant 89 : i32
        %get3A_716 = arith.index_cast %get3A_715 : i32 to index
        %get3A_717 = arith.index_cast %mul3A_181 : i32 to index
        %get3A_718 = tpu.vector_load %arg8[%get3A_716, %get3A_717] {strides = array<i32>} : memref<104x256xf32, #tpu.memory_space<vmem>>, vector<1x16xf32>,
        %get3A_719 = vector.shape_cast %get3A_718 : vector<1x16xf32> to vector<16xf32>
        %add3A_720 = arith.addf %add3A_696, %get3A_719 : vector<16xf32>
        %get3A_721 = arith.constant 90 : i32
        %get3A_722 = arith.index_cast %get3A_721 : i32 to index
        %get3A_723 = arith.index_cast %mul3A_181 : i32 to index
        %get3A_724 = tpu.vector_load %arg8[%get3A_722, %get3A_723] {strides = array<i32>} : memref<104x256xf32, #tpu.memory_space<vmem>>, vector<1x16xf32>,
        %get3A_725 = vector.shape_cast %get3A_724 : vector<1x16xf32> to vector<16xf32>
        %add3A_726 = arith.addf %add3A_702, %get3A_725 : vector<16xf32>
        %get3A_727 = arith.constant 91 : i32
        %get3A_728 = arith.index_cast %get3A_727 : i32 to index
        %get3A_729 = arith.index_cast %mul3A_181 : i32 to index
        %get3A_730 = tpu.vector_load %arg8[%get3A_728, %get3A_729] {strides = array<i32>} : memref<104x256xf32, #tpu.memory_space<vmem>>, vector<1x16xf32>,
        %get3A_731 = vector.shape_cast %get3A_730 : vector<1x16xf32> to vector<16xf32>
        %add3A_732 = arith.addf %add3A_708, %get3A_731 : vector<16xf32>
        %get3A_733 = arith.constant 92 : i32
        %get3A_734 = arith.index_cast %get3A_733 : i32 to index
        %get3A_735 = arith.index_cast %mul3A_181 : i32 to index
        %get3A_736 = tpu.vector_load %arg8[%get3A_734, %get3A_735] {strides = array<i32>} : memref<104x256xf32, #tpu.memory_space<vmem>>, vector<1x16xf32>,
        %get3A_737 = vector.shape_cast %get3A_736 : vector<1x16xf32> to vector<16xf32>
        %add3A_738 = arith.addf %add3A_714, %get3A_737 : vector<16xf32>
        %get3A_739 = arith.constant 93 : i32
        %get3A_740 = arith.index_cast %get3A_739 : i32 to index
        %get3A_741 = arith.index_cast %mul3A_181 : i32 to index
        %get3A_742 = tpu.vector_load %arg8[%get3A_740, %get3A_741] {strides = array<i32>} : memref<104x256xf32, #tpu.memory_space<vmem>>, vector<1x16xf32>,
        %get3A_743 = vector.shape_cast %get3A_742 : vector<1x16xf32> to vector<16xf32>
        %add3A_744 = arith.addf %add3A_720, %get3A_743 : vector<16xf32>
        %get3A_745 = arith.constant 94 : i32
        %get3A_746 = arith.index_cast %get3A_745 : i32 to index
        %get3A_747 = arith.index_cast %mul3A_181 : i32 to index
        %get3A_748 = tpu.vector_load %arg8[%get3A_746, %get3A_747] {strides = array<i32>} : memref<104x256xf32, #tpu.memory_space<vmem>>, vector<1x16xf32>,
        %get3A_749 = vector.shape_cast %get3A_748 : vector<1x16xf32> to vector<16xf32>
        %add3A_750 = arith.addf %add3A_726, %get3A_749 : vector<16xf32>
        %get3A_751 = arith.constant 95 : i32
        %get3A_752 = arith.index_cast %get3A_751 : i32 to index
        %get3A_753 = arith.index_cast %mul3A_181 : i32 to index
        %get3A_754 = tpu.vector_load %arg8[%get3A_752, %get3A_753] {strides = array<i32>} : memref<104x256xf32, #tpu.memory_space<vmem>>, vector<1x16xf32>,
        %get3A_755 = vector.shape_cast %get3A_754 : vector<1x16xf32> to vector<16xf32>
        %add3A_756 = arith.addf %add3A_732, %get3A_755 : vector<16xf32>
        %get3A_757 = arith.constant 96 : i32
        %get3A_758 = arith.index_cast %get3A_757 : i32 to index
        %get3A_759 = arith.index_cast %mul3A_181 : i32 to index
        %get3A_760 = tpu.vector_load %arg8[%get3A_758, %get3A_759] {strides = array<i32>} : memref<104x256xf32, #tpu.memory_space<vmem>>, vector<1x16xf32>,
        %get3A_761 = vector.shape_cast %get3A_760 : vector<1x16xf32> to vector<16xf32>
        %add3A_762 = arith.addf %add3A_738, %get3A_761 : vector<16xf32>
        %get3A_763 = arith.constant 97 : i32
        %get3A_764 = arith.index_cast %get3A_763 : i32 to index
        %get3A_765 = arith.index_cast %mul3A_181 : i32 to index
        %get3A_766 = tpu.vector_load %arg8[%get3A_764, %get3A_765] {strides = array<i32>} : memref<104x256xf32, #tpu.memory_space<vmem>>, vector<1x16xf32>,
        %get3A_767 = vector.shape_cast %get3A_766 : vector<1x16xf32> to vector<16xf32>
        %add3A_768 = arith.addf %add3A_744, %get3A_767 : vector<16xf32>
        %get3A_769 = arith.constant 98 : i32
        %get3A_770 = arith.index_cast %get3A_769 : i32 to index
        %get3A_771 = arith.index_cast %mul3A_181 : i32 to index
        %get3A_772 = tpu.vector_load %arg8[%get3A_770, %get3A_771] {strides = array<i32>} : memref<104x256xf32, #tpu.memory_space<vmem>>, vector<1x16xf32>,
        %get3A_773 = vector.shape_cast %get3A_772 : vector<1x16xf32> to vector<16xf32>
        %add3A_774 = arith.addf %add3A_750, %get3A_773 : vector<16xf32>
        %get3A_775 = arith.constant 99 : i32
        %get3A_776 = arith.index_cast %get3A_775 : i32 to index
        %get3A_777 = arith.index_cast %mul3A_181 : i32 to index
        %get3A_778 = tpu.vector_load %arg8[%get3A_776, %get3A_777] {strides = array<i32>} : memref<104x256xf32, #tpu.memory_space<vmem>>, vector<1x16xf32>,
        %get3A_779 = vector.shape_cast %get3A_778 : vector<1x16xf32> to vector<16xf32>
        %add3A_780 = arith.addf %add3A_756, %get3A_779 : vector<16xf32>
        %add3A_781 = arith.addf %add3A_774, %add3A_780 : vector<16xf32>
        %add3A_782 = arith.addf %add3A_762, %add3A_768 : vector<16xf32>
        %add3A_783 = arith.addf %add3A_781, %add3A_782 : vector<16xf32>
        %swap3A_784 = arith.constant 5 : i32
        %swap3A_785 = arith.index_cast %swap3A_784 : i32 to index
        %swap3A_786 = arith.index_cast %mul3A_181 : i32 to index
        %swap3A_787 = tpu.vector_load %arg10[%swap3A_785, %swap3A_786] {strides = array<i32>} : memref<8x256xf32, #tpu.memory_space<vmem>>, vector<1x16xf32>,
        %swap3A_788 = vector.shape_cast %swap3A_787 : vector<1x16xf32> to vector<16xf32>
        %swap3A_789 = vector.shape_cast %add3A_783 : vector<16xf32> to vector<1x16xf32>
        tpu.vector_store %arg10[%swap3A_785, %swap3A_786], %swap3A_789 {strides = array<i32>} : memref<8x256xf32, #tpu.memory_space<vmem>>, vector<1x16xf32>,
      }
      %scan3A_138 = arith.constant 16 : i32
      %mul3A_139 = arith.constant 4 : i32
      %mul3A_140 = arith.muli %scan3A_31, %mul3A_139 : i32
      %add3A_141 = arith.constant 3 : i32
      %add3A_142 = arith.addi %mul3A_140, %add3A_141 : i32
      %mul3A_143 = arith.constant 104 : i32
      %mul3A_144 = arith.muli %add3A_142, %mul3A_143 : i32
      %dma_wait3A_145 = arith.constant 0 : i32
      %dma_wait3A_146 = arith.constant 0 : i32
      %dma_wait3A_147 = tpu.memref_slice %arg9[%dma_wait3A_145, %dma_wait3A_146] : memref<104x256xf32, #tpu.memory_space<vmem>> -> memref<48x256xf32, #tpu.memory_space<vmem>>
      %dma_wait3A_148 = tpu.memref_slice %arg7[%mul3A_144] : memref<26624xi32, #tpu.memory_space<vmem>> -> memref<48xi32, #tpu.memory_space<vmem>>
      %dma_wait3A_149 = arith.constant 0 : i32
      %dma_wait3A_150 = arith.constant 0 : i32
      %dma_wait3A_151 = tpu.memref_slice %arg2[%dma_wait3A_149, %dma_wait3A_150] : memref<1000000x256xf32, #tpu.memory_space<hbm>> -> memref<1000000x256xf32, #tpu.memory_space<hbm>>
      tpu.wait_indirect_dma semaphore(%arg13 : memref<!tpu.dma_semaphore, #tpu.memory_space<semaphore_mem>>) src(%dma_wait3A_151 : memref<1000000x256xf32, #tpu.memory_space<hbm>>) dst(%dma_wait3A_147 : memref<48x256xf32, #tpu.memory_space<vmem>>)
      %mul3A_152 = arith.constant 104 : i32
      %mul3A_153 = arith.muli %add3A_142, %mul3A_152 : i32
      %add3A_154 = arith.constant 48 : i32
      %add3A_155 = arith.addi %mul3A_153, %add3A_154 : i32
      %dma_wait3A_156 = arith.constant 48 : i32
      %dma_wait3A_157 = arith.constant 0 : i32
      %dma_wait3A_158 = tpu.memref_slice %arg9[%dma_wait3A_156, %dma_wait3A_157] : memref<104x256xf32, #tpu.memory_space<vmem>> -> memref<56x256xf32, #tpu.memory_space<vmem>>
      %dma_wait3A_159 = tpu.memref_slice %arg7[%add3A_155] : memref<26624xi32, #tpu.memory_space<vmem>> -> memref<56xi32, #tpu.memory_space<vmem>>
      %dma_wait3A_160 = arith.constant 0 : i32
      %dma_wait3A_161 = arith.constant 0 : i32
      %dma_wait3A_162 = tpu.memref_slice %arg2[%dma_wait3A_160, %dma_wait3A_161] : memref<1000000x256xf32, #tpu.memory_space<hbm>> -> memref<1000000x256xf32, #tpu.memory_space<hbm>>
      tpu.wait_indirect_dma semaphore(%arg13 : memref<!tpu.dma_semaphore, #tpu.memory_space<semaphore_mem>>) src(%dma_wait3A_162 : memref<1000000x256xf32, #tpu.memory_space<hbm>>) dst(%dma_wait3A_158 : memref<56x256xf32, #tpu.memory_space<vmem>>)
      %add3A_163 = arith.constant 1 : i32
      %add3A_164 = arith.addi %add3A_142, %add3A_163 : i32
      %lt3A_165 = arith.constant 256 : i32
      %lt3A_166 = arith.cmpi slt, %add3A_164, %lt3A_165 : i32
      %convert_element_type3A_167 = arith.extui %lt3A_166 : i1 to i32
      %cond3A_168 = arith.constant 0 : i32
      %cond3A_169 = arith.cmpi ne, %convert_element_type3A_167, %cond3A_168 : i32
      scf.if %cond3A_169 {
        %add3A_179 = arith.constant 1 : i32
        %add3A_180 = arith.addi %add3A_142, %add3A_179 : i32
        %mul3A_181 = arith.constant 104 : i32
        %mul3A_182 = arith.muli %add3A_180, %mul3A_181 : i32
        %dma_start3A_183 = arith.constant 0 : i32
        %dma_start3A_184 = arith.constant 0 : i32
        %dma_start3A_185 = tpu.memref_slice %arg8[%dma_start3A_183, %dma_start3A_184] : memref<104x256xf32, #tpu.memory_space<vmem>> -> memref<48x256xf32, #tpu.memory_space<vmem>>
        %dma_start3A_186 = tpu.memref_slice %arg7[%mul3A_182] : memref<26624xi32, #tpu.memory_space<vmem>> -> memref<48xi32, #tpu.memory_space<vmem>>
        %dma_start3A_187 = arith.constant 0 : i32
        %dma_start3A_188 = arith.constant 0 : i32
        %dma_start3A_189 = tpu.memref_slice %arg2[%dma_start3A_187, %dma_start3A_188] : memref<1000000x256xf32, #tpu.memory_space<hbm>> -> memref<1000000x256xf32, #tpu.memory_space<hbm>>
        tpu.enqueue_indirect_dma source(%dma_start3A_189 : memref<1000000x256xf32, #tpu.memory_space<hbm>>) target(%dma_start3A_185 : memref<48x256xf32, #tpu.memory_space<vmem>>) offsets(%dma_start3A_186 : memref<48xi32, #tpu.memory_space<vmem>>) semaphore(%arg13 : memref<!tpu.dma_semaphore, #tpu.memory_space<semaphore_mem>>)
        %mul3A_190 = arith.constant 104 : i32
        %mul3A_191 = arith.muli %add3A_180, %mul3A_190 : i32
        %add3A_192 = arith.constant 48 : i32
        %add3A_193 = arith.addi %mul3A_191, %add3A_192 : i32
        %dma_start3A_194 = arith.constant 48 : i32
        %dma_start3A_195 = arith.constant 0 : i32
        %dma_start3A_196 = tpu.memref_slice %arg8[%dma_start3A_194, %dma_start3A_195] : memref<104x256xf32, #tpu.memory_space<vmem>> -> memref<56x256xf32, #tpu.memory_space<vmem>>
        %dma_start3A_197 = tpu.memref_slice %arg7[%add3A_193] : memref<26624xi32, #tpu.memory_space<vmem>> -> memref<56xi32, #tpu.memory_space<vmem>>
        %dma_start3A_198 = arith.constant 0 : i32
        %dma_start3A_199 = arith.constant 0 : i32
        %dma_start3A_200 = tpu.memref_slice %arg2[%dma_start3A_198, %dma_start3A_199] : memref<1000000x256xf32, #tpu.memory_space<hbm>> -> memref<1000000x256xf32, #tpu.memory_space<hbm>>
        tpu.enqueue_indirect_dma source(%dma_start3A_200 : memref<1000000x256xf32, #tpu.memory_space<hbm>>) target(%dma_start3A_196 : memref<56x256xf32, #tpu.memory_space<vmem>>) offsets(%dma_start3A_197 : memref<56xi32, #tpu.memory_space<vmem>>) semaphore(%arg13 : memref<!tpu.dma_semaphore, #tpu.memory_space<semaphore_mem>>)
      } else {
      }
      %scan3A_170 = arith.constant 0 : i32
      %scan3A_171 = arith.constant 0 : i32
      %scan3A_172 = arith.constant 16 : i32
      %scan3A_173 = arith.addi %scan3A_171, %scan3A_172 : i32
      %scan3A_174 = arith.constant 1 : i32
      scf.for %scan3A_179 = %scan3A_171 to %scan3A_173 step %scan3A_174  : i32 {
        %mul3A_180 = arith.constant 16 : i32
        %mul3A_181 = arith.muli %scan3A_179, %mul3A_180 : i32
        %get3A = arith.constant 0 : i32
        %get3A_182 = arith.index_cast %get3A : i32 to index
        %get3A_183 = arith.index_cast %mul3A_181 : i32 to index
        %get3A_184 = tpu.vector_load %arg9[%get3A_182, %get3A_183] {strides = array<i32>} : memref<104x256xf32, #tpu.memory_space<vmem>>, vector<1x16xf32>,
        %get3A_185 = vector.shape_cast %get3A_184 : vector<1x16xf32> to vector<16xf32>
        %get3A_186 = arith.constant 1 : i32
        %get3A_187 = arith.index_cast %get3A_186 : i32 to index
        %get3A_188 = arith.index_cast %mul3A_181 : i32 to index
        %get3A_189 = tpu.vector_load %arg9[%get3A_187, %get3A_188] {strides = array<i32>} : memref<104x256xf32, #tpu.memory_space<vmem>>, vector<1x16xf32>,
        %get3A_190 = vector.shape_cast %get3A_189 : vector<1x16xf32> to vector<16xf32>
        %get3A_191 = arith.constant 2 : i32
        %get3A_192 = arith.index_cast %get3A_191 : i32 to index
        %get3A_193 = arith.index_cast %mul3A_181 : i32 to index
        %get3A_194 = tpu.vector_load %arg9[%get3A_192, %get3A_193] {strides = array<i32>} : memref<104x256xf32, #tpu.memory_space<vmem>>, vector<1x16xf32>,
        %get3A_195 = vector.shape_cast %get3A_194 : vector<1x16xf32> to vector<16xf32>
        %get3A_196 = arith.constant 3 : i32
        %get3A_197 = arith.index_cast %get3A_196 : i32 to index
        %get3A_198 = arith.index_cast %mul3A_181 : i32 to index
        %get3A_199 = tpu.vector_load %arg9[%get3A_197, %get3A_198] {strides = array<i32>} : memref<104x256xf32, #tpu.memory_space<vmem>>, vector<1x16xf32>,
        %get3A_200 = vector.shape_cast %get3A_199 : vector<1x16xf32> to vector<16xf32>
        %get3A_201 = arith.constant 4 : i32
        %get3A_202 = arith.index_cast %get3A_201 : i32 to index
        %get3A_203 = arith.index_cast %mul3A_181 : i32 to index
        %get3A_204 = tpu.vector_load %arg9[%get3A_202, %get3A_203] {strides = array<i32>} : memref<104x256xf32, #tpu.memory_space<vmem>>, vector<1x16xf32>,
        %get3A_205 = vector.shape_cast %get3A_204 : vector<1x16xf32> to vector<16xf32>
        %add3A_206 = arith.addf %get3A_185, %get3A_205 : vector<16xf32>
        %get3A_207 = arith.constant 5 : i32
        %get3A_208 = arith.index_cast %get3A_207 : i32 to index
        %get3A_209 = arith.index_cast %mul3A_181 : i32 to index
        %get3A_210 = tpu.vector_load %arg9[%get3A_208, %get3A_209] {strides = array<i32>} : memref<104x256xf32, #tpu.memory_space<vmem>>, vector<1x16xf32>,
        %get3A_211 = vector.shape_cast %get3A_210 : vector<1x16xf32> to vector<16xf32>
        %add3A_212 = arith.addf %get3A_190, %get3A_211 : vector<16xf32>
        %get3A_213 = arith.constant 6 : i32
        %get3A_214 = arith.index_cast %get3A_213 : i32 to index
        %get3A_215 = arith.index_cast %mul3A_181 : i32 to index
        %get3A_216 = tpu.vector_load %arg9[%get3A_214, %get3A_215] {strides = array<i32>} : memref<104x256xf32, #tpu.memory_space<vmem>>, vector<1x16xf32>,
        %get3A_217 = vector.shape_cast %get3A_216 : vector<1x16xf32> to vector<16xf32>
        %add3A_218 = arith.addf %get3A_195, %get3A_217 : vector<16xf32>
        %get3A_219 = arith.constant 7 : i32
        %get3A_220 = arith.index_cast %get3A_219 : i32 to index
        %get3A_221 = arith.index_cast %mul3A_181 : i32 to index
        %get3A_222 = tpu.vector_load %arg9[%get3A_220, %get3A_221] {strides = array<i32>} : memref<104x256xf32, #tpu.memory_space<vmem>>, vector<1x16xf32>,
        %get3A_223 = vector.shape_cast %get3A_222 : vector<1x16xf32> to vector<16xf32>
        %add3A_224 = arith.addf %get3A_200, %get3A_223 : vector<16xf32>
        %get3A_225 = arith.constant 8 : i32
        %get3A_226 = arith.index_cast %get3A_225 : i32 to index
        %get3A_227 = arith.index_cast %mul3A_181 : i32 to index
        %get3A_228 = tpu.vector_load %arg9[%get3A_226, %get3A_227] {strides = array<i32>} : memref<104x256xf32, #tpu.memory_space<vmem>>, vector<1x16xf32>,
        %get3A_229 = vector.shape_cast %get3A_228 : vector<1x16xf32> to vector<16xf32>
        %add3A_230 = arith.addf %add3A_206, %get3A_229 : vector<16xf32>
        %get3A_231 = arith.constant 9 : i32
        %get3A_232 = arith.index_cast %get3A_231 : i32 to index
        %get3A_233 = arith.index_cast %mul3A_181 : i32 to index
        %get3A_234 = tpu.vector_load %arg9[%get3A_232, %get3A_233] {strides = array<i32>} : memref<104x256xf32, #tpu.memory_space<vmem>>, vector<1x16xf32>,
        %get3A_235 = vector.shape_cast %get3A_234 : vector<1x16xf32> to vector<16xf32>
        %add3A_236 = arith.addf %add3A_212, %get3A_235 : vector<16xf32>
        %get3A_237 = arith.constant 10 : i32
        %get3A_238 = arith.index_cast %get3A_237 : i32 to index
        %get3A_239 = arith.index_cast %mul3A_181 : i32 to index
        %get3A_240 = tpu.vector_load %arg9[%get3A_238, %get3A_239] {strides = array<i32>} : memref<104x256xf32, #tpu.memory_space<vmem>>, vector<1x16xf32>,
        %get3A_241 = vector.shape_cast %get3A_240 : vector<1x16xf32> to vector<16xf32>
        %add3A_242 = arith.addf %add3A_218, %get3A_241 : vector<16xf32>
        %get3A_243 = arith.constant 11 : i32
        %get3A_244 = arith.index_cast %get3A_243 : i32 to index
        %get3A_245 = arith.index_cast %mul3A_181 : i32 to index
        %get3A_246 = tpu.vector_load %arg9[%get3A_244, %get3A_245] {strides = array<i32>} : memref<104x256xf32, #tpu.memory_space<vmem>>, vector<1x16xf32>,
        %get3A_247 = vector.shape_cast %get3A_246 : vector<1x16xf32> to vector<16xf32>
        %add3A_248 = arith.addf %add3A_224, %get3A_247 : vector<16xf32>
        %get3A_249 = arith.constant 12 : i32
        %get3A_250 = arith.index_cast %get3A_249 : i32 to index
        %get3A_251 = arith.index_cast %mul3A_181 : i32 to index
        %get3A_252 = tpu.vector_load %arg9[%get3A_250, %get3A_251] {strides = array<i32>} : memref<104x256xf32, #tpu.memory_space<vmem>>, vector<1x16xf32>,
        %get3A_253 = vector.shape_cast %get3A_252 : vector<1x16xf32> to vector<16xf32>
        %add3A_254 = arith.addf %add3A_230, %get3A_253 : vector<16xf32>
        %get3A_255 = arith.constant 13 : i32
        %get3A_256 = arith.index_cast %get3A_255 : i32 to index
        %get3A_257 = arith.index_cast %mul3A_181 : i32 to index
        %get3A_258 = tpu.vector_load %arg9[%get3A_256, %get3A_257] {strides = array<i32>} : memref<104x256xf32, #tpu.memory_space<vmem>>, vector<1x16xf32>,
        %get3A_259 = vector.shape_cast %get3A_258 : vector<1x16xf32> to vector<16xf32>
        %add3A_260 = arith.addf %add3A_236, %get3A_259 : vector<16xf32>
        %get3A_261 = arith.constant 14 : i32
        %get3A_262 = arith.index_cast %get3A_261 : i32 to index
        %get3A_263 = arith.index_cast %mul3A_181 : i32 to index
        %get3A_264 = tpu.vector_load %arg9[%get3A_262, %get3A_263] {strides = array<i32>} : memref<104x256xf32, #tpu.memory_space<vmem>>, vector<1x16xf32>,
        %get3A_265 = vector.shape_cast %get3A_264 : vector<1x16xf32> to vector<16xf32>
        %add3A_266 = arith.addf %add3A_242, %get3A_265 : vector<16xf32>
        %get3A_267 = arith.constant 15 : i32
        %get3A_268 = arith.index_cast %get3A_267 : i32 to index
        %get3A_269 = arith.index_cast %mul3A_181 : i32 to index
        %get3A_270 = tpu.vector_load %arg9[%get3A_268, %get3A_269] {strides = array<i32>} : memref<104x256xf32, #tpu.memory_space<vmem>>, vector<1x16xf32>,
        %get3A_271 = vector.shape_cast %get3A_270 : vector<1x16xf32> to vector<16xf32>
        %add3A_272 = arith.addf %add3A_248, %get3A_271 : vector<16xf32>
        %get3A_273 = arith.constant 16 : i32
        %get3A_274 = arith.index_cast %get3A_273 : i32 to index
        %get3A_275 = arith.index_cast %mul3A_181 : i32 to index
        %get3A_276 = tpu.vector_load %arg9[%get3A_274, %get3A_275] {strides = array<i32>} : memref<104x256xf32, #tpu.memory_space<vmem>>, vector<1x16xf32>,
        %get3A_277 = vector.shape_cast %get3A_276 : vector<1x16xf32> to vector<16xf32>
        %add3A_278 = arith.addf %add3A_254, %get3A_277 : vector<16xf32>
        %get3A_279 = arith.constant 17 : i32
        %get3A_280 = arith.index_cast %get3A_279 : i32 to index
        %get3A_281 = arith.index_cast %mul3A_181 : i32 to index
        %get3A_282 = tpu.vector_load %arg9[%get3A_280, %get3A_281] {strides = array<i32>} : memref<104x256xf32, #tpu.memory_space<vmem>>, vector<1x16xf32>,
        %get3A_283 = vector.shape_cast %get3A_282 : vector<1x16xf32> to vector<16xf32>
        %add3A_284 = arith.addf %add3A_260, %get3A_283 : vector<16xf32>
        %get3A_285 = arith.constant 18 : i32
        %get3A_286 = arith.index_cast %get3A_285 : i32 to index
        %get3A_287 = arith.index_cast %mul3A_181 : i32 to index
        %get3A_288 = tpu.vector_load %arg9[%get3A_286, %get3A_287] {strides = array<i32>} : memref<104x256xf32, #tpu.memory_space<vmem>>, vector<1x16xf32>,
        %get3A_289 = vector.shape_cast %get3A_288 : vector<1x16xf32> to vector<16xf32>
        %add3A_290 = arith.addf %add3A_266, %get3A_289 : vector<16xf32>
        %get3A_291 = arith.constant 19 : i32
        %get3A_292 = arith.index_cast %get3A_291 : i32 to index
        %get3A_293 = arith.index_cast %mul3A_181 : i32 to index
        %get3A_294 = tpu.vector_load %arg9[%get3A_292, %get3A_293] {strides = array<i32>} : memref<104x256xf32, #tpu.memory_space<vmem>>, vector<1x16xf32>,
        %get3A_295 = vector.shape_cast %get3A_294 : vector<1x16xf32> to vector<16xf32>
        %add3A_296 = arith.addf %add3A_272, %get3A_295 : vector<16xf32>
        %get3A_297 = arith.constant 20 : i32
        %get3A_298 = arith.index_cast %get3A_297 : i32 to index
        %get3A_299 = arith.index_cast %mul3A_181 : i32 to index
        %get3A_300 = tpu.vector_load %arg9[%get3A_298, %get3A_299] {strides = array<i32>} : memref<104x256xf32, #tpu.memory_space<vmem>>, vector<1x16xf32>,
        %get3A_301 = vector.shape_cast %get3A_300 : vector<1x16xf32> to vector<16xf32>
        %add3A_302 = arith.addf %add3A_278, %get3A_301 : vector<16xf32>
        %get3A_303 = arith.constant 21 : i32
        %get3A_304 = arith.index_cast %get3A_303 : i32 to index
        %get3A_305 = arith.index_cast %mul3A_181 : i32 to index
        %get3A_306 = tpu.vector_load %arg9[%get3A_304, %get3A_305] {strides = array<i32>} : memref<104x256xf32, #tpu.memory_space<vmem>>, vector<1x16xf32>,
        %get3A_307 = vector.shape_cast %get3A_306 : vector<1x16xf32> to vector<16xf32>
        %add3A_308 = arith.addf %add3A_284, %get3A_307 : vector<16xf32>
        %get3A_309 = arith.constant 22 : i32
        %get3A_310 = arith.index_cast %get3A_309 : i32 to index
        %get3A_311 = arith.index_cast %mul3A_181 : i32 to index
        %get3A_312 = tpu.vector_load %arg9[%get3A_310, %get3A_311] {strides = array<i32>} : memref<104x256xf32, #tpu.memory_space<vmem>>, vector<1x16xf32>,
        %get3A_313 = vector.shape_cast %get3A_312 : vector<1x16xf32> to vector<16xf32>
        %add3A_314 = arith.addf %add3A_290, %get3A_313 : vector<16xf32>
        %get3A_315 = arith.constant 23 : i32
        %get3A_316 = arith.index_cast %get3A_315 : i32 to index
        %get3A_317 = arith.index_cast %mul3A_181 : i32 to index
        %get3A_318 = tpu.vector_load %arg9[%get3A_316, %get3A_317] {strides = array<i32>} : memref<104x256xf32, #tpu.memory_space<vmem>>, vector<1x16xf32>,
        %get3A_319 = vector.shape_cast %get3A_318 : vector<1x16xf32> to vector<16xf32>
        %add3A_320 = arith.addf %add3A_296, %get3A_319 : vector<16xf32>
        %get3A_321 = arith.constant 24 : i32
        %get3A_322 = arith.index_cast %get3A_321 : i32 to index
        %get3A_323 = arith.index_cast %mul3A_181 : i32 to index
        %get3A_324 = tpu.vector_load %arg9[%get3A_322, %get3A_323] {strides = array<i32>} : memref<104x256xf32, #tpu.memory_space<vmem>>, vector<1x16xf32>,
        %get3A_325 = vector.shape_cast %get3A_324 : vector<1x16xf32> to vector<16xf32>
        %add3A_326 = arith.addf %add3A_302, %get3A_325 : vector<16xf32>
        %get3A_327 = arith.constant 25 : i32
        %get3A_328 = arith.index_cast %get3A_327 : i32 to index
        %get3A_329 = arith.index_cast %mul3A_181 : i32 to index
        %get3A_330 = tpu.vector_load %arg9[%get3A_328, %get3A_329] {strides = array<i32>} : memref<104x256xf32, #tpu.memory_space<vmem>>, vector<1x16xf32>,
        %get3A_331 = vector.shape_cast %get3A_330 : vector<1x16xf32> to vector<16xf32>
        %add3A_332 = arith.addf %add3A_308, %get3A_331 : vector<16xf32>
        %get3A_333 = arith.constant 26 : i32
        %get3A_334 = arith.index_cast %get3A_333 : i32 to index
        %get3A_335 = arith.index_cast %mul3A_181 : i32 to index
        %get3A_336 = tpu.vector_load %arg9[%get3A_334, %get3A_335] {strides = array<i32>} : memref<104x256xf32, #tpu.memory_space<vmem>>, vector<1x16xf32>,
        %get3A_337 = vector.shape_cast %get3A_336 : vector<1x16xf32> to vector<16xf32>
        %add3A_338 = arith.addf %add3A_314, %get3A_337 : vector<16xf32>
        %get3A_339 = arith.constant 27 : i32
        %get3A_340 = arith.index_cast %get3A_339 : i32 to index
        %get3A_341 = arith.index_cast %mul3A_181 : i32 to index
        %get3A_342 = tpu.vector_load %arg9[%get3A_340, %get3A_341] {strides = array<i32>} : memref<104x256xf32, #tpu.memory_space<vmem>>, vector<1x16xf32>,
        %get3A_343 = vector.shape_cast %get3A_342 : vector<1x16xf32> to vector<16xf32>
        %add3A_344 = arith.addf %add3A_320, %get3A_343 : vector<16xf32>
        %get3A_345 = arith.constant 28 : i32
        %get3A_346 = arith.index_cast %get3A_345 : i32 to index
        %get3A_347 = arith.index_cast %mul3A_181 : i32 to index
        %get3A_348 = tpu.vector_load %arg9[%get3A_346, %get3A_347] {strides = array<i32>} : memref<104x256xf32, #tpu.memory_space<vmem>>, vector<1x16xf32>,
        %get3A_349 = vector.shape_cast %get3A_348 : vector<1x16xf32> to vector<16xf32>
        %add3A_350 = arith.addf %add3A_326, %get3A_349 : vector<16xf32>
        %get3A_351 = arith.constant 29 : i32
        %get3A_352 = arith.index_cast %get3A_351 : i32 to index
        %get3A_353 = arith.index_cast %mul3A_181 : i32 to index
        %get3A_354 = tpu.vector_load %arg9[%get3A_352, %get3A_353] {strides = array<i32>} : memref<104x256xf32, #tpu.memory_space<vmem>>, vector<1x16xf32>,
        %get3A_355 = vector.shape_cast %get3A_354 : vector<1x16xf32> to vector<16xf32>
        %add3A_356 = arith.addf %add3A_332, %get3A_355 : vector<16xf32>
        %get3A_357 = arith.constant 30 : i32
        %get3A_358 = arith.index_cast %get3A_357 : i32 to index
        %get3A_359 = arith.index_cast %mul3A_181 : i32 to index
        %get3A_360 = tpu.vector_load %arg9[%get3A_358, %get3A_359] {strides = array<i32>} : memref<104x256xf32, #tpu.memory_space<vmem>>, vector<1x16xf32>,
        %get3A_361 = vector.shape_cast %get3A_360 : vector<1x16xf32> to vector<16xf32>
        %add3A_362 = arith.addf %add3A_338, %get3A_361 : vector<16xf32>
        %get3A_363 = arith.constant 31 : i32
        %get3A_364 = arith.index_cast %get3A_363 : i32 to index
        %get3A_365 = arith.index_cast %mul3A_181 : i32 to index
        %get3A_366 = tpu.vector_load %arg9[%get3A_364, %get3A_365] {strides = array<i32>} : memref<104x256xf32, #tpu.memory_space<vmem>>, vector<1x16xf32>,
        %get3A_367 = vector.shape_cast %get3A_366 : vector<1x16xf32> to vector<16xf32>
        %add3A_368 = arith.addf %add3A_344, %get3A_367 : vector<16xf32>
        %get3A_369 = arith.constant 32 : i32
        %get3A_370 = arith.index_cast %get3A_369 : i32 to index
        %get3A_371 = arith.index_cast %mul3A_181 : i32 to index
        %get3A_372 = tpu.vector_load %arg9[%get3A_370, %get3A_371] {strides = array<i32>} : memref<104x256xf32, #tpu.memory_space<vmem>>, vector<1x16xf32>,
        %get3A_373 = vector.shape_cast %get3A_372 : vector<1x16xf32> to vector<16xf32>
        %add3A_374 = arith.addf %add3A_350, %get3A_373 : vector<16xf32>
        %get3A_375 = arith.constant 33 : i32
        %get3A_376 = arith.index_cast %get3A_375 : i32 to index
        %get3A_377 = arith.index_cast %mul3A_181 : i32 to index
        %get3A_378 = tpu.vector_load %arg9[%get3A_376, %get3A_377] {strides = array<i32>} : memref<104x256xf32, #tpu.memory_space<vmem>>, vector<1x16xf32>,
        %get3A_379 = vector.shape_cast %get3A_378 : vector<1x16xf32> to vector<16xf32>
        %add3A_380 = arith.addf %add3A_356, %get3A_379 : vector<16xf32>
        %get3A_381 = arith.constant 34 : i32
        %get3A_382 = arith.index_cast %get3A_381 : i32 to index
        %get3A_383 = arith.index_cast %mul3A_181 : i32 to index
        %get3A_384 = tpu.vector_load %arg9[%get3A_382, %get3A_383] {strides = array<i32>} : memref<104x256xf32, #tpu.memory_space<vmem>>, vector<1x16xf32>,
        %get3A_385 = vector.shape_cast %get3A_384 : vector<1x16xf32> to vector<16xf32>
        %add3A_386 = arith.addf %add3A_362, %get3A_385 : vector<16xf32>
        %get3A_387 = arith.constant 35 : i32
        %get3A_388 = arith.index_cast %get3A_387 : i32 to index
        %get3A_389 = arith.index_cast %mul3A_181 : i32 to index
        %get3A_390 = tpu.vector_load %arg9[%get3A_388, %get3A_389] {strides = array<i32>} : memref<104x256xf32, #tpu.memory_space<vmem>>, vector<1x16xf32>,
        %get3A_391 = vector.shape_cast %get3A_390 : vector<1x16xf32> to vector<16xf32>
        %add3A_392 = arith.addf %add3A_368, %get3A_391 : vector<16xf32>
        %get3A_393 = arith.constant 36 : i32
        %get3A_394 = arith.index_cast %get3A_393 : i32 to index
        %get3A_395 = arith.index_cast %mul3A_181 : i32 to index
        %get3A_396 = tpu.vector_load %arg9[%get3A_394, %get3A_395] {strides = array<i32>} : memref<104x256xf32, #tpu.memory_space<vmem>>, vector<1x16xf32>,
        %get3A_397 = vector.shape_cast %get3A_396 : vector<1x16xf32> to vector<16xf32>
        %add3A_398 = arith.addf %add3A_374, %get3A_397 : vector<16xf32>
        %get3A_399 = arith.constant 37 : i32
        %get3A_400 = arith.index_cast %get3A_399 : i32 to index
        %get3A_401 = arith.index_cast %mul3A_181 : i32 to index
        %get3A_402 = tpu.vector_load %arg9[%get3A_400, %get3A_401] {strides = array<i32>} : memref<104x256xf32, #tpu.memory_space<vmem>>, vector<1x16xf32>,
        %get3A_403 = vector.shape_cast %get3A_402 : vector<1x16xf32> to vector<16xf32>
        %add3A_404 = arith.addf %add3A_380, %get3A_403 : vector<16xf32>
        %get3A_405 = arith.constant 38 : i32
        %get3A_406 = arith.index_cast %get3A_405 : i32 to index
        %get3A_407 = arith.index_cast %mul3A_181 : i32 to index
        %get3A_408 = tpu.vector_load %arg9[%get3A_406, %get3A_407] {strides = array<i32>} : memref<104x256xf32, #tpu.memory_space<vmem>>, vector<1x16xf32>,
        %get3A_409 = vector.shape_cast %get3A_408 : vector<1x16xf32> to vector<16xf32>
        %add3A_410 = arith.addf %add3A_386, %get3A_409 : vector<16xf32>
        %get3A_411 = arith.constant 39 : i32
        %get3A_412 = arith.index_cast %get3A_411 : i32 to index
        %get3A_413 = arith.index_cast %mul3A_181 : i32 to index
        %get3A_414 = tpu.vector_load %arg9[%get3A_412, %get3A_413] {strides = array<i32>} : memref<104x256xf32, #tpu.memory_space<vmem>>, vector<1x16xf32>,
        %get3A_415 = vector.shape_cast %get3A_414 : vector<1x16xf32> to vector<16xf32>
        %add3A_416 = arith.addf %add3A_392, %get3A_415 : vector<16xf32>
        %get3A_417 = arith.constant 40 : i32
        %get3A_418 = arith.index_cast %get3A_417 : i32 to index
        %get3A_419 = arith.index_cast %mul3A_181 : i32 to index
        %get3A_420 = tpu.vector_load %arg9[%get3A_418, %get3A_419] {strides = array<i32>} : memref<104x256xf32, #tpu.memory_space<vmem>>, vector<1x16xf32>,
        %get3A_421 = vector.shape_cast %get3A_420 : vector<1x16xf32> to vector<16xf32>
        %add3A_422 = arith.addf %add3A_398, %get3A_421 : vector<16xf32>
        %get3A_423 = arith.constant 41 : i32
        %get3A_424 = arith.index_cast %get3A_423 : i32 to index
        %get3A_425 = arith.index_cast %mul3A_181 : i32 to index
        %get3A_426 = tpu.vector_load %arg9[%get3A_424, %get3A_425] {strides = array<i32>} : memref<104x256xf32, #tpu.memory_space<vmem>>, vector<1x16xf32>,
        %get3A_427 = vector.shape_cast %get3A_426 : vector<1x16xf32> to vector<16xf32>
        %add3A_428 = arith.addf %add3A_404, %get3A_427 : vector<16xf32>
        %get3A_429 = arith.constant 42 : i32
        %get3A_430 = arith.index_cast %get3A_429 : i32 to index
        %get3A_431 = arith.index_cast %mul3A_181 : i32 to index
        %get3A_432 = tpu.vector_load %arg9[%get3A_430, %get3A_431] {strides = array<i32>} : memref<104x256xf32, #tpu.memory_space<vmem>>, vector<1x16xf32>,
        %get3A_433 = vector.shape_cast %get3A_432 : vector<1x16xf32> to vector<16xf32>
        %add3A_434 = arith.addf %add3A_410, %get3A_433 : vector<16xf32>
        %get3A_435 = arith.constant 43 : i32
        %get3A_436 = arith.index_cast %get3A_435 : i32 to index
        %get3A_437 = arith.index_cast %mul3A_181 : i32 to index
        %get3A_438 = tpu.vector_load %arg9[%get3A_436, %get3A_437] {strides = array<i32>} : memref<104x256xf32, #tpu.memory_space<vmem>>, vector<1x16xf32>,
        %get3A_439 = vector.shape_cast %get3A_438 : vector<1x16xf32> to vector<16xf32>
        %add3A_440 = arith.addf %add3A_416, %get3A_439 : vector<16xf32>
        %get3A_441 = arith.constant 44 : i32
        %get3A_442 = arith.index_cast %get3A_441 : i32 to index
        %get3A_443 = arith.index_cast %mul3A_181 : i32 to index
        %get3A_444 = tpu.vector_load %arg9[%get3A_442, %get3A_443] {strides = array<i32>} : memref<104x256xf32, #tpu.memory_space<vmem>>, vector<1x16xf32>,
        %get3A_445 = vector.shape_cast %get3A_444 : vector<1x16xf32> to vector<16xf32>
        %add3A_446 = arith.addf %add3A_422, %get3A_445 : vector<16xf32>
        %get3A_447 = arith.constant 45 : i32
        %get3A_448 = arith.index_cast %get3A_447 : i32 to index
        %get3A_449 = arith.index_cast %mul3A_181 : i32 to index
        %get3A_450 = tpu.vector_load %arg9[%get3A_448, %get3A_449] {strides = array<i32>} : memref<104x256xf32, #tpu.memory_space<vmem>>, vector<1x16xf32>,
        %get3A_451 = vector.shape_cast %get3A_450 : vector<1x16xf32> to vector<16xf32>
        %add3A_452 = arith.addf %add3A_428, %get3A_451 : vector<16xf32>
        %get3A_453 = arith.constant 46 : i32
        %get3A_454 = arith.index_cast %get3A_453 : i32 to index
        %get3A_455 = arith.index_cast %mul3A_181 : i32 to index
        %get3A_456 = tpu.vector_load %arg9[%get3A_454, %get3A_455] {strides = array<i32>} : memref<104x256xf32, #tpu.memory_space<vmem>>, vector<1x16xf32>,
        %get3A_457 = vector.shape_cast %get3A_456 : vector<1x16xf32> to vector<16xf32>
        %add3A_458 = arith.addf %add3A_434, %get3A_457 : vector<16xf32>
        %get3A_459 = arith.constant 47 : i32
        %get3A_460 = arith.index_cast %get3A_459 : i32 to index
        %get3A_461 = arith.index_cast %mul3A_181 : i32 to index
        %get3A_462 = tpu.vector_load %arg9[%get3A_460, %get3A_461] {strides = array<i32>} : memref<104x256xf32, #tpu.memory_space<vmem>>, vector<1x16xf32>,
        %get3A_463 = vector.shape_cast %get3A_462 : vector<1x16xf32> to vector<16xf32>
        %add3A_464 = arith.addf %add3A_440, %get3A_463 : vector<16xf32>
        %get3A_465 = arith.constant 48 : i32
        %get3A_466 = arith.index_cast %get3A_465 : i32 to index
        %get3A_467 = arith.index_cast %mul3A_181 : i32 to index
        %get3A_468 = tpu.vector_load %arg9[%get3A_466, %get3A_467] {strides = array<i32>} : memref<104x256xf32, #tpu.memory_space<vmem>>, vector<1x16xf32>,
        %get3A_469 = vector.shape_cast %get3A_468 : vector<1x16xf32> to vector<16xf32>
        %add3A_470 = arith.addf %add3A_446, %get3A_469 : vector<16xf32>
        %get3A_471 = arith.constant 49 : i32
        %get3A_472 = arith.index_cast %get3A_471 : i32 to index
        %get3A_473 = arith.index_cast %mul3A_181 : i32 to index
        %get3A_474 = tpu.vector_load %arg9[%get3A_472, %get3A_473] {strides = array<i32>} : memref<104x256xf32, #tpu.memory_space<vmem>>, vector<1x16xf32>,
        %get3A_475 = vector.shape_cast %get3A_474 : vector<1x16xf32> to vector<16xf32>
        %add3A_476 = arith.addf %add3A_452, %get3A_475 : vector<16xf32>
        %add3A_477 = arith.addf %add3A_470, %add3A_476 : vector<16xf32>
        %add3A_478 = arith.addf %add3A_458, %add3A_464 : vector<16xf32>
        %add3A_479 = arith.addf %add3A_477, %add3A_478 : vector<16xf32>
        %swap3A = arith.constant 6 : i32
        %swap3A_480 = arith.index_cast %swap3A : i32 to index
        %swap3A_481 = arith.index_cast %mul3A_181 : i32 to index
        %swap3A_482 = tpu.vector_load %arg10[%swap3A_480, %swap3A_481] {strides = array<i32>} : memref<8x256xf32, #tpu.memory_space<vmem>>, vector<1x16xf32>,
        %swap3A_483 = vector.shape_cast %swap3A_482 : vector<1x16xf32> to vector<16xf32>
        %swap3A_484 = vector.shape_cast %add3A_479 : vector<16xf32> to vector<1x16xf32>
        tpu.vector_store %arg10[%swap3A_480, %swap3A_481], %swap3A_484 {strides = array<i32>} : memref<8x256xf32, #tpu.memory_space<vmem>>, vector<1x16xf32>,
        %get3A_485 = arith.constant 50 : i32
        %get3A_486 = arith.index_cast %get3A_485 : i32 to index
        %get3A_487 = arith.index_cast %mul3A_181 : i32 to index
        %get3A_488 = tpu.vector_load %arg9[%get3A_486, %get3A_487] {strides = array<i32>} : memref<104x256xf32, #tpu.memory_space<vmem>>, vector<1x16xf32>,
        %get3A_489 = vector.shape_cast %get3A_488 : vector<1x16xf32> to vector<16xf32>
        %get3A_490 = arith.constant 51 : i32
        %get3A_491 = arith.index_cast %get3A_490 : i32 to index
        %get3A_492 = arith.index_cast %mul3A_181 : i32 to index
        %get3A_493 = tpu.vector_load %arg9[%get3A_491, %get3A_492] {strides = array<i32>} : memref<104x256xf32, #tpu.memory_space<vmem>>, vector<1x16xf32>,
        %get3A_494 = vector.shape_cast %get3A_493 : vector<1x16xf32> to vector<16xf32>
        %get3A_495 = arith.constant 52 : i32
        %get3A_496 = arith.index_cast %get3A_495 : i32 to index
        %get3A_497 = arith.index_cast %mul3A_181 : i32 to index
        %get3A_498 = tpu.vector_load %arg9[%get3A_496, %get3A_497] {strides = array<i32>} : memref<104x256xf32, #tpu.memory_space<vmem>>, vector<1x16xf32>,
        %get3A_499 = vector.shape_cast %get3A_498 : vector<1x16xf32> to vector<16xf32>
        %get3A_500 = arith.constant 53 : i32
        %get3A_501 = arith.index_cast %get3A_500 : i32 to index
        %get3A_502 = arith.index_cast %mul3A_181 : i32 to index
        %get3A_503 = tpu.vector_load %arg9[%get3A_501, %get3A_502] {strides = array<i32>} : memref<104x256xf32, #tpu.memory_space<vmem>>, vector<1x16xf32>,
        %get3A_504 = vector.shape_cast %get3A_503 : vector<1x16xf32> to vector<16xf32>
        %get3A_505 = arith.constant 54 : i32
        %get3A_506 = arith.index_cast %get3A_505 : i32 to index
        %get3A_507 = arith.index_cast %mul3A_181 : i32 to index
        %get3A_508 = tpu.vector_load %arg9[%get3A_506, %get3A_507] {strides = array<i32>} : memref<104x256xf32, #tpu.memory_space<vmem>>, vector<1x16xf32>,
        %get3A_509 = vector.shape_cast %get3A_508 : vector<1x16xf32> to vector<16xf32>
        %add3A_510 = arith.addf %get3A_489, %get3A_509 : vector<16xf32>
        %get3A_511 = arith.constant 55 : i32
        %get3A_512 = arith.index_cast %get3A_511 : i32 to index
        %get3A_513 = arith.index_cast %mul3A_181 : i32 to index
        %get3A_514 = tpu.vector_load %arg9[%get3A_512, %get3A_513] {strides = array<i32>} : memref<104x256xf32, #tpu.memory_space<vmem>>, vector<1x16xf32>,
        %get3A_515 = vector.shape_cast %get3A_514 : vector<1x16xf32> to vector<16xf32>
        %add3A_516 = arith.addf %get3A_494, %get3A_515 : vector<16xf32>
        %get3A_517 = arith.constant 56 : i32
        %get3A_518 = arith.index_cast %get3A_517 : i32 to index
        %get3A_519 = arith.index_cast %mul3A_181 : i32 to index
        %get3A_520 = tpu.vector_load %arg9[%get3A_518, %get3A_519] {strides = array<i32>} : memref<104x256xf32, #tpu.memory_space<vmem>>, vector<1x16xf32>,
        %get3A_521 = vector.shape_cast %get3A_520 : vector<1x16xf32> to vector<16xf32>
        %add3A_522 = arith.addf %get3A_499, %get3A_521 : vector<16xf32>
        %get3A_523 = arith.constant 57 : i32
        %get3A_524 = arith.index_cast %get3A_523 : i32 to index
        %get3A_525 = arith.index_cast %mul3A_181 : i32 to index
        %get3A_526 = tpu.vector_load %arg9[%get3A_524, %get3A_525] {strides = array<i32>} : memref<104x256xf32, #tpu.memory_space<vmem>>, vector<1x16xf32>,
        %get3A_527 = vector.shape_cast %get3A_526 : vector<1x16xf32> to vector<16xf32>
        %add3A_528 = arith.addf %get3A_504, %get3A_527 : vector<16xf32>
        %get3A_529 = arith.constant 58 : i32
        %get3A_530 = arith.index_cast %get3A_529 : i32 to index
        %get3A_531 = arith.index_cast %mul3A_181 : i32 to index
        %get3A_532 = tpu.vector_load %arg9[%get3A_530, %get3A_531] {strides = array<i32>} : memref<104x256xf32, #tpu.memory_space<vmem>>, vector<1x16xf32>,
        %get3A_533 = vector.shape_cast %get3A_532 : vector<1x16xf32> to vector<16xf32>
        %add3A_534 = arith.addf %add3A_510, %get3A_533 : vector<16xf32>
        %get3A_535 = arith.constant 59 : i32
        %get3A_536 = arith.index_cast %get3A_535 : i32 to index
        %get3A_537 = arith.index_cast %mul3A_181 : i32 to index
        %get3A_538 = tpu.vector_load %arg9[%get3A_536, %get3A_537] {strides = array<i32>} : memref<104x256xf32, #tpu.memory_space<vmem>>, vector<1x16xf32>,
        %get3A_539 = vector.shape_cast %get3A_538 : vector<1x16xf32> to vector<16xf32>
        %add3A_540 = arith.addf %add3A_516, %get3A_539 : vector<16xf32>
        %get3A_541 = arith.constant 60 : i32
        %get3A_542 = arith.index_cast %get3A_541 : i32 to index
        %get3A_543 = arith.index_cast %mul3A_181 : i32 to index
        %get3A_544 = tpu.vector_load %arg9[%get3A_542, %get3A_543] {strides = array<i32>} : memref<104x256xf32, #tpu.memory_space<vmem>>, vector<1x16xf32>,
        %get3A_545 = vector.shape_cast %get3A_544 : vector<1x16xf32> to vector<16xf32>
        %add3A_546 = arith.addf %add3A_522, %get3A_545 : vector<16xf32>
        %get3A_547 = arith.constant 61 : i32
        %get3A_548 = arith.index_cast %get3A_547 : i32 to index
        %get3A_549 = arith.index_cast %mul3A_181 : i32 to index
        %get3A_550 = tpu.vector_load %arg9[%get3A_548, %get3A_549] {strides = array<i32>} : memref<104x256xf32, #tpu.memory_space<vmem>>, vector<1x16xf32>,
        %get3A_551 = vector.shape_cast %get3A_550 : vector<1x16xf32> to vector<16xf32>
        %add3A_552 = arith.addf %add3A_528, %get3A_551 : vector<16xf32>
        %get3A_553 = arith.constant 62 : i32
        %get3A_554 = arith.index_cast %get3A_553 : i32 to index
        %get3A_555 = arith.index_cast %mul3A_181 : i32 to index
        %get3A_556 = tpu.vector_load %arg9[%get3A_554, %get3A_555] {strides = array<i32>} : memref<104x256xf32, #tpu.memory_space<vmem>>, vector<1x16xf32>,
        %get3A_557 = vector.shape_cast %get3A_556 : vector<1x16xf32> to vector<16xf32>
        %add3A_558 = arith.addf %add3A_534, %get3A_557 : vector<16xf32>
        %get3A_559 = arith.constant 63 : i32
        %get3A_560 = arith.index_cast %get3A_559 : i32 to index
        %get3A_561 = arith.index_cast %mul3A_181 : i32 to index
        %get3A_562 = tpu.vector_load %arg9[%get3A_560, %get3A_561] {strides = array<i32>} : memref<104x256xf32, #tpu.memory_space<vmem>>, vector<1x16xf32>,
        %get3A_563 = vector.shape_cast %get3A_562 : vector<1x16xf32> to vector<16xf32>
        %add3A_564 = arith.addf %add3A_540, %get3A_563 : vector<16xf32>
        %get3A_565 = arith.constant 64 : i32
        %get3A_566 = arith.index_cast %get3A_565 : i32 to index
        %get3A_567 = arith.index_cast %mul3A_181 : i32 to index
        %get3A_568 = tpu.vector_load %arg9[%get3A_566, %get3A_567] {strides = array<i32>} : memref<104x256xf32, #tpu.memory_space<vmem>>, vector<1x16xf32>,
        %get3A_569 = vector.shape_cast %get3A_568 : vector<1x16xf32> to vector<16xf32>
        %add3A_570 = arith.addf %add3A_546, %get3A_569 : vector<16xf32>
        %get3A_571 = arith.constant 65 : i32
        %get3A_572 = arith.index_cast %get3A_571 : i32 to index
        %get3A_573 = arith.index_cast %mul3A_181 : i32 to index
        %get3A_574 = tpu.vector_load %arg9[%get3A_572, %get3A_573] {strides = array<i32>} : memref<104x256xf32, #tpu.memory_space<vmem>>, vector<1x16xf32>,
        %get3A_575 = vector.shape_cast %get3A_574 : vector<1x16xf32> to vector<16xf32>
        %add3A_576 = arith.addf %add3A_552, %get3A_575 : vector<16xf32>
        %get3A_577 = arith.constant 66 : i32
        %get3A_578 = arith.index_cast %get3A_577 : i32 to index
        %get3A_579 = arith.index_cast %mul3A_181 : i32 to index
        %get3A_580 = tpu.vector_load %arg9[%get3A_578, %get3A_579] {strides = array<i32>} : memref<104x256xf32, #tpu.memory_space<vmem>>, vector<1x16xf32>,
        %get3A_581 = vector.shape_cast %get3A_580 : vector<1x16xf32> to vector<16xf32>
        %add3A_582 = arith.addf %add3A_558, %get3A_581 : vector<16xf32>
        %get3A_583 = arith.constant 67 : i32
        %get3A_584 = arith.index_cast %get3A_583 : i32 to index
        %get3A_585 = arith.index_cast %mul3A_181 : i32 to index
        %get3A_586 = tpu.vector_load %arg9[%get3A_584, %get3A_585] {strides = array<i32>} : memref<104x256xf32, #tpu.memory_space<vmem>>, vector<1x16xf32>,
        %get3A_587 = vector.shape_cast %get3A_586 : vector<1x16xf32> to vector<16xf32>
        %add3A_588 = arith.addf %add3A_564, %get3A_587 : vector<16xf32>
        %get3A_589 = arith.constant 68 : i32
        %get3A_590 = arith.index_cast %get3A_589 : i32 to index
        %get3A_591 = arith.index_cast %mul3A_181 : i32 to index
        %get3A_592 = tpu.vector_load %arg9[%get3A_590, %get3A_591] {strides = array<i32>} : memref<104x256xf32, #tpu.memory_space<vmem>>, vector<1x16xf32>,
        %get3A_593 = vector.shape_cast %get3A_592 : vector<1x16xf32> to vector<16xf32>
        %add3A_594 = arith.addf %add3A_570, %get3A_593 : vector<16xf32>
        %get3A_595 = arith.constant 69 : i32
        %get3A_596 = arith.index_cast %get3A_595 : i32 to index
        %get3A_597 = arith.index_cast %mul3A_181 : i32 to index
        %get3A_598 = tpu.vector_load %arg9[%get3A_596, %get3A_597] {strides = array<i32>} : memref<104x256xf32, #tpu.memory_space<vmem>>, vector<1x16xf32>,
        %get3A_599 = vector.shape_cast %get3A_598 : vector<1x16xf32> to vector<16xf32>
        %add3A_600 = arith.addf %add3A_576, %get3A_599 : vector<16xf32>
        %get3A_601 = arith.constant 70 : i32
        %get3A_602 = arith.index_cast %get3A_601 : i32 to index
        %get3A_603 = arith.index_cast %mul3A_181 : i32 to index
        %get3A_604 = tpu.vector_load %arg9[%get3A_602, %get3A_603] {strides = array<i32>} : memref<104x256xf32, #tpu.memory_space<vmem>>, vector<1x16xf32>,
        %get3A_605 = vector.shape_cast %get3A_604 : vector<1x16xf32> to vector<16xf32>
        %add3A_606 = arith.addf %add3A_582, %get3A_605 : vector<16xf32>
        %get3A_607 = arith.constant 71 : i32
        %get3A_608 = arith.index_cast %get3A_607 : i32 to index
        %get3A_609 = arith.index_cast %mul3A_181 : i32 to index
        %get3A_610 = tpu.vector_load %arg9[%get3A_608, %get3A_609] {strides = array<i32>} : memref<104x256xf32, #tpu.memory_space<vmem>>, vector<1x16xf32>,
        %get3A_611 = vector.shape_cast %get3A_610 : vector<1x16xf32> to vector<16xf32>
        %add3A_612 = arith.addf %add3A_588, %get3A_611 : vector<16xf32>
        %get3A_613 = arith.constant 72 : i32
        %get3A_614 = arith.index_cast %get3A_613 : i32 to index
        %get3A_615 = arith.index_cast %mul3A_181 : i32 to index
        %get3A_616 = tpu.vector_load %arg9[%get3A_614, %get3A_615] {strides = array<i32>} : memref<104x256xf32, #tpu.memory_space<vmem>>, vector<1x16xf32>,
        %get3A_617 = vector.shape_cast %get3A_616 : vector<1x16xf32> to vector<16xf32>
        %add3A_618 = arith.addf %add3A_594, %get3A_617 : vector<16xf32>
        %get3A_619 = arith.constant 73 : i32
        %get3A_620 = arith.index_cast %get3A_619 : i32 to index
        %get3A_621 = arith.index_cast %mul3A_181 : i32 to index
        %get3A_622 = tpu.vector_load %arg9[%get3A_620, %get3A_621] {strides = array<i32>} : memref<104x256xf32, #tpu.memory_space<vmem>>, vector<1x16xf32>,
        %get3A_623 = vector.shape_cast %get3A_622 : vector<1x16xf32> to vector<16xf32>
        %add3A_624 = arith.addf %add3A_600, %get3A_623 : vector<16xf32>
        %get3A_625 = arith.constant 74 : i32
        %get3A_626 = arith.index_cast %get3A_625 : i32 to index
        %get3A_627 = arith.index_cast %mul3A_181 : i32 to index
        %get3A_628 = tpu.vector_load %arg9[%get3A_626, %get3A_627] {strides = array<i32>} : memref<104x256xf32, #tpu.memory_space<vmem>>, vector<1x16xf32>,
        %get3A_629 = vector.shape_cast %get3A_628 : vector<1x16xf32> to vector<16xf32>
        %add3A_630 = arith.addf %add3A_606, %get3A_629 : vector<16xf32>
        %get3A_631 = arith.constant 75 : i32
        %get3A_632 = arith.index_cast %get3A_631 : i32 to index
        %get3A_633 = arith.index_cast %mul3A_181 : i32 to index
        %get3A_634 = tpu.vector_load %arg9[%get3A_632, %get3A_633] {strides = array<i32>} : memref<104x256xf32, #tpu.memory_space<vmem>>, vector<1x16xf32>,
        %get3A_635 = vector.shape_cast %get3A_634 : vector<1x16xf32> to vector<16xf32>
        %add3A_636 = arith.addf %add3A_612, %get3A_635 : vector<16xf32>
        %get3A_637 = arith.constant 76 : i32
        %get3A_638 = arith.index_cast %get3A_637 : i32 to index
        %get3A_639 = arith.index_cast %mul3A_181 : i32 to index
        %get3A_640 = tpu.vector_load %arg9[%get3A_638, %get3A_639] {strides = array<i32>} : memref<104x256xf32, #tpu.memory_space<vmem>>, vector<1x16xf32>,
        %get3A_641 = vector.shape_cast %get3A_640 : vector<1x16xf32> to vector<16xf32>
        %add3A_642 = arith.addf %add3A_618, %get3A_641 : vector<16xf32>
        %get3A_643 = arith.constant 77 : i32
        %get3A_644 = arith.index_cast %get3A_643 : i32 to index
        %get3A_645 = arith.index_cast %mul3A_181 : i32 to index
        %get3A_646 = tpu.vector_load %arg9[%get3A_644, %get3A_645] {strides = array<i32>} : memref<104x256xf32, #tpu.memory_space<vmem>>, vector<1x16xf32>,
        %get3A_647 = vector.shape_cast %get3A_646 : vector<1x16xf32> to vector<16xf32>
        %add3A_648 = arith.addf %add3A_624, %get3A_647 : vector<16xf32>
        %get3A_649 = arith.constant 78 : i32
        %get3A_650 = arith.index_cast %get3A_649 : i32 to index
        %get3A_651 = arith.index_cast %mul3A_181 : i32 to index
        %get3A_652 = tpu.vector_load %arg9[%get3A_650, %get3A_651] {strides = array<i32>} : memref<104x256xf32, #tpu.memory_space<vmem>>, vector<1x16xf32>,
        %get3A_653 = vector.shape_cast %get3A_652 : vector<1x16xf32> to vector<16xf32>
        %add3A_654 = arith.addf %add3A_630, %get3A_653 : vector<16xf32>
        %get3A_655 = arith.constant 79 : i32
        %get3A_656 = arith.index_cast %get3A_655 : i32 to index
        %get3A_657 = arith.index_cast %mul3A_181 : i32 to index
        %get3A_658 = tpu.vector_load %arg9[%get3A_656, %get3A_657] {strides = array<i32>} : memref<104x256xf32, #tpu.memory_space<vmem>>, vector<1x16xf32>,
        %get3A_659 = vector.shape_cast %get3A_658 : vector<1x16xf32> to vector<16xf32>
        %add3A_660 = arith.addf %add3A_636, %get3A_659 : vector<16xf32>
        %get3A_661 = arith.constant 80 : i32
        %get3A_662 = arith.index_cast %get3A_661 : i32 to index
        %get3A_663 = arith.index_cast %mul3A_181 : i32 to index
        %get3A_664 = tpu.vector_load %arg9[%get3A_662, %get3A_663] {strides = array<i32>} : memref<104x256xf32, #tpu.memory_space<vmem>>, vector<1x16xf32>,
        %get3A_665 = vector.shape_cast %get3A_664 : vector<1x16xf32> to vector<16xf32>
        %add3A_666 = arith.addf %add3A_642, %get3A_665 : vector<16xf32>
        %get3A_667 = arith.constant 81 : i32
        %get3A_668 = arith.index_cast %get3A_667 : i32 to index
        %get3A_669 = arith.index_cast %mul3A_181 : i32 to index
        %get3A_670 = tpu.vector_load %arg9[%get3A_668, %get3A_669] {strides = array<i32>} : memref<104x256xf32, #tpu.memory_space<vmem>>, vector<1x16xf32>,
        %get3A_671 = vector.shape_cast %get3A_670 : vector<1x16xf32> to vector<16xf32>
        %add3A_672 = arith.addf %add3A_648, %get3A_671 : vector<16xf32>
        %get3A_673 = arith.constant 82 : i32
        %get3A_674 = arith.index_cast %get3A_673 : i32 to index
        %get3A_675 = arith.index_cast %mul3A_181 : i32 to index
        %get3A_676 = tpu.vector_load %arg9[%get3A_674, %get3A_675] {strides = array<i32>} : memref<104x256xf32, #tpu.memory_space<vmem>>, vector<1x16xf32>,
        %get3A_677 = vector.shape_cast %get3A_676 : vector<1x16xf32> to vector<16xf32>
        %add3A_678 = arith.addf %add3A_654, %get3A_677 : vector<16xf32>
        %get3A_679 = arith.constant 83 : i32
        %get3A_680 = arith.index_cast %get3A_679 : i32 to index
        %get3A_681 = arith.index_cast %mul3A_181 : i32 to index
        %get3A_682 = tpu.vector_load %arg9[%get3A_680, %get3A_681] {strides = array<i32>} : memref<104x256xf32, #tpu.memory_space<vmem>>, vector<1x16xf32>,
        %get3A_683 = vector.shape_cast %get3A_682 : vector<1x16xf32> to vector<16xf32>
        %add3A_684 = arith.addf %add3A_660, %get3A_683 : vector<16xf32>
        %get3A_685 = arith.constant 84 : i32
        %get3A_686 = arith.index_cast %get3A_685 : i32 to index
        %get3A_687 = arith.index_cast %mul3A_181 : i32 to index
        %get3A_688 = tpu.vector_load %arg9[%get3A_686, %get3A_687] {strides = array<i32>} : memref<104x256xf32, #tpu.memory_space<vmem>>, vector<1x16xf32>,
        %get3A_689 = vector.shape_cast %get3A_688 : vector<1x16xf32> to vector<16xf32>
        %add3A_690 = arith.addf %add3A_666, %get3A_689 : vector<16xf32>
        %get3A_691 = arith.constant 85 : i32
        %get3A_692 = arith.index_cast %get3A_691 : i32 to index
        %get3A_693 = arith.index_cast %mul3A_181 : i32 to index
        %get3A_694 = tpu.vector_load %arg9[%get3A_692, %get3A_693] {strides = array<i32>} : memref<104x256xf32, #tpu.memory_space<vmem>>, vector<1x16xf32>,
        %get3A_695 = vector.shape_cast %get3A_694 : vector<1x16xf32> to vector<16xf32>
        %add3A_696 = arith.addf %add3A_672, %get3A_695 : vector<16xf32>
        %get3A_697 = arith.constant 86 : i32
        %get3A_698 = arith.index_cast %get3A_697 : i32 to index
        %get3A_699 = arith.index_cast %mul3A_181 : i32 to index
        %get3A_700 = tpu.vector_load %arg9[%get3A_698, %get3A_699] {strides = array<i32>} : memref<104x256xf32, #tpu.memory_space<vmem>>, vector<1x16xf32>,
        %get3A_701 = vector.shape_cast %get3A_700 : vector<1x16xf32> to vector<16xf32>
        %add3A_702 = arith.addf %add3A_678, %get3A_701 : vector<16xf32>
        %get3A_703 = arith.constant 87 : i32
        %get3A_704 = arith.index_cast %get3A_703 : i32 to index
        %get3A_705 = arith.index_cast %mul3A_181 : i32 to index
        %get3A_706 = tpu.vector_load %arg9[%get3A_704, %get3A_705] {strides = array<i32>} : memref<104x256xf32, #tpu.memory_space<vmem>>, vector<1x16xf32>,
        %get3A_707 = vector.shape_cast %get3A_706 : vector<1x16xf32> to vector<16xf32>
        %add3A_708 = arith.addf %add3A_684, %get3A_707 : vector<16xf32>
        %get3A_709 = arith.constant 88 : i32
        %get3A_710 = arith.index_cast %get3A_709 : i32 to index
        %get3A_711 = arith.index_cast %mul3A_181 : i32 to index
        %get3A_712 = tpu.vector_load %arg9[%get3A_710, %get3A_711] {strides = array<i32>} : memref<104x256xf32, #tpu.memory_space<vmem>>, vector<1x16xf32>,
        %get3A_713 = vector.shape_cast %get3A_712 : vector<1x16xf32> to vector<16xf32>
        %add3A_714 = arith.addf %add3A_690, %get3A_713 : vector<16xf32>
        %get3A_715 = arith.constant 89 : i32
        %get3A_716 = arith.index_cast %get3A_715 : i32 to index
        %get3A_717 = arith.index_cast %mul3A_181 : i32 to index
        %get3A_718 = tpu.vector_load %arg9[%get3A_716, %get3A_717] {strides = array<i32>} : memref<104x256xf32, #tpu.memory_space<vmem>>, vector<1x16xf32>,
        %get3A_719 = vector.shape_cast %get3A_718 : vector<1x16xf32> to vector<16xf32>
        %add3A_720 = arith.addf %add3A_696, %get3A_719 : vector<16xf32>
        %get3A_721 = arith.constant 90 : i32
        %get3A_722 = arith.index_cast %get3A_721 : i32 to index
        %get3A_723 = arith.index_cast %mul3A_181 : i32 to index
        %get3A_724 = tpu.vector_load %arg9[%get3A_722, %get3A_723] {strides = array<i32>} : memref<104x256xf32, #tpu.memory_space<vmem>>, vector<1x16xf32>,
        %get3A_725 = vector.shape_cast %get3A_724 : vector<1x16xf32> to vector<16xf32>
        %add3A_726 = arith.addf %add3A_702, %get3A_725 : vector<16xf32>
        %get3A_727 = arith.constant 91 : i32
        %get3A_728 = arith.index_cast %get3A_727 : i32 to index
        %get3A_729 = arith.index_cast %mul3A_181 : i32 to index
        %get3A_730 = tpu.vector_load %arg9[%get3A_728, %get3A_729] {strides = array<i32>} : memref<104x256xf32, #tpu.memory_space<vmem>>, vector<1x16xf32>,
        %get3A_731 = vector.shape_cast %get3A_730 : vector<1x16xf32> to vector<16xf32>
        %add3A_732 = arith.addf %add3A_708, %get3A_731 : vector<16xf32>
        %get3A_733 = arith.constant 92 : i32
        %get3A_734 = arith.index_cast %get3A_733 : i32 to index
        %get3A_735 = arith.index_cast %mul3A_181 : i32 to index
        %get3A_736 = tpu.vector_load %arg9[%get3A_734, %get3A_735] {strides = array<i32>} : memref<104x256xf32, #tpu.memory_space<vmem>>, vector<1x16xf32>,
        %get3A_737 = vector.shape_cast %get3A_736 : vector<1x16xf32> to vector<16xf32>
        %add3A_738 = arith.addf %add3A_714, %get3A_737 : vector<16xf32>
        %get3A_739 = arith.constant 93 : i32
        %get3A_740 = arith.index_cast %get3A_739 : i32 to index
        %get3A_741 = arith.index_cast %mul3A_181 : i32 to index
        %get3A_742 = tpu.vector_load %arg9[%get3A_740, %get3A_741] {strides = array<i32>} : memref<104x256xf32, #tpu.memory_space<vmem>>, vector<1x16xf32>,
        %get3A_743 = vector.shape_cast %get3A_742 : vector<1x16xf32> to vector<16xf32>
        %add3A_744 = arith.addf %add3A_720, %get3A_743 : vector<16xf32>
        %get3A_745 = arith.constant 94 : i32
        %get3A_746 = arith.index_cast %get3A_745 : i32 to index
        %get3A_747 = arith.index_cast %mul3A_181 : i32 to index
        %get3A_748 = tpu.vector_load %arg9[%get3A_746, %get3A_747] {strides = array<i32>} : memref<104x256xf32, #tpu.memory_space<vmem>>, vector<1x16xf32>,
        %get3A_749 = vector.shape_cast %get3A_748 : vector<1x16xf32> to vector<16xf32>
        %add3A_750 = arith.addf %add3A_726, %get3A_749 : vector<16xf32>
        %get3A_751 = arith.constant 95 : i32
        %get3A_752 = arith.index_cast %get3A_751 : i32 to index
        %get3A_753 = arith.index_cast %mul3A_181 : i32 to index
        %get3A_754 = tpu.vector_load %arg9[%get3A_752, %get3A_753] {strides = array<i32>} : memref<104x256xf32, #tpu.memory_space<vmem>>, vector<1x16xf32>,
        %get3A_755 = vector.shape_cast %get3A_754 : vector<1x16xf32> to vector<16xf32>
        %add3A_756 = arith.addf %add3A_732, %get3A_755 : vector<16xf32>
        %get3A_757 = arith.constant 96 : i32
        %get3A_758 = arith.index_cast %get3A_757 : i32 to index
        %get3A_759 = arith.index_cast %mul3A_181 : i32 to index
        %get3A_760 = tpu.vector_load %arg9[%get3A_758, %get3A_759] {strides = array<i32>} : memref<104x256xf32, #tpu.memory_space<vmem>>, vector<1x16xf32>,
        %get3A_761 = vector.shape_cast %get3A_760 : vector<1x16xf32> to vector<16xf32>
        %add3A_762 = arith.addf %add3A_738, %get3A_761 : vector<16xf32>
        %get3A_763 = arith.constant 97 : i32
        %get3A_764 = arith.index_cast %get3A_763 : i32 to index
        %get3A_765 = arith.index_cast %mul3A_181 : i32 to index
        %get3A_766 = tpu.vector_load %arg9[%get3A_764, %get3A_765] {strides = array<i32>} : memref<104x256xf32, #tpu.memory_space<vmem>>, vector<1x16xf32>,
        %get3A_767 = vector.shape_cast %get3A_766 : vector<1x16xf32> to vector<16xf32>
        %add3A_768 = arith.addf %add3A_744, %get3A_767 : vector<16xf32>
        %get3A_769 = arith.constant 98 : i32
        %get3A_770 = arith.index_cast %get3A_769 : i32 to index
        %get3A_771 = arith.index_cast %mul3A_181 : i32 to index
        %get3A_772 = tpu.vector_load %arg9[%get3A_770, %get3A_771] {strides = array<i32>} : memref<104x256xf32, #tpu.memory_space<vmem>>, vector<1x16xf32>,
        %get3A_773 = vector.shape_cast %get3A_772 : vector<1x16xf32> to vector<16xf32>
        %add3A_774 = arith.addf %add3A_750, %get3A_773 : vector<16xf32>
        %get3A_775 = arith.constant 99 : i32
        %get3A_776 = arith.index_cast %get3A_775 : i32 to index
        %get3A_777 = arith.index_cast %mul3A_181 : i32 to index
        %get3A_778 = tpu.vector_load %arg9[%get3A_776, %get3A_777] {strides = array<i32>} : memref<104x256xf32, #tpu.memory_space<vmem>>, vector<1x16xf32>,
        %get3A_779 = vector.shape_cast %get3A_778 : vector<1x16xf32> to vector<16xf32>
        %add3A_780 = arith.addf %add3A_756, %get3A_779 : vector<16xf32>
        %add3A_781 = arith.addf %add3A_774, %add3A_780 : vector<16xf32>
        %add3A_782 = arith.addf %add3A_762, %add3A_768 : vector<16xf32>
        %add3A_783 = arith.addf %add3A_781, %add3A_782 : vector<16xf32>
        %swap3A_784 = arith.constant 7 : i32
        %swap3A_785 = arith.index_cast %swap3A_784 : i32 to index
        %swap3A_786 = arith.index_cast %mul3A_181 : i32 to index
        %swap3A_787 = tpu.vector_load %arg10[%swap3A_785, %swap3A_786] {strides = array<i32>} : memref<8x256xf32, #tpu.memory_space<vmem>>, vector<1x16xf32>,
        %swap3A_788 = vector.shape_cast %swap3A_787 : vector<1x16xf32> to vector<16xf32>
        %swap3A_789 = vector.shape_cast %add3A_783 : vector<16xf32> to vector<1x16xf32>
        tpu.vector_store %arg10[%swap3A_785, %swap3A_786], %swap3A_789 {strides = array<i32>} : memref<8x256xf32, #tpu.memory_space<vmem>>, vector<1x16xf32>,
      }
      %scan3A_175 = arith.constant 16 : i32
      %mul3A_176 = arith.constant 8 : i32
      %mul3A_177 = arith.muli %scan3A_31, %mul3A_176 : i32
      %add3A_178 = arith.addi %mul3A_2, %mul3A_177 : i32
      %multiple_of3A = tpu.assume_multiple %add3A_178, 8 : i32
      "tpu.region"() ({
        %run_scoped3A = tpu.sem_alloc : memref<!tpu.dma_semaphore, #tpu.memory_space<semaphore_mem>>
        %dma_start3A_179 = arith.constant 0 : i32
        %dma_start3A_180 = tpu.memref_slice %arg5[%multiple_of3A, %dma_start3A_179] : memref<16384x256xf32, #tpu.memory_space<hbm>> -> memref<8x256xf32, #tpu.memory_space<hbm>>
        %dma_start3A_181 = arith.constant 0 : i32
        %dma_start3A_182 = tpu.memref_slice %arg5[%multiple_of3A, %dma_start3A_181] : memref<16384x256xf32, #tpu.memory_space<hbm>> -> memref<8x256xf32, #tpu.memory_space<hbm>>
        tpu.enqueue_dma source(%arg10 : memref<8x256xf32, #tpu.memory_space<vmem>>) target(%dma_start3A_182 : memref<8x256xf32, #tpu.memory_space<hbm>>) target_semaphore(%run_scoped3A : memref<!tpu.dma_semaphore, #tpu.memory_space<semaphore_mem>>)
        %dma_wait3A_183 = arith.constant 0 : i32
        %dma_wait3A_184 = tpu.memref_slice %arg5[%multiple_of3A, %dma_wait3A_183] : memref<16384x256xf32, #tpu.memory_space<hbm>> -> memref<8x256xf32, #tpu.memory_space<hbm>>
        %dma_wait3A_185 = arith.constant 0 : i32
        %dma_wait3A_186 = tpu.memref_slice %arg5[%multiple_of3A, %dma_wait3A_185] : memref<16384x256xf32, #tpu.memory_space<hbm>> -> memref<8x256xf32, #tpu.memory_space<hbm>>
        tpu.wait_dma2 semaphore(%run_scoped3A : memref<!tpu.dma_semaphore, #tpu.memory_space<semaphore_mem>>) src(%arg10 : memref<8x256xf32, #tpu.memory_space<vmem>>) dst(%dma_wait3A_186 : memref<8x256xf32, #tpu.memory_space<hbm>>)
        tpu.yield
      }) : () -> ()
    }
    %scan3A_24 = arith.constant 64 : i32
    %scan3A_25 = arith.constant 0 : i32
    %scan3A_26 = arith.constant 0 : i32
    %scan3A_27 = arith.constant 4 : i32
    %scan3A_28 = arith.addi %scan3A_26, %scan3A_27 : i32
    %scan3A_29 = arith.constant 1 : i32
    scf.for %scan3A_31 = %scan3A_26 to %scan3A_28 step %scan3A_29  : i32 {
      %mul3A_32 = arith.constant 128 : i32
      %mul3A_33 = arith.muli %scan3A_31, %mul3A_32 : i32
      %add3A_34 = arith.addi %mul3A_2, %mul3A_33 : i32
      "tpu.region"() ({
        %run_scoped3A = tpu.sem_alloc : memref<!tpu.dma_semaphore, #tpu.memory_space<semaphore_mem>>
        %dma_start3A_40 = tpu.memref_slice %arg4[%add3A_34] : memref<16384xi32, #tpu.memory_space<hbm>> -> memref<128xi32, #tpu.memory_space<hbm>>
        %dma_start3A_41 = tpu.memref_slice %arg4[%add3A_34] : memref<16384xi32, #tpu.memory_space<hbm>> -> memref<128xi32, #tpu.memory_space<hbm>>
        tpu.enqueue_dma source(%dma_start3A_41 : memref<128xi32, #tpu.memory_space<hbm>>) target(%arg11 : memref<128xi32, #tpu.memory_space<vmem>>) target_semaphore(%run_scoped3A : memref<!tpu.dma_semaphore, #tpu.memory_space<semaphore_mem>>)
        %dma_wait3A_42 = tpu.memref_slice %arg4[%add3A_34] : memref<16384xi32, #tpu.memory_space<hbm>> -> memref<128xi32, #tpu.memory_space<hbm>>
        %dma_wait3A_43 = tpu.memref_slice %arg4[%add3A_34] : memref<16384xi32, #tpu.memory_space<hbm>> -> memref<128xi32, #tpu.memory_space<hbm>>
        tpu.wait_dma2 semaphore(%run_scoped3A : memref<!tpu.dma_semaphore, #tpu.memory_space<semaphore_mem>>) src(%dma_wait3A_43 : memref<128xi32, #tpu.memory_space<hbm>>) dst(%arg11 : memref<128xi32, #tpu.memory_space<vmem>>)
        tpu.yield
      }) : () -> ()
      %dma_start3A_35 = arith.constant 0 : i32
      %dma_start3A_36 = arith.constant 0 : i32
      %dma_start3A_37 = tpu.memref_slice %arg2[%dma_start3A_35, %dma_start3A_36] : memref<1000000x256xf32, #tpu.memory_space<hbm>> -> memref<1000000x256xf32, #tpu.memory_space<hbm>>
      tpu.enqueue_indirect_dma source(%dma_start3A_37 : memref<1000000x256xf32, #tpu.memory_space<hbm>>) target(%arg12 : memref<128x256xf32, #tpu.memory_space<vmem>>) offsets(%arg11 : memref<128xi32, #tpu.memory_space<vmem>>) semaphore(%arg13 : memref<!tpu.dma_semaphore, #tpu.memory_space<semaphore_mem>>)
      %dma_wait3A = arith.constant 0 : i32
      %dma_wait3A_38 = arith.constant 0 : i32
      %dma_wait3A_39 = tpu.memref_slice %arg2[%dma_wait3A, %dma_wait3A_38] : memref<1000000x256xf32, #tpu.memory_space<hbm>> -> memref<1000000x256xf32, #tpu.memory_space<hbm>>
      tpu.wait_indirect_dma semaphore(%arg13 : memref<!tpu.dma_semaphore, #tpu.memory_space<semaphore_mem>>) src(%dma_wait3A_39 : memref<1000000x256xf32, #tpu.memory_space<hbm>>) dst(%arg12 : memref<128x256xf32, #tpu.memory_space<vmem>>)
      "tpu.region"() ({
        %run_scoped3A = tpu.sem_alloc : memref<!tpu.dma_semaphore, #tpu.memory_space<semaphore_mem>>
        %dma_start3A_40 = arith.constant 0 : i32
        %dma_start3A_41 = tpu.memref_slice %arg6[%add3A_34, %dma_start3A_40] : memref<16384x256xf32, #tpu.memory_space<hbm>> -> memref<128x256xf32, #tpu.memory_space<hbm>>
        %dma_start3A_42 = arith.constant 0 : i32
        %dma_start3A_43 = tpu.memref_slice %arg6[%add3A_34, %dma_start3A_42] : memref<16384x256xf32, #tpu.memory_space<hbm>> -> memref<128x256xf32, #tpu.memory_space<hbm>>
        tpu.enqueue_dma source(%arg12 : memref<128x256xf32, #tpu.memory_space<vmem>>) target(%dma_start3A_43 : memref<128x256xf32, #tpu.memory_space<hbm>>) target_semaphore(%run_scoped3A : memref<!tpu.dma_semaphore, #tpu.memory_space<semaphore_mem>>)
        %dma_wait3A_44 = arith.constant 0 : i32
        %dma_wait3A_45 = tpu.memref_slice %arg6[%add3A_34, %dma_wait3A_44] : memref<16384x256xf32, #tpu.memory_space<hbm>> -> memref<128x256xf32, #tpu.memory_space<hbm>>
        %dma_wait3A_46 = arith.constant 0 : i32
        %dma_wait3A_47 = tpu.memref_slice %arg6[%add3A_34, %dma_wait3A_46] : memref<16384x256xf32, #tpu.memory_space<hbm>> -> memref<128x256xf32, #tpu.memory_space<hbm>>
        tpu.wait_dma2 semaphore(%run_scoped3A : memref<!tpu.dma_semaphore, #tpu.memory_space<semaphore_mem>>) src(%arg12 : memref<128x256xf32, #tpu.memory_space<vmem>>) dst(%dma_wait3A_47 : memref<128x256xf32, #tpu.memory_space<hbm>>)
        tpu.yield
      }) : () -> ()
    }
    %scan3A_30 = arith.constant 4 : i32
    return
  }
}

module attributes {stable_mosaic.version = 14 : i64} {
  func.func @_padT_body(%arg0: i32, %arg1: memref<200x4096xf32, #tpu.memory_space<vmem>>, %arg2: memref<200x256xf32, #tpu.memory_space<vmem>>, %arg3: memref<4096x256xf32, #tpu.memory_space<vmem>>) attributes {dimension_semantics = [#tpu.dimension_semantics<arbitrary>], iteration_bounds = array<i64: 245>, scalar_prefetch = 0 : i64, scratch_operands = 0 : i64, tpu.core_type = #tpu.core_type<tc>, window_params = [{transform_indices = @transform_0, window_bounds = array<i64: 200, 4096>}, {pipeline_mode = #tpu.pipeline_mode<synchronous>, transform_indices = @transform_1, window_bounds = array<i64: 200, 256>}, {transform_indices = @transform_2, window_bounds = array<i64: 4096, 256>}]} {
    %get3A = arith.constant 0 : index
    %get3A_0 = arith.constant 0 : index
    %get3A_1 = vector.load %arg1[%get3A, %get3A_0] : memref<200x4096xf32, #tpu.memory_space<vmem>>, vector<200x4096xf32>
    %get3A_2 = arith.constant 0 : index
    %get3A_3 = arith.constant 0 : index
    %get3A_4 = vector.load %arg2[%get3A_2, %get3A_3] : memref<200x256xf32, #tpu.memory_space<vmem>>, vector<200x256xf32>
    %dot_general3A = arith.constant dense<0.000000e+00> : vector<4096x256xf32>
    %dot_general3A_5 = tpu.matmul %get3A_1, %get3A_4, %dot_general3A {dimension_numbers = #tpu.dot_dimension_numbers<[0], [0], [1], [1], [0, 1, 1, 1], [], []>, transpose_lhs_hint = false} : vector<200x4096xf32>, vector<200x256xf32>, vector<4096x256xf32> -> vector<4096x256xf32>
    %swap3A = arith.constant 0 : index
    %swap3A_6 = arith.constant 0 : index
    %swap3A_7 = vector.load %arg3[%swap3A, %swap3A_6] : memref<4096x256xf32, #tpu.memory_space<vmem>>, vector<4096x256xf32>
    tpu.vector_store %arg3[%swap3A, %swap3A_6], %dot_general3A_5 {strides = array<i32>} : memref<4096x256xf32, #tpu.memory_space<vmem>>, vector<4096x256xf32>,
    return
  }
  func.func @transform_0(%arg0: i32) -> (i32, i32) {
    %c0_i32 = arith.constant 0 : i32
    %c0_i32_0 = arith.constant 0 : i32
    return %c0_i32, %arg0 : i32, i32
  }
  func.func @transform_1(%arg0: i32) -> (i32, i32) {
    %c0_i32 = arith.constant 0 : i32
    %c0_i32_0 = arith.constant 0 : i32
    %c0_i32_1 = arith.constant 0 : i32
    return %c0_i32, %c0_i32_0 : i32, i32
  }
  func.func @transform_2(%arg0: i32) -> (i32, i32) {
    %c0_i32 = arith.constant 0 : i32
    %c0_i32_0 = arith.constant 0 : i32
    return %arg0, %c0_i32 : i32, i32
  }
}

module attributes {stable_mosaic.version = 14 : i64} {
  func.func @_k1_body(%arg0: i32, %arg1: memref<2048x256xf32, #tpu.memory_space<vmem>>, %arg2: memref<2048x256xf32, #tpu.memory_space<vmem>>, %arg3: memref<256x256xf32, #tpu.memory_space<vmem>>, %arg4: memref<256x256xf32, #tpu.memory_space<vmem>>, %arg5: memref<256xf32, #tpu.memory_space<vmem>>, %arg6: memref<2048x256xf32, #tpu.memory_space<vmem>>, %arg7: memref<2x256xf32, #tpu.memory_space<vmem>>) attributes {dimension_semantics = [#tpu.dimension_semantics<arbitrary>], iteration_bounds = array<i64: 8>, scalar_prefetch = 0 : i64, scratch_operands = 0 : i64, tpu.core_type = #tpu.core_type<tc>, window_params = [{transform_indices = @transform_0, window_bounds = array<i64: 2048, 256>}, {transform_indices = @transform_1, window_bounds = array<i64: 2048, 256>}, {pipeline_mode = #tpu.pipeline_mode<synchronous>, transform_indices = @transform_2, window_bounds = array<i64: 256, 256>}, {pipeline_mode = #tpu.pipeline_mode<synchronous>, transform_indices = @transform_3, window_bounds = array<i64: 256, 256>}, {pipeline_mode = #tpu.pipeline_mode<synchronous>, transform_indices = @transform_4, window_bounds = array<i64: 256>}, {transform_indices = @transform_5, window_bounds = array<i64: 2048, 256>}, {pipeline_mode = #tpu.pipeline_mode<synchronous>, transform_indices = @transform_6, window_bounds = array<i64: 2, 256>}]} {
    %get3A = arith.constant 0 : index
    %get3A_0 = arith.constant 0 : index
    %get3A_1 = vector.load %arg1[%get3A, %get3A_0] : memref<2048x256xf32, #tpu.memory_space<vmem>>, vector<2048x256xf32>
    %mul3A = arith.constant 2.000000e-02 : f32
    %mul3A_2 = vector.broadcast %mul3A : f32 to vector<2048x256xf32>
    %mul3A_3 = arith.mulf %get3A_1, %mul3A_2 : vector<2048x256xf32>
    %get3A_4 = arith.constant 0 : index
    %get3A_5 = arith.constant 0 : index
    %get3A_6 = vector.load %arg3[%get3A_4, %get3A_5] : memref<256x256xf32, #tpu.memory_space<vmem>>, vector<256x256xf32>
    %dot_general3A = arith.constant dense<0.000000e+00> : vector<2048x256xf32>
    %dot_general3A_7 = tpu.matmul %mul3A_3, %get3A_6, %dot_general3A {dimension_numbers = #tpu.dot_dimension_numbers<[1], [0], [0], [1], [0, 0, 1, 1], [], []>, transpose_lhs_hint = false} : vector<2048x256xf32>, vector<256x256xf32>, vector<2048x256xf32> -> vector<2048x256xf32>
    %get3A_8 = arith.constant 0 : index
    %get3A_9 = arith.constant 0 : index
    %get3A_10 = vector.load %arg2[%get3A_8, %get3A_9] : memref<2048x256xf32, #tpu.memory_space<vmem>>, vector<2048x256xf32>
    %get3A_11 = arith.constant 0 : index
    %get3A_12 = arith.constant 0 : index
    %get3A_13 = vector.load %arg4[%get3A_11, %get3A_12] : memref<256x256xf32, #tpu.memory_space<vmem>>, vector<256x256xf32>
    %dot_general3A_14 = arith.constant dense<0.000000e+00> : vector<2048x256xf32>
    %dot_general3A_15 = tpu.matmul %get3A_10, %get3A_13, %dot_general3A_14 {dimension_numbers = #tpu.dot_dimension_numbers<[1], [0], [0], [1], [0, 0, 1, 1], [], []>, transpose_lhs_hint = false} : vector<2048x256xf32>, vector<256x256xf32>, vector<2048x256xf32> -> vector<2048x256xf32>
    %add3A = arith.addf %dot_general3A_7, %dot_general3A_15 : vector<2048x256xf32>
    %get3A_16 = arith.constant 0 : index
    %get3A_17 = vector.load %arg5[%get3A_16] : memref<256xf32, #tpu.memory_space<vmem>>, vector<256xf32>
    %broadcast_in_dim3A = vector.shape_cast %get3A_17 : vector<256xf32> to vector<1x256xf32>
    %add3A_18 = vector.broadcast %broadcast_in_dim3A : vector<1x256xf32> to vector<2048x256xf32>
    %add3A_19 = arith.addf %add3A, %add3A_18 : vector<2048x256xf32>
    %max3A = arith.constant 0.000000e+00 : f32
    %max3A_20 = vector.broadcast %max3A : f32 to vector<2048x256xf32>
    %max3A_21 = arith.maximumf %add3A_19, %max3A_20 : vector<2048x256xf32>
    %swap3A = arith.constant 0 : index
    %swap3A_22 = arith.constant 0 : index
    %swap3A_23 = vector.load %arg6[%swap3A, %swap3A_22] : memref<2048x256xf32, #tpu.memory_space<vmem>>, vector<2048x256xf32>
    tpu.vector_store %arg6[%swap3A, %swap3A_22], %max3A_21 {strides = array<i32>} : memref<2048x256xf32, #tpu.memory_space<vmem>>, vector<2048x256xf32>,
    %eq3A = arith.constant 0 : i32
    %eq3A_24 = arith.cmpi eq, %arg0, %eq3A : i32
    %convert_element_type3A = arith.extui %eq3A_24 : i1 to i32
    %cond3A = arith.constant 0 : i32
    %cond3A_25 = arith.cmpi ne, %convert_element_type3A, %cond3A : i32
    scf.if %cond3A_25 {
      %broadcast_in_dim3A_39 = arith.constant 0.000000e+00 : f32
      %broadcast_in_dim3A_40 = vector.broadcast %broadcast_in_dim3A_39 : f32 to vector<2x256xf32>
      %swap3A_41 = arith.constant 0 : index
      %swap3A_42 = arith.constant 0 : index
      %swap3A_43 = vector.load %arg7[%swap3A_41, %swap3A_42] : memref<2x256xf32, #tpu.memory_space<vmem>>, vector<2x256xf32>
      tpu.vector_store %arg7[%swap3A_41, %swap3A_42], %broadcast_in_dim3A_40 {strides = array<i32>} : memref<2x256xf32, #tpu.memory_space<vmem>>, vector<2x256xf32>,
    } else {
    }
    %reduce_sum3A = arith.constant dense<0.000000e+00> : vector<256xf32>
    %reduce_sum3A_26 = vector.multi_reduction <add>, %max3A_21, %reduce_sum3A [0] : vector<2048x256xf32> to vector<256xf32>
    %broadcast_in_dim3A_27 = vector.shape_cast %reduce_sum3A_26 : vector<256xf32> to vector<1x256xf32>
    %mul3A_28 = arith.mulf %max3A_21, %max3A_21 : vector<2048x256xf32>
    %reduce_sum3A_29 = arith.constant dense<0.000000e+00> : vector<256xf32>
    %reduce_sum3A_30 = vector.multi_reduction <add>, %mul3A_28, %reduce_sum3A_29 [0] : vector<2048x256xf32> to vector<256xf32>
    %broadcast_in_dim3A_31 = vector.shape_cast %reduce_sum3A_30 : vector<256xf32> to vector<1x256xf32>
    %concatenate3A = tpu.concatenate %broadcast_in_dim3A_27, %broadcast_in_dim3A_31 in 0 : vector<1x256xf32>, vector<1x256xf32> -> vector<2x256xf32>
    %get3A_32 = arith.constant 0 : index
    %get3A_33 = arith.constant 0 : index
    %get3A_34 = vector.load %arg7[%get3A_32, %get3A_33] : memref<2x256xf32, #tpu.memory_space<vmem>>, vector<2x256xf32>
    %add3A_35 = arith.addf %get3A_34, %concatenate3A : vector<2x256xf32>
    %swap3A_36 = arith.constant 0 : index
    %swap3A_37 = arith.constant 0 : index
    %swap3A_38 = vector.load %arg7[%swap3A_36, %swap3A_37] : memref<2x256xf32, #tpu.memory_space<vmem>>, vector<2x256xf32>
    tpu.vector_store %arg7[%swap3A_36, %swap3A_37], %add3A_35 {strides = array<i32>} : memref<2x256xf32, #tpu.memory_space<vmem>>, vector<2x256xf32>,
    return
  }
  func.func @transform_0(%arg0: i32) -> (i32, i32) {
    %c0_i32 = arith.constant 0 : i32
    %c0_i32_0 = arith.constant 0 : i32
    return %arg0, %c0_i32 : i32, i32
  }
  func.func @transform_1(%arg0: i32) -> (i32, i32) {
    %c0_i32 = arith.constant 0 : i32
    %c0_i32_0 = arith.constant 0 : i32
    return %arg0, %c0_i32 : i32, i32
  }
  func.func @transform_2(%arg0: i32) -> (i32, i32) {
    %c0_i32 = arith.constant 0 : i32
    %c0_i32_0 = arith.constant 0 : i32
    %c0_i32_1 = arith.constant 0 : i32
    return %c0_i32, %c0_i32_0 : i32, i32
  }
  func.func @transform_3(%arg0: i32) -> (i32, i32) {
    %c0_i32 = arith.constant 0 : i32
    %c0_i32_0 = arith.constant 0 : i32
    %c0_i32_1 = arith.constant 0 : i32
    return %c0_i32, %c0_i32_0 : i32, i32
  }
  func.func @transform_4(%arg0: i32) -> i32 {
    %c0_i32 = arith.constant 0 : i32
    %c0_i32_0 = arith.constant 0 : i32
    return %c0_i32 : i32
  }
  func.func @transform_5(%arg0: i32) -> (i32, i32) {
    %c0_i32 = arith.constant 0 : i32
    %c0_i32_0 = arith.constant 0 : i32
    return %arg0, %c0_i32 : i32, i32
  }
  func.func @transform_6(%arg0: i32) -> (i32, i32) {
    %c0_i32 = arith.constant 0 : i32
    %c0_i32_0 = arith.constant 0 : i32
    %c0_i32_1 = arith.constant 0 : i32
    return %c0_i32, %c0_i32_0 : i32, i32
  }
}

module attributes {stable_mosaic.version = 14 : i64} {
  func.func @_k2_body(%arg0: i32, %arg1: memref<2048x256xf32, #tpu.memory_space<vmem>>, %arg2: memref<2x256xf32, #tpu.memory_space<vmem>>, %arg3: memref<256xf32, #tpu.memory_space<vmem>>, %arg4: memref<256xf32, #tpu.memory_space<vmem>>, %arg5: memref<256x256xf32, #tpu.memory_space<vmem>>, %arg6: memref<256xf32, #tpu.memory_space<vmem>>, %arg7: memref<2048x256xf32, #tpu.memory_space<vmem>>, %arg8: memref<2x256xf32, #tpu.memory_space<vmem>>) attributes {dimension_semantics = [#tpu.dimension_semantics<arbitrary>], iteration_bounds = array<i64: 8>, scalar_prefetch = 0 : i64, scratch_operands = 0 : i64, tpu.core_type = #tpu.core_type<tc>, window_params = [{transform_indices = @transform_0, window_bounds = array<i64: 2048, 256>}, {pipeline_mode = #tpu.pipeline_mode<synchronous>, transform_indices = @transform_1, window_bounds = array<i64: 2, 256>}, {pipeline_mode = #tpu.pipeline_mode<synchronous>, transform_indices = @transform_2, window_bounds = array<i64: 256>}, {pipeline_mode = #tpu.pipeline_mode<synchronous>, transform_indices = @transform_3, window_bounds = array<i64: 256>}, {pipeline_mode = #tpu.pipeline_mode<synchronous>, transform_indices = @transform_4, window_bounds = array<i64: 256, 256>}, {pipeline_mode = #tpu.pipeline_mode<synchronous>, transform_indices = @transform_5, window_bounds = array<i64: 256>}, {transform_indices = @transform_6, window_bounds = array<i64: 2048, 256>}, {pipeline_mode = #tpu.pipeline_mode<synchronous>, transform_indices = @transform_7, window_bounds = array<i64: 2, 256>}]} {
    %get3A = arith.constant 0 : index
    %get3A_0 = arith.constant 0 : index
    %get3A_1 = vector.load %arg1[%get3A, %get3A_0] : memref<2048x256xf32, #tpu.memory_space<vmem>>, vector<2048x256xf32>
    %get3A_2 = arith.constant 0 : index
    %get3A_3 = arith.constant 0 : index
    %get3A_4 = vector.load %arg2[%get3A_2, %get3A_3] : memref<2x256xf32, #tpu.memory_space<vmem>>, vector<2x256xf32>
    %get3A_5 = arith.constant 0 : index
    %get3A_6 = vector.load %arg3[%get3A_5] : memref<256xf32, #tpu.memory_space<vmem>>, vector<256xf32>
    %get3A_7 = arith.constant 0 : index
    %get3A_8 = vector.load %arg4[%get3A_7] : memref<256xf32, #tpu.memory_space<vmem>>, vector<256xf32>
    %slice3A = vector.extract_strided_slice %get3A_4 {offsets = [0, 0], sizes = [1, 256], strides = [1, 1]} : vector<2x256xf32> to vector<1x256xf32>
    %mul3A = arith.constant 6.10351563E-5 : f32
    %mul3A_9 = vector.broadcast %mul3A : f32 to vector<1x256xf32>
    %mul3A_10 = arith.mulf %slice3A, %mul3A_9 : vector<1x256xf32>
    %slice3A_11 = vector.extract_strided_slice %get3A_4 {offsets = [1, 0], sizes = [1, 256], strides = [1, 1]} : vector<2x256xf32> to vector<1x256xf32>
    %mul3A_12 = arith.constant 6.10351563E-5 : f32
    %mul3A_13 = vector.broadcast %mul3A_12 : f32 to vector<1x256xf32>
    %mul3A_14 = arith.mulf %slice3A_11, %mul3A_13 : vector<1x256xf32>
    %mul3A_15 = arith.mulf %mul3A_10, %mul3A_10 : vector<1x256xf32>
    %sub3A = arith.subf %mul3A_14, %mul3A_15 : vector<1x256xf32>
    %sub3A_16 = vector.broadcast %mul3A_10 : vector<1x256xf32> to vector<2048x256xf32>
    %sub3A_17 = arith.subf %get3A_1, %sub3A_16 : vector<2048x256xf32>
    %add3A = arith.constant 9.99999974E-6 : f32
    %add3A_18 = vector.broadcast %add3A : f32 to vector<1x256xf32>
    %add3A_19 = arith.addf %sub3A, %add3A_18 : vector<1x256xf32>
    %rsqrt3A = math.rsqrt %add3A_19 : vector<1x256xf32>
    %mul3A_20 = vector.broadcast %rsqrt3A : vector<1x256xf32> to vector<2048x256xf32>
    %mul3A_21 = arith.mulf %sub3A_17, %mul3A_20 : vector<2048x256xf32>
    %broadcast_in_dim3A = vector.shape_cast %get3A_6 : vector<256xf32> to vector<1x256xf32>
    %mul3A_22 = vector.broadcast %broadcast_in_dim3A : vector<1x256xf32> to vector<2048x256xf32>
    %mul3A_23 = arith.mulf %mul3A_21, %mul3A_22 : vector<2048x256xf32>
    %broadcast_in_dim3A_24 = vector.shape_cast %get3A_8 : vector<256xf32> to vector<1x256xf32>
    %add3A_25 = vector.broadcast %broadcast_in_dim3A_24 : vector<1x256xf32> to vector<2048x256xf32>
    %add3A_26 = arith.addf %mul3A_23, %add3A_25 : vector<2048x256xf32>
    %get3A_27 = arith.constant 0 : index
    %get3A_28 = arith.constant 0 : index
    %get3A_29 = vector.load %arg5[%get3A_27, %get3A_28] : memref<256x256xf32, #tpu.memory_space<vmem>>, vector<256x256xf32>
    %dot_general3A = arith.constant dense<0.000000e+00> : vector<2048x256xf32>
    %dot_general3A_30 = tpu.matmul %add3A_26, %get3A_29, %dot_general3A {dimension_numbers = #tpu.dot_dimension_numbers<[1], [0], [0], [1], [0, 0, 1, 1], [], []>, transpose_lhs_hint = false} : vector<2048x256xf32>, vector<256x256xf32>, vector<2048x256xf32> -> vector<2048x256xf32>
    %get3A_31 = arith.constant 0 : index
    %get3A_32 = vector.load %arg6[%get3A_31] : memref<256xf32, #tpu.memory_space<vmem>>, vector<256xf32>
    %broadcast_in_dim3A_33 = vector.shape_cast %get3A_32 : vector<256xf32> to vector<1x256xf32>
    %add3A_34 = vector.broadcast %broadcast_in_dim3A_33 : vector<1x256xf32> to vector<2048x256xf32>
    %add3A_35 = arith.addf %dot_general3A_30, %add3A_34 : vector<2048x256xf32>
    %max3A = arith.constant 0.000000e+00 : f32
    %max3A_36 = vector.broadcast %max3A : f32 to vector<2048x256xf32>
    %max3A_37 = arith.maximumf %add3A_35, %max3A_36 : vector<2048x256xf32>
    %swap3A = arith.constant 0 : index
    %swap3A_38 = arith.constant 0 : index
    %swap3A_39 = vector.load %arg7[%swap3A, %swap3A_38] : memref<2048x256xf32, #tpu.memory_space<vmem>>, vector<2048x256xf32>
    tpu.vector_store %arg7[%swap3A, %swap3A_38], %max3A_37 {strides = array<i32>} : memref<2048x256xf32, #tpu.memory_space<vmem>>, vector<2048x256xf32>,
    %eq3A = arith.constant 0 : i32
    %eq3A_40 = arith.cmpi eq, %arg0, %eq3A : i32
    %convert_element_type3A = arith.extui %eq3A_40 : i1 to i32
    %cond3A = arith.constant 0 : i32
    %cond3A_41 = arith.cmpi ne, %convert_element_type3A, %cond3A : i32
    scf.if %cond3A_41 {
      %broadcast_in_dim3A_55 = arith.constant 0.000000e+00 : f32
      %broadcast_in_dim3A_56 = vector.broadcast %broadcast_in_dim3A_55 : f32 to vector<2x256xf32>
      %swap3A_57 = arith.constant 0 : index
      %swap3A_58 = arith.constant 0 : index
      %swap3A_59 = vector.load %arg8[%swap3A_57, %swap3A_58] : memref<2x256xf32, #tpu.memory_space<vmem>>, vector<2x256xf32>
      tpu.vector_store %arg8[%swap3A_57, %swap3A_58], %broadcast_in_dim3A_56 {strides = array<i32>} : memref<2x256xf32, #tpu.memory_space<vmem>>, vector<2x256xf32>,
    } else {
    }
    %reduce_sum3A = arith.constant dense<0.000000e+00> : vector<256xf32>
    %reduce_sum3A_42 = vector.multi_reduction <add>, %max3A_37, %reduce_sum3A [0] : vector<2048x256xf32> to vector<256xf32>
    %broadcast_in_dim3A_43 = vector.shape_cast %reduce_sum3A_42 : vector<256xf32> to vector<1x256xf32>
    %mul3A_44 = arith.mulf %max3A_37, %max3A_37 : vector<2048x256xf32>
    %reduce_sum3A_45 = arith.constant dense<0.000000e+00> : vector<256xf32>
    %reduce_sum3A_46 = vector.multi_reduction <add>, %mul3A_44, %reduce_sum3A_45 [0] : vector<2048x256xf32> to vector<256xf32>
    %broadcast_in_dim3A_47 = vector.shape_cast %reduce_sum3A_46 : vector<256xf32> to vector<1x256xf32>
    %concatenate3A = tpu.concatenate %broadcast_in_dim3A_43, %broadcast_in_dim3A_47 in 0 : vector<1x256xf32>, vector<1x256xf32> -> vector<2x256xf32>
    %get3A_48 = arith.constant 0 : index
    %get3A_49 = arith.constant 0 : index
    %get3A_50 = vector.load %arg8[%get3A_48, %get3A_49] : memref<2x256xf32, #tpu.memory_space<vmem>>, vector<2x256xf32>
    %add3A_51 = arith.addf %get3A_50, %concatenate3A : vector<2x256xf32>
    %swap3A_52 = arith.constant 0 : index
    %swap3A_53 = arith.constant 0 : index
    %swap3A_54 = vector.load %arg8[%swap3A_52, %swap3A_53] : memref<2x256xf32, #tpu.memory_space<vmem>>, vector<2x256xf32>
    tpu.vector_store %arg8[%swap3A_52, %swap3A_53], %add3A_51 {strides = array<i32>} : memref<2x256xf32, #tpu.memory_space<vmem>>, vector<2x256xf32>,
    return
  }
  func.func @transform_0(%arg0: i32) -> (i32, i32) {
    %c0_i32 = arith.constant 0 : i32
    %c0_i32_0 = arith.constant 0 : i32
    return %arg0, %c0_i32 : i32, i32
  }
  func.func @transform_1(%arg0: i32) -> (i32, i32) {
    %c0_i32 = arith.constant 0 : i32
    %c0_i32_0 = arith.constant 0 : i32
    %c0_i32_1 = arith.constant 0 : i32
    return %c0_i32, %c0_i32_0 : i32, i32
  }
  func.func @transform_2(%arg0: i32) -> i32 {
    %c0_i32 = arith.constant 0 : i32
    %c0_i32_0 = arith.constant 0 : i32
    return %c0_i32 : i32
  }
  func.func @transform_3(%arg0: i32) -> i32 {
    %c0_i32 = arith.constant 0 : i32
    %c0_i32_0 = arith.constant 0 : i32
    return %c0_i32 : i32
  }
  func.func @transform_4(%arg0: i32) -> (i32, i32) {
    %c0_i32 = arith.constant 0 : i32
    %c0_i32_0 = arith.constant 0 : i32
    %c0_i32_1 = arith.constant 0 : i32
    return %c0_i32, %c0_i32_0 : i32, i32
  }
  func.func @transform_5(%arg0: i32) -> i32 {
    %c0_i32 = arith.constant 0 : i32
    %c0_i32_0 = arith.constant 0 : i32
    return %c0_i32 : i32
  }
  func.func @transform_6(%arg0: i32) -> (i32, i32) {
    %c0_i32 = arith.constant 0 : i32
    %c0_i32_0 = arith.constant 0 : i32
    return %arg0, %c0_i32 : i32, i32
  }
  func.func @transform_7(%arg0: i32) -> (i32, i32) {
    %c0_i32 = arith.constant 0 : i32
    %c0_i32_0 = arith.constant 0 : i32
    %c0_i32_1 = arith.constant 0 : i32
    return %c0_i32, %c0_i32_0 : i32, i32
  }
}

module attributes {stable_mosaic.version = 14 : i64} {
  func.func @_k3_body(%arg0: i32, %arg1: memref<2048x256xf32, #tpu.memory_space<vmem>>, %arg2: memref<2x256xf32, #tpu.memory_space<vmem>>, %arg3: memref<256xf32, #tpu.memory_space<vmem>>, %arg4: memref<256xf32, #tpu.memory_space<vmem>>, %arg5: memref<256x256xf32, #tpu.memory_space<vmem>>, %arg6: memref<256xf32, #tpu.memory_space<vmem>>, %arg7: memref<256x1xf32, #tpu.memory_space<vmem>>, %arg8: memref<1xf32, #tpu.memory_space<vmem>>, %arg9: memref<2048xf32, #tpu.memory_space<vmem>>) attributes {dimension_semantics = [#tpu.dimension_semantics<arbitrary>], iteration_bounds = array<i64: 8>, scalar_prefetch = 0 : i64, scratch_operands = 0 : i64, tpu.core_type = #tpu.core_type<tc>, window_params = [{transform_indices = @transform_0, window_bounds = array<i64: 2048, 256>}, {pipeline_mode = #tpu.pipeline_mode<synchronous>, transform_indices = @transform_1, window_bounds = array<i64: 2, 256>}, {pipeline_mode = #tpu.pipeline_mode<synchronous>, transform_indices = @transform_2, window_bounds = array<i64: 256>}, {pipeline_mode = #tpu.pipeline_mode<synchronous>, transform_indices = @transform_3, window_bounds = array<i64: 256>}, {pipeline_mode = #tpu.pipeline_mode<synchronous>, transform_indices = @transform_4, window_bounds = array<i64: 256, 256>}, {pipeline_mode = #tpu.pipeline_mode<synchronous>, transform_indices = @transform_5, window_bounds = array<i64: 256>}, {pipeline_mode = #tpu.pipeline_mode<synchronous>, transform_indices = @transform_6, window_bounds = array<i64: 256, 1>}, {pipeline_mode = #tpu.pipeline_mode<synchronous>, transform_indices = @transform_7, window_bounds = array<i64: 1>}, {transform_indices = @transform_8, window_bounds = array<i64: 2048>}]} {
    %get3A = arith.constant 0 : index
    %get3A_0 = arith.constant 0 : index
    %get3A_1 = vector.load %arg1[%get3A, %get3A_0] : memref<2048x256xf32, #tpu.memory_space<vmem>>, vector<2048x256xf32>
    %get3A_2 = arith.constant 0 : index
    %get3A_3 = arith.constant 0 : index
    %get3A_4 = vector.load %arg2[%get3A_2, %get3A_3] : memref<2x256xf32, #tpu.memory_space<vmem>>, vector<2x256xf32>
    %get3A_5 = arith.constant 0 : index
    %get3A_6 = vector.load %arg3[%get3A_5] : memref<256xf32, #tpu.memory_space<vmem>>, vector<256xf32>
    %get3A_7 = arith.constant 0 : index
    %get3A_8 = vector.load %arg4[%get3A_7] : memref<256xf32, #tpu.memory_space<vmem>>, vector<256xf32>
    %slice3A = vector.extract_strided_slice %get3A_4 {offsets = [0, 0], sizes = [1, 256], strides = [1, 1]} : vector<2x256xf32> to vector<1x256xf32>
    %mul3A = arith.constant 6.10351563E-5 : f32
    %mul3A_9 = vector.broadcast %mul3A : f32 to vector<1x256xf32>
    %mul3A_10 = arith.mulf %slice3A, %mul3A_9 : vector<1x256xf32>
    %slice3A_11 = vector.extract_strided_slice %get3A_4 {offsets = [1, 0], sizes = [1, 256], strides = [1, 1]} : vector<2x256xf32> to vector<1x256xf32>
    %mul3A_12 = arith.constant 6.10351563E-5 : f32
    %mul3A_13 = vector.broadcast %mul3A_12 : f32 to vector<1x256xf32>
    %mul3A_14 = arith.mulf %slice3A_11, %mul3A_13 : vector<1x256xf32>
    %mul3A_15 = arith.mulf %mul3A_10, %mul3A_10 : vector<1x256xf32>
    %sub3A = arith.subf %mul3A_14, %mul3A_15 : vector<1x256xf32>
    %sub3A_16 = vector.broadcast %mul3A_10 : vector<1x256xf32> to vector<2048x256xf32>
    %sub3A_17 = arith.subf %get3A_1, %sub3A_16 : vector<2048x256xf32>
    %add3A = arith.constant 9.99999974E-6 : f32
    %add3A_18 = vector.broadcast %add3A : f32 to vector<1x256xf32>
    %add3A_19 = arith.addf %sub3A, %add3A_18 : vector<1x256xf32>
    %rsqrt3A = math.rsqrt %add3A_19 : vector<1x256xf32>
    %mul3A_20 = vector.broadcast %rsqrt3A : vector<1x256xf32> to vector<2048x256xf32>
    %mul3A_21 = arith.mulf %sub3A_17, %mul3A_20 : vector<2048x256xf32>
    %broadcast_in_dim3A = vector.shape_cast %get3A_6 : vector<256xf32> to vector<1x256xf32>
    %mul3A_22 = vector.broadcast %broadcast_in_dim3A : vector<1x256xf32> to vector<2048x256xf32>
    %mul3A_23 = arith.mulf %mul3A_21, %mul3A_22 : vector<2048x256xf32>
    %broadcast_in_dim3A_24 = vector.shape_cast %get3A_8 : vector<256xf32> to vector<1x256xf32>
    %add3A_25 = vector.broadcast %broadcast_in_dim3A_24 : vector<1x256xf32> to vector<2048x256xf32>
    %add3A_26 = arith.addf %mul3A_23, %add3A_25 : vector<2048x256xf32>
    %get3A_27 = arith.constant 0 : index
    %get3A_28 = arith.constant 0 : index
    %get3A_29 = vector.load %arg5[%get3A_27, %get3A_28] : memref<256x256xf32, #tpu.memory_space<vmem>>, vector<256x256xf32>
    %dot_general3A = arith.constant dense<0.000000e+00> : vector<2048x256xf32>
    %dot_general3A_30 = tpu.matmul %add3A_26, %get3A_29, %dot_general3A {dimension_numbers = #tpu.dot_dimension_numbers<[1], [0], [0], [1], [0, 0, 1, 1], [], []>, transpose_lhs_hint = false} : vector<2048x256xf32>, vector<256x256xf32>, vector<2048x256xf32> -> vector<2048x256xf32>
    %get3A_31 = arith.constant 0 : index
    %get3A_32 = vector.load %arg6[%get3A_31] : memref<256xf32, #tpu.memory_space<vmem>>, vector<256xf32>
    %broadcast_in_dim3A_33 = vector.shape_cast %get3A_32 : vector<256xf32> to vector<1x256xf32>
    %add3A_34 = vector.broadcast %broadcast_in_dim3A_33 : vector<1x256xf32> to vector<2048x256xf32>
    %add3A_35 = arith.addf %dot_general3A_30, %add3A_34 : vector<2048x256xf32>
    %max3A = arith.constant 0.000000e+00 : f32
    %max3A_36 = vector.broadcast %max3A : f32 to vector<2048x256xf32>
    %max3A_37 = arith.maximumf %add3A_35, %max3A_36 : vector<2048x256xf32>
    %get3A_38 = arith.constant 0 : index
    %get3A_39 = arith.constant 0 : index
    %get3A_40 = vector.load %arg7[%get3A_38, %get3A_39] : memref<256x1xf32, #tpu.memory_space<vmem>>, vector<256x1xf32>
    %dot_general3A_41 = arith.constant dense<0.000000e+00> : vector<2048x1xf32>
    %dot_general3A_42 = tpu.matmul %max3A_37, %get3A_40, %dot_general3A_41 {dimension_numbers = #tpu.dot_dimension_numbers<[1], [0], [0], [1], [0, 0, 1, 1], [], []>, transpose_lhs_hint = false} : vector<2048x256xf32>, vector<256x1xf32>, vector<2048x1xf32> -> vector<2048x1xf32>
    %get3A_43 = arith.constant 0 : index
    %get3A_44 = vector.load %arg8[%get3A_43] : memref<1xf32, #tpu.memory_space<vmem>>, vector<1xf32>
    %broadcast_in_dim3A_45 = vector.shape_cast %get3A_44 : vector<1xf32> to vector<1x1xf32>
    %add3A_46 = vector.broadcast %broadcast_in_dim3A_45 : vector<1x1xf32> to vector<2048x1xf32>
    %add3A_47 = arith.addf %dot_general3A_42, %add3A_46 : vector<2048x1xf32>
    %squeeze3A = vector.shape_cast %add3A_47 : vector<2048x1xf32> to vector<2048xf32>
    %logistic3A = arith.negf %squeeze3A : vector<2048xf32>
    %logistic3A_48 = math.exp %logistic3A : vector<2048xf32>
    %logistic3A_49 = arith.constant 1.000000e+00 : f32
    %logistic3A_50 = vector.broadcast %logistic3A_49 : f32 to vector<2048xf32>
    %logistic3A_51 = arith.addf %logistic3A_50, %logistic3A_48 : vector<2048xf32>
    %logistic3A_52 = arith.divf %logistic3A_50, %logistic3A_51 : vector<2048xf32>
    %swap3A = arith.constant 0 : index
    %swap3A_53 = vector.load %arg9[%swap3A] : memref<2048xf32, #tpu.memory_space<vmem>>, vector<2048xf32>
    tpu.vector_store %arg9[%swap3A], %logistic3A_52 {strides = array<i32>} : memref<2048xf32, #tpu.memory_space<vmem>>, vector<2048xf32>,
    return
  }
  func.func @transform_0(%arg0: i32) -> (i32, i32) {
    %c0_i32 = arith.constant 0 : i32
    %c0_i32_0 = arith.constant 0 : i32
    return %arg0, %c0_i32 : i32, i32
  }
  func.func @transform_1(%arg0: i32) -> (i32, i32) {
    %c0_i32 = arith.constant 0 : i32
    %c0_i32_0 = arith.constant 0 : i32
    %c0_i32_1 = arith.constant 0 : i32
    return %c0_i32, %c0_i32_0 : i32, i32
  }
  func.func @transform_2(%arg0: i32) -> i32 {
    %c0_i32 = arith.constant 0 : i32
    %c0_i32_0 = arith.constant 0 : i32
    return %c0_i32 : i32
  }
  func.func @transform_3(%arg0: i32) -> i32 {
    %c0_i32 = arith.constant 0 : i32
    %c0_i32_0 = arith.constant 0 : i32
    return %c0_i32 : i32
  }
  func.func @transform_4(%arg0: i32) -> (i32, i32) {
    %c0_i32 = arith.constant 0 : i32
    %c0_i32_0 = arith.constant 0 : i32
    %c0_i32_1 = arith.constant 0 : i32
    return %c0_i32, %c0_i32_0 : i32, i32
  }
  func.func @transform_5(%arg0: i32) -> i32 {
    %c0_i32 = arith.constant 0 : i32
    %c0_i32_0 = arith.constant 0 : i32
    return %c0_i32 : i32
  }
  func.func @transform_6(%arg0: i32) -> (i32, i32) {
    %c0_i32 = arith.constant 0 : i32
    %c0_i32_0 = arith.constant 0 : i32
    %c0_i32_1 = arith.constant 0 : i32
    return %c0_i32, %c0_i32_0 : i32, i32
  }
  func.func @transform_7(%arg0: i32) -> i32 {
    %c0_i32 = arith.constant 0 : i32
    %c0_i32_0 = arith.constant 0 : i32
    return %c0_i32 : i32
  }
  func.func @transform_8(%arg0: i32) -> i32 {
    %c0_i32 = arith.constant 0 : i32
    return %arg0 : i32
  }
}

</mosaic_0001>

<sc_bundles>
// kernel: kernel.7.cloned.1.call-start
scs
__scs_entry_jumppad:
0x0: {  	(pc) =	sbr.rel $0x88, $3  }
0x1: {  	(tag) =	ssettag $0x0;
	lr =	simm.s32 $0x1  }
0x2: {  	[smem:$0x3F92] =	sst lr;
	_ =	strace $0xD0000000  }
0x3: {  	_ = 	snop  }
0x4: {  	_ = 	snop  }
0x5: {  	_ = 	snop  }
0x6: {  	_ = 	snop  }
0x7: {  	_ = 	snop  }
__scs_overlays_trampoline_lowered:
0x8: {  	[smem:$0x3FA1] =	sst s0  }
0x9: {  	[smem:$0x3FA2] =	sst s1  }
0xa: {  	[smem:$0x3FA3] =	sst s2  }
0xb: {  	[smem:$0x3FA4] =	sst s3  }
0xc: {  	[smem:$0x3FA5] =	sst s4  }
0xd: {  	[smem:$0x3FA6] =	sst s5  }
0xe: {  	[smem:$0x3FA7] =	sst s6  }
0xf: {  	[smem:$0x3FA8] =	sst s7  }
0x10: {  	[smem:$0x3FA9] =	sst s8  }
0x11: {  	[smem:$0x3FAA] =	sst s9;
	s0 =	simm.s32 @!p0 $0x0  }
0x12: {  	s1 =	sld [smem:$0x3F90];
	s0 =	simm.s32 @p0 $0x1  }
0x13: {  	[smem:$0x3FAB] =	sst s0;
	s0 =	simm.s32 @!p1 $0x0  }
0x14: {  	s2 =	sld [smem:$0x3F8F];
	s0 =	simm.s32 @p1 $0x1  }
0x15: {  	[smem:$0x3FAC] =	sst s0;
	s0 =	simm.s32 @!p2 $0x0  }
0x16: {  	s3 =	sld [smem:$0x3FDB];
	s0 =	simm.s32 @p2 $0x1  }
0x17: {  	s4 =	simm.s32 $0x1BF5;
	[smem:$0x3FAE] =	sst s0  }
0x18: {  	s0 =	sld [smem:$0x3F91];
	_ =	swait.ge [sflag:s4], $0x0  }
0x19: {  	s7 =	sld [smem:$0x3F92]  }
0x1a: {  	s8 =	sadd.s32 $0xFFFFE003, lr  }
0x1b: {  	s9 =	sadd.s32 $0xFFFFFEF7, lr;
	s5 =	simm.s32 $0xFFFFFFFF;
	p2 =	slt.u32 s8, $0xFFFFF086  }
0x1c: {  	p1 =	slt.u32 s9, $0xF7A;
	s5 =	simm.s32 @!p2 $0x0  }
0x1d: {  	s5 =	simm.s32 @p1 $0x1;
	p0 =	seq.s32 s7, s2  }
0x1e: {  	s7 =	smul.u32 @!p0 $0xF7A, s2;
	p2 =	seq.s32 @!p0 s5, $0x0  }
0x1f: {  	s9 =	smul.u32 $0xF7A, s1;
	s8 =	simm.s32 @!p0 $0x1BF5;
	p2 =	por !p2, p0  }
0x20: {  	[sflag:s8] =	ssyncset.s32 @!p0 $0xFFFFF086;
	s6 =	sadd.s32 @!p0 s3, s7;
	s7 =	simm.s32 @!p0 $0x108  }
0x21: {  	s3 =	sadd.s32 s3, s9;
	s6 =	sadd.s32 @!p0 $0x88, s6;
	s7 =	simm.s32 @p2 $0x1082  }
0x22: {  	[simem:s7], [sflag:s8] =	dma.local @!p0 [hbm:s6], $0xF7A  }
0x23: {  	s9 =	sor.u32 $0xD0000000, s2;
	s6 =	simm.s32 $0x108;
	_ =	swait.ge @!p0 [sflag:s8], $0x0  }
0x24: {  	s3 =	sadd.s32 $0x88, s3;
	s6 =	simm.s32 @!p1 $0x1082;
	[sflag:s4] =	ssyncset.s32 $0xFFFFF086  }
0x25: {  	[simem:s6], [sflag:s4] =	dma.local [hbm:s3], $0xF7A  }
0x26: {  	[smem:$0x3F92] =	sst s1;
	(tag) =	ssettag s2;
	_ =	strace s9  }
0x27: {  	s1 =	sld [smem:$0x3FA2]  }
0x28: {  	s2 =	sld [smem:$0x3FA3]  }
0x29: {  	s4 =	sld [smem:$0x3FA5]  }
0x2a: {  	p0 =	seq.s32 s5, $0x0;
	s5 =	sld [smem:$0x3FA6]  }
0x2b: {  	s6 =	sld [smem:$0x3FA7]  }
0x2c: {  	s7 =	sld [smem:$0x3FA8]  }
0x2d: {  	s3 =	simm.s32 $0x108;
	s8 =	sld [smem:$0x3FA9]  }
0x2e: {  	s3 =	simm.s32 @!p0 $0x1082;
	s9 =	sld [smem:$0x3FAA]  }
0x2f: {  	lr =	sadd.s32 s0, s3;
	s0 =	sld [smem:$0x3FA1]  }
0x30: {  	s3 =	sld [smem:$0x3FA4]  }
0x31: {  	[smem:$0x3FAD] =	sst s10  }
0x32: {  	s10 =	sld [smem:$0x3FAB];
	_ =	sdelay $0x3  }
0x33: {  	p0 =	seq.s32 s10, $0x1;
	s10 =	sld [smem:$0x3FAD];
	_ =	sdelay $0x3  }
0x34: {  	[smem:$0x3FAD] =	sst s10  }
0x35: {  	s10 =	sld [smem:$0x3FAC];
	_ =	sdelay $0x3  }
0x36: {  	p1 =	seq.s32 s10, $0x1;
	s10 =	sld [smem:$0x3FAD];
	_ =	sdelay $0x3  }
0x37: {  	[smem:$0x3FAD] =	sst s10  }
0x38: {  	s10 =	sld [smem:$0x3FAE]  }
0x39: {  	_ = 	snop;
	(pc) =	sbr.ind lr, $3  }
0x3a: {  	_ = 	snop  }
0x3b: {  	_ = 	snop  }
0x3c: {  	p2 =	seq.s32 s10, $0x1;
	s10 =	sld [smem:$0x3FAD]  }
0x3d: {  	_ =	shalt  }
0x3e: {  	_ =	shalt  }
0x3f: {  	_ =	shalt  }
0x40: {  	_ =	shalt  }
0x41: {  	_ =	shalt  }
0x42: {  	_ =	shalt  }
0x43: {  	_ =	shalt  }
0x44: {  	_ =	shalt  }
0x45: {  	_ =	shalt  }
0x46: {  	_ =	shalt  }
0x47: {  	_ =	shalt  }
0x48: {  	_ =	shalt  }
0x49: {  	_ =	shalt  }
0x4a: {  	_ =	shalt  }
0x4b: {  	_ =	shalt  }
0x4c: {  	_ =	shalt  }
0x4d: {  	_ =	shalt  }
0x4e: {  	_ =	shalt  }
0x4f: {  	_ =	shalt  }
0x50: {  	_ =	shalt  }
0x51: {  	_ =	shalt  }
0x52: {  	_ =	shalt  }
0x53: {  	_ =	shalt  }
0x54: {  	_ =	shalt  }
0x55: {  	_ =	shalt  }
0x56: {  	_ =	shalt  }
0x57: {  	_ =	shalt  }
0x58: {  	_ =	shalt  }
0x59: {  	_ =	shalt  }
0x5a: {  	_ =	shalt  }
0x5b: {  	_ =	shalt  }
0x5c: {  	_ =	shalt  }
0x5d: {  	_ =	shalt  }
0x5e: {  	_ =	shalt  }
0x5f: {  	_ =	shalt  }
0x60: {  	_ =	shalt  }
0x61: {  	_ =	shalt  }
0x62: {  	_ =	shalt  }
0x63: {  	_ =	shalt  }
0x64: {  	_ =	shalt  }
0x65: {  	_ =	shalt  }
0x66: {  	_ =	shalt  }
0x67: {  	_ =	shalt  }
0x68: {  	_ =	shalt  }
0x69: {  	_ =	shalt  }
0x6a: {  	_ =	shalt  }
0x6b: {  	_ =	shalt  }
0x6c: {  	_ =	shalt  }
0x6d: {  	_ =	shalt  }
0x6e: {  	_ =	shalt  }
0x6f: {  	_ =	shalt  }
0x70: {  	_ =	shalt  }
0x71: {  	_ =	shalt  }
0x72: {  	_ =	shalt  }
0x73: {  	_ =	shalt  }
0x74: {  	_ =	shalt  }
0x75: {  	_ =	shalt  }
0x76: {  	_ =	shalt  }
0x77: {  	_ =	shalt  }
0x78: {  	_ =	shalt  }
0x79: {  	_ =	shalt  }
0x7a: {  	_ =	shalt  }
0x7b: {  	_ =	shalt  }
0x7c: {  	_ =	shalt  }
0x7d: {  	_ =	shalt  }
0x7e: {  	_ =	shalt  }
0x7f: {  	_ =	shalt  }
0x80: {  	_ =	shalt  }
0x81: {  	_ =	shalt  }
0x82: {  	_ =	shalt  }
0x83: {  	_ =	shalt  }
0x84: {  	_ =	shalt  }
0x85: {  	_ =	shalt  }
0x86: {  	_ =	shalt  }
0x87: {  	_ =	shalt  }
.Lfunc_end0:
.L_simem_size_0:
called_computation_lowered:
.L_overlay_start_0:
0x88: {  	s2 =	sld [smem:$0x3FD9]  }
0x89: {  	s3 =	sld [smem:$0x3FFE];
	_ =	sdelay $0x1  }
0x8a: {  	s1 =	srdreg.scid  }
0x8b: {  	s0 =	sand.u32 $0x1, s1  }
0x8c: {  	s17 =	sshll.u32 s0, $0xA;
	s2 =	sadd.s32 s3, s2  }
0x8d: {  	s2 =	sadd.s32 s2, s17  }
0x8e: {  	[smem:$0x3FB9] =	sst s2  }
0x8f: {  	_ = 	snop  }
0x90: {  	s2 =	sld [smem:$0x3FC8];
	(tm) =	ssettm $0x1  }
0x91: {  	s18 =	sld [smem:$0x3FFB];
	_ =	sdelay $0x3  }
0x92: {  	_ =	strace s18  }
0x93: {  	s3 =	sld [smem:$0x3FFC];
	_ =	sdelay $0x3  }
0x94: {  	_ =	strace s3  }
0x95: {  	s3 =	sld [smem:$0x3FFD];
	_ =	sdelay $0x3  }
0x96: {  	_ =	strace s3  }
0x97: {  	_ =	strace $0x8FFFFFFF  }
0x98: {  	s19 =	sld [smem:$0x3FDB];
	_ =	sdelay $0x1  }
0x99: {  	s4 =	simm.s32 $_scs_section_size  }
0x9a: {  	s5 =	simm.s32 $_size__tile_overlayer_lowered;
	s6 =	simm.s32 $_tile_overlayer_lowered  }
0x9b: {  	s22 =	simm.s32 $0x1BFF;
	s21 =	sshll.u32 s6, $0x1;
	s3 =	sadd.s32 s4, s19  }
0x9c: {  	s7 =	simm.s32 $0x0;
	s20 =	sshll.u32 s5, $0x1;
	s5 =	sadd.s32 s21, s3  }
0x9d: {  	[timem:s7], [sflag:s22] =	dma.local [hbm:s5], s20  }
0x9e: {  	_ =	swait.ge [sflag:s22], s20  }
0x9f: {  	s4 =	ssub.s32 $0x0, s20;
	[sflag:s22] =	ssyncset.done $0x0  }
0xa0: {  	[sflag:s22] =	ssyncadd.s32 s4;
	_ =	sdelay $0x1  }
0xa1: {  	s23 =	simm.s32 $0x1B8B  }
0xa2: {  	_ =	swait.ge [sflag:s23], $0x1  }
0xa3: {  	[sflag:s23] =	ssyncset.done $0x0  }
0xa4: {  	s25 =	simm.s32 $0x1B8E;
	s24 =	sld [smem:$0x3FFE];
	[sflag:s23] =	ssyncadd.s32 $0xFFFFFFFF  }
0xa5: {  	s26 =	simm.s32 $execute0_lowered;
	[smem:$0x3FD2] =	sst s25  }
0xa6: {  	s5 =	sshll.u32 s26, $0x1;
	_ =	strace $0x80000046;
	[dreg:$0x1] =	wrdreg $0xFFFFFFFF  }
0xa7: {  	s28 =	simm.s32 $_size_execute0_lowered;
	s3 =	sadd.s32 s3, s5;
	[dreg:$0x0] =	wrdreg $0x0  }
0xa8: {  	s5 =	sshll.u32 s28, $0x1;
	[dreg:$0x2] =	wrdreg s3  }
0xa9: {  	[dreg:$0x3] =	wrdreg s5  }
0xaa: {  	[dreg:$0x4] =	wrdreg $0xC0  }
0xab: {  	_ =	task [dreg:s7], $0x5FFFF  }
0xac: {  	[dreg:$0x1] =	wrdreg $0xFFFFFFFF  }
0xad: {  	[dreg:$0x0] =	wrdreg $0x60  }
0xae: {  	[dreg:$0x2] =	wrdreg s24  }
0xaf: {  	[dreg:$0x3] =	wrdreg s2  }
0xb0: {  	[dreg:$0x4] =	wrdreg $0x9  }
0xb1: {  	_ =	task.clear_ibuf [dreg:s7], $0x5FFFF;
	_ =	strace $0x90000046  }
0xb2: {  	s29 =	simm.s32 $0x9;
	_ =	strace $0x80000048  }
0xb3: {  	_ =	swait.ge [sflag:s29], $0x1  }
0xb4: {  	[sflag:s29] =	ssyncadd.s32 $0xFFFFFFFF  }
0xb5: {  	_ =	strace $0x90000048  }
0xb6: {  	_ =	sfence  }
0xb7: {  	s30 =	sld [smem:$0x0];
	_ =	sdelay $0x2  }
0xb8: {  	s31 =	sshll.u32 s1, $0xD;
	s1 =	sshrl.u32 s1, $0x2  }
0xb9: {  	s3 =	sand.u32 $0x4000, s31;
	s1 =	sadd.s32 s1, s30  }
0xba: {  	s0 =	sor.u32 s3, s0;
	s1 =	sshll.u32 s1, $0x11  }
0xbb: {  	s0 =	sor.u32 s1, s0  }
0xbc: {  	s0 =	sadd.s32 $0x8F2B, s0  }
0xbd: {  	[sflag:s0] =	ssyncadd.remote.s32 $0x1  }
0xbe: {  	_ =	sfence.sel $0xFFFF  }
0xbf: {  	[dreg:$0x0] =	wrdreg $0xFFFFFFFF;
	(pc) =	sbr.abs _section_cstart, $3  }
0xc0: {  	[dreg:$0x1] =	wrdreg $0xFFFFFFFF  }
0xc1: {  	_ =	task.clear_ibuf [dreg:s7], $0x2FFFF;
	_ =	strace $0x9FFFFFFF  }
0xc2: {  	(tm) =	ssettm $0x7FFFFFFF  }
0xc3: {  	_ =	shalt  }
tec
execute0_lowered:
.L_overlay_start_1:
0x0: {  	(tag) =	ssettag $0x1  }
0x1: {  	s1 =	rddreg [dreg:$0x0]  }
0x2: {  	s0 =	srdreg.scid;
	s4 =	rddreg [dreg:$0x1]  }
0x3: {  	s10 =	stileid.u32;
	s2 =	simm.s32 $0x0;
	s20 =	simm.s32 $0xB800  }
0x4: {  	s21 =	simm.s32 $0xC000;
	s22 =	simm.s32 $0xC800;
	s23 =	simm.s32 $0x1  }
0x5: {  	s28 =	simm.s32 $0xE800;
	s29 =	simm.s32 $0xF000;
	s30 =	simm.s32 $0xF800  }
0x6: {  	s31 =	simm.s32 $0x10000;
	s11 =	simm.s32 $0x14080;
	s13 =	simm.s32 $0x0  }
0x7: {  	s0 =	sand.u32 $0x1, s0;
	[smem:$0x7FF] =	sst s2;
	s24 =	sshll.u32 s10, $0xE  }
0x8: {  	s25 =	sshll.u32 s10, $0x9;
	s3 =	sshll.u32 s0, $0x4;
	_ =	strace $0x80000047  }
0x9: {  	s7 =	ssub.s32 $0x2, s0;
	s8 =	sshll.u32 s0, $0x12;
	s0 =	sshll.u32 s0, $0xD  }
0xa: {  	s5 =	sor.u32 s10, s3;
	s3 =	sadd.s32 $0x1CE00, s1;
	s9 =	sshrl.u32 s7, $0x1  }
0xb: {  	s0 =	sor.u32 s25, s0;
	s25 =	simm.s32 $0xD800;
	s10 =	simm.s32 $0x13000  }
0xc: {  	s6 =	smul.u32 $0xD00, s5;
	s5 =	sshll.u32 s5, $0xE;
	s7 =	ssub.s32 s7, s9  }
0xd: {  	s0 =	sshrl.u32 s0, $0x3;
	s9 =	simm.s32 $0x2;
	s5 =	sadd.s32 s5, s1  }
0xe: {  	s26 =	smax.u32 s7, $0x1;
	s7 =	simm.s32 $0x12800;
	s6 =	sadd.s32 s6, s1  }
0xf: {  	s1 =	sadd.s32 s8, s1;
	s5 =	sadd.s32 $0x1EA1600, s5;
	[dreg:$0x4] =	wrdreg s26  }
0x10: {  	s8 =	sadd.s32 s0, s4;
	s26 =	simm.s32 $0xE000;
	s0 =	simm.s32 $0x10800  }
0x11: {  	v2 =	vlaneseq.u32;
	s4 =	simm.s32 $0x11800;
	s6 =	sadd.s32 $0x2E00, s6;
	s1 =	sadd.s32 s24, s1  }
0x12: {  	vm0 =	vmmov $0xffff;
	v1 =	vshrl.u32 v2, $0x3;
	s24 =	simm.s32 $0xD000;
	[dreg:$0x3] =	wrdreg s6;
	s1 =	sadd.s32 $0x1F21600, s1  }
0x13: {  	v0 =	vand.u32 $0x7, v2;
	v2 =	vor.u32 $0x8, v2;
	v1 =	vmul.u32 $0x8, v1;
	s6 =	simm.s32 $0x12000;
	[dreg:$0x5] =	wrdreg s1;
	s1 =	simm.s32 $0x11000  }
.LBB2_1:
0x14: {  	[dreg:$0x6] =	wrdreg s13  }
0x15: {  	s12 =	rddreg [dreg:$0x3]  }
0x16: {  	[tilespmem:s2], [sflag:$0x2] =	stream.linear.gather [hbm4b:s12+s2], $0x6800, $0x38;
	[tilespmem:$0x1C080] =	vst v63  }
0x17: {  	_ =	swait.ge [sflag:s9], $0x6800  }
0x18: {  	[sflag:s9] =	ssyncset.done $0x0  }
0x19: {  	[sflag:s9] =	ssyncadd.s32 $0xFFFF9800  }
0x1a: {  	v3 =	vld [tilespmem:$0x0];
	_ =	sdelay $0x4  }
0x1b: {  	v4 =	vshll.u32 v3, $0x1  }
0x1c: {  	v3 =	vand.u32 $0x7, v3;
	v4 =	vand.u32 $0xFFFFFFF0, v4  }
0x1d: {  	v3 =	vor.u32 v3, v4  }
0x1e: {  	v4 =	vperm.xlane v3, v0;
	_ =	sdelay $0x1  }
0x1f: {  	v3 =	vperm.xlane v3, v2;
	v4 =	vadd.s32 v1, v4;
	_ =	sdelay $0x1  }
0x20: {  	v3 =	vadd.s32 v1, v3;
	_ =	sdelay $0x1  }
0x21: {  	s17 =	simm.s32 $0x6800  }
0x22: {  	[tilespmem:s17], [sflag:$0x1] =	stream.indirect_vreg.gather [hbm4b:s3+s2], $0x80, v4, vm0, $0xb8;
	[tilespmem:$0x1C080] =	vst v63  }
0x23: {  	s18 =	simm.s32 $0x7000  }
0x24: {  	[tilespmem:s18], [sflag:$0x1] =	stream.indirect_vreg.gather [hbm4b:s3+s2], $0x80, v3, vm0, $0xb8;
	[tilespmem:$0x1C080] =	vst v63  }
0x25: {  	v3 =	vld [tilespmem:$0x10];
	_ =	sdelay $0x4  }
0x26: {  	v58 =	vshll.u32 v3, $0x1  }
0x27: {  	v3 =	vand.u32 $0x7, v3;
	v4 =	vand.u32 $0xFFFFFFF0, v58  }
0x28: {  	v3 =	vor.u32 v3, v4  }
0x29: {  	v4 =	vperm.xlane v3, v0;
	_ =	sdelay $0x1  }
0x2a: {  	v3 =	vperm.xlane v3, v2;
	v4 =	vadd.s32 v1, v4;
	_ =	sdelay $0x1  }
0x2b: {  	v3 =	vadd.s32 v1, v3;
	_ =	sdelay $0x1  }
0x2c: {  	s19 =	simm.s32 $0x7800  }
0x2d: {  	[tilespmem:s19], [sflag:$0x1] =	stream.indirect_vreg.gather [hbm4b:s3+s2], $0x80, v4, vm0, $0xb8;
	[tilespmem:$0x1C080] =	vst v63  }
0x2e: {  	s13 =	simm.s32 $0x8000  }
0x2f: {  	[tilespmem:s13], [sflag:$0x1] =	stream.indirect_vreg.gather [hbm4b:s3+s2], $0x80, v3, vm0, $0xb8;
	[tilespmem:$0x1C080] =	vst v63  }
0x30: {  	v3 =	vld [tilespmem:$0x20];
	_ =	sdelay $0x4  }
0x31: {  	v59 =	vshll.u32 v3, $0x1  }
0x32: {  	v3 =	vand.u32 $0x7, v3;
	v4 =	vand.u32 $0xFFFFFFF0, v59  }
0x33: {  	v3 =	vor.u32 v3, v4  }
0x34: {  	v4 =	vperm.xlane v3, v0;
	_ =	sdelay $0x1  }
0x35: {  	v3 =	vperm.xlane v3, v2;
	v4 =	vadd.s32 v1, v4;
	_ =	sdelay $0x1  }
0x36: {  	v3 =	vadd.s32 v1, v3;
	_ =	sdelay $0x1  }
0x37: {  	s14 =	simm.s32 $0x8800  }
0x38: {  	[tilespmem:s14], [sflag:$0x1] =	stream.indirect_vreg.gather [hbm4b:s3+s2], $0x80, v4, vm0, $0xb8;
	[tilespmem:$0x1C080] =	vst v63  }
0x39: {  	s15 =	simm.s32 $0x9000  }
0x3a: {  	[tilespmem:s15], [sflag:$0x1] =	stream.indirect_vreg.gather [hbm4b:s3+s2], $0x80, v3, vm0, $0xb8;
	[tilespmem:$0x1C080] =	vst v63  }
0x3b: {  	v3 =	vld [tilespmem:$0x30];
	_ =	sdelay $0x4  }
0x3c: {  	v60 =	vshll.u32 v3, $0x1  }
0x3d: {  	v3 =	vand.u32 $0x7, v3;
	v4 =	vand.u32 $0xFFFFFFF0, v60  }
0x3e: {  	v3 =	vor.u32 v3, v4  }
0x3f: {  	v4 =	vperm.xlane v3, v0;
	_ =	sdelay $0x1  }
0x40: {  	v3 =	vperm.xlane v3, v2;
	v4 =	vadd.s32 v1, v4;
	_ =	sdelay $0x1  }
0x41: {  	v3 =	vadd.s32 v1, v3;
	_ =	sdelay $0x1  }
0x42: {  	s16 =	simm.s32 $0x9800  }
0x43: {  	[tilespmem:s16], [sflag:$0x1] =	stream.indirect_vreg.gather [hbm4b:s3+s2], $0x80, v4, vm0, $0xb8;
	[tilespmem:$0x1C080] =	vst v63  }
0x44: {  	s17 =	simm.s32 $0xA000  }
0x45: {  	[tilespmem:s17], [sflag:$0x1] =	stream.indirect_vreg.gather [hbm4b:s3+s2], $0x80, v3, vm0, $0xb8;
	[tilespmem:$0x1C080] =	vst v63  }
0x46: {  	v3 =	vld [tilespmem:$0x40];
	_ =	sdelay $0x4  }
0x47: {  	v61 =	vshll.u32 v3, $0x1  }
0x48: {  	v3 =	vand.u32 $0x7, v3;
	v4 =	vand.u32 $0xFFFFFFF0, v61  }
0x49: {  	v3 =	vor.u32 v3, v4  }
0x4a: {  	v4 =	vperm.xlane v3, v0;
	_ =	sdelay $0x1  }
0x4b: {  	v3 =	vperm.xlane v3, v2;
	v4 =	vadd.s32 v1, v4;
	_ =	sdelay $0x1  }
0x4c: {  	v3 =	vadd.s32 v1, v3;
	_ =	sdelay $0x1  }
0x4d: {  	s18 =	simm.s32 $0xA800  }
0x4e: {  	[tilespmem:s18], [sflag:$0x1] =	stream.indirect_vreg.gather [hbm4b:s3+s2], $0x80, v4, vm0, $0xb8;
	[tilespmem:$0x1C080] =	vst v63  }
0x4f: {  	s19 =	simm.s32 $0xB000  }
0x50: {  	[tilespmem:s19], [sflag:$0x1] =	stream.indirect_vreg.gather [hbm4b:s3+s2], $0x80, v3, vm0, $0xb8;
	[tilespmem:$0x1C080] =	vst v63  }
0x51: {  	v3 =	vld [tilespmem:$0x50];
	_ =	sdelay $0x4  }
0x52: {  	v62 =	vshll.u32 v3, $0x1  }
0x53: {  	v3 =	vand.u32 $0x7, v3;
	v4 =	vand.u32 $0xFFFFFFF0, v62  }
0x54: {  	v3 =	vor.u32 v3, v4  }
0x55: {  	v4 =	vperm.xlane v3, v0;
	_ =	sdelay $0x1  }
0x56: {  	v3 =	vperm.xlane v3, v2;
	v4 =	vadd.s32 v1, v4;
	_ =	sdelay $0x1  }
0x57: {  	v3 =	vadd.s32 v1, v3;
	_ =	sdelay $0x2  }
0x58: {  	[tilespmem:s20], [sflag:$0x1] =	stream.indirect_vreg.gather [hbm4b:s3+s2], $0x80, v4, vm0, $0xb8;
	[tilespmem:$0x1C080] =	vst v63  }
0x59: {  	_ = 	snop  }
0x5a: {  	[tilespmem:s21], [sflag:$0x1] =	stream.indirect_vreg.gather [hbm4b:s3+s2], $0x80, v3, vm0, $0xb8;
	[tilespmem:$0x1C080] =	vst v63  }
0x5b: {  	v3 =	vld.msk [tilespmem:$0x60], $0xff;
	_ =	sdelay $0x4  }
0x5c: {  	v63 =	vshll.u32 v3, $0x1  }
0x5d: {  	v3 =	vand.u32 $0x7, v3;
	v4 =	vand.u32 $0xFFFFFFF0, v63  }
0x5e: {  	v3 =	vor.u32 v3, v4  }
0x5f: {  	v3 =	vperm.xlane v3, v0;
	_ =	sdelay $0x1  }
0x60: {  	v3 =	vadd.s32 v1, v3;
	_ =	sdelay $0x3  }
0x61: {  	s12 =	simm.s32 $0x0  }
0x62: {  	[tilespmem:s22], [sflag:$0x1] =	stream.indirect_vreg.gather [hbm4b:s3+s2], $0x80, v3, vm0, $0xb8;
	[tilespmem:$0x1C080] =	vst v63  }
.LBB2_2:
0x63: {  	_ =	swait.ge [sflag:s23], $0x3000  }
0x64: {  	[sflag:s23] =	ssyncset.done $0x0  }
0x65: {  	[sflag:s23] =	ssyncadd.s32 $0xFFFFD000  }
0x66: {  	s13 =	smul.u32 $0x680, s12;
	_ =	swait.ge [sflag:s23], $0x3800  }
0x67: {  	[sflag:s23] =	ssyncset.done $0x0  }
0x68: {  	s13 =	sshra.s32 s13, $0x2;
	[sflag:s23] =	ssyncadd.s32 $0xFFFFC800  }
0x69: {  	v3 =	vld [tilespmem:s13+$0x68];
	_ =	sdelay $0x4  }
0x6a: {  	v4 =	vshll.u32 v3, $0x1  }
0x6b: {  	v3 =	vand.u32 $0x7, v3;
	v4 =	vand.u32 $0xFFFFFFF0, v4  }
0x6c: {  	v3 =	vor.u32 v3, v4  }
0x6d: {  	v4 =	vperm.xlane v3, v0;
	_ =	sdelay $0x1  }
0x6e: {  	v3 =	vperm.xlane v3, v2;
	v4 =	vadd.s32 v1, v4;
	_ =	sdelay $0x1  }
0x6f: {  	v3 =	vadd.s32 v1, v3;
	_ =	sdelay $0x1  }
0x70: {  	s15 =	simm.s32 $0x0  }
0x71: {  	[tilespmem:s24], [sflag:$0x1] =	stream.indirect_vreg.gather [hbm4b:s3+s15], $0x80, v4, vm0, $0xb8;
	[tilespmem:$0x1C080] =	vst v63  }
0x72: {  	_ = 	snop  }
0x73: {  	[tilespmem:s25], [sflag:$0x1] =	stream.indirect_vreg.gather [hbm4b:s3+s15], $0x80, v3, vm0, $0xb8;
	[tilespmem:$0x1C080] =	vst v63  }
0x74: {  	v3 =	vld [tilespmem:s13+$0x78];
	_ =	sdelay $0x4  }
0x75: {  	v4 =	vshll.u32 v3, $0x1  }
0x76: {  	v3 =	vand.u32 $0x7, v3;
	v4 =	vand.u32 $0xFFFFFFF0, v4  }
0x77: {  	v3 =	vor.u32 v3, v4  }
0x78: {  	v4 =	vperm.xlane v3, v0;
	_ =	sdelay $0x1  }
0x79: {  	v3 =	vperm.xlane v3, v2;
	v4 =	vadd.s32 v1, v4;
	_ =	sdelay $0x1  }
0x7a: {  	v3 =	vadd.s32 v1, v3;
	_ =	sdelay $0x2  }
0x7b: {  	[tilespmem:s26], [sflag:$0x1] =	stream.indirect_vreg.gather [hbm4b:s3+s15], $0x80, v4, vm0, $0xb8;
	[tilespmem:$0x1C080] =	vst v63  }
0x7c: {  	_ = 	snop  }
0x7d: {  	[tilespmem:s28], [sflag:$0x1] =	stream.indirect_vreg.gather [hbm4b:s3+s15], $0x80, v3, vm0, $0xb8;
	[tilespmem:$0x1C080] =	vst v63  }
0x7e: {  	v3 =	vld [tilespmem:s13+$0x88];
	_ =	sdelay $0x4  }
0x7f: {  	v4 =	vshll.u32 v3, $0x1  }
0x80: {  	v3 =	vand.u32 $0x7, v3;
	v4 =	vand.u32 $0xFFFFFFF0, v4  }
0x81: {  	v3 =	vor.u32 v3, v4  }
0x82: {  	v4 =	vperm.xlane v3, v0;
	_ =	sdelay $0x1  }
0x83: {  	v3 =	vperm.xlane v3, v2;
	v4 =	vadd.s32 v1, v4;
	_ =	sdelay $0x1  }
0x84: {  	v3 =	vadd.s32 v1, v3;
	_ =	sdelay $0x2  }
0x85: {  	[tilespmem:s29], [sflag:$0x1] =	stream.indirect_vreg.gather [hbm4b:s3+s15], $0x80, v4, vm0, $0xb8;
	[tilespmem:$0x1C080] =	vst v63  }
0x86: {  	_ = 	snop  }
0x87: {  	[tilespmem:s30], [sflag:$0x1] =	stream.indirect_vreg.gather [hbm4b:s3+s15], $0x80, v3, vm0, $0xb8;
	[tilespmem:$0x1C080] =	vst v63  }
0x88: {  	v3 =	vld [tilespmem:s13+$0x98];
	_ =	sdelay $0x4  }
0x89: {  	v4 =	vshll.u32 v3, $0x1  }
0x8a: {  	v3 =	vand.u32 $0x7, v3;
	v4 =	vand.u32 $0xFFFFFFF0, v4  }
0x8b: {  	v3 =	vor.u32 v3, v4  }
0x8c: {  	v4 =	vperm.xlane v3, v0;
	_ =	sdelay $0x1  }
0x8d: {  	v3 =	vperm.xlane v3, v2;
	v4 =	vadd.s32 v1, v4;
	_ =	sdelay $0x1  }
0x8e: {  	v3 =	vadd.s32 v1, v3;
	_ =	sdelay $0x2  }
0x8f: {  	[tilespmem:s31], [sflag:$0x1] =	stream.indirect_vreg.gather [hbm4b:s3+s15], $0x80, v4, vm0, $0xb8;
	[tilespmem:$0x1C080] =	vst v63  }
0x90: {  	_ = 	snop  }
0x91: {  	[tilespmem:s0], [sflag:$0x1] =	stream.indirect_vreg.gather [hbm4b:s3+s15], $0x80, v3, vm0, $0xb8;
	[tilespmem:$0x1C080] =	vst v63  }
0x92: {  	v3 =	vld [tilespmem:s13+$0xA8];
	_ =	sdelay $0x4  }
0x93: {  	v4 =	vshll.u32 v3, $0x1  }
0x94: {  	v3 =	vand.u32 $0x7, v3;
	v4 =	vand.u32 $0xFFFFFFF0, v4  }
0x95: {  	v3 =	vor.u32 v3, v4  }
0x96: {  	v4 =	vperm.xlane v3, v0;
	_ =	sdelay $0x1  }
0x97: {  	v3 =	vperm.xlane v3, v2;
	v4 =	vadd.s32 v1, v4;
	_ =	sdelay $0x1  }
0x98: {  	v3 =	vadd.s32 v1, v3;
	_ =	sdelay $0x2  }
0x99: {  	[tilespmem:s1], [sflag:$0x1] =	stream.indirect_vreg.gather [hbm4b:s3+s15], $0x80, v4, vm0, $0xb8;
	[tilespmem:$0x1C080] =	vst v63  }
0x9a: {  	_ = 	snop  }
0x9b: {  	[tilespmem:s4], [sflag:$0x1] =	stream.indirect_vreg.gather [hbm4b:s3+s15], $0x80, v3, vm0, $0xb8;
	[tilespmem:$0x1C080] =	vst v63  }
0x9c: {  	v3 =	vld [tilespmem:s13+$0xB8];
	_ =	sdelay $0x4  }
0x9d: {  	v4 =	vshll.u32 v3, $0x1  }
0x9e: {  	v3 =	vand.u32 $0x7, v3;
	v4 =	vand.u32 $0xFFFFFFF0, v4  }
0x9f: {  	v3 =	vor.u32 v3, v4  }
0xa0: {  	v4 =	vperm.xlane v3, v0;
	_ =	sdelay $0x1  }
0xa1: {  	v3 =	vperm.xlane v3, v2;
	v4 =	vadd.s32 v1, v4;
	_ =	sdelay $0x1  }
0xa2: {  	v3 =	vadd.s32 v1, v3;
	_ =	sdelay $0x2  }
0xa3: {  	[tilespmem:s6], [sflag:$0x1] =	stream.indirect_vreg.gather [hbm4b:s3+s15], $0x80, v4, vm0, $0xb8;
	[tilespmem:$0x1C080] =	vst v63  }
0xa4: {  	_ = 	snop  }
0xa5: {  	[tilespmem:s7], [sflag:$0x1] =	stream.indirect_vreg.gather [hbm4b:s3+s15], $0x80, v3, vm0, $0xb8;
	[tilespmem:$0x1C080] =	vst v63  }
0xa6: {  	v3 =	vld.msk [tilespmem:s13+$0xC8], $0xff;
	_ =	sdelay $0x4  }
0xa7: {  	v4 =	vshll.u32 v3, $0x1  }
0xa8: {  	v3 =	vand.u32 $0x7, v3;
	v4 =	vand.u32 $0xFFFFFFF0, v4  }
0xa9: {  	v3 =	vor.u32 v3, v4  }
0xaa: {  	v3 =	vperm.xlane v3, v0;
	_ =	sdelay $0x1  }
0xab: {  	v3 =	vadd.s32 v1, v3;
	_ =	sdelay $0x2  }
0xac: {  	s14 =	sand.u32 $0x70, s15;
	s16 =	sand.u32 $0x400, s15  }
0xad: {  	s14 =	sor.u32 s14, s16  }
0xae: {  	[tilespmem:s10], [sflag:$0x1] =	stream.indirect_vreg.gather [hbm4b:s3+s15], $0x80, v3, vm0, $0xb8;
	[tilespmem:$0x1C080] =	vst v63  }
0xaf: {  	v3 =	vld [tilespmem:s14+$0xC900]  }
0xb0: {  	v14 =	vld [tilespmem:s14+$0xC800]  }
0xb1: {  	v16 =	vld [tilespmem:s14+$0xC880]  }
0xb2: {  	v4 =	vld [tilespmem:s14+$0x9800]  }
0xb3: {  	v17 =	vld [tilespmem:s14+$0x9300]  }
0xb4: {  	v18 =	vld [tilespmem:s14+$0x9380]  }
0xb5: {  	v5 =	vld [tilespmem:s14+$0xC300]  }
0xb6: {  	v20 =	vld [tilespmem:s14+$0xC200]  }
0xb7: {  	v22 =	vld [tilespmem:s14+$0xC280]  }
0xb8: {  	v6 =	vld [tilespmem:s14+$0x9200]  }
0xb9: {  	v23 =	vld [tilespmem:s14+$0x9100]  }
0xba: {  	v24 =	vld [tilespmem:s14+$0x9180]  }
0xbb: {  	v7 =	vld [tilespmem:s14+$0xC100]  }
0xbc: {  	v25 =	vld [tilespmem:s14+$0xC000]  }
0xbd: {  	v26 =	vld [tilespmem:s14+$0xC080]  }
0xbe: {  	v8 =	vld [tilespmem:s14+$0x9000]  }
0xbf: {  	v27 =	vld [tilespmem:s14+$0x8B00]  }
0xc0: {  	v28 =	vld [tilespmem:s14+$0x8B80]  }
0xc1: {  	v9 =	vld [tilespmem:s14+$0xBB00]  }
0xc2: {  	v34 =	vld [tilespmem:s14+$0xBA00]  }
0xc3: {  	v35 =	vld [tilespmem:s14+$0xBA80]  }
0xc4: {  	v10 =	vld [tilespmem:s14+$0x8A00]  }
0xc5: {  	v36 =	vld [tilespmem:s14+$0x8900]  }
0xc6: {  	v37 =	vld [tilespmem:s14+$0x8980]  }
0xc7: {  	v11 =	vld [tilespmem:s14+$0xB900]  }
0xc8: {  	v43 =	vld [tilespmem:s14+$0xB800]  }
0xc9: {  	v44 =	vld [tilespmem:s14+$0xB880]  }
0xca: {  	v12 =	vld [tilespmem:s14+$0x8800]  }
0xcb: {  	v45 =	vld [tilespmem:s14+$0x8300]  }
0xcc: {  	v46 =	vld [tilespmem:s14+$0x8380]  }
0xcd: {  	v13 =	vld [tilespmem:s14+$0xB300]  }
0xce: {  	v41 =	vld [tilespmem:s14+$0xB200]  }
0xcf: {  	v42 =	vld [tilespmem:s14+$0xB280]  }
0xd0: {  	v15 =	vld [tilespmem:s14+$0x8200]  }
0xd1: {  	v47 =	vld [tilespmem:s14+$0x8100]  }
0xd2: {  	v48 =	vld [tilespmem:s14+$0x8180]  }
0xd3: {  	v19 =	vld [tilespmem:s14+$0xB100]  }
0xd4: {  	v39 =	vld [tilespmem:s14+$0xB000]  }
0xd5: {  	v40 =	vld [tilespmem:s14+$0xB080]  }
0xd6: {  	v21 =	vld [tilespmem:s14+$0x8000]  }
0xd7: {  	v49 =	vld [tilespmem:s14+$0x7B00]  }
0xd8: {  	v50 =	vld [tilespmem:s14+$0x7B80]  }
0xd9: {  	v33 =	vld [tilespmem:s14+$0xAA00]  }
0xda: {  	v38 =	vld [tilespmem:s14+$0xAA80]  }
0xdb: {  	v31 =	vld [tilespmem:s14+$0xA800]  }
0xdc: {  	v32 =	vld [tilespmem:s14+$0xA880]  }
0xdd: {  	v29 =	vld [tilespmem:s14+$0xA200]  }
0xde: {  	v30 =	vld [tilespmem:s14+$0xA280]  }
0xdf: {  	v51 =	vld [tilespmem:s14+$0x9A00]  }
0xe0: {  	v52 =	vld [tilespmem:s14+$0xA000]  }
0xe1: {  	v53 =	vld [tilespmem:s14+$0x9A80]  }
0xe2: {  	v54 =	vld [tilespmem:s14+$0xA080]  }
0xe3: {  	v55 =	vld [tilespmem:s14+$0x6900]  }
0xe4: {  	s17 =	sor.u32 s15, s15;
	v56 =	vld [tilespmem:s14+$0x6B00]  }
0xe5: {  	s17 =	sor.u32 $0x380, s17;
	v57 =	vld [tilespmem:s14+$0x6980]  }
0xe6: {  	v58 =	vld [tilespmem:s17+$0x6800]  }
0xe7: {  	v59 =	vld [tilespmem:s14+$0x7100]  }
0xe8: {  	v60 =	vld [tilespmem:s14+$0x7180]  }
0xe9: {  	v61 =	vld [tilespmem:s14+$0x7300]  }
0xea: {  	v62 =	vld [tilespmem:s14+$0x7380];
	v51 =	vadd.f32 v52, v51;
	v52 =	vadd.f32 v54, v53  }
0xeb: {  	v63 =	vld [tilespmem:s14+$0x7980];
	v53 =	vadd.f32 v56, v55;
	v54 =	vadd.f32 v58, v57  }
0xec: {  	v55 =	vld [tilespmem:s14+$0x7900];
	v51 =	vadd.f32 v29, v51;
	v52 =	vadd.f32 v30, v52  }
0xed: {  	v53 =	vadd.f32 v59, v53;
	v54 =	vadd.f32 v60, v54;
	v29 =	vld [tilespmem:s14+$0xAB00]  }
0xee: {  	v30 =	vld [tilespmem:s14+$0x7A00];
	v51 =	vadd.f32 v31, v51;
	v52 =	vadd.f32 v32, v52  }
0xef: {  	v53 =	vadd.f32 v61, v53;
	v54 =	vadd.f32 v62, v54;
	v31 =	vld [tilespmem:s14+$0xA900]  }
0xf0: {  	v32 =	vld [tilespmem:s14+$0x7800];
	v51 =	vadd.f32 v33, v51;
	v52 =	vadd.f32 v38, v52  }
0xf1: {  	v53 =	vadd.f32 v55, v53;
	v54 =	vadd.f32 v63, v54;
	v33 =	vld [tilespmem:s14+$0xA300]  }
0xf2: {  	v38 =	vld [tilespmem:s14+$0x7200];
	v51 =	vadd.f32 v39, v51;
	v52 =	vadd.f32 v40, v52  }
0xf3: {  	s16 =	sor.u32 s16, s15;
	v49 =	vadd.f32 v49, v53;
	v50 =	vadd.f32 v50, v54;
	v39 =	vld [tilespmem:s14+$0xA100]  }
0xf4: {  	s17 =	sor.u32 $0x80, s16;
	v40 =	vld [tilespmem:s14+$0x7000];
	v51 =	vadd.f32 v41, v51;
	v52 =	vadd.f32 v42, v52  }
0xf5: {  	v41 =	vld [tilespmem:s17+$0x6800];
	v47 =	vadd.f32 v47, v49;
	v48 =	vadd.f32 v48, v50  }
0xf6: {  	v42 =	vld [tilespmem:s14+$0x9900];
	v62 =	vadd.f32 v43, v51;
	v63 =	vadd.f32 v44, v52  }
0xf7: {  	v47 =	vadd.f32 v45, v47;
	v46 =	vadd.f32 v46, v48;
	v43 =	vld [tilespmem:s14+$0x9B00]  }
0xf8: {  	v44 =	vld [tilespmem:s14+$0x9980];
	v45 =	vadd.f32 v34, v62;
	v35 =	vadd.f32 v35, v63  }
0xf9: {  	s16 =	simm.s32 $0x10;
	v34 =	vld [tilespmem:s14+$0x6A00];
	v36 =	vadd.f32 v36, v47;
	v37 =	vadd.f32 v37, v46  }
.LBB2_3:
0xfa: {  	p0 =	sne.s32 s16, $0xF0;
	v46 =	vld [tilespmem:s14+$0x6800];
	v25 =	vadd.f32 v25, v45;
	v26 =	vadd.f32 v26, v35  }
0xfb: {  	v35 =	vld [tilespmem:s14+$0x6A80];
	v27 =	vadd.f32 v27, v36;
	v28 =	vadd.f32 v28, v37  }
0xfc: {  	v36 =	vld [tilespmem:s14+$0x9B80];
	v20 =	vadd.f32 v20, v25;
	v22 =	vadd.f32 v22, v26  }
0xfd: {  	v25 =	vld [tilespmem:s14+$0x7080];
	v23 =	vadd.f32 v23, v27;
	v24 =	vadd.f32 v24, v28  }
0xfe: {  	v26 =	vld [tilespmem:s14+$0xA180];
	v14 =	vadd.f32 v14, v20;
	v16 =	vadd.f32 v16, v22  }
0xff: {  	v20 =	vld [tilespmem:s14+$0x7280];
	v17 =	vadd.f32 v17, v23;
	v18 =	vadd.f32 v18, v24  }
0x100: {  	v22 =	vadd.f32 v34, v46;
	v23 =	vadd.f32 v35, v41;
	v24 =	vld [tilespmem:s14+$0xA380]  }
0x101: {  	v28 =	vadd.f32 v43, v42;
	v27 =	vld [tilespmem:s14+$0x7880];
	v34 =	vadd.f32 v36, v44  }
0x102: {  	v22 =	vadd.f32 v40, v22;
	v23 =	vadd.f32 v25, v23;
	v25 =	vld [tilespmem:s14+$0xA980]  }
0x103: {  	v28 =	vadd.f32 v39, v28;
	v35 =	vld [tilespmem:s14+$0x7A80];
	v26 =	vadd.f32 v26, v34  }
0x104: {  	v22 =	vadd.f32 v38, v22;
	v20 =	vadd.f32 v20, v23;
	v23 =	vld [tilespmem:s14+$0xAB80]  }
0x105: {  	v28 =	vadd.f32 v33, v28;
	v34 =	vld [tilespmem:s14+$0x8080];
	v24 =	vadd.f32 v24, v26  }
0x106: {  	v22 =	vadd.f32 v32, v22;
	v20 =	vadd.f32 v27, v20;
	v26 =	vld [tilespmem:s14+$0xB180]  }
0x107: {  	v28 =	vadd.f32 v31, v28;
	v27 =	vld [tilespmem:s14+$0x8280];
	v24 =	vadd.f32 v25, v24  }
0x108: {  	v22 =	vadd.f32 v30, v22;
	v20 =	vadd.f32 v35, v20;
	v25 =	vld [tilespmem:s14+$0xB380]  }
0x109: {  	v28 =	vadd.f32 v29, v28;
	v30 =	vld [tilespmem:s14+$0x8880];
	v23 =	vadd.f32 v23, v24  }
0x10a: {  	v21 =	vadd.f32 v21, v22;
	v20 =	vadd.f32 v34, v20;
	v22 =	vld [tilespmem:s14+$0xB980]  }
0x10b: {  	v19 =	vadd.f32 v19, v28;
	v24 =	vld [tilespmem:s14+$0x8A80];
	v23 =	vadd.f32 v26, v23  }
0x10c: {  	v15 =	vadd.f32 v15, v21;
	v20 =	vadd.f32 v27, v20;
	v21 =	vld [tilespmem:s14+$0xBB80]  }
0x10d: {  	v13 =	vadd.f32 v13, v19;
	v26 =	vld [tilespmem:s14+$0x9080];
	v19 =	vadd.f32 v25, v23  }
0x10e: {  	v12 =	vadd.f32 v12, v15;
	v15 =	vadd.f32 v30, v20;
	v20 =	vld [tilespmem:s14+$0xC180]  }
0x10f: {  	v11 =	vadd.f32 v11, v13;
	v23 =	vld [tilespmem:s14+$0x9280];
	v13 =	vadd.f32 v22, v19  }
0x110: {  	v10 =	vadd.f32 v10, v12;
	v12 =	vadd.f32 v24, v15;
	v15 =	vld [tilespmem:s14+$0xC380]  }
0x111: {  	v9 =	vadd.f32 v9, v11;
	v19 =	vld [tilespmem:s14+$0x9880];
	v11 =	vadd.f32 v21, v13  }
0x112: {  	v8 =	vadd.f32 v8, v10;
	v10 =	vadd.f32 v26, v12;
	v12 =	vld [tilespmem:s14+$0xC980]  }
0x113: {  	v7 =	vadd.f32 v7, v9;
	v9 =	vadd.f32 v20, v11  }
0x114: {  	v6 =	vadd.f32 v6, v8;
	v8 =	vadd.f32 v23, v10  }
0x115: {  	v5 =	vadd.f32 v5, v7;
	v7 =	vadd.f32 v15, v9  }
0x116: {  	v4 =	vadd.f32 v4, v6;
	v6 =	vadd.f32 v19, v8  }
0x117: {  	v3 =	vadd.f32 v3, v5;
	v5 =	vadd.f32 v12, v7  }
0x118: {  	v4 =	vadd.f32 v6, v4;
	v6 =	vadd.f32 v18, v17  }
0x119: {  	v3 =	vadd.f32 v5, v3;
	v5 =	vadd.f32 v16, v14  }
0x11a: {  	v4 =	vadd.f32 v4, v6  }
0x11b: {  	s15 =	sadd.s32 $0x80, s15;
	v3 =	vadd.f32 v3, v5  }
0x11c: {  	s19 =	sand.u32 $0x70, s16;
	s18 =	sand.u32 $0x400, s15;
	[tilespmem:s14+$0x13800] =	vst v4  }
0x11d: {  	s14 =	sor.u32 s19, s18;
	[tilespmem:s17+$0x13800] =	vst v3  }
0x11e: {  	v3 =	vld [tilespmem:s14+$0xC900]  }
0x11f: {  	v14 =	vld [tilespmem:s14+$0xC800]  }
0x120: {  	v16 =	vld [tilespmem:s14+$0xC880]  }
0x121: {  	v4 =	vld [tilespmem:s14+$0x9800]  }
0x122: {  	v17 =	vld [tilespmem:s14+$0x9300]  }
0x123: {  	v18 =	vld [tilespmem:s14+$0x9380]  }
0x124: {  	v5 =	vld [tilespmem:s14+$0xC300]  }
0x125: {  	v20 =	vld [tilespmem:s14+$0xC200]  }
0x126: {  	v22 =	vld [tilespmem:s14+$0xC280]  }
0x127: {  	v6 =	vld [tilespmem:s14+$0x9200]  }
0x128: {  	v23 =	vld [tilespmem:s14+$0x9100]  }
0x129: {  	v24 =	vld [tilespmem:s14+$0x9180]  }
0x12a: {  	v7 =	vld [tilespmem:s14+$0xC100]  }
0x12b: {  	v25 =	vld [tilespmem:s14+$0xC000]  }
0x12c: {  	v26 =	vld [tilespmem:s14+$0xC080]  }
0x12d: {  	v8 =	vld [tilespmem:s14+$0x9000]  }
0x12e: {  	v27 =	vld [tilespmem:s14+$0x8B00]  }
0x12f: {  	v28 =	vld [tilespmem:s14+$0x8B80]  }
0x130: {  	v9 =	vld [tilespmem:s14+$0xBB00]  }
0x131: {  	v34 =	vld [tilespmem:s14+$0xBA00]  }
0x132: {  	v35 =	vld [tilespmem:s14+$0xBA80]  }
0x133: {  	v10 =	vld [tilespmem:s14+$0x8A00]  }
0x134: {  	v36 =	vld [tilespmem:s14+$0x8900]  }
0x135: {  	v37 =	vld [tilespmem:s14+$0x8980]  }
0x136: {  	v11 =	vld [tilespmem:s14+$0xB900]  }
0x137: {  	v43 =	vld [tilespmem:s14+$0xB800]  }
0x138: {  	v44 =	vld [tilespmem:s14+$0xB880]  }
0x139: {  	v12 =	vld [tilespmem:s14+$0x8800]  }
0x13a: {  	v45 =	vld [tilespmem:s14+$0x8300]  }
0x13b: {  	v46 =	vld [tilespmem:s14+$0x8380]  }
0x13c: {  	v13 =	vld [tilespmem:s14+$0xB300]  }
0x13d: {  	v41 =	vld [tilespmem:s14+$0xB200]  }
0x13e: {  	v42 =	vld [tilespmem:s14+$0xB280]  }
0x13f: {  	v15 =	vld [tilespmem:s14+$0x8200]  }
0x140: {  	v47 =	vld [tilespmem:s14+$0x8100]  }
0x141: {  	v48 =	vld [tilespmem:s14+$0x8180]  }
0x142: {  	v19 =	vld [tilespmem:s14+$0xB100]  }
0x143: {  	v39 =	vld [tilespmem:s14+$0xB000]  }
0x144: {  	v40 =	vld [tilespmem:s14+$0xB080]  }
0x145: {  	v21 =	vld [tilespmem:s14+$0x8000]  }
0x146: {  	v49 =	vld [tilespmem:s14+$0x7B00]  }
0x147: {  	v50 =	vld [tilespmem:s14+$0x7B80]  }
0x148: {  	v33 =	vld [tilespmem:s14+$0xAA00]  }
0x149: {  	v38 =	vld [tilespmem:s14+$0xAA80]  }
0x14a: {  	v31 =	vld [tilespmem:s14+$0xA800]  }
0x14b: {  	v32 =	vld [tilespmem:s14+$0xA880]  }
0x14c: {  	v29 =	vld [tilespmem:s14+$0xA200]  }
0x14d: {  	v30 =	vld [tilespmem:s14+$0xA280]  }
0x14e: {  	v51 =	vld [tilespmem:s14+$0x9A00]  }
0x14f: {  	v52 =	vld [tilespmem:s14+$0xA000]  }
0x150: {  	v53 =	vld [tilespmem:s14+$0x9A80]  }
0x151: {  	v54 =	vld [tilespmem:s14+$0xA080]  }
0x152: {  	v55 =	vld [tilespmem:s14+$0x6900]  }
0x153: {  	s17 =	sor.u32 s15, s16;
	v56 =	vld [tilespmem:s14+$0x6B00]  }
0x154: {  	s17 =	sor.u32 $0x380, s17;
	v57 =	vld [tilespmem:s14+$0x6980]  }
0x155: {  	v58 =	vld [tilespmem:s17+$0x6800]  }
0x156: {  	v59 =	vld [tilespmem:s14+$0x7100]  }
0x157: {  	v60 =	vld [tilespmem:s14+$0x7180]  }
0x158: {  	v61 =	vld [tilespmem:s14+$0x7300]  }
0x159: {  	v51 =	vadd.f32 v52, v51;
	v52 =	vadd.f32 v54, v53;
	v62 =	vld [tilespmem:s14+$0x7380]  }
0x15a: {  	v53 =	vadd.f32 v56, v55;
	v54 =	vadd.f32 v58, v57;
	v55 =	vld [tilespmem:s14+$0x7900]  }
0x15b: {  	v51 =	vadd.f32 v29, v51;
	v52 =	vadd.f32 v30, v52;
	v56 =	vld [tilespmem:s14+$0x7980]  }
0x15c: {  	v53 =	vadd.f32 v59, v53;
	v54 =	vadd.f32 v60, v54;
	v29 =	vld [tilespmem:s14+$0xAB00]  }
0x15d: {  	v51 =	vadd.f32 v31, v51;
	v52 =	vadd.f32 v32, v52;
	v30 =	vld [tilespmem:s14+$0x7A00]  }
0x15e: {  	v53 =	vadd.f32 v61, v53;
	v54 =	vadd.f32 v62, v54;
	v31 =	vld [tilespmem:s14+$0xA900]  }
0x15f: {  	v51 =	vadd.f32 v33, v51;
	v52 =	vadd.f32 v38, v52;
	v32 =	vld [tilespmem:s14+$0x7800]  }
0x160: {  	v53 =	vadd.f32 v55, v53;
	v54 =	vadd.f32 v56, v54;
	v33 =	vld [tilespmem:s14+$0xA300]  }
0x161: {  	v51 =	vadd.f32 v39, v51;
	v52 =	vadd.f32 v40, v52;
	v38 =	vld [tilespmem:s14+$0x7200]  }
0x162: {  	s17 =	sor.u32 s18, s16;
	v49 =	vadd.f32 v49, v53;
	v50 =	vadd.f32 v50, v54;
	v39 =	vld [tilespmem:s14+$0xA100]  }
0x163: {  	s17 =	sor.u32 $0x80, s17;
	v51 =	vadd.f32 v41, v51;
	v52 =	vadd.f32 v42, v52;
	v40 =	vld [tilespmem:s14+$0x7000]  }
.Ltmp0:
0x164: {  	v47 =	vadd.f32 v47, v49;
	v41 =	vld [tilespmem:s17+$0x6800];
	v48 =	vadd.f32 v48, v50;
	(pc) =	sbr.rel @p0 .LBB2_3-.Ltmp0, $4  }
0x165: {  	v49 =	vadd.f32 v43, v51;
	v50 =	vadd.f32 v44, v52;
	v42 =	vld [tilespmem:s14+$0x9900]  }
0x166: {  	v47 =	vadd.f32 v45, v47;
	v46 =	vadd.f32 v46, v48;
	v43 =	vld [tilespmem:s14+$0x9B00]  }
0x167: {  	v45 =	vadd.f32 v34, v49;
	v35 =	vadd.f32 v35, v50;
	v44 =	vld [tilespmem:s14+$0x9980]  }
0x168: {  	s16 =	sadd.s32 $0x10, s16;
	v36 =	vadd.f32 v36, v47;
	v34 =	vld [tilespmem:s14+$0x6A00];
	v37 =	vadd.f32 v37, v46  }
0x169: {  	v46 =	vld [tilespmem:s14+$0x6800];
	v25 =	vadd.f32 v25, v45;
	v26 =	vadd.f32 v26, v35  }
0x16a: {  	v58 =	vld [tilespmem:s14+$0x6A80];
	v27 =	vadd.f32 v27, v36;
	v28 =	vadd.f32 v28, v37  }
0x16b: {  	v59 =	vld [tilespmem:s14+$0x9B80];
	v20 =	vadd.f32 v20, v25;
	v22 =	vadd.f32 v22, v26  }
0x16c: {  	v25 =	vld [tilespmem:s14+$0x7080];
	v23 =	vadd.f32 v23, v27;
	v24 =	vadd.f32 v24, v28  }
0x16d: {  	v26 =	vld [tilespmem:s14+$0xA180];
	v14 =	vadd.f32 v14, v20;
	v16 =	vadd.f32 v16, v22  }
0x16e: {  	v20 =	vld [tilespmem:s14+$0x7280];
	v17 =	vadd.f32 v17, v23;
	v18 =	vadd.f32 v18, v24  }
0x16f: {  	v22 =	vadd.f32 v34, v46;
	v23 =	vadd.f32 v58, v41;
	v24 =	vld [tilespmem:s14+$0xA380]  }
0x170: {  	v27 =	vld [tilespmem:s14+$0x7880];
	v28 =	vadd.f32 v43, v42;
	v60 =	vadd.f32 v59, v44  }
0x171: {  	v22 =	vadd.f32 v40, v22;
	v23 =	vadd.f32 v25, v23;
	v25 =	vld [tilespmem:s14+$0xA980]  }
0x172: {  	v61 =	vld [tilespmem:s14+$0x7A80];
	v28 =	vadd.f32 v39, v28;
	v26 =	vadd.f32 v26, v60  }
0x173: {  	v22 =	vadd.f32 v38, v22;
	v20 =	vadd.f32 v20, v23;
	v23 =	vld [tilespmem:s14+$0xAB80]  }
0x174: {  	v62 =	vld [tilespmem:s14+$0x8080];
	v28 =	vadd.f32 v33, v28;
	v24 =	vadd.f32 v24, v26  }
0x175: {  	v26 =	vld [tilespmem:s14+$0xB180];
	v22 =	vadd.f32 v32, v22;
	v20 =	vadd.f32 v27, v20  }
0x176: {  	v28 =	vadd.f32 v31, v28;
	v27 =	vld [tilespmem:s14+$0x8280];
	v24 =	vadd.f32 v25, v24  }
0x177: {  	v25 =	vld [tilespmem:s14+$0xB380];
	v22 =	vadd.f32 v30, v22;
	v20 =	vadd.f32 v61, v20  }
0x178: {  	v28 =	vadd.f32 v29, v28;
	v30 =	vld [tilespmem:s14+$0x8880];
	v23 =	vadd.f32 v23, v24  }
0x179: {  	v21 =	vadd.f32 v21, v22;
	v20 =	vadd.f32 v62, v20;
	v22 =	vld [tilespmem:s14+$0xB980]  }
0x17a: {  	v19 =	vadd.f32 v19, v28;
	v24 =	vld [tilespmem:s14+$0x8A80];
	v23 =	vadd.f32 v26, v23  }
0x17b: {  	v15 =	vadd.f32 v15, v21;
	v20 =	vadd.f32 v27, v20;
	v21 =	vld [tilespmem:s14+$0xBB80]  }
0x17c: {  	v13 =	vadd.f32 v13, v19;
	v26 =	vld [tilespmem:s14+$0x9080];
	v19 =	vadd.f32 v25, v23  }
0x17d: {  	v12 =	vadd.f32 v12, v15;
	v15 =	vadd.f32 v30, v20;
	v20 =	vld [tilespmem:s14+$0xC180]  }
0x17e: {  	v11 =	vadd.f32 v11, v13;
	v23 =	vld [tilespmem:s14+$0x9280];
	v13 =	vadd.f32 v22, v19  }
0x17f: {  	v10 =	vadd.f32 v10, v12;
	v12 =	vadd.f32 v24, v15;
	v15 =	vld [tilespmem:s14+$0xC380]  }
0x180: {  	v9 =	vadd.f32 v9, v11;
	v19 =	vld [tilespmem:s14+$0x9880];
	v11 =	vadd.f32 v21, v13  }
0x181: {  	v8 =	vadd.f32 v8, v10;
	v10 =	vadd.f32 v26, v12;
	v12 =	vld [tilespmem:s14+$0xC980]  }
0x182: {  	v7 =	vadd.f32 v7, v9;
	v9 =	vadd.f32 v20, v11  }
0x183: {  	v6 =	vadd.f32 v6, v8;
	v8 =	vadd.f32 v23, v10  }
0x184: {  	v5 =	vadd.f32 v5, v7;
	v7 =	vadd.f32 v15, v9  }
0x185: {  	v4 =	vadd.f32 v4, v6;
	v6 =	vadd.f32 v19, v8  }
0x186: {  	v3 =	vadd.f32 v3, v5;
	v5 =	vadd.f32 v12, v7  }
0x187: {  	v4 =	vadd.f32 v6, v4;
	v6 =	vadd.f32 v18, v17  }
0x188: {  	v3 =	vadd.f32 v5, v3;
	v5 =	vadd.f32 v16, v14  }
0x189: {  	v4 =	vadd.f32 v4, v6  }
0x18a: {  	v3 =	vadd.f32 v3, v5  }
0x18b: {  	[tilespmem:s14+$0x13800] =	vst v4  }
0x18c: {  	[tilespmem:s17+$0x13800] =	vst v3  }
0x18d: {  	_ =	swait.ge [sflag:s23], $0x3000  }
0x18e: {  	[sflag:s23] =	ssyncset.done $0x0  }
0x18f: {  	[sflag:s23] =	ssyncadd.s32 $0xFFFFD000  }
0x190: {  	_ =	swait.ge [sflag:s23], $0x3800  }
0x191: {  	[sflag:s23] =	ssyncset.done $0x0  }
0x192: {  	[sflag:s23] =	ssyncadd.s32 $0xFFFFC800  }
0x193: {  	v3 =	vld [tilespmem:s13+$0xD0];
	_ =	sdelay $0x4  }
0x194: {  	v4 =	vshll.u32 v3, $0x1  }
0x195: {  	v3 =	vand.u32 $0x7, v3;
	v4 =	vand.u32 $0xFFFFFFF0, v4  }
0x196: {  	v3 =	vor.u32 v3, v4  }
0x197: {  	v4 =	vperm.xlane v3, v0;
	_ =	sdelay $0x1  }
0x198: {  	v3 =	vperm.xlane v3, v2;
	v4 =	vadd.s32 v1, v4;
	_ =	sdelay $0x1  }
0x199: {  	v3 =	vadd.s32 v1, v3;
	_ =	sdelay $0x1  }
0x19a: {  	s15 =	simm.s32 $0x0;
	s16 =	simm.s32 $0x6800  }
0x19b: {  	[tilespmem:s16], [sflag:$0x1] =	stream.indirect_vreg.gather [hbm4b:s3+s15], $0x80, v4, vm0, $0xb8;
	[tilespmem:$0x1C080] =	vst v63  }
0x19c: {  	s17 =	simm.s32 $0x7000  }
0x19d: {  	[tilespmem:s17], [sflag:$0x1] =	stream.indirect_vreg.gather [hbm4b:s3+s15], $0x80, v3, vm0, $0xb8;
	[tilespmem:$0x1C080] =	vst v63  }
0x19e: {  	v3 =	vld [tilespmem:s13+$0xE0];
	_ =	sdelay $0x4  }
0x19f: {  	v4 =	vshll.u32 v3, $0x1  }
0x1a0: {  	v3 =	vand.u32 $0x7, v3;
	v4 =	vand.u32 $0xFFFFFFF0, v4  }
0x1a1: {  	v3 =	vor.u32 v3, v4  }
0x1a2: {  	v4 =	vperm.xlane v3, v0;
	_ =	sdelay $0x1  }
0x1a3: {  	v3 =	vperm.xlane v3, v2;
	v4 =	vadd.s32 v1, v4;
	_ =	sdelay $0x1  }
0x1a4: {  	v3 =	vadd.s32 v1, v3;
	_ =	sdelay $0x1  }
0x1a5: {  	s18 =	simm.s32 $0x7800  }
0x1a6: {  	[tilespmem:s18], [sflag:$0x1] =	stream.indirect_vreg.gather [hbm4b:s3+s15], $0x80, v4, vm0, $0xb8;
	[tilespmem:$0x1C080] =	vst v63  }
0x1a7: {  	s19 =	simm.s32 $0x8000  }
0x1a8: {  	[tilespmem:s19], [sflag:$0x1] =	stream.indirect_vreg.gather [hbm4b:s3+s15], $0x80, v3, vm0, $0xb8;
	[tilespmem:$0x1C080] =	vst v63  }
0x1a9: {  	v3 =	vld [tilespmem:s13+$0xF0];
	_ =	sdelay $0x4  }
0x1aa: {  	v4 =	vshll.u32 v3, $0x1  }
0x1ab: {  	v3 =	vand.u32 $0x7, v3;
	v4 =	vand.u32 $0xFFFFFFF0, v4  }
0x1ac: {  	v3 =	vor.u32 v3, v4  }
0x1ad: {  	v4 =	vperm.xlane v3, v0;
	_ =	sdelay $0x1  }
0x1ae: {  	v3 =	vperm.xlane v3, v2;
	v4 =	vadd.s32 v1, v4;
	_ =	sdelay $0x1  }
0x1af: {  	v3 =	vadd.s32 v1, v3;
	_ =	sdelay $0x1  }
0x1b0: {  	s16 =	simm.s32 $0x8800  }
0x1b1: {  	[tilespmem:s16], [sflag:$0x1] =	stream.indirect_vreg.gather [hbm4b:s3+s15], $0x80, v4, vm0, $0xb8;
	[tilespmem:$0x1C080] =	vst v63  }
0x1b2: {  	s17 =	simm.s32 $0x9000  }
0x1b3: {  	[tilespmem:s17], [sflag:$0x1] =	stream.indirect_vreg.gather [hbm4b:s3+s15], $0x80, v3, vm0, $0xb8;
	[tilespmem:$0x1C080] =	vst v63  }
0x1b4: {  	v3 =	vld [tilespmem:s13+$0x100];
	_ =	sdelay $0x4  }
0x1b5: {  	v4 =	vshll.u32 v3, $0x1  }
0x1b6: {  	v3 =	vand.u32 $0x7, v3;
	v4 =	vand.u32 $0xFFFFFFF0, v4  }
0x1b7: {  	v3 =	vor.u32 v3, v4  }
0x1b8: {  	v4 =	vperm.xlane v3, v0;
	_ =	sdelay $0x1  }
0x1b9: {  	v3 =	vperm.xlane v3, v2;
	v4 =	vadd.s32 v1, v4;
	_ =	sdelay $0x1  }
0x1ba: {  	v3 =	vadd.s32 v1, v3;
	_ =	sdelay $0x1  }
0x1bb: {  	s18 =	simm.s32 $0x9800  }
0x1bc: {  	[tilespmem:s18], [sflag:$0x1] =	stream.indirect_vreg.gather [hbm4b:s3+s15], $0x80, v4, vm0, $0xb8;
	[tilespmem:$0x1C080] =	vst v63  }
0x1bd: {  	s19 =	simm.s32 $0xA000  }
0x1be: {  	[tilespmem:s19], [sflag:$0x1] =	stream.indirect_vreg.gather [hbm4b:s3+s15], $0x80, v3, vm0, $0xb8;
	[tilespmem:$0x1C080] =	vst v63  }
0x1bf: {  	v3 =	vld [tilespmem:s13+$0x110];
	_ =	sdelay $0x4  }
0x1c0: {  	v4 =	vshll.u32 v3, $0x1  }
0x1c1: {  	v3 =	vand.u32 $0x7, v3;
	v4 =	vand.u32 $0xFFFFFFF0, v4  }
0x1c2: {  	v3 =	vor.u32 v3, v4  }
0x1c3: {  	v4 =	vperm.xlane v3, v0;
	_ =	sdelay $0x1  }
0x1c4: {  	v3 =	vperm.xlane v3, v2;
	v4 =	vadd.s32 v1, v4;
	_ =	sdelay $0x1  }
0x1c5: {  	v3 =	vadd.s32 v1, v3;
	_ =	sdelay $0x1  }
0x1c6: {  	s16 =	simm.s32 $0xA800  }
0x1c7: {  	[tilespmem:s16], [sflag:$0x1] =	stream.indirect_vreg.gather [hbm4b:s3+s15], $0x80, v4, vm0, $0xb8;
	[tilespmem:$0x1C080] =	vst v63  }
0x1c8: {  	s17 =	simm.s32 $0xB000  }
0x1c9: {  	[tilespmem:s17], [sflag:$0x1] =	stream.indirect_vreg.gather [hbm4b:s3+s15], $0x80, v3, vm0, $0xb8;
	[tilespmem:$0x1C080] =	vst v63  }
0x1ca: {  	v3 =	vld [tilespmem:s13+$0x120];
	_ =	sdelay $0x4  }
0x1cb: {  	v4 =	vshll.u32 v3, $0x1  }
0x1cc: {  	v3 =	vand.u32 $0x7, v3;
	v4 =	vand.u32 $0xFFFFFFF0, v4  }
0x1cd: {  	v3 =	vor.u32 v3, v4  }
0x1ce: {  	v4 =	vperm.xlane v3, v0;
	_ =	sdelay $0x1  }
0x1cf: {  	v3 =	vperm.xlane v3, v2;
	v4 =	vadd.s32 v1, v4;
	_ =	sdelay $0x1  }
0x1d0: {  	v3 =	vadd.s32 v1, v3;
	_ =	sdelay $0x2  }
0x1d1: {  	[tilespmem:s20], [sflag:$0x1] =	stream.indirect_vreg.gather [hbm4b:s3+s15], $0x80, v4, vm0, $0xb8;
	[tilespmem:$0x1C080] =	vst v63  }
0x1d2: {  	_ = 	snop  }
0x1d3: {  	[tilespmem:s21], [sflag:$0x1] =	stream.indirect_vreg.gather [hbm4b:s3+s15], $0x80, v3, vm0, $0xb8;
	[tilespmem:$0x1C080] =	vst v63  }
0x1d4: {  	v3 =	vld.msk [tilespmem:s13+$0x130], $0xff;
	_ =	sdelay $0x4  }
0x1d5: {  	v4 =	vshll.u32 v3, $0x1  }
0x1d6: {  	v3 =	vand.u32 $0x7, v3;
	v4 =	vand.u32 $0xFFFFFFF0, v4  }
0x1d7: {  	v3 =	vor.u32 v3, v4  }
0x1d8: {  	v3 =	vperm.xlane v3, v0;
	_ =	sdelay $0x1  }
0x1d9: {  	v3 =	vadd.s32 v1, v3;
	_ =	sdelay $0x2  }
0x1da: {  	s18 =	sand.u32 $0x70, s15;
	s16 =	sand.u32 $0x400, s15  }
0x1db: {  	s14 =	sor.u32 s18, s16  }
0x1dc: {  	[tilespmem:s22], [sflag:$0x1] =	stream.indirect_vreg.gather [hbm4b:s3+s15], $0x80, v3, vm0, $0xb8;
	[tilespmem:$0x1C080] =	vst v63  }
0x1dd: {  	v3 =	vld [tilespmem:s14+$0x13100]  }
0x1de: {  	v14 =	vld [tilespmem:s14+$0x13000]  }
0x1df: {  	v16 =	vld [tilespmem:s14+$0x13080]  }
0x1e0: {  	v4 =	vld [tilespmem:s14+$0x10000]  }
0x1e1: {  	v17 =	vld [tilespmem:s14+$0xFB00]  }
0x1e2: {  	v18 =	vld [tilespmem:s14+$0xFB80]  }
0x1e3: {  	v5 =	vld [tilespmem:s14+$0x12B00]  }
0x1e4: {  	v20 =	vld [tilespmem:s14+$0x12A00]  }
0x1e5: {  	v22 =	vld [tilespmem:s14+$0x12A80]  }
0x1e6: {  	v6 =	vld [tilespmem:s14+$0xFA00]  }
0x1e7: {  	v23 =	vld [tilespmem:s14+$0xF900]  }
0x1e8: {  	v24 =	vld [tilespmem:s14+$0xF980]  }
0x1e9: {  	v7 =	vld [tilespmem:s14+$0x12900]  }
0x1ea: {  	v30 =	vld [tilespmem:s14+$0x12800]  }
0x1eb: {  	v32 =	vld [tilespmem:s14+$0x12880]  }
0x1ec: {  	v8 =	vld [tilespmem:s14+$0xF800]  }
0x1ed: {  	v25 =	vld [tilespmem:s14+$0xF300]  }
0x1ee: {  	v26 =	vld [tilespmem:s14+$0xF380]  }
0x1ef: {  	v9 =	vld [tilespmem:s14+$0x12300]  }
0x1f0: {  	v34 =	vld [tilespmem:s14+$0x12200]  }
0x1f1: {  	v35 =	vld [tilespmem:s14+$0x12280]  }
0x1f2: {  	v10 =	vld [tilespmem:s14+$0xF200]  }
0x1f3: {  	v36 =	vld [tilespmem:s14+$0xF100]  }
0x1f4: {  	v37 =	vld [tilespmem:s14+$0xF180]  }
0x1f5: {  	v11 =	vld [tilespmem:s14+$0x12100]  }
0x1f6: {  	v43 =	vld [tilespmem:s14+$0x12000]  }
0x1f7: {  	v44 =	vld [tilespmem:s14+$0x12080]  }
0x1f8: {  	v12 =	vld [tilespmem:s14+$0xF000]  }
0x1f9: {  	v45 =	vld [tilespmem:s14+$0xEB00]  }
0x1fa: {  	v46 =	vld [tilespmem:s14+$0xEB80]  }
0x1fb: {  	v13 =	vld [tilespmem:s14+$0x11B00]  }
0x1fc: {  	v41 =	vld [tilespmem:s14+$0x11A00]  }
0x1fd: {  	v42 =	vld [tilespmem:s14+$0x11A80]  }
0x1fe: {  	v15 =	vld [tilespmem:s14+$0xEA00]  }
0x1ff: {  	v47 =	vld [tilespmem:s14+$0xE900]  }
0x200: {  	v48 =	vld [tilespmem:s14+$0xE980]  }
0x201: {  	v19 =	vld [tilespmem:s14+$0x11900]  }
0x202: {  	v39 =	vld [tilespmem:s14+$0x11800]  }
0x203: {  	v40 =	vld [tilespmem:s14+$0x11880]  }
0x204: {  	v21 =	vld [tilespmem:s14+$0xE800]  }
0x205: {  	v49 =	vld [tilespmem:s14+$0xE300]  }
0x206: {  	v50 =	vld [tilespmem:s14+$0xE380]  }
0x207: {  	v33 =	vld [tilespmem:s14+$0x11200]  }
0x208: {  	v38 =	vld [tilespmem:s14+$0x11280]  }
0x209: {  	v29 =	vld [tilespmem:s14+$0x11000]  }
0x20a: {  	v31 =	vld [tilespmem:s14+$0x11080]  }
0x20b: {  	s16 =	sor.u32 s16, s15;
	v27 =	vld [tilespmem:s14+$0x10A00]  }
0x20c: {  	s16 =	sor.u32 $0x180, s16;
	v28 =	vld [tilespmem:s14+$0x10A80]  }
0x20d: {  	v51 =	vld [tilespmem:s16+$0xD000]  }
0x20e: {  	v52 =	vld [tilespmem:s14+$0x10200]  }
0x20f: {  	v53 =	vld [tilespmem:s14+$0x10800]  }
0x210: {  	v54 =	vld [tilespmem:s14+$0x10280]  }
0x211: {  	v55 =	vld [tilespmem:s14+$0x10880]  }
0x212: {  	s19 =	sor.u32 s15, s15;
	v56 =	vld [tilespmem:s14+$0xD100]  }
0x213: {  	s17 =	sor.u32 $0x380, s19;
	v57 =	vld [tilespmem:s14+$0xD300]  }
0x214: {  	v58 =	vld [tilespmem:s17+$0xD000]  }
0x215: {  	v59 =	vld [tilespmem:s14+$0xD900]  }
0x216: {  	v60 =	vld [tilespmem:s14+$0xD980]  }
0x217: {  	v61 =	vld [tilespmem:s14+$0xDB00]  }
0x218: {  	v62 =	vld [tilespmem:s14+$0xDB80];
	v52 =	vadd.f32 v53, v52;
	v53 =	vadd.f32 v55, v54  }
0x219: {  	v63 =	vld [tilespmem:s14+$0xE180];
	v54 =	vadd.f32 v57, v56;
	v51 =	vadd.f32 v58, v51  }
0x21a: {  	v55 =	vld [tilespmem:s14+$0xE100];
	v52 =	vadd.f32 v27, v52;
	v53 =	vadd.f32 v28, v53  }
0x21b: {  	v54 =	vadd.f32 v59, v54;
	v51 =	vadd.f32 v60, v51;
	v27 =	vld [tilespmem:s14+$0x11300]  }
0x21c: {  	v28 =	vld [tilespmem:s14+$0xE200];
	v52 =	vadd.f32 v29, v52;
	v53 =	vadd.f32 v31, v53  }
0x21d: {  	v54 =	vadd.f32 v61, v54;
	v51 =	vadd.f32 v62, v51;
	v29 =	vld [tilespmem:s14+$0x11100]  }
0x21e: {  	v31 =	vld [tilespmem:s14+$0xE000];
	v52 =	vadd.f32 v33, v52;
	v53 =	vadd.f32 v38, v53  }
0x21f: {  	v54 =	vadd.f32 v55, v54;
	v51 =	vadd.f32 v63, v51;
	v33 =	vld [tilespmem:s14+$0x10B00]  }
0x220: {  	v38 =	vld [tilespmem:s14+$0xDA00];
	v52 =	vadd.f32 v39, v52;
	v53 =	vadd.f32 v40, v53  }
0x221: {  	v49 =	vadd.f32 v49, v54;
	v50 =	vadd.f32 v50, v51;
	v39 =	vld [tilespmem:s14+$0x10900]  }
0x222: {  	v40 =	vld [tilespmem:s14+$0xD800];
	v58 =	vadd.f32 v41, v52;
	v59 =	vadd.f32 v42, v53  }
0x223: {  	v47 =	vadd.f32 v47, v49;
	v48 =	vadd.f32 v48, v50;
	v41 =	vld [tilespmem:s14+$0x10100]  }
0x224: {  	v42 =	vld [tilespmem:s14+$0x10300];
	v60 =	vadd.f32 v43, v58;
	v61 =	vadd.f32 v44, v59  }
0x225: {  	v45 =	vadd.f32 v45, v47;
	v46 =	vadd.f32 v46, v48;
	v43 =	vld [tilespmem:s14+$0x10180]  }
0x226: {  	v44 =	vld [tilespmem:s14+$0xD200];
	v62 =	vadd.f32 v34, v60;
	v63 =	vadd.f32 v35, v61  }
0x227: {  	v34 =	vld [tilespmem:s14+$0xD000];
	v36 =	vadd.f32 v36, v45;
	v37 =	vadd.f32 v37, v46  }
0x228: {  	s17 =	simm.s32 $0x10;
	v35 =	vld [tilespmem:s14+$0xD080];
	v30 =	vadd.f32 v30, v62;
	v32 =	vadd.f32 v32, v63  }
.LBB2_5:
0x229: {  	p0 =	sne.s32 s17, $0xF0;
	v45 =	vld [tilespmem:s14+$0xD280];
	v25 =	vadd.f32 v25, v36;
	v26 =	vadd.f32 v26, v37  }
0x22a: {  	v36 =	vld [tilespmem:s14+$0x10380];
	v20 =	vadd.f32 v20, v30;
	v22 =	vadd.f32 v22, v32  }
0x22b: {  	v30 =	vld [tilespmem:s14+$0xD880];
	v23 =	vadd.f32 v23, v25;
	v24 =	vadd.f32 v24, v26  }
0x22c: {  	v25 =	vld [tilespmem:s14+$0x10980];
	v14 =	vadd.f32 v14, v20;
	v16 =	vadd.f32 v16, v22  }
0x22d: {  	v20 =	vld [tilespmem:s14+$0xDA80];
	v17 =	vadd.f32 v17, v23;
	v18 =	vadd.f32 v18, v24  }
0x22e: {  	v22 =	vadd.f32 v44, v34;
	v23 =	vadd.f32 v45, v35;
	v24 =	vld [tilespmem:s14+$0x10B80]  }
0x22f: {  	v32 =	vadd.f32 v42, v41;
	v26 =	vld [tilespmem:s14+$0xE080];
	v34 =	vadd.f32 v36, v43  }
0x230: {  	v22 =	vadd.f32 v40, v22;
	v23 =	vadd.f32 v30, v23;
	v30 =	vld [tilespmem:s14+$0x11180]  }
0x231: {  	v32 =	vadd.f32 v39, v32;
	v35 =	vld [tilespmem:s14+$0xE280];
	v25 =	vadd.f32 v25, v34  }
0x232: {  	v22 =	vadd.f32 v38, v22;
	v20 =	vadd.f32 v20, v23;
	v23 =	vld [tilespmem:s14+$0x11380]  }
0x233: {  	v32 =	vadd.f32 v33, v32;
	v34 =	vld [tilespmem:s14+$0xE880];
	v24 =	vadd.f32 v24, v25  }
0x234: {  	v22 =	vadd.f32 v31, v22;
	v20 =	vadd.f32 v26, v20;
	v25 =	vld [tilespmem:s14+$0x11980]  }
0x235: {  	v29 =	vadd.f32 v29, v32;
	v26 =	vld [tilespmem:s14+$0xEA80];
	v24 =	vadd.f32 v30, v24  }
0x236: {  	v22 =	vadd.f32 v28, v22;
	v20 =	vadd.f32 v35, v20;
	v28 =	vld [tilespmem:s14+$0x11B80]  }
0x237: {  	v27 =	vadd.f32 v27, v29;
	v30 =	vld [tilespmem:s14+$0xF080];
	v23 =	vadd.f32 v23, v24  }
0x238: {  	v21 =	vadd.f32 v21, v22;
	v20 =	vadd.f32 v34, v20;
	v22 =	vld [tilespmem:s14+$0x12180]  }
0x239: {  	v19 =	vadd.f32 v19, v27;
	v24 =	vld [tilespmem:s14+$0xF280];
	v23 =	vadd.f32 v25, v23  }
0x23a: {  	v15 =	vadd.f32 v15, v21;
	v20 =	vadd.f32 v26, v20;
	v21 =	vld [tilespmem:s14+$0x12380]  }
0x23b: {  	v13 =	vadd.f32 v13, v19;
	v25 =	vld [tilespmem:s14+$0xF880];
	v19 =	vadd.f32 v28, v23  }
0x23c: {  	v12 =	vadd.f32 v12, v15;
	v15 =	vadd.f32 v30, v20;
	v20 =	vld [tilespmem:s14+$0x12980]  }
0x23d: {  	v11 =	vadd.f32 v11, v13;
	v23 =	vld [tilespmem:s14+$0xFA80];
	v13 =	vadd.f32 v22, v19  }
0x23e: {  	v10 =	vadd.f32 v10, v12;
	v12 =	vadd.f32 v24, v15;
	v15 =	vld [tilespmem:s14+$0x12B80]  }
0x23f: {  	v9 =	vadd.f32 v9, v11;
	v19 =	vld [tilespmem:s14+$0x10080];
	v11 =	vadd.f32 v21, v13  }
0x240: {  	v8 =	vadd.f32 v8, v10;
	v10 =	vadd.f32 v25, v12;
	v12 =	vld [tilespmem:s14+$0x13180]  }
0x241: {  	v7 =	vadd.f32 v7, v9;
	v9 =	vadd.f32 v20, v11  }
0x242: {  	v6 =	vadd.f32 v6, v8;
	v8 =	vadd.f32 v23, v10  }
0x243: {  	v5 =	vadd.f32 v5, v7;
	v7 =	vadd.f32 v15, v9  }
0x244: {  	v4 =	vadd.f32 v4, v6;
	v6 =	vadd.f32 v19, v8  }
0x245: {  	v3 =	vadd.f32 v3, v5;
	v5 =	vadd.f32 v12, v7  }
0x246: {  	v4 =	vadd.f32 v6, v4;
	v6 =	vadd.f32 v18, v17  }
0x247: {  	v3 =	vadd.f32 v5, v3;
	v5 =	vadd.f32 v16, v14  }
0x248: {  	v4 =	vadd.f32 v4, v6  }
0x249: {  	s15 =	sadd.s32 $0x80, s15;
	v3 =	vadd.f32 v3, v5  }
0x24a: {  	s19 =	sand.u32 $0x70, s17;
	s18 =	sand.u32 $0x400, s15;
	[tilespmem:s14+$0x13900] =	vst v4  }
0x24b: {  	s14 =	sor.u32 s19, s18;
	[tilespmem:s16+$0x13800] =	vst v3  }
0x24c: {  	v3 =	vld [tilespmem:s14+$0x13100]  }
0x24d: {  	v14 =	vld [tilespmem:s14+$0x13000]  }
0x24e: {  	v16 =	vld [tilespmem:s14+$0x13080]  }
0x24f: {  	v4 =	vld [tilespmem:s14+$0x10000]  }
0x250: {  	v17 =	vld [tilespmem:s14+$0xFB00]  }
0x251: {  	v18 =	vld [tilespmem:s14+$0xFB80]  }
0x252: {  	v5 =	vld [tilespmem:s14+$0x12B00]  }
0x253: {  	v20 =	vld [tilespmem:s14+$0x12A00]  }
0x254: {  	v22 =	vld [tilespmem:s14+$0x12A80]  }
0x255: {  	v6 =	vld [tilespmem:s14+$0xFA00]  }
0x256: {  	v23 =	vld [tilespmem:s14+$0xF900]  }
0x257: {  	v24 =	vld [tilespmem:s14+$0xF980]  }
0x258: {  	v7 =	vld [tilespmem:s14+$0x12900]  }
0x259: {  	v30 =	vld [tilespmem:s14+$0x12800]  }
0x25a: {  	v32 =	vld [tilespmem:s14+$0x12880]  }
0x25b: {  	v8 =	vld [tilespmem:s14+$0xF800]  }
0x25c: {  	v25 =	vld [tilespmem:s14+$0xF300]  }
0x25d: {  	v26 =	vld [tilespmem:s14+$0xF380]  }
0x25e: {  	v9 =	vld [tilespmem:s14+$0x12300]  }
0x25f: {  	v34 =	vld [tilespmem:s14+$0x12200]  }
0x260: {  	v35 =	vld [tilespmem:s14+$0x12280]  }
0x261: {  	v10 =	vld [tilespmem:s14+$0xF200]  }
0x262: {  	v36 =	vld [tilespmem:s14+$0xF100]  }
0x263: {  	v37 =	vld [tilespmem:s14+$0xF180]  }
0x264: {  	v11 =	vld [tilespmem:s14+$0x12100]  }
0x265: {  	v43 =	vld [tilespmem:s14+$0x12000]  }
0x266: {  	v44 =	vld [tilespmem:s14+$0x12080]  }
0x267: {  	v12 =	vld [tilespmem:s14+$0xF000]  }
0x268: {  	v45 =	vld [tilespmem:s14+$0xEB00]  }
0x269: {  	v46 =	vld [tilespmem:s14+$0xEB80]  }
0x26a: {  	v13 =	vld [tilespmem:s14+$0x11B00]  }
0x26b: {  	v41 =	vld [tilespmem:s14+$0x11A00]  }
0x26c: {  	v42 =	vld [tilespmem:s14+$0x11A80]  }
0x26d: {  	v15 =	vld [tilespmem:s14+$0xEA00]  }
0x26e: {  	v47 =	vld [tilespmem:s14+$0xE900]  }
0x26f: {  	v48 =	vld [tilespmem:s14+$0xE980]  }
0x270: {  	v19 =	vld [tilespmem:s14+$0x11900]  }
0x271: {  	v39 =	vld [tilespmem:s14+$0x11800]  }
0x272: {  	v40 =	vld [tilespmem:s14+$0x11880]  }
0x273: {  	v21 =	vld [tilespmem:s14+$0xE800]  }
0x274: {  	v49 =	vld [tilespmem:s14+$0xE300]  }
0x275: {  	v50 =	vld [tilespmem:s14+$0xE380]  }
0x276: {  	v33 =	vld [tilespmem:s14+$0x11200]  }
0x277: {  	v38 =	vld [tilespmem:s14+$0x11280]  }
0x278: {  	v29 =	vld [tilespmem:s14+$0x11000]  }
0x279: {  	v31 =	vld [tilespmem:s14+$0x11080]  }
0x27a: {  	s16 =	sor.u32 s18, s17;
	v27 =	vld [tilespmem:s14+$0x10A00]  }
0x27b: {  	s16 =	sor.u32 $0x180, s16;
	v28 =	vld [tilespmem:s14+$0x10A80]  }
0x27c: {  	v51 =	vld [tilespmem:s16+$0xD000]  }
0x27d: {  	v52 =	vld [tilespmem:s14+$0x10200]  }
0x27e: {  	v53 =	vld [tilespmem:s14+$0x10800]  }
0x27f: {  	v54 =	vld [tilespmem:s14+$0x10280]  }
0x280: {  	v55 =	vld [tilespmem:s14+$0x10880]  }
0x281: {  	s18 =	sor.u32 s15, s17;
	v56 =	vld [tilespmem:s14+$0xD100]  }
0x282: {  	s18 =	sor.u32 $0x380, s18;
	v57 =	vld [tilespmem:s14+$0xD300]  }
0x283: {  	v58 =	vld [tilespmem:s18+$0xD000]  }
0x284: {  	v59 =	vld [tilespmem:s14+$0xD900]  }
0x285: {  	v60 =	vld [tilespmem:s14+$0xD980]  }
0x286: {  	v61 =	vld [tilespmem:s14+$0xDB00]  }
0x287: {  	v52 =	vadd.f32 v53, v52;
	v53 =	vadd.f32 v55, v54;
	v62 =	vld [tilespmem:s14+$0xDB80]  }
0x288: {  	v54 =	vadd.f32 v57, v56;
	v51 =	vadd.f32 v58, v51;
	v55 =	vld [tilespmem:s14+$0xE100]  }
0x289: {  	v52 =	vadd.f32 v27, v52;
	v53 =	vadd.f32 v28, v53;
	v56 =	vld [tilespmem:s14+$0xE180]  }
0x28a: {  	v54 =	vadd.f32 v59, v54;
	v51 =	vadd.f32 v60, v51;
	v27 =	vld [tilespmem:s14+$0x11300]  }
0x28b: {  	v52 =	vadd.f32 v29, v52;
	v53 =	vadd.f32 v31, v53;
	v28 =	vld [tilespmem:s14+$0xE200]  }
0x28c: {  	v54 =	vadd.f32 v61, v54;
	v51 =	vadd.f32 v62, v51;
	v29 =	vld [tilespmem:s14+$0x11100]  }
0x28d: {  	v52 =	vadd.f32 v33, v52;
	v53 =	vadd.f32 v38, v53;
	v31 =	vld [tilespmem:s14+$0xE000]  }
0x28e: {  	v54 =	vadd.f32 v55, v54;
	v51 =	vadd.f32 v56, v51;
	v33 =	vld [tilespmem:s14+$0x10B00]  }
0x28f: {  	v52 =	vadd.f32 v39, v52;
	v53 =	vadd.f32 v40, v53;
	v38 =	vld [tilespmem:s14+$0xDA00]  }
0x290: {  	v49 =	vadd.f32 v49, v54;
	v50 =	vadd.f32 v50, v51;
	v39 =	vld [tilespmem:s14+$0x10900]  }
0x291: {  	v51 =	vadd.f32 v41, v52;
	v52 =	vadd.f32 v42, v53;
	v40 =	vld [tilespmem:s14+$0xD800]  }
0x292: {  	v47 =	vadd.f32 v47, v49;
	v48 =	vadd.f32 v48, v50;
	v41 =	vld [tilespmem:s14+$0x10100]  }
.Ltmp1:
0x293: {  	v49 =	vadd.f32 v43, v51;
	v50 =	vadd.f32 v44, v52;
	v42 =	vld [tilespmem:s14+$0x10300];
	(pc) =	sbr.rel @p0 .LBB2_5-.Ltmp1, $4  }
0x294: {  	v45 =	vadd.f32 v45, v47;
	v46 =	vadd.f32 v46, v48;
	v43 =	vld [tilespmem:s14+$0x10180]  }
0x295: {  	v47 =	vadd.f32 v34, v49;
	v48 =	vadd.f32 v35, v50;
	v44 =	vld [tilespmem:s14+$0xD200]  }
0x296: {  	v36 =	vadd.f32 v36, v45;
	v34 =	vld [tilespmem:s14+$0xD000];
	v37 =	vadd.f32 v37, v46  }
0x297: {  	s17 =	sadd.s32 $0x10, s17;
	v30 =	vadd.f32 v30, v47;
	v32 =	vadd.f32 v32, v48;
	v35 =	vld [tilespmem:s14+$0xD080]  }
0x298: {  	v45 =	vld [tilespmem:s14+$0xD280];
	v25 =	vadd.f32 v25, v36;
	v26 =	vadd.f32 v26, v37  }
0x299: {  	v58 =	vld [tilespmem:s14+$0x10380];
	v20 =	vadd.f32 v20, v30;
	v22 =	vadd.f32 v22, v32  }
0x29a: {  	v30 =	vld [tilespmem:s14+$0xD880];
	v23 =	vadd.f32 v23, v25;
	v24 =	vadd.f32 v24, v26  }
0x29b: {  	v25 =	vld [tilespmem:s14+$0x10980];
	v14 =	vadd.f32 v14, v20;
	v16 =	vadd.f32 v16, v22  }
0x29c: {  	v20 =	vld [tilespmem:s14+$0xDA80];
	v22 =	vadd.f32 v44, v34;
	v17 =	vadd.f32 v17, v23  }
0x29d: {  	v18 =	vadd.f32 v18, v24;
	v24 =	vld [tilespmem:s14+$0x10B80];
	v23 =	vadd.f32 v45, v35  }
0x29e: {  	v59 =	vadd.f32 v42, v41;
	v26 =	vld [tilespmem:s14+$0xE080];
	v60 =	vadd.f32 v58, v43  }
0x29f: {  	v22 =	vadd.f32 v40, v22;
	v23 =	vadd.f32 v30, v23;
	v30 =	vld [tilespmem:s14+$0x11180]  }
0x2a0: {  	v61 =	vld [tilespmem:s14+$0xE280];
	v32 =	vadd.f32 v39, v59;
	v25 =	vadd.f32 v25, v60  }
0x2a1: {  	v22 =	vadd.f32 v38, v22;
	v20 =	vadd.f32 v20, v23;
	v23 =	vld [tilespmem:s14+$0x11380]  }
0x2a2: {  	v62 =	vld [tilespmem:s14+$0xE880];
	v32 =	vadd.f32 v33, v32;
	v24 =	vadd.f32 v24, v25  }
0x2a3: {  	v22 =	vadd.f32 v31, v22;
	v25 =	vld [tilespmem:s14+$0x11980];
	v20 =	vadd.f32 v26, v20  }
0x2a4: {  	v29 =	vadd.f32 v29, v32;
	v26 =	vld [tilespmem:s14+$0xEA80];
	v24 =	vadd.f32 v30, v24  }
0x2a5: {  	v22 =	vadd.f32 v28, v22;
	v28 =	vld [tilespmem:s14+$0x11B80];
	v20 =	vadd.f32 v61, v20  }
0x2a6: {  	v27 =	vadd.f32 v27, v29;
	v30 =	vld [tilespmem:s14+$0xF080];
	v23 =	vadd.f32 v23, v24  }
0x2a7: {  	v21 =	vadd.f32 v21, v22;
	v22 =	vld [tilespmem:s14+$0x12180];
	v20 =	vadd.f32 v62, v20  }
0x2a8: {  	v19 =	vadd.f32 v19, v27;
	v24 =	vld [tilespmem:s14+$0xF280];
	v23 =	vadd.f32 v25, v23  }
0x2a9: {  	v15 =	vadd.f32 v15, v21;
	v21 =	vld [tilespmem:s14+$0x12380];
	v20 =	vadd.f32 v26, v20  }
0x2aa: {  	v13 =	vadd.f32 v13, v19;
	v25 =	vld [tilespmem:s14+$0xF880];
	v19 =	vadd.f32 v28, v23  }
0x2ab: {  	v12 =	vadd.f32 v12, v15;
	v15 =	vadd.f32 v30, v20;
	v20 =	vld [tilespmem:s14+$0x12980]  }
0x2ac: {  	v11 =	vadd.f32 v11, v13;
	v23 =	vld [tilespmem:s14+$0xFA80];
	v13 =	vadd.f32 v22, v19  }
0x2ad: {  	v10 =	vadd.f32 v10, v12;
	v12 =	vadd.f32 v24, v15;
	v15 =	vld [tilespmem:s14+$0x12B80]  }
0x2ae: {  	v9 =	vadd.f32 v9, v11;
	v19 =	vld [tilespmem:s14+$0x10080];
	v11 =	vadd.f32 v21, v13  }
0x2af: {  	v8 =	vadd.f32 v8, v10;
	v10 =	vadd.f32 v25, v12;
	v12 =	vld [tilespmem:s14+$0x13180]  }
0x2b0: {  	v7 =	vadd.f32 v7, v9;
	v9 =	vadd.f32 v20, v11  }
0x2b1: {  	v6 =	vadd.f32 v6, v8;
	v8 =	vadd.f32 v23, v10  }
0x2b2: {  	v5 =	vadd.f32 v5, v7;
	v7 =	vadd.f32 v15, v9  }
0x2b3: {  	v4 =	vadd.f32 v4, v6;
	v6 =	vadd.f32 v19, v8  }
0x2b4: {  	v3 =	vadd.f32 v3, v5;
	v5 =	vadd.f32 v12, v7  }
0x2b5: {  	v4 =	vadd.f32 v6, v4;
	v6 =	vadd.f32 v18, v17  }
0x2b6: {  	v3 =	vadd.f32 v5, v3;
	v5 =	vadd.f32 v16, v14  }
0x2b7: {  	v4 =	vadd.f32 v4, v6  }
0x2b8: {  	v3 =	vadd.f32 v3, v5  }
0x2b9: {  	[tilespmem:s14+$0x13900] =	vst v4  }
0x2ba: {  	[tilespmem:s16+$0x13800] =	vst v3  }
0x2bb: {  	_ =	swait.ge [sflag:s23], $0x3000  }
0x2bc: {  	[sflag:s23] =	ssyncset.done $0x0  }
0x2bd: {  	[sflag:s23] =	ssyncadd.s32 $0xFFFFD000  }
0x2be: {  	_ =	swait.ge [sflag:s23], $0x3800  }
0x2bf: {  	[sflag:s23] =	ssyncset.done $0x0  }
0x2c0: {  	[sflag:s23] =	ssyncadd.s32 $0xFFFFC800  }
0x2c1: {  	v3 =	vld [tilespmem:s13+$0x138];
	_ =	sdelay $0x4  }
0x2c2: {  	v4 =	vshll.u32 v3, $0x1  }
0x2c3: {  	v3 =	vand.u32 $0x7, v3;
	v4 =	vand.u32 $0xFFFFFFF0, v4  }
0x2c4: {  	v3 =	vor.u32 v3, v4  }
0x2c5: {  	v4 =	vperm.xlane v3, v0;
	_ =	sdelay $0x1  }
0x2c6: {  	v3 =	vperm.xlane v3, v2;
	v4 =	vadd.s32 v1, v4;
	_ =	sdelay $0x1  }
0x2c7: {  	v3 =	vadd.s32 v1, v3;
	_ =	sdelay $0x1  }
0x2c8: {  	s15 =	simm.s32 $0x0  }
0x2c9: {  	[tilespmem:s24], [sflag:$0x1] =	stream.indirect_vreg.gather [hbm4b:s3+s15], $0x80, v4, vm0, $0xb8;
	[tilespmem:$0x1C080] =	vst v63  }
0x2ca: {  	_ = 	snop  }
0x2cb: {  	[tilespmem:s25], [sflag:$0x1] =	stream.indirect_vreg.gather [hbm4b:s3+s15], $0x80, v3, vm0, $0xb8;
	[tilespmem:$0x1C080] =	vst v63  }
0x2cc: {  	v3 =	vld [tilespmem:s13+$0x148];
	_ =	sdelay $0x4  }
0x2cd: {  	v4 =	vshll.u32 v3, $0x1  }
0x2ce: {  	v3 =	vand.u32 $0x7, v3;
	v4 =	vand.u32 $0xFFFFFFF0, v4  }
0x2cf: {  	v3 =	vor.u32 v3, v4  }
0x2d0: {  	v4 =	vperm.xlane v3, v0;
	_ =	sdelay $0x1  }
0x2d1: {  	v3 =	vperm.xlane v3, v2;
	v4 =	vadd.s32 v1, v4;
	_ =	sdelay $0x1  }
0x2d2: {  	v3 =	vadd.s32 v1, v3;
	_ =	sdelay $0x2  }
0x2d3: {  	[tilespmem:s26], [sflag:$0x1] =	stream.indirect_vreg.gather [hbm4b:s3+s15], $0x80, v4, vm0, $0xb8;
	[tilespmem:$0x1C080] =	vst v63  }
0x2d4: {  	_ = 	snop  }
0x2d5: {  	[tilespmem:s28], [sflag:$0x1] =	stream.indirect_vreg.gather [hbm4b:s3+s15], $0x80, v3, vm0, $0xb8;
	[tilespmem:$0x1C080] =	vst v63  }
0x2d6: {  	v3 =	vld [tilespmem:s13+$0x158];
	_ =	sdelay $0x4  }
0x2d7: {  	v4 =	vshll.u32 v3, $0x1  }
0x2d8: {  	v3 =	vand.u32 $0x7, v3;
	v4 =	vand.u32 $0xFFFFFFF0, v4  }
0x2d9: {  	v3 =	vor.u32 v3, v4  }
0x2da: {  	v4 =	vperm.xlane v3, v0;
	_ =	sdelay $0x1  }
0x2db: {  	v3 =	vperm.xlane v3, v2;
	v4 =	vadd.s32 v1, v4;
	_ =	sdelay $0x1  }
0x2dc: {  	v3 =	vadd.s32 v1, v3;
	_ =	sdelay $0x2  }
0x2dd: {  	[tilespmem:s29], [sflag:$0x1] =	stream.indirect_vreg.gather [hbm4b:s3+s15], $0x80, v4, vm0, $0xb8;
	[tilespmem:$0x1C080] =	vst v63  }
0x2de: {  	_ = 	snop  }
0x2df: {  	[tilespmem:s30], [sflag:$0x1] =	stream.indirect_vreg.gather [hbm4b:s3+s15], $0x80, v3, vm0, $0xb8;
	[tilespmem:$0x1C080] =	vst v63  }
0x2e0: {  	v3 =	vld [tilespmem:s13+$0x168];
	_ =	sdelay $0x4  }
0x2e1: {  	v4 =	vshll.u32 v3, $0x1  }
0x2e2: {  	v3 =	vand.u32 $0x7, v3;
	v4 =	vand.u32 $0xFFFFFFF0, v4  }
0x2e3: {  	v3 =	vor.u32 v3, v4  }
0x2e4: {  	v4 =	vperm.xlane v3, v0;
	_ =	sdelay $0x1  }
0x2e5: {  	v3 =	vperm.xlane v3, v2;
	v4 =	vadd.s32 v1, v4;
	_ =	sdelay $0x1  }
0x2e6: {  	v3 =	vadd.s32 v1, v3;
	_ =	sdelay $0x2  }
0x2e7: {  	[tilespmem:s31], [sflag:$0x1] =	stream.indirect_vreg.gather [hbm4b:s3+s15], $0x80, v4, vm0, $0xb8;
	[tilespmem:$0x1C080] =	vst v63  }
0x2e8: {  	_ = 	snop  }
0x2e9: {  	[tilespmem:s0], [sflag:$0x1] =	stream.indirect_vreg.gather [hbm4b:s3+s15], $0x80, v3, vm0, $0xb8;
	[tilespmem:$0x1C080] =	vst v63  }
0x2ea: {  	v3 =	vld [tilespmem:s13+$0x178];
	_ =	sdelay $0x4  }
0x2eb: {  	v4 =	vshll.u32 v3, $0x1  }
0x2ec: {  	v3 =	vand.u32 $0x7, v3;
	v4 =	vand.u32 $0xFFFFFFF0, v4  }
0x2ed: {  	v3 =	vor.u32 v3, v4  }
0x2ee: {  	v4 =	vperm.xlane v3, v0;
	_ =	sdelay $0x1  }
0x2ef: {  	v3 =	vperm.xlane v3, v2;
	v4 =	vadd.s32 v1, v4;
	_ =	sdelay $0x1  }
0x2f0: {  	v3 =	vadd.s32 v1, v3;
	_ =	sdelay $0x2  }
0x2f1: {  	[tilespmem:s1], [sflag:$0x1] =	stream.indirect_vreg.gather [hbm4b:s3+s15], $0x80, v4, vm0, $0xb8;
	[tilespmem:$0x1C080] =	vst v63  }
0x2f2: {  	_ = 	snop  }
0x2f3: {  	[tilespmem:s4], [sflag:$0x1] =	stream.indirect_vreg.gather [hbm4b:s3+s15], $0x80, v3, vm0, $0xb8;
	[tilespmem:$0x1C080] =	vst v63  }
0x2f4: {  	v3 =	vld [tilespmem:s13+$0x188];
	_ =	sdelay $0x4  }
0x2f5: {  	v4 =	vshll.u32 v3, $0x1  }
0x2f6: {  	v3 =	vand.u32 $0x7, v3;
	v4 =	vand.u32 $0xFFFFFFF0, v4  }
0x2f7: {  	v3 =	vor.u32 v3, v4  }
0x2f8: {  	v4 =	vperm.xlane v3, v0;
	_ =	sdelay $0x1  }
0x2f9: {  	v3 =	vperm.xlane v3, v2;
	v4 =	vadd.s32 v1, v4;
	_ =	sdelay $0x1  }
0x2fa: {  	v3 =	vadd.s32 v1, v3;
	_ =	sdelay $0x2  }
0x2fb: {  	[tilespmem:s6], [sflag:$0x1] =	stream.indirect_vreg.gather [hbm4b:s3+s15], $0x80, v4, vm0, $0xb8;
	[tilespmem:$0x1C080] =	vst v63  }
0x2fc: {  	_ = 	snop  }
0x2fd: {  	[tilespmem:s7], [sflag:$0x1] =	stream.indirect_vreg.gather [hbm4b:s3+s15], $0x80, v3, vm0, $0xb8;
	[tilespmem:$0x1C080] =	vst v63  }
0x2fe: {  	v3 =	vld.msk [tilespmem:s13+$0x198], $0xff;
	_ =	sdelay $0x4  }
0x2ff: {  	v4 =	vshll.u32 v3, $0x1  }
0x300: {  	v3 =	vand.u32 $0x7, v3;
	v4 =	vand.u32 $0xFFFFFFF0, v4  }
0x301: {  	v3 =	vor.u32 v3, v4  }
0x302: {  	v3 =	vperm.xlane v3, v0;
	_ =	sdelay $0x1  }
0x303: {  	v3 =	vadd.s32 v1, v3;
	_ =	sdelay $0x2  }
0x304: {  	s18 =	sand.u32 $0x70, s15;
	s19 =	sand.u32 $0x400, s15  }
0x305: {  	s14 =	sor.u32 s18, s19  }
0x306: {  	[tilespmem:s10], [sflag:$0x1] =	stream.indirect_vreg.gather [hbm4b:s3+s15], $0x80, v3, vm0, $0xb8;
	[tilespmem:$0x1C080] =	vst v63  }
0x307: {  	v3 =	vld [tilespmem:s14+$0xC900]  }
0x308: {  	v14 =	vld [tilespmem:s14+$0xC800]  }
0x309: {  	v16 =	vld [tilespmem:s14+$0xC880]  }
0x30a: {  	v4 =	vld [tilespmem:s14+$0x9800]  }
0x30b: {  	v17 =	vld [tilespmem:s14+$0x9300]  }
0x30c: {  	v18 =	vld [tilespmem:s14+$0x9380]  }
0x30d: {  	v5 =	vld [tilespmem:s14+$0xC300]  }
0x30e: {  	v20 =	vld [tilespmem:s14+$0xC200]  }
0x30f: {  	v22 =	vld [tilespmem:s14+$0xC280]  }
0x310: {  	v6 =	vld [tilespmem:s14+$0x9200]  }
0x311: {  	v23 =	vld [tilespmem:s14+$0x9100]  }
0x312: {  	v24 =	vld [tilespmem:s14+$0x9180]  }
0x313: {  	v7 =	vld [tilespmem:s14+$0xC100]  }
0x314: {  	v25 =	vld [tilespmem:s14+$0xC000]  }
0x315: {  	v26 =	vld [tilespmem:s14+$0xC080]  }
0x316: {  	v8 =	vld [tilespmem:s14+$0x9000]  }
0x317: {  	v27 =	vld [tilespmem:s14+$0x8B00]  }
0x318: {  	v28 =	vld [tilespmem:s14+$0x8B80]  }
0x319: {  	v9 =	vld [tilespmem:s14+$0xBB00]  }
0x31a: {  	v34 =	vld [tilespmem:s14+$0xBA00]  }
0x31b: {  	v35 =	vld [tilespmem:s14+$0xBA80]  }
0x31c: {  	v10 =	vld [tilespmem:s14+$0x8A00]  }
0x31d: {  	v36 =	vld [tilespmem:s14+$0x8900]  }
0x31e: {  	v37 =	vld [tilespmem:s14+$0x8980]  }
0x31f: {  	v11 =	vld [tilespmem:s14+$0xB900]  }
0x320: {  	v43 =	vld [tilespmem:s14+$0xB800]  }
0x321: {  	v44 =	vld [tilespmem:s14+$0xB880]  }
0x322: {  	v12 =	vld [tilespmem:s14+$0x8800]  }
0x323: {  	v45 =	vld [tilespmem:s14+$0x8300]  }
0x324: {  	v46 =	vld [tilespmem:s14+$0x8380]  }
0x325: {  	v13 =	vld [tilespmem:s14+$0xB300]  }
0x326: {  	v41 =	vld [tilespmem:s14+$0xB200]  }
0x327: {  	v42 =	vld [tilespmem:s14+$0xB280]  }
0x328: {  	v15 =	vld [tilespmem:s14+$0x8200]  }
0x329: {  	v47 =	vld [tilespmem:s14+$0x8100]  }
0x32a: {  	v48 =	vld [tilespmem:s14+$0x8180]  }
0x32b: {  	v19 =	vld [tilespmem:s14+$0xB100]  }
0x32c: {  	v39 =	vld [tilespmem:s14+$0xB000]  }
0x32d: {  	v40 =	vld [tilespmem:s14+$0xB080]  }
0x32e: {  	v21 =	vld [tilespmem:s14+$0x8000]  }
0x32f: {  	v49 =	vld [tilespmem:s14+$0x7B00]  }
0x330: {  	v50 =	vld [tilespmem:s14+$0x7B80]  }
0x331: {  	v33 =	vld [tilespmem:s14+$0xAA00]  }
0x332: {  	v38 =	vld [tilespmem:s14+$0xAA80]  }
0x333: {  	v31 =	vld [tilespmem:s14+$0xA800]  }
0x334: {  	v32 =	vld [tilespmem:s14+$0xA880]  }
0x335: {  	v29 =	vld [tilespmem:s14+$0xA200]  }
0x336: {  	v30 =	vld [tilespmem:s14+$0xA280]  }
0x337: {  	v51 =	vld [tilespmem:s14+$0x9A00]  }
0x338: {  	v52 =	vld [tilespmem:s14+$0xA000]  }
0x339: {  	v53 =	vld [tilespmem:s14+$0x9A80]  }
0x33a: {  	v54 =	vld [tilespmem:s14+$0xA080]  }
0x33b: {  	v55 =	vld [tilespmem:s14+$0x6900]  }
0x33c: {  	s17 =	sor.u32 s15, s15;
	v56 =	vld [tilespmem:s14+$0x6B00]  }
0x33d: {  	s17 =	sor.u32 $0x380, s17;
	v57 =	vld [tilespmem:s14+$0x6980]  }
0x33e: {  	v58 =	vld [tilespmem:s17+$0x6800]  }
0x33f: {  	v59 =	vld [tilespmem:s14+$0x7100]  }
0x340: {  	v60 =	vld [tilespmem:s14+$0x7180]  }
0x341: {  	v61 =	vld [tilespmem:s14+$0x7300]  }
0x342: {  	v62 =	vld [tilespmem:s14+$0x7380];
	v51 =	vadd.f32 v52, v51;
	v52 =	vadd.f32 v54, v53  }
0x343: {  	v63 =	vld [tilespmem:s14+$0x7980];
	v53 =	vadd.f32 v56, v55;
	v54 =	vadd.f32 v58, v57  }
0x344: {  	v55 =	vld [tilespmem:s14+$0x7900];
	v51 =	vadd.f32 v29, v51;
	v52 =	vadd.f32 v30, v52  }
0x345: {  	v53 =	vadd.f32 v59, v53;
	v54 =	vadd.f32 v60, v54;
	v29 =	vld [tilespmem:s14+$0xAB00]  }
0x346: {  	v30 =	vld [tilespmem:s14+$0x7A00];
	v51 =	vadd.f32 v31, v51;
	v52 =	vadd.f32 v32, v52  }
0x347: {  	v53 =	vadd.f32 v61, v53;
	v54 =	vadd.f32 v62, v54;
	v31 =	vld [tilespmem:s14+$0xA900]  }
0x348: {  	v32 =	vld [tilespmem:s14+$0x7800];
	v51 =	vadd.f32 v33, v51;
	v52 =	vadd.f32 v38, v52  }
0x349: {  	v53 =	vadd.f32 v55, v53;
	v54 =	vadd.f32 v63, v54;
	v33 =	vld [tilespmem:s14+$0xA300]  }
0x34a: {  	v38 =	vld [tilespmem:s14+$0x7200];
	v51 =	vadd.f32 v39, v51;
	v52 =	vadd.f32 v40, v52  }
0x34b: {  	s16 =	sor.u32 s19, s15;
	v49 =	vadd.f32 v49, v53;
	v50 =	vadd.f32 v50, v54;
	v39 =	vld [tilespmem:s14+$0xA100]  }
0x34c: {  	s17 =	sor.u32 $0x280, s16;
	v40 =	vld [tilespmem:s14+$0x7000];
	v51 =	vadd.f32 v41, v51;
	v52 =	vadd.f32 v42, v52  }
0x34d: {  	v41 =	vld [tilespmem:s17+$0x6800];
	v47 =	vadd.f32 v47, v49;
	v48 =	vadd.f32 v48, v50  }
0x34e: {  	v42 =	vld [tilespmem:s14+$0x9900];
	v62 =	vadd.f32 v43, v51;
	v63 =	vadd.f32 v44, v52  }
0x34f: {  	v47 =	vadd.f32 v45, v47;
	v46 =	vadd.f32 v46, v48;
	v43 =	vld [tilespmem:s14+$0x9B00]  }
0x350: {  	v44 =	vld [tilespmem:s14+$0x9980];
	v45 =	vadd.f32 v34, v62;
	v35 =	vadd.f32 v35, v63  }
0x351: {  	s16 =	simm.s32 $0x10;
	v34 =	vld [tilespmem:s14+$0x6A00];
	v36 =	vadd.f32 v36, v47;
	v37 =	vadd.f32 v37, v46  }
.LBB2_7:
0x352: {  	p0 =	sne.s32 s16, $0xF0;
	v46 =	vld [tilespmem:s14+$0x6800];
	v25 =	vadd.f32 v25, v45;
	v26 =	vadd.f32 v26, v35  }
0x353: {  	v35 =	vld [tilespmem:s14+$0x6880];
	v27 =	vadd.f32 v27, v36;
	v28 =	vadd.f32 v28, v37  }
0x354: {  	v36 =	vld [tilespmem:s14+$0x9B80];
	v20 =	vadd.f32 v20, v25;
	v22 =	vadd.f32 v22, v26  }
0x355: {  	v25 =	vld [tilespmem:s14+$0x7080];
	v23 =	vadd.f32 v23, v27;
	v24 =	vadd.f32 v24, v28  }
0x356: {  	v26 =	vld [tilespmem:s14+$0xA180];
	v14 =	vadd.f32 v14, v20;
	v16 =	vadd.f32 v16, v22  }
0x357: {  	v20 =	vld [tilespmem:s14+$0x7280];
	v17 =	vadd.f32 v17, v23;
	v18 =	vadd.f32 v18, v24  }
0x358: {  	v22 =	vadd.f32 v34, v46;
	v23 =	vadd.f32 v41, v35;
	v24 =	vld [tilespmem:s14+$0xA380]  }
0x359: {  	v28 =	vadd.f32 v43, v42;
	v27 =	vld [tilespmem:s14+$0x7880];
	v34 =	vadd.f32 v36, v44  }
0x35a: {  	v22 =	vadd.f32 v40, v22;
	v23 =	vadd.f32 v25, v23;
	v25 =	vld [tilespmem:s14+$0xA980]  }
0x35b: {  	v28 =	vadd.f32 v39, v28;
	v35 =	vld [tilespmem:s14+$0x7A80];
	v26 =	vadd.f32 v26, v34  }
0x35c: {  	v22 =	vadd.f32 v38, v22;
	v20 =	vadd.f32 v20, v23;
	v23 =	vld [tilespmem:s14+$0xAB80]  }
0x35d: {  	v28 =	vadd.f32 v33, v28;
	v34 =	vld [tilespmem:s14+$0x8080];
	v24 =	vadd.f32 v24, v26  }
0x35e: {  	v22 =	vadd.f32 v32, v22;
	v20 =	vadd.f32 v27, v20;
	v26 =	vld [tilespmem:s14+$0xB180]  }
0x35f: {  	v28 =	vadd.f32 v31, v28;
	v27 =	vld [tilespmem:s14+$0x8280];
	v24 =	vadd.f32 v25, v24  }
0x360: {  	v22 =	vadd.f32 v30, v22;
	v20 =	vadd.f32 v35, v20;
	v25 =	vld [tilespmem:s14+$0xB380]  }
0x361: {  	v28 =	vadd.f32 v29, v28;
	v30 =	vld [tilespmem:s14+$0x8880];
	v23 =	vadd.f32 v23, v24  }
0x362: {  	v21 =	vadd.f32 v21, v22;
	v20 =	vadd.f32 v34, v20;
	v22 =	vld [tilespmem:s14+$0xB980]  }
0x363: {  	v19 =	vadd.f32 v19, v28;
	v24 =	vld [tilespmem:s14+$0x8A80];
	v23 =	vadd.f32 v26, v23  }
0x364: {  	v15 =	vadd.f32 v15, v21;
	v20 =	vadd.f32 v27, v20;
	v21 =	vld [tilespmem:s14+$0xBB80]  }
0x365: {  	v13 =	vadd.f32 v13, v19;
	v26 =	vld [tilespmem:s14+$0x9080];
	v19 =	vadd.f32 v25, v23  }
0x366: {  	v12 =	vadd.f32 v12, v15;
	v15 =	vadd.f32 v30, v20;
	v20 =	vld [tilespmem:s14+$0xC180]  }
0x367: {  	v11 =	vadd.f32 v11, v13;
	v23 =	vld [tilespmem:s14+$0x9280];
	v13 =	vadd.f32 v22, v19  }
0x368: {  	v10 =	vadd.f32 v10, v12;
	v12 =	vadd.f32 v24, v15;
	v15 =	vld [tilespmem:s14+$0xC380]  }
0x369: {  	v9 =	vadd.f32 v9, v11;
	v19 =	vld [tilespmem:s14+$0x9880];
	v11 =	vadd.f32 v21, v13  }
0x36a: {  	v8 =	vadd.f32 v8, v10;
	v10 =	vadd.f32 v26, v12;
	v12 =	vld [tilespmem:s14+$0xC980]  }
0x36b: {  	v7 =	vadd.f32 v7, v9;
	v9 =	vadd.f32 v20, v11  }
0x36c: {  	v6 =	vadd.f32 v6, v8;
	v8 =	vadd.f32 v23, v10  }
0x36d: {  	v5 =	vadd.f32 v5, v7;
	v7 =	vadd.f32 v15, v9  }
0x36e: {  	v4 =	vadd.f32 v4, v6;
	v6 =	vadd.f32 v19, v8  }
0x36f: {  	v3 =	vadd.f32 v3, v5;
	v5 =	vadd.f32 v12, v7  }
0x370: {  	v4 =	vadd.f32 v6, v4;
	v6 =	vadd.f32 v18, v17  }
0x371: {  	v3 =	vadd.f32 v5, v3;
	v5 =	vadd.f32 v16, v14  }
0x372: {  	v4 =	vadd.f32 v4, v6  }
0x373: {  	s15 =	sadd.s32 $0x80, s15;
	v3 =	vadd.f32 v3, v5  }
0x374: {  	s19 =	sand.u32 $0x70, s16;
	s18 =	sand.u32 $0x400, s15;
	[tilespmem:s14+$0x13A00] =	vst v4  }
0x375: {  	s14 =	sor.u32 s19, s18;
	[tilespmem:s17+$0x13800] =	vst v3  }
0x376: {  	v3 =	vld [tilespmem:s14+$0xC900]  }
0x377: {  	v14 =	vld [tilespmem:s14+$0xC800]  }
0x378: {  	v16 =	vld [tilespmem:s14+$0xC880]  }
0x379: {  	v4 =	vld [tilespmem:s14+$0x9800]  }
0x37a: {  	v17 =	vld [tilespmem:s14+$0x9300]  }
0x37b: {  	v18 =	vld [tilespmem:s14+$0x9380]  }
0x37c: {  	v5 =	vld [tilespmem:s14+$0xC300]  }
0x37d: {  	v20 =	vld [tilespmem:s14+$0xC200]  }
0x37e: {  	v22 =	vld [tilespmem:s14+$0xC280]  }
0x37f: {  	v6 =	vld [tilespmem:s14+$0x9200]  }
0x380: {  	v23 =	vld [tilespmem:s14+$0x9100]  }
0x381: {  	v24 =	vld [tilespmem:s14+$0x9180]  }
0x382: {  	v7 =	vld [tilespmem:s14+$0xC100]  }
0x383: {  	v25 =	vld [tilespmem:s14+$0xC000]  }
0x384: {  	v26 =	vld [tilespmem:s14+$0xC080]  }
0x385: {  	v8 =	vld [tilespmem:s14+$0x9000]  }
0x386: {  	v27 =	vld [tilespmem:s14+$0x8B00]  }
0x387: {  	v28 =	vld [tilespmem:s14+$0x8B80]  }
0x388: {  	v9 =	vld [tilespmem:s14+$0xBB00]  }
0x389: {  	v34 =	vld [tilespmem:s14+$0xBA00]  }
0x38a: {  	v35 =	vld [tilespmem:s14+$0xBA80]  }
0x38b: {  	v10 =	vld [tilespmem:s14+$0x8A00]  }
0x38c: {  	v36 =	vld [tilespmem:s14+$0x8900]  }
0x38d: {  	v37 =	vld [tilespmem:s14+$0x8980]  }
0x38e: {  	v11 =	vld [tilespmem:s14+$0xB900]  }
0x38f: {  	v43 =	vld [tilespmem:s14+$0xB800]  }
0x390: {  	v44 =	vld [tilespmem:s14+$0xB880]  }
0x391: {  	v12 =	vld [tilespmem:s14+$0x8800]  }
0x392: {  	v45 =	vld [tilespmem:s14+$0x8300]  }
0x393: {  	v46 =	vld [tilespmem:s14+$0x8380]  }
0x394: {  	v13 =	vld [tilespmem:s14+$0xB300]  }
0x395: {  	v41 =	vld [tilespmem:s14+$0xB200]  }
0x396: {  	v42 =	vld [tilespmem:s14+$0xB280]  }
0x397: {  	v15 =	vld [tilespmem:s14+$0x8200]  }
0x398: {  	v47 =	vld [tilespmem:s14+$0x8100]  }
0x399: {  	v48 =	vld [tilespmem:s14+$0x8180]  }
0x39a: {  	v19 =	vld [tilespmem:s14+$0xB100]  }
0x39b: {  	v39 =	vld [tilespmem:s14+$0xB000]  }
0x39c: {  	v40 =	vld [tilespmem:s14+$0xB080]  }
0x39d: {  	v21 =	vld [tilespmem:s14+$0x8000]  }
0x39e: {  	v49 =	vld [tilespmem:s14+$0x7B00]  }
0x39f: {  	v50 =	vld [tilespmem:s14+$0x7B80]  }
0x3a0: {  	v33 =	vld [tilespmem:s14+$0xAA00]  }
0x3a1: {  	v38 =	vld [tilespmem:s14+$0xAA80]  }
0x3a2: {  	v31 =	vld [tilespmem:s14+$0xA800]  }
0x3a3: {  	v32 =	vld [tilespmem:s14+$0xA880]  }
0x3a4: {  	v29 =	vld [tilespmem:s14+$0xA200]  }
0x3a5: {  	v30 =	vld [tilespmem:s14+$0xA280]  }
0x3a6: {  	v51 =	vld [tilespmem:s14+$0x9A00]  }
0x3a7: {  	v52 =	vld [tilespmem:s14+$0xA000]  }
0x3a8: {  	v53 =	vld [tilespmem:s14+$0x9A80]  }
0x3a9: {  	v54 =	vld [tilespmem:s14+$0xA080]  }
0x3aa: {  	v55 =	vld [tilespmem:s14+$0x6900]  }
0x3ab: {  	s17 =	sor.u32 s15, s16;
	v56 =	vld [tilespmem:s14+$0x6B00]  }
0x3ac: {  	s17 =	sor.u32 $0x380, s17;
	v57 =	vld [tilespmem:s14+$0x6980]  }
0x3ad: {  	v58 =	vld [tilespmem:s17+$0x6800]  }
0x3ae: {  	v59 =	vld [tilespmem:s14+$0x7100]  }
0x3af: {  	v60 =	vld [tilespmem:s14+$0x7180]  }
0x3b0: {  	v61 =	vld [tilespmem:s14+$0x7300]  }
0x3b1: {  	v51 =	vadd.f32 v52, v51;
	v52 =	vadd.f32 v54, v53;
	v62 =	vld [tilespmem:s14+$0x7380]  }
0x3b2: {  	v53 =	vadd.f32 v56, v55;
	v54 =	vadd.f32 v58, v57;
	v55 =	vld [tilespmem:s14+$0x7900]  }
0x3b3: {  	v51 =	vadd.f32 v29, v51;
	v52 =	vadd.f32 v30, v52;
	v56 =	vld [tilespmem:s14+$0x7980]  }
0x3b4: {  	v53 =	vadd.f32 v59, v53;
	v54 =	vadd.f32 v60, v54;
	v29 =	vld [tilespmem:s14+$0xAB00]  }
0x3b5: {  	v51 =	vadd.f32 v31, v51;
	v52 =	vadd.f32 v32, v52;
	v30 =	vld [tilespmem:s14+$0x7A00]  }
0x3b6: {  	v53 =	vadd.f32 v61, v53;
	v54 =	vadd.f32 v62, v54;
	v31 =	vld [tilespmem:s14+$0xA900]  }
0x3b7: {  	v51 =	vadd.f32 v33, v51;
	v52 =	vadd.f32 v38, v52;
	v32 =	vld [tilespmem:s14+$0x7800]  }
0x3b8: {  	v53 =	vadd.f32 v55, v53;
	v54 =	vadd.f32 v56, v54;
	v33 =	vld [tilespmem:s14+$0xA300]  }
0x3b9: {  	v51 =	vadd.f32 v39, v51;
	v52 =	vadd.f32 v40, v52;
	v38 =	vld [tilespmem:s14+$0x7200]  }
0x3ba: {  	s17 =	sor.u32 s18, s16;
	v49 =	vadd.f32 v49, v53;
	v50 =	vadd.f32 v50, v54;
	v39 =	vld [tilespmem:s14+$0xA100]  }
0x3bb: {  	s17 =	sor.u32 $0x280, s17;
	v51 =	vadd.f32 v41, v51;
	v52 =	vadd.f32 v42, v52;
	v40 =	vld [tilespmem:s14+$0x7000]  }
.Ltmp2:
0x3bc: {  	v47 =	vadd.f32 v47, v49;
	v41 =	vld [tilespmem:s17+$0x6800];
	v48 =	vadd.f32 v48, v50;
	(pc) =	sbr.rel @p0 .LBB2_7-.Ltmp2, $4  }
0x3bd: {  	v49 =	vadd.f32 v43, v51;
	v50 =	vadd.f32 v44, v52;
	v42 =	vld [tilespmem:s14+$0x9900]  }
0x3be: {  	v47 =	vadd.f32 v45, v47;
	v46 =	vadd.f32 v46, v48;
	v43 =	vld [tilespmem:s14+$0x9B00]  }
0x3bf: {  	v45 =	vadd.f32 v34, v49;
	v35 =	vadd.f32 v35, v50;
	v44 =	vld [tilespmem:s14+$0x9980]  }
0x3c0: {  	s16 =	sadd.s32 $0x10, s16;
	v36 =	vadd.f32 v36, v47;
	v34 =	vld [tilespmem:s14+$0x6A00];
	v37 =	vadd.f32 v37, v46  }
0x3c1: {  	v46 =	vld [tilespmem:s14+$0x6800];
	v25 =	vadd.f32 v25, v45;
	v26 =	vadd.f32 v26, v35  }
0x3c2: {  	v51 =	vld [tilespmem:s14+$0x6880];
	v27 =	vadd.f32 v27, v36;
	v28 =	vadd.f32 v28, v37  }
0x3c3: {  	v52 =	vld [tilespmem:s14+$0x9B80];
	v20 =	vadd.f32 v20, v25;
	v22 =	vadd.f32 v22, v26  }
0x3c4: {  	v53 =	vld [tilespmem:s14+$0x7080];
	v60 =	vadd.f32 v43, v42;
	v23 =	vadd.f32 v23, v27  }
0x3c5: {  	v54 =	vld [tilespmem:s14+$0xA180];
	v24 =	vadd.f32 v24, v28;
	v14 =	vadd.f32 v14, v20  }
0x3c6: {  	v55 =	vld [tilespmem:s14+$0x7280];
	v16 =	vadd.f32 v16, v22;
	v28 =	vadd.f32 v39, v60  }
0x3c7: {  	v58 =	vld [tilespmem:s14+$0xA380];
	v56 =	vadd.f32 v34, v46;
	v57 =	vadd.f32 v41, v51  }
0x3c8: {  	v59 =	vld [tilespmem:s14+$0x7880];
	v17 =	vadd.f32 v17, v23;
	v61 =	vadd.f32 v52, v44  }
0x3c9: {  	v62 =	vld [tilespmem:s14+$0xA980];
	v22 =	vadd.f32 v40, v56;
	v23 =	vadd.f32 v53, v57  }
0x3ca: {  	v63 =	vld [tilespmem:s14+$0x7A80];
	v18 =	vadd.f32 v18, v24;
	v26 =	vadd.f32 v54, v61  }
0x3cb: {  	v36 =	vld [tilespmem:s14+$0xAB80];
	v22 =	vadd.f32 v38, v22;
	v20 =	vadd.f32 v55, v23  }
0x3cc: {  	v37 =	vld [tilespmem:s14+$0x8080];
	v28 =	vadd.f32 v33, v28;
	v24 =	vadd.f32 v58, v26  }
0x3cd: {  	v38 =	vld [tilespmem:s14+$0xB180];
	v22 =	vadd.f32 v32, v22;
	v20 =	vadd.f32 v59, v20  }
0x3ce: {  	v39 =	vld [tilespmem:s14+$0x8280];
	v28 =	vadd.f32 v31, v28;
	v24 =	vadd.f32 v62, v24  }
0x3cf: {  	v40 =	vld [tilespmem:s14+$0xB380];
	v22 =	vadd.f32 v30, v22;
	v20 =	vadd.f32 v63, v20  }
0x3d0: {  	v41 =	vld [tilespmem:s14+$0x8880];
	v28 =	vadd.f32 v29, v28;
	v23 =	vadd.f32 v36, v24  }
0x3d1: {  	v42 =	vld [tilespmem:s14+$0xB980];
	v21 =	vadd.f32 v21, v22;
	v20 =	vadd.f32 v37, v20  }
0x3d2: {  	v43 =	vld [tilespmem:s14+$0x8A80];
	v19 =	vadd.f32 v19, v28;
	v23 =	vadd.f32 v38, v23  }
0x3d3: {  	v44 =	vld [tilespmem:s14+$0xBB80];
	v15 =	vadd.f32 v15, v21;
	v20 =	vadd.f32 v39, v20  }
0x3d4: {  	v45 =	vld [tilespmem:s14+$0x9080];
	v13 =	vadd.f32 v13, v19;
	v46 =	vadd.f32 v40, v23  }
0x3d5: {  	v48 =	vld [tilespmem:s14+$0xC180];
	v12 =	vadd.f32 v12, v15;
	v47 =	vadd.f32 v41, v20  }
0x3d6: {  	v49 =	vld [tilespmem:s14+$0x9280];
	v11 =	vadd.f32 v11, v13;
	v50 =	vadd.f32 v42, v46  }
0x3d7: {  	v52 =	vld [tilespmem:s14+$0xC380];
	v10 =	vadd.f32 v10, v12;
	v51 =	vadd.f32 v43, v47  }
0x3d8: {  	v53 =	vld [tilespmem:s14+$0x9880];
	v9 =	vadd.f32 v9, v11;
	v54 =	vadd.f32 v44, v50  }
0x3d9: {  	v56 =	vld [tilespmem:s14+$0xC980];
	v8 =	vadd.f32 v8, v10;
	v55 =	vadd.f32 v45, v51  }
0x3da: {  	v7 =	vadd.f32 v7, v9;
	v57 =	vadd.f32 v48, v54  }
0x3db: {  	v6 =	vadd.f32 v6, v8;
	v58 =	vadd.f32 v49, v55  }
0x3dc: {  	v5 =	vadd.f32 v5, v7;
	v59 =	vadd.f32 v52, v57  }
0x3dd: {  	v4 =	vadd.f32 v4, v6;
	v60 =	vadd.f32 v53, v58  }
0x3de: {  	v3 =	vadd.f32 v3, v5;
	v61 =	vadd.f32 v56, v59  }
0x3df: {  	v62 =	vadd.f32 v18, v17;
	v4 =	vadd.f32 v60, v4  }
0x3e0: {  	v63 =	vadd.f32 v16, v14;
	v3 =	vadd.f32 v61, v3  }
0x3e1: {  	v4 =	vadd.f32 v4, v62  }
0x3e2: {  	v3 =	vadd.f32 v3, v63  }
0x3e3: {  	[tilespmem:s14+$0x13A00] =	vst v4  }
0x3e4: {  	[tilespmem:s17+$0x13800] =	vst v3  }
0x3e5: {  	p0 =	seq.s32 s12, $0x3F;
	_ =	swait.ge [sflag:s23], $0x3000  }
.Ltmp3:
0x3e6: {  	[sflag:s23] =	ssyncset.done $0x0;
	(pc) =	sbr.rel @p0 .LBB2_10-.Ltmp3, $4  }
0x3e7: {  	[sflag:s23] =	ssyncadd.s32 $0xFFFFD000  }
0x3e8: {  	_ =	swait.ge [sflag:s23], $0x3800  }
0x3e9: {  	[sflag:s23] =	ssyncset.done $0x0  }
0x3ea: {  	s19 =	simm.s32 $0x16080;
	[sflag:s23] =	ssyncadd.s32 $0xFFFFC800  }
0x3eb: {  	v3 =	vld [tilespmem:s13+$0x1A0];
	_ =	sdelay $0x4  }
0x3ec: {  	v4 =	vshll.u32 v3, $0x1  }
0x3ed: {  	v3 =	vand.u32 $0x7, v3;
	v4 =	vand.u32 $0xFFFFFFF0, v4  }
0x3ee: {  	v3 =	vor.u32 v3, v4  }
0x3ef: {  	v4 =	vperm.xlane v3, v0;
	_ =	sdelay $0x1  }
0x3f0: {  	v3 =	vperm.xlane v3, v2;
	v4 =	vadd.s32 v1, v4;
	_ =	sdelay $0x1  }
0x3f1: {  	v3 =	vadd.s32 v1, v3;
	_ =	sdelay $0x1  }
0x3f2: {  	s14 =	simm.s32 $0x6800  }
0x3f3: {  	[tilespmem:s14], [sflag:$0x1] =	stream.indirect_vreg.gather [hbm4b:s3+s2], $0x80, v4, vm0, $0xb8;
	[tilespmem:$0x1C080] =	vst v63  }
0x3f4: {  	s18 =	simm.s32 $0x7000  }
0x3f5: {  	[tilespmem:s18], [sflag:$0x1] =	stream.indirect_vreg.gather [hbm4b:s3+s2], $0x80, v3, vm0, $0xb8;
	[tilespmem:$0x1C080] =	vst v63  }
0x3f6: {  	v3 =	vld [tilespmem:s13+$0x1B0];
	_ =	sdelay $0x4  }
0x3f7: {  	v58 =	vshll.u32 v3, $0x1  }
0x3f8: {  	v3 =	vand.u32 $0x7, v3;
	v4 =	vand.u32 $0xFFFFFFF0, v58  }
0x3f9: {  	v3 =	vor.u32 v3, v4  }
0x3fa: {  	v4 =	vperm.xlane v3, v0;
	_ =	sdelay $0x1  }
0x3fb: {  	v3 =	vperm.xlane v3, v2;
	v4 =	vadd.s32 v1, v4;
	_ =	sdelay $0x1  }
0x3fc: {  	v3 =	vadd.s32 v1, v3;
	_ =	sdelay $0x1  }
0x3fd: {  	s15 =	simm.s32 $0x7800  }
0x3fe: {  	[tilespmem:s15], [sflag:$0x1] =	stream.indirect_vreg.gather [hbm4b:s3+s2], $0x80, v4, vm0, $0xb8;
	[tilespmem:$0x1C080] =	vst v63  }
0x3ff: {  	s16 =	simm.s32 $0x8000  }
0x400: {  	[tilespmem:s16], [sflag:$0x1] =	stream.indirect_vreg.gather [hbm4b:s3+s2], $0x80, v3, vm0, $0xb8;
	[tilespmem:$0x1C080] =	vst v63  }
0x401: {  	v3 =	vld [tilespmem:s13+$0x1C0];
	_ =	sdelay $0x4  }
0x402: {  	v59 =	vshll.u32 v3, $0x1  }
0x403: {  	v3 =	vand.u32 $0x7, v3;
	v4 =	vand.u32 $0xFFFFFFF0, v59  }
0x404: {  	v3 =	vor.u32 v3, v4  }
0x405: {  	v4 =	vperm.xlane v3, v0;
	_ =	sdelay $0x1  }
0x406: {  	v3 =	vperm.xlane v3, v2;
	v4 =	vadd.s32 v1, v4;
	_ =	sdelay $0x1  }
0x407: {  	v3 =	vadd.s32 v1, v3;
	_ =	sdelay $0x1  }
0x408: {  	s17 =	simm.s32 $0x8800  }
0x409: {  	[tilespmem:s17], [sflag:$0x1] =	stream.indirect_vreg.gather [hbm4b:s3+s2], $0x80, v4, vm0, $0xb8;
	[tilespmem:$0x1C080] =	vst v63  }
0x40a: {  	s18 =	simm.s32 $0x9000  }
0x40b: {  	[tilespmem:s18], [sflag:$0x1] =	stream.indirect_vreg.gather [hbm4b:s3+s2], $0x80, v3, vm0, $0xb8;
	[tilespmem:$0x1C080] =	vst v63  }
0x40c: {  	v3 =	vld [tilespmem:s13+$0x1D0];
	_ =	sdelay $0x4  }
0x40d: {  	v60 =	vshll.u32 v3, $0x1  }
0x40e: {  	v3 =	vand.u32 $0x7, v3;
	v4 =	vand.u32 $0xFFFFFFF0, v60  }
0x40f: {  	v3 =	vor.u32 v3, v4  }
0x410: {  	v4 =	vperm.xlane v3, v0;
	_ =	sdelay $0x1  }
0x411: {  	v3 =	vperm.xlane v3, v2;
	v4 =	vadd.s32 v1, v4;
	_ =	sdelay $0x1  }
0x412: {  	v3 =	vadd.s32 v1, v3;
	_ =	sdelay $0x1  }
0x413: {  	s15 =	simm.s32 $0x9800  }
0x414: {  	[tilespmem:s15], [sflag:$0x1] =	stream.indirect_vreg.gather [hbm4b:s3+s2], $0x80, v4, vm0, $0xb8;
	[tilespmem:$0x1C080] =	vst v63  }
0x415: {  	s16 =	simm.s32 $0xA000  }
0x416: {  	[tilespmem:s16], [sflag:$0x1] =	stream.indirect_vreg.gather [hbm4b:s3+s2], $0x80, v3, vm0, $0xb8;
	[tilespmem:$0x1C080] =	vst v63  }
0x417: {  	v3 =	vld [tilespmem:s13+$0x1E0];
	_ =	sdelay $0x4  }
0x418: {  	v61 =	vshll.u32 v3, $0x1  }
0x419: {  	v3 =	vand.u32 $0x7, v3;
	v4 =	vand.u32 $0xFFFFFFF0, v61  }
0x41a: {  	v3 =	vor.u32 v3, v4  }
0x41b: {  	v4 =	vperm.xlane v3, v0;
	_ =	sdelay $0x1  }
0x41c: {  	v3 =	vperm.xlane v3, v2;
	v4 =	vadd.s32 v1, v4;
	_ =	sdelay $0x1  }
0x41d: {  	v3 =	vadd.s32 v1, v3;
	_ =	sdelay $0x1  }
0x41e: {  	s17 =	simm.s32 $0xA800  }
0x41f: {  	[tilespmem:s17], [sflag:$0x1] =	stream.indirect_vreg.gather [hbm4b:s3+s2], $0x80, v4, vm0, $0xb8;
	[tilespmem:$0x1C080] =	vst v63  }
0x420: {  	s18 =	simm.s32 $0xB000  }
0x421: {  	[tilespmem:s18], [sflag:$0x1] =	stream.indirect_vreg.gather [hbm4b:s3+s2], $0x80, v3, vm0, $0xb8;
	[tilespmem:$0x1C080] =	vst v63  }
0x422: {  	v3 =	vld [tilespmem:s13+$0x1F0];
	_ =	sdelay $0x4  }
0x423: {  	v62 =	vshll.u32 v3, $0x1  }
0x424: {  	v3 =	vand.u32 $0x7, v3;
	v4 =	vand.u32 $0xFFFFFFF0, v62  }
0x425: {  	v3 =	vor.u32 v3, v4  }
0x426: {  	v4 =	vperm.xlane v3, v0;
	_ =	sdelay $0x1  }
0x427: {  	v3 =	vperm.xlane v3, v2;
	v4 =	vadd.s32 v1, v4;
	_ =	sdelay $0x1  }
0x428: {  	v3 =	vadd.s32 v1, v3;
	_ =	sdelay $0x2  }
0x429: {  	[tilespmem:s20], [sflag:$0x1] =	stream.indirect_vreg.gather [hbm4b:s3+s2], $0x80, v4, vm0, $0xb8;
	[tilespmem:$0x1C080] =	vst v63  }
0x42a: {  	_ = 	snop  }
0x42b: {  	[tilespmem:s21], [sflag:$0x1] =	stream.indirect_vreg.gather [hbm4b:s3+s2], $0x80, v3, vm0, $0xb8;
	[tilespmem:$0x1C080] =	vst v63  }
0x42c: {  	v3 =	vld.msk [tilespmem:s13+$0x200], $0xff;
	_ =	sdelay $0x4  }
0x42d: {  	v63 =	vshll.u32 v3, $0x1  }
0x42e: {  	v3 =	vand.u32 $0x7, v3;
	v4 =	vand.u32 $0xFFFFFFF0, v63  }
0x42f: {  	v3 =	vor.u32 v3, v4  }
0x430: {  	v3 =	vperm.xlane v3, v0;
	_ =	sdelay $0x1  }
0x431: {  	v3 =	vadd.s32 v1, v3;
	_ =	sdelay $0x4  }
0x432: {  	[tilespmem:s22], [sflag:$0x1] =	stream.indirect_vreg.gather [hbm4b:s3+s2], $0x80, v3, vm0, $0xb8;
	[tilespmem:$0x1C080] =	vst v63  }
.LBB2_10:
0x433: {  	s14 =	simm.s32 $0x0  }
0x434: {  	s13 =	sand.u32 $0x70, s14;
	s15 =	sand.u32 $0x400, s14  }
0x435: {  	s13 =	sor.u32 s13, s15  }
0x436: {  	v3 =	vld [tilespmem:s13+$0x13100]  }
0x437: {  	v14 =	vld [tilespmem:s13+$0x13000]  }
0x438: {  	v16 =	vld [tilespmem:s13+$0x13080]  }
0x439: {  	v4 =	vld [tilespmem:s13+$0x10000]  }
0x43a: {  	v17 =	vld [tilespmem:s13+$0xFB00]  }
0x43b: {  	v18 =	vld [tilespmem:s13+$0xFB80]  }
0x43c: {  	v5 =	vld [tilespmem:s13+$0x12B00]  }
0x43d: {  	v20 =	vld [tilespmem:s13+$0x12A00]  }
0x43e: {  	v22 =	vld [tilespmem:s13+$0x12A80]  }
0x43f: {  	v6 =	vld [tilespmem:s13+$0xFA00]  }
0x440: {  	v23 =	vld [tilespmem:s13+$0xF900]  }
0x441: {  	v24 =	vld [tilespmem:s13+$0xF980]  }
0x442: {  	v7 =	vld [tilespmem:s13+$0x12900]  }
0x443: {  	v31 =	vld [tilespmem:s13+$0x12800]  }
0x444: {  	v32 =	vld [tilespmem:s13+$0x12880]  }
0x445: {  	v8 =	vld [tilespmem:s13+$0xF800]  }
0x446: {  	v25 =	vld [tilespmem:s13+$0xF300]  }
0x447: {  	v26 =	vld [tilespmem:s13+$0xF380]  }
0x448: {  	v9 =	vld [tilespmem:s13+$0x12300]  }
0x449: {  	v34 =	vld [tilespmem:s13+$0x12200]  }
0x44a: {  	v35 =	vld [tilespmem:s13+$0x12280]  }
0x44b: {  	v10 =	vld [tilespmem:s13+$0xF200]  }
0x44c: {  	v36 =	vld [tilespmem:s13+$0xF100]  }
0x44d: {  	v37 =	vld [tilespmem:s13+$0xF180]  }
0x44e: {  	v11 =	vld [tilespmem:s13+$0x12100]  }
0x44f: {  	v43 =	vld [tilespmem:s13+$0x12000]  }
0x450: {  	v44 =	vld [tilespmem:s13+$0x12080]  }
0x451: {  	v12 =	vld [tilespmem:s13+$0xF000]  }
0x452: {  	v45 =	vld [tilespmem:s13+$0xEB00]  }
0x453: {  	v46 =	vld [tilespmem:s13+$0xEB80]  }
0x454: {  	v13 =	vld [tilespmem:s13+$0x11B00]  }
0x455: {  	v41 =	vld [tilespmem:s13+$0x11A00]  }
0x456: {  	v42 =	vld [tilespmem:s13+$0x11A80]  }
0x457: {  	v15 =	vld [tilespmem:s13+$0xEA00]  }
0x458: {  	v47 =	vld [tilespmem:s13+$0xE900]  }
0x459: {  	v48 =	vld [tilespmem:s13+$0xE980]  }
0x45a: {  	v19 =	vld [tilespmem:s13+$0x11900]  }
0x45b: {  	v39 =	vld [tilespmem:s13+$0x11800]  }
0x45c: {  	v40 =	vld [tilespmem:s13+$0x11880]  }
0x45d: {  	v21 =	vld [tilespmem:s13+$0xE800]  }
0x45e: {  	v49 =	vld [tilespmem:s13+$0xE300]  }
0x45f: {  	v50 =	vld [tilespmem:s13+$0xE380]  }
0x460: {  	v33 =	vld [tilespmem:s13+$0x11200]  }
0x461: {  	v38 =	vld [tilespmem:s13+$0x11280]  }
0x462: {  	v29 =	vld [tilespmem:s13+$0x11000]  }
0x463: {  	v30 =	vld [tilespmem:s13+$0x11080]  }
0x464: {  	s18 =	sor.u32 s14, s14;
	v27 =	vld [tilespmem:s13+$0x10A00]  }
0x465: {  	s15 =	sor.u32 $0x380, s18;
	v28 =	vld [tilespmem:s13+$0x10A80]  }
0x466: {  	v51 =	vld [tilespmem:s15+$0xD000]  }
0x467: {  	v52 =	vld [tilespmem:s13+$0x10200]  }
0x468: {  	v53 =	vld [tilespmem:s13+$0x10800]  }
0x469: {  	v54 =	vld [tilespmem:s13+$0x10280]  }
0x46a: {  	v55 =	vld [tilespmem:s13+$0x10880]  }
0x46b: {  	v56 =	vld [tilespmem:s13+$0xD100]  }
0x46c: {  	v57 =	vld [tilespmem:s13+$0xD300]  }
0x46d: {  	v58 =	vld [tilespmem:s13+$0xD180]  }
0x46e: {  	v59 =	vld [tilespmem:s13+$0xD900]  }
0x46f: {  	v60 =	vld [tilespmem:s13+$0xD980]  }
0x470: {  	v61 =	vld [tilespmem:s13+$0xDB00]  }
0x471: {  	v62 =	vld [tilespmem:s13+$0xDB80];
	v52 =	vadd.f32 v53, v52;
	v53 =	vadd.f32 v55, v54  }
0x472: {  	v63 =	vld [tilespmem:s13+$0xE180];
	v54 =	vadd.f32 v57, v56;
	v51 =	vadd.f32 v51, v58  }
0x473: {  	v55 =	vld [tilespmem:s13+$0xE100];
	v52 =	vadd.f32 v27, v52;
	v53 =	vadd.f32 v28, v53  }
0x474: {  	v54 =	vadd.f32 v59, v54;
	v51 =	vadd.f32 v60, v51;
	v27 =	vld [tilespmem:s13+$0x11300]  }
0x475: {  	v28 =	vld [tilespmem:s13+$0xE200];
	v52 =	vadd.f32 v29, v52;
	v53 =	vadd.f32 v30, v53  }
0x476: {  	v54 =	vadd.f32 v61, v54;
	v51 =	vadd.f32 v62, v51;
	v29 =	vld [tilespmem:s13+$0x11100]  }
0x477: {  	v30 =	vld [tilespmem:s13+$0xE000];
	v52 =	vadd.f32 v33, v52;
	v53 =	vadd.f32 v38, v53  }
0x478: {  	v54 =	vadd.f32 v55, v54;
	v51 =	vadd.f32 v63, v51;
	v33 =	vld [tilespmem:s13+$0x10B00]  }
0x479: {  	v38 =	vld [tilespmem:s13+$0xDA00];
	v52 =	vadd.f32 v39, v52;
	v53 =	vadd.f32 v40, v53  }
0x47a: {  	v49 =	vadd.f32 v49, v54;
	v50 =	vadd.f32 v50, v51;
	v39 =	vld [tilespmem:s13+$0x10900]  }
0x47b: {  	v40 =	vld [tilespmem:s13+$0xD800];
	v58 =	vadd.f32 v41, v52;
	v59 =	vadd.f32 v42, v53  }
0x47c: {  	v47 =	vadd.f32 v47, v49;
	v48 =	vadd.f32 v48, v50;
	v41 =	vld [tilespmem:s13+$0x10100]  }
0x47d: {  	v42 =	vld [tilespmem:s13+$0x10300];
	v60 =	vadd.f32 v43, v58;
	v61 =	vadd.f32 v44, v59  }
0x47e: {  	v45 =	vadd.f32 v45, v47;
	v46 =	vadd.f32 v46, v48;
	v43 =	vld [tilespmem:s13+$0x10180]  }
0x47f: {  	v44 =	vld [tilespmem:s13+$0xD200];
	v62 =	vadd.f32 v34, v60;
	v63 =	vadd.f32 v35, v61  }
0x480: {  	v34 =	vld [tilespmem:s13+$0xD000];
	v36 =	vadd.f32 v36, v45;
	v37 =	vadd.f32 v37, v46  }
0x481: {  	s16 =	simm.s32 $0x10;
	v35 =	vld [tilespmem:s13+$0xD080];
	v31 =	vadd.f32 v31, v62;
	v32 =	vadd.f32 v32, v63  }
.LBB2_11:
0x482: {  	p0 =	sne.s32 s16, $0xF0;
	v45 =	vld [tilespmem:s13+$0xD280];
	v25 =	vadd.f32 v25, v36;
	v26 =	vadd.f32 v26, v37  }
0x483: {  	v36 =	vld [tilespmem:s13+$0x10380];
	v20 =	vadd.f32 v20, v31;
	v22 =	vadd.f32 v22, v32  }
0x484: {  	v31 =	vld [tilespmem:s13+$0xD880];
	v23 =	vadd.f32 v23, v25;
	v24 =	vadd.f32 v24, v26  }
0x485: {  	v25 =	vld [tilespmem:s13+$0x10980];
	v14 =	vadd.f32 v14, v20;
	v16 =	vadd.f32 v16, v22  }
0x486: {  	v20 =	vld [tilespmem:s13+$0xDA80];
	v17 =	vadd.f32 v17, v23;
	v18 =	vadd.f32 v18, v24  }
0x487: {  	v22 =	vadd.f32 v44, v34;
	v23 =	vadd.f32 v45, v35;
	v24 =	vld [tilespmem:s13+$0x10B80]  }
0x488: {  	v32 =	vadd.f32 v42, v41;
	v26 =	vld [tilespmem:s13+$0xE080];
	v34 =	vadd.f32 v36, v43  }
0x489: {  	v22 =	vadd.f32 v40, v22;
	v23 =	vadd.f32 v31, v23;
	v31 =	vld [tilespmem:s13+$0x11180]  }
0x48a: {  	v32 =	vadd.f32 v39, v32;
	v35 =	vld [tilespmem:s13+$0xE280];
	v25 =	vadd.f32 v25, v34  }
0x48b: {  	v22 =	vadd.f32 v38, v22;
	v20 =	vadd.f32 v20, v23;
	v23 =	vld [tilespmem:s13+$0x11380]  }
0x48c: {  	v32 =	vadd.f32 v33, v32;
	v34 =	vld [tilespmem:s13+$0xE880];
	v24 =	vadd.f32 v24, v25  }
0x48d: {  	v22 =	vadd.f32 v30, v22;
	v20 =	vadd.f32 v26, v20;
	v25 =	vld [tilespmem:s13+$0x11980]  }
0x48e: {  	v29 =	vadd.f32 v29, v32;
	v26 =	vld [tilespmem:s13+$0xEA80];
	v24 =	vadd.f32 v31, v24  }
0x48f: {  	v22 =	vadd.f32 v28, v22;
	v20 =	vadd.f32 v35, v20;
	v28 =	vld [tilespmem:s13+$0x11B80]  }
0x490: {  	v27 =	vadd.f32 v27, v29;
	v30 =	vld [tilespmem:s13+$0xF080];
	v23 =	vadd.f32 v23, v24  }
0x491: {  	v21 =	vadd.f32 v21, v22;
	v20 =	vadd.f32 v34, v20;
	v22 =	vld [tilespmem:s13+$0x12180]  }
0x492: {  	v19 =	vadd.f32 v19, v27;
	v24 =	vld [tilespmem:s13+$0xF280];
	v23 =	vadd.f32 v25, v23  }
0x493: {  	v15 =	vadd.f32 v15, v21;
	v20 =	vadd.f32 v26, v20;
	v21 =	vld [tilespmem:s13+$0x12380]  }
0x494: {  	v13 =	vadd.f32 v13, v19;
	v25 =	vld [tilespmem:s13+$0xF880];
	v19 =	vadd.f32 v28, v23  }
0x495: {  	v12 =	vadd.f32 v12, v15;
	v15 =	vadd.f32 v30, v20;
	v20 =	vld [tilespmem:s13+$0x12980]  }
0x496: {  	v11 =	vadd.f32 v11, v13;
	v23 =	vld [tilespmem:s13+$0xFA80];
	v13 =	vadd.f32 v22, v19  }
0x497: {  	v10 =	vadd.f32 v10, v12;
	v12 =	vadd.f32 v24, v15;
	v15 =	vld [tilespmem:s13+$0x12B80]  }
0x498: {  	v9 =	vadd.f32 v9, v11;
	v19 =	vld [tilespmem:s13+$0x10080];
	v11 =	vadd.f32 v21, v13  }
0x499: {  	v8 =	vadd.f32 v8, v10;
	v10 =	vadd.f32 v25, v12;
	v12 =	vld [tilespmem:s13+$0x13180]  }
0x49a: {  	v7 =	vadd.f32 v7, v9;
	v9 =	vadd.f32 v20, v11  }
0x49b: {  	v6 =	vadd.f32 v6, v8;
	v8 =	vadd.f32 v23, v10  }
0x49c: {  	v5 =	vadd.f32 v5, v7;
	v7 =	vadd.f32 v15, v9  }
0x49d: {  	v4 =	vadd.f32 v4, v6;
	v6 =	vadd.f32 v19, v8  }
0x49e: {  	v3 =	vadd.f32 v3, v5;
	v5 =	vadd.f32 v12, v7  }
0x49f: {  	v4 =	vadd.f32 v6, v4;
	v6 =	vadd.f32 v18, v17  }
0x4a0: {  	v3 =	vadd.f32 v5, v3;
	v5 =	vadd.f32 v16, v14  }
0x4a1: {  	v4 =	vadd.f32 v4, v6  }
0x4a2: {  	s14 =	sadd.s32 $0x80, s14;
	v3 =	vadd.f32 v3, v5  }
0x4a3: {  	s17 =	sand.u32 $0x70, s16;
	s18 =	sand.u32 $0x400, s14;
	[tilespmem:s13+$0x13B00] =	vst v4  }
0x4a4: {  	s13 =	sor.u32 s17, s18;
	[tilespmem:s15+$0x13800] =	vst v3  }
0x4a5: {  	v3 =	vld [tilespmem:s13+$0x13100]  }
0x4a6: {  	v14 =	vld [tilespmem:s13+$0x13000]  }
0x4a7: {  	v16 =	vld [tilespmem:s13+$0x13080]  }
0x4a8: {  	v4 =	vld [tilespmem:s13+$0x10000]  }
0x4a9: {  	v17 =	vld [tilespmem:s13+$0xFB00]  }
0x4aa: {  	v18 =	vld [tilespmem:s13+$0xFB80]  }
0x4ab: {  	v5 =	vld [tilespmem:s13+$0x12B00]  }
0x4ac: {  	v20 =	vld [tilespmem:s13+$0x12A00]  }
0x4ad: {  	v22 =	vld [tilespmem:s13+$0x12A80]  }
0x4ae: {  	v6 =	vld [tilespmem:s13+$0xFA00]  }
0x4af: {  	v23 =	vld [tilespmem:s13+$0xF900]  }
0x4b0: {  	v24 =	vld [tilespmem:s13+$0xF980]  }
0x4b1: {  	v7 =	vld [tilespmem:s13+$0x12900]  }
0x4b2: {  	v31 =	vld [tilespmem:s13+$0x12800]  }
0x4b3: {  	v32 =	vld [tilespmem:s13+$0x12880]  }
0x4b4: {  	v8 =	vld [tilespmem:s13+$0xF800]  }
0x4b5: {  	v25 =	vld [tilespmem:s13+$0xF300]  }
0x4b6: {  	v26 =	vld [tilespmem:s13+$0xF380]  }
0x4b7: {  	v9 =	vld [tilespmem:s13+$0x12300]  }
0x4b8: {  	v34 =	vld [tilespmem:s13+$0x12200]  }
0x4b9: {  	v35 =	vld [tilespmem:s13+$0x12280]  }
0x4ba: {  	v10 =	vld [tilespmem:s13+$0xF200]  }
0x4bb: {  	v36 =	vld [tilespmem:s13+$0xF100]  }
0x4bc: {  	v37 =	vld [tilespmem:s13+$0xF180]  }
0x4bd: {  	v11 =	vld [tilespmem:s13+$0x12100]  }
0x4be: {  	v43 =	vld [tilespmem:s13+$0x12000]  }
0x4bf: {  	v44 =	vld [tilespmem:s13+$0x12080]  }
0x4c0: {  	v12 =	vld [tilespmem:s13+$0xF000]  }
0x4c1: {  	v45 =	vld [tilespmem:s13+$0xEB00]  }
0x4c2: {  	v46 =	vld [tilespmem:s13+$0xEB80]  }
0x4c3: {  	v13 =	vld [tilespmem:s13+$0x11B00]  }
0x4c4: {  	v41 =	vld [tilespmem:s13+$0x11A00]  }
0x4c5: {  	v42 =	vld [tilespmem:s13+$0x11A80]  }
0x4c6: {  	v15 =	vld [tilespmem:s13+$0xEA00]  }
0x4c7: {  	v47 =	vld [tilespmem:s13+$0xE900]  }
0x4c8: {  	v48 =	vld [tilespmem:s13+$0xE980]  }
0x4c9: {  	v19 =	vld [tilespmem:s13+$0x11900]  }
0x4ca: {  	v39 =	vld [tilespmem:s13+$0x11800]  }
0x4cb: {  	v40 =	vld [tilespmem:s13+$0x11880]  }
0x4cc: {  	v21 =	vld [tilespmem:s13+$0xE800]  }
0x4cd: {  	v49 =	vld [tilespmem:s13+$0xE300]  }
0x4ce: {  	v50 =	vld [tilespmem:s13+$0xE380]  }
0x4cf: {  	v33 =	vld [tilespmem:s13+$0x11200]  }
0x4d0: {  	v38 =	vld [tilespmem:s13+$0x11280]  }
0x4d1: {  	v29 =	vld [tilespmem:s13+$0x11000]  }
0x4d2: {  	v30 =	vld [tilespmem:s13+$0x11080]  }
0x4d3: {  	s15 =	sor.u32 s14, s16;
	v27 =	vld [tilespmem:s13+$0x10A00]  }
0x4d4: {  	s15 =	sor.u32 $0x380, s15;
	v28 =	vld [tilespmem:s13+$0x10A80]  }
0x4d5: {  	v51 =	vld [tilespmem:s15+$0xD000]  }
0x4d6: {  	v52 =	vld [tilespmem:s13+$0x10200]  }
0x4d7: {  	v53 =	vld [tilespmem:s13+$0x10800]  }
0x4d8: {  	v54 =	vld [tilespmem:s13+$0x10280]  }
0x4d9: {  	v55 =	vld [tilespmem:s13+$0x10880]  }
0x4da: {  	v56 =	vld [tilespmem:s13+$0xD100]  }
0x4db: {  	v57 =	vld [tilespmem:s13+$0xD300]  }
0x4dc: {  	v58 =	vld [tilespmem:s13+$0xD180]  }
0x4dd: {  	v59 =	vld [tilespmem:s13+$0xD900]  }
0x4de: {  	v60 =	vld [tilespmem:s13+$0xD980]  }
0x4df: {  	v61 =	vld [tilespmem:s13+$0xDB00]  }
0x4e0: {  	v52 =	vadd.f32 v53, v52;
	v53 =	vadd.f32 v55, v54;
	v62 =	vld [tilespmem:s13+$0xDB80]  }
0x4e1: {  	v54 =	vadd.f32 v57, v56;
	v51 =	vadd.f32 v51, v58;
	v55 =	vld [tilespmem:s13+$0xE100]  }
0x4e2: {  	v52 =	vadd.f32 v27, v52;
	v53 =	vadd.f32 v28, v53;
	v56 =	vld [tilespmem:s13+$0xE180]  }
0x4e3: {  	v54 =	vadd.f32 v59, v54;
	v51 =	vadd.f32 v60, v51;
	v27 =	vld [tilespmem:s13+$0x11300]  }
0x4e4: {  	v52 =	vadd.f32 v29, v52;
	v53 =	vadd.f32 v30, v53;
	v28 =	vld [tilespmem:s13+$0xE200]  }
0x4e5: {  	v54 =	vadd.f32 v61, v54;
	v51 =	vadd.f32 v62, v51;
	v29 =	vld [tilespmem:s13+$0x11100]  }
0x4e6: {  	v52 =	vadd.f32 v33, v52;
	v53 =	vadd.f32 v38, v53;
	v30 =	vld [tilespmem:s13+$0xE000]  }
0x4e7: {  	v54 =	vadd.f32 v55, v54;
	v51 =	vadd.f32 v56, v51;
	v33 =	vld [tilespmem:s13+$0x10B00]  }
0x4e8: {  	v52 =	vadd.f32 v39, v52;
	v53 =	vadd.f32 v40, v53;
	v38 =	vld [tilespmem:s13+$0xDA00]  }
0x4e9: {  	v49 =	vadd.f32 v49, v54;
	v50 =	vadd.f32 v50, v51;
	v39 =	vld [tilespmem:s13+$0x10900]  }
0x4ea: {  	v51 =	vadd.f32 v41, v52;
	v52 =	vadd.f32 v42, v53;
	v40 =	vld [tilespmem:s13+$0xD800]  }
0x4eb: {  	v47 =	vadd.f32 v47, v49;
	v48 =	vadd.f32 v48, v50;
	v41 =	vld [tilespmem:s13+$0x10100]  }
.Ltmp4:
0x4ec: {  	v49 =	vadd.f32 v43, v51;
	v50 =	vadd.f32 v44, v52;
	v42 =	vld [tilespmem:s13+$0x10300];
	(pc) =	sbr.rel @p0 .LBB2_11-.Ltmp4, $4  }
0x4ed: {  	v45 =	vadd.f32 v45, v47;
	v46 =	vadd.f32 v46, v48;
	v43 =	vld [tilespmem:s13+$0x10180]  }
0x4ee: {  	v47 =	vadd.f32 v34, v49;
	v48 =	vadd.f32 v35, v50;
	v44 =	vld [tilespmem:s13+$0xD200]  }
0x4ef: {  	v36 =	vadd.f32 v36, v45;
	v34 =	vld [tilespmem:s13+$0xD000];
	v37 =	vadd.f32 v37, v46  }
0x4f0: {  	s16 =	sadd.s32 $0x10, s16;
	v31 =	vadd.f32 v31, v47;
	v32 =	vadd.f32 v32, v48;
	v35 =	vld [tilespmem:s13+$0xD080]  }
0x4f1: {  	v45 =	vld [tilespmem:s13+$0xD280];
	v25 =	vadd.f32 v25, v36;
	v26 =	vadd.f32 v26, v37  }
0x4f2: {  	v52 =	vld [tilespmem:s13+$0x10380];
	v60 =	vadd.f32 v42, v41;
	v20 =	vadd.f32 v20, v31  }
0x4f3: {  	v53 =	vld [tilespmem:s13+$0xD880];
	v22 =	vadd.f32 v22, v32;
	v23 =	vadd.f32 v23, v25  }
0x4f4: {  	v54 =	vld [tilespmem:s13+$0x10980];
	v24 =	vadd.f32 v24, v26;
	v32 =	vadd.f32 v39, v60  }
0x4f5: {  	v55 =	vld [tilespmem:s13+$0xDA80];
	v14 =	vadd.f32 v14, v20;
	v16 =	vadd.f32 v16, v22  }
0x4f6: {  	v58 =	vld [tilespmem:s13+$0x10B80];
	v56 =	vadd.f32 v44, v34;
	v57 =	vadd.f32 v45, v35  }
0x4f7: {  	v59 =	vld [tilespmem:s13+$0xE080];
	v17 =	vadd.f32 v17, v23;
	v61 =	vadd.f32 v52, v43  }
0x4f8: {  	v62 =	vld [tilespmem:s13+$0x11180];
	v22 =	vadd.f32 v40, v56;
	v23 =	vadd.f32 v53, v57  }
0x4f9: {  	v63 =	vld [tilespmem:s13+$0xE280];
	v18 =	vadd.f32 v18, v24;
	v25 =	vadd.f32 v54, v61  }
0x4fa: {  	v36 =	vld [tilespmem:s13+$0x11380];
	v22 =	vadd.f32 v38, v22;
	v20 =	vadd.f32 v55, v23  }
0x4fb: {  	v37 =	vld [tilespmem:s13+$0xE880];
	v32 =	vadd.f32 v33, v32;
	v24 =	vadd.f32 v58, v25  }
0x4fc: {  	v38 =	vld [tilespmem:s13+$0x11980];
	v22 =	vadd.f32 v30, v22;
	v20 =	vadd.f32 v59, v20  }
0x4fd: {  	v39 =	vld [tilespmem:s13+$0xEA80];
	v29 =	vadd.f32 v29, v32;
	v24 =	vadd.f32 v62, v24  }
0x4fe: {  	v40 =	vld [tilespmem:s13+$0x11B80];
	v22 =	vadd.f32 v28, v22;
	v20 =	vadd.f32 v63, v20  }
0x4ff: {  	v41 =	vld [tilespmem:s13+$0xF080];
	v27 =	vadd.f32 v27, v29;
	v23 =	vadd.f32 v36, v24  }
0x500: {  	v42 =	vld [tilespmem:s13+$0x12180];
	v21 =	vadd.f32 v21, v22;
	v20 =	vadd.f32 v37, v20  }
0x501: {  	v43 =	vld [tilespmem:s13+$0xF280];
	v19 =	vadd.f32 v19, v27;
	v23 =	vadd.f32 v38, v23  }
0x502: {  	v44 =	vld [tilespmem:s13+$0x12380];
	v15 =	vadd.f32 v15, v21;
	v20 =	vadd.f32 v39, v20  }
0x503: {  	v45 =	vld [tilespmem:s13+$0xF880];
	v13 =	vadd.f32 v13, v19;
	v46 =	vadd.f32 v40, v23  }
0x504: {  	v48 =	vld [tilespmem:s13+$0x12980];
	v12 =	vadd.f32 v12, v15;
	v47 =	vadd.f32 v41, v20  }
0x505: {  	v49 =	vld [tilespmem:s13+$0xFA80];
	v11 =	vadd.f32 v11, v13;
	v50 =	vadd.f32 v42, v46  }
0x506: {  	v52 =	vld [tilespmem:s13+$0x12B80];
	v10 =	vadd.f32 v10, v12;
	v51 =	vadd.f32 v43, v47  }
0x507: {  	v53 =	vld [tilespmem:s13+$0x10080];
	v9 =	vadd.f32 v9, v11;
	v54 =	vadd.f32 v44, v50  }
0x508: {  	v56 =	vld [tilespmem:s13+$0x13180];
	v8 =	vadd.f32 v8, v10;
	v55 =	vadd.f32 v45, v51  }
0x509: {  	v7 =	vadd.f32 v7, v9;
	v57 =	vadd.f32 v48, v54  }
0x50a: {  	v6 =	vadd.f32 v6, v8;
	v58 =	vadd.f32 v49, v55  }
0x50b: {  	v5 =	vadd.f32 v5, v7;
	v59 =	vadd.f32 v52, v57  }
0x50c: {  	v4 =	vadd.f32 v4, v6;
	v60 =	vadd.f32 v53, v58  }
0x50d: {  	v3 =	vadd.f32 v3, v5;
	v61 =	vadd.f32 v56, v59  }
0x50e: {  	v62 =	vadd.f32 v18, v17;
	v4 =	vadd.f32 v60, v4  }
0x50f: {  	v63 =	vadd.f32 v16, v14;
	v3 =	vadd.f32 v61, v3  }
0x510: {  	v4 =	vadd.f32 v4, v62  }
0x511: {  	s17 =	sshll.u32 s12, $0x8;
	s12 =	sadd.s32 $0x1, s12;
	v3 =	vadd.f32 v3, v63  }
0x512: {  	s18 =	simm.s32 $0x13800;
	p0 =	sne.s32 s12, $0x40;
	[tilespmem:s13+$0x13B00] =	vst v4  }
.Ltmp5:
0x513: {  	s14 =	sadd.s32 s17, s5;
	s13 =	simm.s32 $0x0;
	[tilespmem:s15+$0x13800] =	vst v3;
	(pc) =	sbr.rel @p0 .LBB2_2-.Ltmp5, $4  }
0x514: {  	[hbm4b:s14+s13] =	stream.linear.scatter [tilespmem:s18], [sflag:$0x2], $0x800, $0x38;
	[tilespmem:$0x1C080] =	vst v63  }
0x515: {  	_ =	swait.ge [sflag:s9], $0x800  }
0x516: {  	[sflag:s9] =	ssyncset.done $0x0  }
0x517: {  	[sflag:s9] =	ssyncadd.s32 $0xFFFFF800  }
0x518: {  	s24 =	smov.u32 s5;
	s12 =	rddreg [dreg:$0x5]  }
0x519: {  	s15 =	simm.s32 $0x14000;
	s16 =	simm.s32 $0x14880;
	s17 =	simm.s32 $0x15080  }
0x51a: {  	s18 =	simm.s32 $0x15880;
	s20 =	simm.s32 $0x16880;
	s21 =	simm.s32 $0x17080  }
0x51b: {  	s22 =	simm.s32 $0x17880;
	s5 =	simm.s32 $0x18080;
	s25 =	simm.s32 $0x18880  }
0x51c: {  	s26 =	simm.s32 $0x19080;
	s28 =	simm.s32 $0x19880;
	s29 =	simm.s32 $0x1A080  }
0x51d: {  	s30 =	simm.s32 $0x1A880;
	s31 =	simm.s32 $0x1B080;
	s0 =	simm.s32 $0x1B880  }
.LBB2_14:
0x51e: {  	s14 =	sadd.s32 s13, s8  }
0x51f: {  	[tilespmem:s15], [sflag:$0x2] =	stream.linear.gather [hbm4b:s14+s2], $0x80, $0x38;
	[tilespmem:$0x1C080] =	vst v63  }
0x520: {  	_ =	swait.ge [sflag:s9], $0x80  }
0x521: {  	[sflag:s9] =	ssyncset.done $0x0  }
0x522: {  	[sflag:s9] =	ssyncadd.s32 $0xFFFFFF80  }
0x523: {  	v3 =	vld [tilespmem:$0x14000];
	_ =	sdelay $0x4  }
0x524: {  	v4 =	vshll.u32 v3, $0x1  }
0x525: {  	v3 =	vand.u32 $0x7, v3;
	v4 =	vand.u32 $0xFFFFFFF0, v4  }
0x526: {  	v3 =	vor.u32 v3, v4  }
0x527: {  	v4 =	vperm.xlane v3, v0;
	_ =	sdelay $0x1  }
0x528: {  	v3 =	vperm.xlane v3, v2;
	v4 =	vadd.s32 v1, v4;
	_ =	sdelay $0x1  }
0x529: {  	v3 =	vadd.s32 v1, v3;
	_ =	sdelay $0x2  }
0x52a: {  	[tilespmem:s11], [sflag:$0x1] =	stream.indirect_vreg.gather [hbm4b:s3+s2], $0x80, v4, vm0, $0xb8;
	[tilespmem:$0x1C080] =	vst v63  }
0x52b: {  	_ = 	snop  }
0x52c: {  	[tilespmem:s16], [sflag:$0x1] =	stream.indirect_vreg.gather [hbm4b:s3+s2], $0x80, v3, vm0, $0xb8;
	[tilespmem:$0x1C080] =	vst v63  }
0x52d: {  	v3 =	vld [tilespmem:$0x14010];
	_ =	sdelay $0x4  }
0x52e: {  	v57 =	vshll.u32 v3, $0x1  }
0x52f: {  	v3 =	vand.u32 $0x7, v3;
	v4 =	vand.u32 $0xFFFFFFF0, v57  }
0x530: {  	v3 =	vor.u32 v3, v4  }
0x531: {  	v4 =	vperm.xlane v3, v0;
	_ =	sdelay $0x1  }
0x532: {  	v3 =	vperm.xlane v3, v2;
	v4 =	vadd.s32 v1, v4;
	_ =	sdelay $0x1  }
0x533: {  	v3 =	vadd.s32 v1, v3;
	_ =	sdelay $0x2  }
0x534: {  	[tilespmem:s17], [sflag:$0x1] =	stream.indirect_vreg.gather [hbm4b:s3+s2], $0x80, v4, vm0, $0xb8;
	[tilespmem:$0x1C080] =	vst v63  }
0x535: {  	_ = 	snop  }
0x536: {  	[tilespmem:s18], [sflag:$0x1] =	stream.indirect_vreg.gather [hbm4b:s3+s2], $0x80, v3, vm0, $0xb8;
	[tilespmem:$0x1C080] =	vst v63  }
0x537: {  	v3 =	vld [tilespmem:$0x14020];
	_ =	sdelay $0x4  }
0x538: {  	v58 =	vshll.u32 v3, $0x1  }
0x539: {  	v3 =	vand.u32 $0x7, v3;
	v4 =	vand.u32 $0xFFFFFFF0, v58  }
0x53a: {  	v3 =	vor.u32 v3, v4  }
0x53b: {  	v4 =	vperm.xlane v3, v0;
	_ =	sdelay $0x1  }
0x53c: {  	v3 =	vperm.xlane v3, v2;
	v4 =	vadd.s32 v1, v4;
	_ =	sdelay $0x1  }
0x53d: {  	v3 =	vadd.s32 v1, v3;
	_ =	sdelay $0x2  }
0x53e: {  	[tilespmem:s19], [sflag:$0x1] =	stream.indirect_vreg.gather [hbm4b:s3+s2], $0x80, v4, vm0, $0xb8;
	[tilespmem:$0x1C080] =	vst v63  }
0x53f: {  	_ = 	snop  }
0x540: {  	[tilespmem:s20], [sflag:$0x1] =	stream.indirect_vreg.gather [hbm4b:s3+s2], $0x80, v3, vm0, $0xb8;
	[tilespmem:$0x1C080] =	vst v63  }
0x541: {  	v3 =	vld [tilespmem:$0x14030];
	_ =	sdelay $0x4  }
0x542: {  	v59 =	vshll.u32 v3, $0x1  }
0x543: {  	v3 =	vand.u32 $0x7, v3;
	v4 =	vand.u32 $0xFFFFFFF0, v59  }
0x544: {  	v3 =	vor.u32 v3, v4  }
0x545: {  	v4 =	vperm.xlane v3, v0;
	_ =	sdelay $0x1  }
0x546: {  	v3 =	vperm.xlane v3, v2;
	v4 =	vadd.s32 v1, v4;
	_ =	sdelay $0x1  }
0x547: {  	v3 =	vadd.s32 v1, v3;
	_ =	sdelay $0x2  }
0x548: {  	[tilespmem:s21], [sflag:$0x1] =	stream.indirect_vreg.gather [hbm4b:s3+s2], $0x80, v4, vm0, $0xb8;
	[tilespmem:$0x1C080] =	vst v63  }
0x549: {  	_ = 	snop  }
0x54a: {  	[tilespmem:s22], [sflag:$0x1] =	stream.indirect_vreg.gather [hbm4b:s3+s2], $0x80, v3, vm0, $0xb8;
	[tilespmem:$0x1C080] =	vst v63  }
0x54b: {  	v3 =	vld [tilespmem:$0x14040];
	_ =	sdelay $0x4  }
0x54c: {  	v60 =	vshll.u32 v3, $0x1  }
0x54d: {  	v3 =	vand.u32 $0x7, v3;
	v4 =	vand.u32 $0xFFFFFFF0, v60  }
0x54e: {  	v3 =	vor.u32 v3, v4  }
0x54f: {  	v4 =	vperm.xlane v3, v0;
	_ =	sdelay $0x1  }
0x550: {  	v3 =	vperm.xlane v3, v2;
	v4 =	vadd.s32 v1, v4;
	_ =	sdelay $0x1  }
0x551: {  	v3 =	vadd.s32 v1, v3;
	_ =	sdelay $0x2  }
0x552: {  	[tilespmem:s5], [sflag:$0x1] =	stream.indirect_vreg.gather [hbm4b:s3+s2], $0x80, v4, vm0, $0xb8;
	[tilespmem:$0x1C080] =	vst v63  }
0x553: {  	_ = 	snop  }
0x554: {  	[tilespmem:s25], [sflag:$0x1] =	stream.indirect_vreg.gather [hbm4b:s3+s2], $0x80, v3, vm0, $0xb8;
	[tilespmem:$0x1C080] =	vst v63  }
0x555: {  	v3 =	vld [tilespmem:$0x14050];
	_ =	sdelay $0x4  }
0x556: {  	v61 =	vshll.u32 v3, $0x1  }
0x557: {  	v3 =	vand.u32 $0x7, v3;
	v4 =	vand.u32 $0xFFFFFFF0, v61  }
0x558: {  	v3 =	vor.u32 v3, v4  }
0x559: {  	v4 =	vperm.xlane v3, v0;
	_ =	sdelay $0x1  }
0x55a: {  	v3 =	vperm.xlane v3, v2;
	v4 =	vadd.s32 v1, v4;
	_ =	sdelay $0x1  }
0x55b: {  	v3 =	vadd.s32 v1, v3;
	_ =	sdelay $0x2  }
0x55c: {  	[tilespmem:s26], [sflag:$0x1] =	stream.indirect_vreg.gather [hbm4b:s3+s2], $0x80, v4, vm0, $0xb8;
	[tilespmem:$0x1C080] =	vst v63  }
0x55d: {  	_ = 	snop  }
0x55e: {  	[tilespmem:s28], [sflag:$0x1] =	stream.indirect_vreg.gather [hbm4b:s3+s2], $0x80, v3, vm0, $0xb8;
	[tilespmem:$0x1C080] =	vst v63  }
0x55f: {  	v3 =	vld [tilespmem:$0x14060];
	_ =	sdelay $0x4  }
0x560: {  	v62 =	vshll.u32 v3, $0x1  }
0x561: {  	v3 =	vand.u32 $0x7, v3;
	v4 =	vand.u32 $0xFFFFFFF0, v62  }
0x562: {  	v3 =	vor.u32 v3, v4  }
0x563: {  	v4 =	vperm.xlane v3, v0;
	_ =	sdelay $0x1  }
0x564: {  	v3 =	vperm.xlane v3, v2;
	v4 =	vadd.s32 v1, v4;
	_ =	sdelay $0x1  }
0x565: {  	v3 =	vadd.s32 v1, v3;
	_ =	sdelay $0x2  }
0x566: {  	[tilespmem:s29], [sflag:$0x1] =	stream.indirect_vreg.gather [hbm4b:s3+s2], $0x80, v4, vm0, $0xb8;
	[tilespmem:$0x1C080] =	vst v63  }
0x567: {  	_ = 	snop  }
0x568: {  	[tilespmem:s30], [sflag:$0x1] =	stream.indirect_vreg.gather [hbm4b:s3+s2], $0x80, v3, vm0, $0xb8;
	[tilespmem:$0x1C080] =	vst v63  }
0x569: {  	v3 =	vld [tilespmem:$0x14070];
	_ =	sdelay $0x4  }
0x56a: {  	v63 =	vshll.u32 v3, $0x1  }
0x56b: {  	v3 =	vand.u32 $0x7, v3;
	v4 =	vand.u32 $0xFFFFFFF0, v63  }
0x56c: {  	v3 =	vor.u32 v3, v4  }
0x56d: {  	v4 =	vperm.xlane v3, v0;
	_ =	sdelay $0x1  }
0x56e: {  	v3 =	vperm.xlane v3, v2;
	v4 =	vadd.s32 v1, v4;
	_ =	sdelay $0x1  }
0x56f: {  	v3 =	vadd.s32 v1, v3;
	_ =	sdelay $0x2  }
0x570: {  	[tilespmem:s31], [sflag:$0x1] =	stream.indirect_vreg.gather [hbm4b:s3+s2], $0x80, v4, vm0, $0xb8;
	[tilespmem:$0x1C080] =	vst v63  }
0x571: {  	_ = 	snop  }
0x572: {  	[tilespmem:s0], [sflag:$0x1] =	stream.indirect_vreg.gather [hbm4b:s3+s2], $0x80, v3, vm0, $0xb8;
	[tilespmem:$0x1C080] =	vst v63  }
0x573: {  	_ =	swait.ge [sflag:s23], $0x8000  }
0x574: {  	p0 =	sne.s32 s13, $0x30;
	[sflag:s23] =	ssyncset.done $0x0  }
.Ltmp6:
0x575: {  	[sflag:s23] =	ssyncadd.s32 $0xFFFF8000;
	(pc) =	sbr.rel @p0 .LBB2_14-.Ltmp6, $4  }
0x576: {  	[hbm4b:s12+s2] =	stream.linear.scatter [tilespmem:s11], [sflag:$0x2], $0x8000, $0x38;
	[tilespmem:$0x1C080] =	vst v63  }
0x577: {  	_ =	swait.ge [sflag:s9], $0x8000  }
0x578: {  	[sflag:s9] =	ssyncset.done $0x0  }
0x579: {  	s13 =	sadd.s32 $0x10, s13;
	s12 =	sadd.s32 $0x1000, s12;
	[sflag:s9] =	ssyncadd.s32 $0xFFFF8000  }
0x57a: {  	s13 =	rddreg [dreg:$0x6]  }
0x57b: {  	s12 =	rddreg [dreg:$0x4];
	s13 =	sadd.s32 $0x1, s13  }
0x57c: {  	p0 =	sne.s32 s13, s12  }
.Ltmp7:
0x57d: {  	_ = 	snop;
	(pc) =	sbr.rel @p0 .LBB2_1-.Ltmp7, $4  }
0x57e: {  	s20 =	simm.s32 $0xB800;
	s21 =	simm.s32 $0xC000;
	s22 =	simm.s32 $0xC800  }
0x57f: {  	s5 =	smov.u32 s24;
	s24 =	simm.s32 $0xD000;
	s25 =	simm.s32 $0xD800  }
0x580: {  	s26 =	simm.s32 $0xE000;
	s28 =	simm.s32 $0xE800;
	s29 =	simm.s32 $0xF000  }
0x581: {  	s30 =	simm.s32 $0xF800;
	s31 =	simm.s32 $0x10000;
	s0 =	simm.s32 $0x10800  }
0x582: {  	_ =	sfence.sel $0x180000  }
0x583: {  	[bflag:$0x0] =	sbarrier.arrive $0xFFFF  }
0x584: {  	_ =	strace $0x90000047  }
0x585: {  	s0 =	stileid.u32;
	[bflag:$0x2] =	sbarrier.arrive $0xFFFF  }
0x586: {  	p0 =	sne.s32 s0, $0x0;
	s0 =	rddreg [dreg:$0x2]  }
0x587: {  	s0 =	sadd.s32 @!p0 $0x100000, s0  }
0x588: {  	[sflag:s0] =	ssyncadd.tile.s32 @!p0 $0x1;
	_ =	shalt  }
.Lfunc_end2:
_tile_overlayer_lowered:
.L_overlay_start_2:
0x589: {  	(tag) =	ssettag $0x2  }
0x58a: {  	s0 =	rddreg [dreg:$0x0];
	s2 =	stileid.u32  }
0x58b: {  	s1 =	rddreg [dreg:$0x1];
	p0 =	sne.s32 s2, $0x0  }
0x58c: {  	s3 =	rddreg [dreg:$0x2];
	[bflag:$0x3] =	sbarrier.arrive $0xFFFF;
	s2 =	simm.s32 @!p0 $0x1C02  }
0x58d: {  	[timem:s3], [sflag:s2] =	dma.local @!p0 [hbm:s0], s1  }
0x58e: {  	s0 =	simm.s32 @!p0 $0x2  }
0x58f: {  	_ =	swait.ge @!p0 [sflag:s0], s1  }
0x590: {  	s1 =	ssub.s32 @!p0 $0x0, s1;
	[sflag:s0] =	ssyncset.done @!p0 $0x0  }
0x591: {  	[sflag:s0] =	ssyncadd.s32 @!p0 s1  }
0x592: {  	[bflag:$0x3] =	sbarrier.arrive $0xFFFF  }
0x593: {  	_ =	shalt  }

</sc_bundles>
